<compile_context>
chip_gen: v7x
topology: tpu7x:2x2x1
jax: 0.10.2.dev20260603
libtpu: 0.0.44.dev20260713+nightly
codegen_flags: <defaults>
</compile_context>

<pallas_src>
import functools

import jax
import jax.numpy as jnp
from jax import lax
from jax.experimental import pallas as pl
from jax.experimental.pallas import tpu as pltpu
from jax.experimental.pallas import tpu_sc as plsc

NUM_CLASSES = 8192
CODE_DIM = 64
K = 4
CW = CODE_DIM // 2
KDW = K * CW
CHUNK = 128
GROUP = 16


def _pack_table(centroids):
    tb = centroids.astype(jnp.bfloat16).reshape(NUM_CLASSES, K, 2, 2, 16)
    tw = jnp.stack([tb[:, :, :, 0, :], tb[:, :, :, 1, :]], axis=-1)
    return lax.bitcast_convert_type(tw, jnp.int32).reshape(NUM_CLASSES, KDW)


def kernel(codes, pred_class, centroids):
    B = codes.shape[0]
    NC, NS = 2, 16
    NW = NC * NS
    rows_per_w = B // NW
    n_chunks = rows_per_w // CHUNK
    assert rows_per_w * NW == B and n_chunks * CHUNK == rows_per_w
    assert n_chunks % 2 == 0

    table = _pack_table(centroids)
    mesh = plsc.VectorSubcoreMesh(core_axis_name="c", subcore_axis_name="s")

    @functools.partial(
        pl.kernel,
        mesh=mesh,
        out_type=jax.ShapeDtypeStruct((B,), jnp.float32),
        compiler_params=pltpu.CompilerParams(needs_layout_passes=False),
        scratch_types=[
            pltpu.VMEM((CHUNK,), jnp.int32),
            pltpu.VMEM((CHUNK,), jnp.int32),
            pltpu.VMEM((CHUNK, KDW), jnp.int32),
            pltpu.VMEM((CHUNK, KDW), jnp.int32),
            pltpu.VMEM((CHUNK, CODE_DIM), jnp.float32),
            pltpu.VMEM((CHUNK, CODE_DIM), jnp.float32),
            pltpu.VMEM((CHUNK,), jnp.float32),
            pltpu.SemaphoreType.DMA,
            pltpu.SemaphoreType.DMA,
            pltpu.SemaphoreType.DMA,
            pltpu.SemaphoreType.DMA,
        ],
    )
    def sc_kernel(codes_hbm, idx_hbm, table_hbm, out_hbm,
                  idx0, idx1, rows0, rows1, cod0, cod1, out_v,
                  sg0, sg1, sc0, sc1):
        idx_v = (idx0, idx1)
        rows_v = (rows0, rows1)
        codes_v = (cod0, cod1)
        sem_g = (sg0, sg1)
        sem_c = (sc0, sc1)

        wid = lax.axis_index("s") * NC + lax.axis_index("c")
        lane = lax.iota(jnp.int32, 16)
        lane_eq = [lane == j for j in range(GROUP)]

        def stage(b, ci):
            base = wid * rows_per_w + ci * CHUNK
            pltpu.sync_copy(idx_hbm.at[pl.ds(base, CHUNK)], idx_v[b])
            pltpu.async_copy(table_hbm.at[idx_v[b]], rows_v[b], sem_g[b])
            pltpu.async_copy(codes_hbm.at[pl.ds(base, CHUNK)],
                             codes_v[b], sem_c[b])

        def wait(b):
            pltpu.make_async_copy(
                table_hbm.at[idx_v[b]], rows_v[b], sem_g[b]).wait()
            pltpu.make_async_copy(
                codes_hbm.at[pl.ds(0, CHUNK)], codes_v[b], sem_c[b]).wait()

        def compute(b, ci):
            base = wid * rows_per_w + ci * CHUNK

            def group_body(g, c2):
                res = jnp.zeros((16,), jnp.float32)
                for r16 in range(GROUP):
                    r = g * GROUP + r16
                    c = [codes_v[b][r, pl.ds(16 * j, 16)]
                         for j in range(4)]
                    cbf = [plsc.pack(c[2 * h], c[2 * h + 1],
                                     format=plsc.PackFormat.INTERLEAVED)
                           for h in range(2)]
                    best = None
                    for k in range(K):
                        s = jnp.zeros((16,), jnp.float32)
                        for h in range(2):
                            t32 = rows_v[b][r, pl.ds(k * 32 + h * 16, 16)]
                            tbf = plsc.bitcast(t32, jnp.bfloat16)
                            diff = jnp.abs(cbf[h] - tbf)
                            lo, hi = plsc.unpack(
                                diff, format=plsc.PackFormat.INTERLEAVED)
                            s = s + lo + hi
                        tot = jnp.sum(s)
                        best = tot if best is None else jnp.minimum(best, tot)
                    res = jnp.where(lane_eq[r16],
                                    jnp.full((16,), best * (1.0 / CODE_DIM)),
                                    res)
                out_v[pl.ds(g * GROUP, GROUP)] = res
                return c2

            lax.fori_loop(0, CHUNK // GROUP, group_body, 0)
            pltpu.sync_copy(out_v, out_hbm.at[pl.ds(base, CHUNK)])

        stage(0, 0)

        def outer(cc, carry):
            for b in range(2):
                ci = cc * 2 + b

                @pl.when(ci + 1 < n_chunks)
                def _():
                    stage(1 - b, ci + 1)

                wait(b)
                compute(b, ci)
            return carry

        lax.fori_loop(0, n_chunks // 2, outer, 0)

    return sc_kernel(codes, pred_class, table)

# --- scband reference (transcript-rebuilt; emitter-appended) ---
"""Pipeline reference for scband-sparse-codebook-66030827208813 (READ-ONLY COPY).

The authoritative reference and input builder live on the scoring server;
editing this copy changes nothing except your own understanding.
"""

import jax, jax.numpy as jnp
import numpy as np

NUM_CLASSES = 8192
CODE_DIM = 64
K = 4
B = 131072


def setup_inputs(seed: int = 0) -> dict:
    key = jax.random.key(seed)
    k1, k2, k3 = jax.random.split(key, 3)
    codes = jax.random.normal(k1, (B, CODE_DIM), dtype=jnp.float32)
    pred_class = jax.random.randint(k2, (B,), 0, NUM_CLASSES, dtype=jnp.int32)
    # centroids buffer: initialized at 0.5 in torch __init__; perturb slightly to mimic a
    # trained codebook so distances are non-degenerate.
    centroids = 0.5 + 0.1 * jax.random.normal(k3, (NUM_CLASSES, K, CODE_DIM), dtype=jnp.float32)
    return {"codes": codes, "pred_class": pred_class, "centroids": centroids}


def reference(codes, pred_class, centroids):
    # _SparseCodebook.code_distance
    # cents = self.centroids[pred_class]            -> gather rows [B, k, code_dim]
    cents = jnp.take(centroids, pred_class, axis=0)
    # d = (codes.unsqueeze(1) - cents).abs().mean(dim=2)  -> [B, k]
    d = jnp.abs(codes[:, None, :] - cents).mean(axis=2)
    # return d.min(dim=1).values                    -> [B]
    return jnp.min(d, axis=1)

if __name__ == "__main__":
    import jax
    _d = setup_inputs()
    print(jax.jit(kernel)(*tuple(_d.values())))

</pallas_src>

<mosaic_0001>
#map = affine_map<(d0, d1) -> (0, 0)>
#map1 = affine_map<(d0, d1) -> (0)>
module attributes {stable_mosaic.version = 14 : i64} {
  func.func @sc_kernel(%arg0: i32, %arg1: i32, %arg2: memref<131072x64xf32, #tpu.memory_space<hbm>>, %arg3: memref<131072xi32, #tpu.memory_space<hbm>>, %arg4: memref<8192x128xi32, #tpu.memory_space<hbm>>, %arg5: memref<131072xf32, #tpu.memory_space<hbm>>, %arg6: memref<128xi32, #tpu.memory_space<vmem>>, %arg7: memref<128xi32, #tpu.memory_space<vmem>>, %arg8: memref<128x128xi32, #tpu.memory_space<vmem>>, %arg9: memref<128x128xi32, #tpu.memory_space<vmem>>, %arg10: memref<128x64xf32, #tpu.memory_space<vmem>>, %arg11: memref<128x64xf32, #tpu.memory_space<vmem>>, %arg12: memref<128xf32, #tpu.memory_space<vmem>>, %arg13: memref<!tpu.dma_semaphore, #tpu.memory_space<semaphore_mem>>, %arg14: memref<!tpu.dma_semaphore, #tpu.memory_space<semaphore_mem>>, %arg15: memref<!tpu.dma_semaphore, #tpu.memory_space<semaphore_mem>>, %arg16: memref<!tpu.dma_semaphore, #tpu.memory_space<semaphore_mem>>) attributes {dimension_semantics = [#tpu.dimension_semantics<core_parallel>, #tpu.dimension_semantics<subcore_parallel>], iteration_bounds = array<i64: 2, 16>, scalar_prefetch = 0 : i64, scratch_operands = 11 : i64, tpu.core_type = #tpu.core_type<sc_vector_subcore>, window_params = [{transform_indices = #map}, {transform_indices = #map1}, {transform_indices = #map}, {transform_indices = #map1}]} {
    %mul3A = arith.constant 2 : i32
    %mul3A_0 = arith.muli %arg1, %mul3A : i32
    %add3A = arith.addi %mul3A_0, %arg0 : i32
    %iota3A = tpu.iota {dimensions = array<i32: 0>} : vector<16xi32>
    %eq3A = arith.constant 0 : i32
    %eq3A_1 = vector.broadcast %eq3A : i32 to vector<16xi32>
    %eq3A_2 = arith.cmpi eq, %iota3A, %eq3A_1 : vector<16xi32>
    %eq3A_3 = arith.constant 1 : i32
    %eq3A_4 = vector.broadcast %eq3A_3 : i32 to vector<16xi32>
    %eq3A_5 = arith.cmpi eq, %iota3A, %eq3A_4 : vector<16xi32>
    %eq3A_6 = arith.constant 2 : i32
    %eq3A_7 = vector.broadcast %eq3A_6 : i32 to vector<16xi32>
    %eq3A_8 = arith.cmpi eq, %iota3A, %eq3A_7 : vector<16xi32>
    %eq3A_9 = arith.constant 3 : i32
    %eq3A_10 = vector.broadcast %eq3A_9 : i32 to vector<16xi32>
    %eq3A_11 = arith.cmpi eq, %iota3A, %eq3A_10 : vector<16xi32>
    %eq3A_12 = arith.constant 4 : i32
    %eq3A_13 = vector.broadcast %eq3A_12 : i32 to vector<16xi32>
    %eq3A_14 = arith.cmpi eq, %iota3A, %eq3A_13 : vector<16xi32>
    %eq3A_15 = arith.constant 5 : i32
    %eq3A_16 = vector.broadcast %eq3A_15 : i32 to vector<16xi32>
    %eq3A_17 = arith.cmpi eq, %iota3A, %eq3A_16 : vector<16xi32>
    %eq3A_18 = arith.constant 6 : i32
    %eq3A_19 = vector.broadcast %eq3A_18 : i32 to vector<16xi32>
    %eq3A_20 = arith.cmpi eq, %iota3A, %eq3A_19 : vector<16xi32>
    %eq3A_21 = arith.constant 7 : i32
    %eq3A_22 = vector.broadcast %eq3A_21 : i32 to vector<16xi32>
    %eq3A_23 = arith.cmpi eq, %iota3A, %eq3A_22 : vector<16xi32>
    %eq3A_24 = arith.constant 8 : i32
    %eq3A_25 = vector.broadcast %eq3A_24 : i32 to vector<16xi32>
    %eq3A_26 = arith.cmpi eq, %iota3A, %eq3A_25 : vector<16xi32>
    %eq3A_27 = arith.constant 9 : i32
    %eq3A_28 = vector.broadcast %eq3A_27 : i32 to vector<16xi32>
    %eq3A_29 = arith.cmpi eq, %iota3A, %eq3A_28 : vector<16xi32>
    %eq3A_30 = arith.constant 10 : i32
    %eq3A_31 = vector.broadcast %eq3A_30 : i32 to vector<16xi32>
    %eq3A_32 = arith.cmpi eq, %iota3A, %eq3A_31 : vector<16xi32>
    %eq3A_33 = arith.constant 11 : i32
    %eq3A_34 = vector.broadcast %eq3A_33 : i32 to vector<16xi32>
    %eq3A_35 = arith.cmpi eq, %iota3A, %eq3A_34 : vector<16xi32>
    %eq3A_36 = arith.constant 12 : i32
    %eq3A_37 = vector.broadcast %eq3A_36 : i32 to vector<16xi32>
    %eq3A_38 = arith.cmpi eq, %iota3A, %eq3A_37 : vector<16xi32>
    %eq3A_39 = arith.constant 13 : i32
    %eq3A_40 = vector.broadcast %eq3A_39 : i32 to vector<16xi32>
    %eq3A_41 = arith.cmpi eq, %iota3A, %eq3A_40 : vector<16xi32>
    %eq3A_42 = arith.constant 14 : i32
    %eq3A_43 = vector.broadcast %eq3A_42 : i32 to vector<16xi32>
    %eq3A_44 = arith.cmpi eq, %iota3A, %eq3A_43 : vector<16xi32>
    %eq3A_45 = arith.constant 15 : i32
    %eq3A_46 = vector.broadcast %eq3A_45 : i32 to vector<16xi32>
    %eq3A_47 = arith.cmpi eq, %iota3A, %eq3A_46 : vector<16xi32>
    %mul3A_48 = arith.constant 4096 : i32
    %mul3A_49 = arith.muli %add3A, %mul3A_48 : i32
    %add3A_50 = arith.constant 0 : i32
    %add3A_51 = arith.addi %mul3A_49, %add3A_50 : i32
    "tpu.region"() ({
      %run_scoped3A = tpu.sem_alloc : memref<!tpu.dma_semaphore, #tpu.memory_space<semaphore_mem>>
      %dma_start3A_63 = tpu.memref_slice %arg3[%add3A_51] : memref<131072xi32, #tpu.memory_space<hbm>> -> memref<128xi32, #tpu.memory_space<hbm>>
      %dma_start3A_64 = tpu.memref_slice %arg3[%add3A_51] : memref<131072xi32, #tpu.memory_space<hbm>> -> memref<128xi32, #tpu.memory_space<hbm>>
      tpu.enqueue_dma source(%dma_start3A_64 : memref<128xi32, #tpu.memory_space<hbm>>) target(%arg6 : memref<128xi32, #tpu.memory_space<vmem>>) target_semaphore(%run_scoped3A : memref<!tpu.dma_semaphore, #tpu.memory_space<semaphore_mem>>)
      %dma_wait3A = tpu.memref_slice %arg3[%add3A_51] : memref<131072xi32, #tpu.memory_space<hbm>> -> memref<128xi32, #tpu.memory_space<hbm>>
      %dma_wait3A_65 = tpu.memref_slice %arg3[%add3A_51] : memref<131072xi32, #tpu.memory_space<hbm>> -> memref<128xi32, #tpu.memory_space<hbm>>
      tpu.wait_dma2 semaphore(%run_scoped3A : memref<!tpu.dma_semaphore, #tpu.memory_space<semaphore_mem>>) src(%dma_wait3A_65 : memref<128xi32, #tpu.memory_space<hbm>>) dst(%arg6 : memref<128xi32, #tpu.memory_space<vmem>>)
      tpu.yield
    }) : () -> ()
    %dma_start3A = arith.constant 0 : i32
    %dma_start3A_52 = arith.constant 0 : i32
    %dma_start3A_53 = tpu.memref_slice %arg4[%dma_start3A, %dma_start3A_52] : memref<8192x128xi32, #tpu.memory_space<hbm>> -> memref<8192x128xi32, #tpu.memory_space<hbm>>
    tpu.enqueue_indirect_dma source(%dma_start3A_53 : memref<8192x128xi32, #tpu.memory_space<hbm>>) target(%arg8 : memref<128x128xi32, #tpu.memory_space<vmem>>) offsets(%arg6 : memref<128xi32, #tpu.memory_space<vmem>>) semaphore(%arg13 : memref<!tpu.dma_semaphore, #tpu.memory_space<semaphore_mem>>)
    %dma_start3A_54 = arith.constant 0 : i32
    %dma_start3A_55 = tpu.memref_slice %arg2[%add3A_51, %dma_start3A_54] : memref<131072x64xf32, #tpu.memory_space<hbm>> -> memref<128x64xf32, #tpu.memory_space<hbm>>
    %dma_start3A_56 = arith.constant 0 : i32
    %dma_start3A_57 = tpu.memref_slice %arg2[%add3A_51, %dma_start3A_56] : memref<131072x64xf32, #tpu.memory_space<hbm>> -> memref<128x64xf32, #tpu.memory_space<hbm>>
    tpu.enqueue_dma source(%dma_start3A_57 : memref<128x64xf32, #tpu.memory_space<hbm>>) target(%arg10 : memref<128x64xf32, #tpu.memory_space<vmem>>) target_semaphore(%arg15 : memref<!tpu.dma_semaphore, #tpu.memory_space<semaphore_mem>>)
    %scan3A = arith.constant 0 : i32
    %scan3A_58 = arith.constant 0 : i32
    %scan3A_59 = arith.constant 16 : i32
    %scan3A_60 = arith.addi %scan3A_58, %scan3A_59 : i32
    %scan3A_61 = arith.constant 1 : i32
    scf.for %scan3A_63 = %scan3A_58 to %scan3A_60 step %scan3A_61  : i32 {
      %mul3A_64 = arith.constant 2 : i32
      %mul3A_65 = arith.muli %scan3A_63, %mul3A_64 : i32
      %add3A_66 = arith.constant 0 : i32
      %add3A_67 = arith.addi %mul3A_65, %add3A_66 : i32
      %add3A_68 = arith.constant 1 : i32
      %add3A_69 = arith.addi %add3A_67, %add3A_68 : i32
      %lt3A = arith.constant 32 : i32
      %lt3A_70 = arith.cmpi slt, %add3A_69, %lt3A : i32
      %convert_element_type3A = arith.extui %lt3A_70 : i1 to i32
      %cond3A = arith.constant 0 : i32
      %cond3A_71 = arith.cmpi ne, %convert_element_type3A, %cond3A : i32
      scf.if %cond3A_71 {
        %add3A_122 = arith.constant 1 : i32
        %add3A_123 = arith.addi %add3A_67, %add3A_122 : i32
        %mul3A_124 = arith.constant 4096 : i32
        %mul3A_125 = arith.muli %add3A, %mul3A_124 : i32
        %mul3A_126 = arith.constant 128 : i32
        %mul3A_127 = arith.muli %add3A_123, %mul3A_126 : i32
        %add3A_128 = arith.addi %mul3A_125, %mul3A_127 : i32
        "tpu.region"() ({
          %run_scoped3A = tpu.sem_alloc : memref<!tpu.dma_semaphore, #tpu.memory_space<semaphore_mem>>
          %dma_start3A_136 = tpu.memref_slice %arg3[%add3A_128] : memref<131072xi32, #tpu.memory_space<hbm>> -> memref<128xi32, #tpu.memory_space<hbm>>
          %dma_start3A_137 = tpu.memref_slice %arg3[%add3A_128] : memref<131072xi32, #tpu.memory_space<hbm>> -> memref<128xi32, #tpu.memory_space<hbm>>
          tpu.enqueue_dma source(%dma_start3A_137 : memref<128xi32, #tpu.memory_space<hbm>>) target(%arg7 : memref<128xi32, #tpu.memory_space<vmem>>) target_semaphore(%run_scoped3A : memref<!tpu.dma_semaphore, #tpu.memory_space<semaphore_mem>>)
          %dma_wait3A_138 = tpu.memref_slice %arg3[%add3A_128] : memref<131072xi32, #tpu.memory_space<hbm>> -> memref<128xi32, #tpu.memory_space<hbm>>
          %dma_wait3A_139 = tpu.memref_slice %arg3[%add3A_128] : memref<131072xi32, #tpu.memory_space<hbm>> -> memref<128xi32, #tpu.memory_space<hbm>>
          tpu.wait_dma2 semaphore(%run_scoped3A : memref<!tpu.dma_semaphore, #tpu.memory_space<semaphore_mem>>) src(%dma_wait3A_139 : memref<128xi32, #tpu.memory_space<hbm>>) dst(%arg7 : memref<128xi32, #tpu.memory_space<vmem>>)
          tpu.yield
        }) : () -> ()
        %dma_start3A_129 = arith.constant 0 : i32
        %dma_start3A_130 = arith.constant 0 : i32
        %dma_start3A_131 = tpu.memref_slice %arg4[%dma_start3A_129, %dma_start3A_130] : memref<8192x128xi32, #tpu.memory_space<hbm>> -> memref<8192x128xi32, #tpu.memory_space<hbm>>
        tpu.enqueue_indirect_dma source(%dma_start3A_131 : memref<8192x128xi32, #tpu.memory_space<hbm>>) target(%arg9 : memref<128x128xi32, #tpu.memory_space<vmem>>) offsets(%arg7 : memref<128xi32, #tpu.memory_space<vmem>>) semaphore(%arg14 : memref<!tpu.dma_semaphore, #tpu.memory_space<semaphore_mem>>)
        %dma_start3A_132 = arith.constant 0 : i32
        %dma_start3A_133 = tpu.memref_slice %arg2[%add3A_128, %dma_start3A_132] : memref<131072x64xf32, #tpu.memory_space<hbm>> -> memref<128x64xf32, #tpu.memory_space<hbm>>
        %dma_start3A_134 = arith.constant 0 : i32
        %dma_start3A_135 = tpu.memref_slice %arg2[%add3A_128, %dma_start3A_134] : memref<131072x64xf32, #tpu.memory_space<hbm>> -> memref<128x64xf32, #tpu.memory_space<hbm>>
        tpu.enqueue_dma source(%dma_start3A_135 : memref<128x64xf32, #tpu.memory_space<hbm>>) target(%arg11 : memref<128x64xf32, #tpu.memory_space<vmem>>) target_semaphore(%arg16 : memref<!tpu.dma_semaphore, #tpu.memory_space<semaphore_mem>>)
      } else {
      }
      %dma_wait3A = arith.constant 0 : i32
      %dma_wait3A_72 = arith.constant 0 : i32
      %dma_wait3A_73 = tpu.memref_slice %arg4[%dma_wait3A, %dma_wait3A_72] : memref<8192x128xi32, #tpu.memory_space<hbm>> -> memref<8192x128xi32, #tpu.memory_space<hbm>>
      tpu.wait_indirect_dma semaphore(%arg13 : memref<!tpu.dma_semaphore, #tpu.memory_space<semaphore_mem>>) src(%dma_wait3A_73 : memref<8192x128xi32, #tpu.memory_space<hbm>>) dst(%arg8 : memref<128x128xi32, #tpu.memory_space<vmem>>)
      %dma_wait3A_74 = arith.constant 0 : i32
      %dma_wait3A_75 = arith.constant 0 : i32
      %dma_wait3A_76 = tpu.memref_slice %arg2[%dma_wait3A_74, %dma_wait3A_75] : memref<131072x64xf32, #tpu.memory_space<hbm>> -> memref<128x64xf32, #tpu.memory_space<hbm>>
      %dma_wait3A_77 = arith.constant 0 : i32
      %dma_wait3A_78 = arith.constant 0 : i32
      %dma_wait3A_79 = tpu.memref_slice %arg2[%dma_wait3A_77, %dma_wait3A_78] : memref<131072x64xf32, #tpu.memory_space<hbm>> -> memref<128x64xf32, #tpu.memory_space<hbm>>
      tpu.wait_dma2 semaphore(%arg15 : memref<!tpu.dma_semaphore, #tpu.memory_space<semaphore_mem>>) src(%dma_wait3A_79 : memref<128x64xf32, #tpu.memory_space<hbm>>) dst(%arg10 : memref<128x64xf32, #tpu.memory_space<vmem>>)
      %mul3A_80 = arith.constant 4096 : i32
      %mul3A_81 = arith.muli %add3A, %mul3A_80 : i32
      %mul3A_82 = arith.constant 128 : i32
      %mul3A_83 = arith.muli %add3A_67, %mul3A_82 : i32
      %add3A_84 = arith.addi %mul3A_81, %mul3A_83 : i32
      %scan3A_85 = arith.constant 0 : i32
      %scan3A_86 = arith.constant 0 : i32
      %scan3A_87 = arith.constant 8 : i32
      %scan3A_88 = arith.addi %scan3A_86, %scan3A_87 : i32
      %scan3A_89 = arith.constant 1 : i32
      scf.for %scan3A_122 = %scan3A_86 to %scan3A_88 step %scan3A_89  : i32 {
        %broadcast_in_dim3A = arith.constant 0.000000e+00 : f32
        %broadcast_in_dim3A_123 = vector.broadcast %broadcast_in_dim3A : f32 to vector<16xf32>
        %mul3A_124 = arith.constant 16 : i32
        %mul3A_125 = arith.muli %scan3A_122, %mul3A_124 : i32
        %add3A_126 = arith.constant 0 : i32
        %add3A_127 = arith.addi %mul3A_125, %add3A_126 : i32
        %get3A = arith.index_cast %add3A_127 : i32 to index
        %get3A_128 = arith.constant 0 : index
        %get3A_129 = tpu.vector_load %arg10[%get3A, %get3A_128] {strides = array<i32>} : memref<128x64xf32, #tpu.memory_space<vmem>>, vector<16xf32>,
        %get3A_130 = arith.index_cast %add3A_127 : i32 to index
        %get3A_131 = arith.constant 16 : index
        %get3A_132 = tpu.vector_load %arg10[%get3A_130, %get3A_131] {strides = array<i32>} : memref<128x64xf32, #tpu.memory_space<vmem>>, vector<16xf32>,
        %get3A_133 = arith.index_cast %add3A_127 : i32 to index
        %get3A_134 = arith.constant 32 : index
        %get3A_135 = tpu.vector_load %arg10[%get3A_133, %get3A_134] {strides = array<i32>} : memref<128x64xf32, #tpu.memory_space<vmem>>, vector<16xf32>,
        %get3A_136 = arith.index_cast %add3A_127 : i32 to index
        %get3A_137 = arith.constant 48 : index
        %get3A_138 = tpu.vector_load %arg10[%get3A_136, %get3A_137] {strides = array<i32>} : memref<128x64xf32, #tpu.memory_space<vmem>>, vector<16xf32>,
        %pack3A = tpu.pack_subelements %get3A_129, %get3A_132 {pack_format = #tpu.pack_format<interleaved>, positions = array<i32: 0, 1>} : vector<16xf32>, vector<16xf32> -> vector<32xbf16>
        %pack3A_139 = tpu.pack_subelements %get3A_135, %get3A_138 {pack_format = #tpu.pack_format<interleaved>, positions = array<i32: 0, 1>} : vector<16xf32>, vector<16xf32> -> vector<32xbf16>
        %broadcast_in_dim3A_140 = arith.constant 0.000000e+00 : f32
        %broadcast_in_dim3A_141 = vector.broadcast %broadcast_in_dim3A_140 : f32 to vector<16xf32>
        %get3A_142 = arith.index_cast %add3A_127 : i32 to index
        %get3A_143 = arith.constant 0 : index
        %get3A_144 = tpu.vector_load %arg8[%get3A_142, %get3A_143] {strides = array<i32>} : memref<128x128xi32, #tpu.memory_space<vmem>>, vector<16xi32>,
        %bitcast3A = vector.bitcast %get3A_144 : vector<16xi32> to vector<32xbf16>
        %sub3A = arith.subf %pack3A, %bitcast3A : vector<32xbf16>
        %abs3A = math.absf %sub3A : vector<32xbf16>
        %unpack3A = tpu.unpack_subelements %abs3A, 0 {pack_format = #tpu.pack_format<interleaved>} : vector<32xbf16> -> vector<16xf32>
        %unpack3A_145 = tpu.unpack_subelements %abs3A, 1 {pack_format = #tpu.pack_format<interleaved>} : vector<32xbf16> -> vector<16xf32>
        %add3A_146 = arith.addf %broadcast_in_dim3A_141, %unpack3A : vector<16xf32>
        %add3A_147 = arith.addf %add3A_146, %unpack3A_145 : vector<16xf32>
        %get3A_148 = arith.index_cast %add3A_127 : i32 to index
        %get3A_149 = arith.constant 16 : index
        %get3A_150 = tpu.vector_load %arg8[%get3A_148, %get3A_149] {strides = array<i32>} : memref<128x128xi32, #tpu.memory_space<vmem>>, vector<16xi32>,
        %bitcast3A_151 = vector.bitcast %get3A_150 : vector<16xi32> to vector<32xbf16>
        %sub3A_152 = arith.subf %pack3A_139, %bitcast3A_151 : vector<32xbf16>
        %abs3A_153 = math.absf %sub3A_152 : vector<32xbf16>
        %unpack3A_154 = tpu.unpack_subelements %abs3A_153, 0 {pack_format = #tpu.pack_format<interleaved>} : vector<32xbf16> -> vector<16xf32>
        %unpack3A_155 = tpu.unpack_subelements %abs3A_153, 1 {pack_format = #tpu.pack_format<interleaved>} : vector<32xbf16> -> vector<16xf32>
        %add3A_156 = arith.addf %add3A_147, %unpack3A_154 : vector<16xf32>
        %add3A_157 = arith.addf %add3A_156, %unpack3A_155 : vector<16xf32>
        %reduce_sum3A = arith.constant true
        %reduce_sum3A_158 = vector.broadcast %reduce_sum3A : i1 to vector<16xi1>
        %reduce_sum3A_159 = tpu.scan <sum>, %add3A_157 masked %reduce_sum3A_158 : vector<16xf32>, vector<16xi1> -> vector<16xf32>
        %reduce_sum3A_160 = vector.extract %reduce_sum3A_159[15] : f32 from vector<16xf32>
        %broadcast_in_dim3A_161 = arith.constant 0.000000e+00 : f32
        %broadcast_in_dim3A_162 = vector.broadcast %broadcast_in_dim3A_161 : f32 to vector<16xf32>
        %get3A_163 = arith.index_cast %add3A_127 : i32 to index
        %get3A_164 = arith.constant 32 : index
        %get3A_165 = tpu.vector_load %arg8[%get3A_163, %get3A_164] {strides = array<i32>} : memref<128x128xi32, #tpu.memory_space<vmem>>, vector<16xi32>,
        %bitcast3A_166 = vector.bitcast %get3A_165 : vector<16xi32> to vector<32xbf16>
        %sub3A_167 = arith.subf %pack3A, %bitcast3A_166 : vector<32xbf16>
        %abs3A_168 = math.absf %sub3A_167 : vector<32xbf16>
        %unpack3A_169 = tpu.unpack_subelements %abs3A_168, 0 {pack_format = #tpu.pack_format<interleaved>} : vector<32xbf16> -> vector<16xf32>
        %unpack3A_170 = tpu.unpack_subelements %abs3A_168, 1 {pack_format = #tpu.pack_format<interleaved>} : vector<32xbf16> -> vector<16xf32>
        %add3A_171 = arith.addf %broadcast_in_dim3A_162, %unpack3A_169 : vector<16xf32>
        %add3A_172 = arith.addf %add3A_171, %unpack3A_170 : vector<16xf32>
        %get3A_173 = arith.index_cast %add3A_127 : i32 to index
        %get3A_174 = arith.constant 48 : index
        %get3A_175 = tpu.vector_load %arg8[%get3A_173, %get3A_174] {strides = array<i32>} : memref<128x128xi32, #tpu.memory_space<vmem>>, vector<16xi32>,
        %bitcast3A_176 = vector.bitcast %get3A_175 : vector<16xi32> to vector<32xbf16>
        %sub3A_177 = arith.subf %pack3A_139, %bitcast3A_176 : vector<32xbf16>
        %abs3A_178 = math.absf %sub3A_177 : vector<32xbf16>
        %unpack3A_179 = tpu.unpack_subelements %abs3A_178, 0 {pack_format = #tpu.pack_format<interleaved>} : vector<32xbf16> -> vector<16xf32>
        %unpack3A_180 = tpu.unpack_subelements %abs3A_178, 1 {pack_format = #tpu.pack_format<interleaved>} : vector<32xbf16> -> vector<16xf32>
        %add3A_181 = arith.addf %add3A_172, %unpack3A_179 : vector<16xf32>
        %add3A_182 = arith.addf %add3A_181, %unpack3A_180 : vector<16xf32>
        %reduce_sum3A_183 = arith.constant true
        %reduce_sum3A_184 = vector.broadcast %reduce_sum3A_183 : i1 to vector<16xi1>
        %reduce_sum3A_185 = tpu.scan <sum>, %add3A_182 masked %reduce_sum3A_184 : vector<16xf32>, vector<16xi1> -> vector<16xf32>
        %reduce_sum3A_186 = vector.extract %reduce_sum3A_185[15] : f32 from vector<16xf32>
        %min3A = arith.minimumf %reduce_sum3A_160, %reduce_sum3A_186 : f32
        %broadcast_in_dim3A_187 = arith.constant 0.000000e+00 : f32
        %broadcast_in_dim3A_188 = vector.broadcast %broadcast_in_dim3A_187 : f32 to vector<16xf32>
        %get3A_189 = arith.index_cast %add3A_127 : i32 to index
        %get3A_190 = arith.constant 64 : index
        %get3A_191 = tpu.vector_load %arg8[%get3A_189, %get3A_190] {strides = array<i32>} : memref<128x128xi32, #tpu.memory_space<vmem>>, vector<16xi32>,
        %bitcast3A_192 = vector.bitcast %get3A_191 : vector<16xi32> to vector<32xbf16>
        %sub3A_193 = arith.subf %pack3A, %bitcast3A_192 : vector<32xbf16>
        %abs3A_194 = math.absf %sub3A_193 : vector<32xbf16>
        %unpack3A_195 = tpu.unpack_subelements %abs3A_194, 0 {pack_format = #tpu.pack_format<interleaved>} : vector<32xbf16> -> vector<16xf32>
        %unpack3A_196 = tpu.unpack_subelements %abs3A_194, 1 {pack_format = #tpu.pack_format<interleaved>} : vector<32xbf16> -> vector<16xf32>
        %add3A_197 = arith.addf %broadcast_in_dim3A_188, %unpack3A_195 : vector<16xf32>
        %add3A_198 = arith.addf %add3A_197, %unpack3A_196 : vector<16xf32>
        %get3A_199 = arith.index_cast %add3A_127 : i32 to index
        %get3A_200 = arith.constant 80 : index
        %get3A_201 = tpu.vector_load %arg8[%get3A_199, %get3A_200] {strides = array<i32>} : memref<128x128xi32, #tpu.memory_space<vmem>>, vector<16xi32>,
        %bitcast3A_202 = vector.bitcast %get3A_201 : vector<16xi32> to vector<32xbf16>
        %sub3A_203 = arith.subf %pack3A_139, %bitcast3A_202 : vector<32xbf16>
        %abs3A_204 = math.absf %sub3A_203 : vector<32xbf16>
        %unpack3A_205 = tpu.unpack_subelements %abs3A_204, 0 {pack_format = #tpu.pack_format<interleaved>} : vector<32xbf16> -> vector<16xf32>
        %unpack3A_206 = tpu.unpack_subelements %abs3A_204, 1 {pack_format = #tpu.pack_format<interleaved>} : vector<32xbf16> -> vector<16xf32>
        %add3A_207 = arith.addf %add3A_198, %unpack3A_205 : vector<16xf32>
        %add3A_208 = arith.addf %add3A_207, %unpack3A_206 : vector<16xf32>
        %reduce_sum3A_209 = arith.constant true
        %reduce_sum3A_210 = vector.broadcast %reduce_sum3A_209 : i1 to vector<16xi1>
        %reduce_sum3A_211 = tpu.scan <sum>, %add3A_208 masked %reduce_sum3A_210 : vector<16xf32>, vector<16xi1> -> vector<16xf32>
        %reduce_sum3A_212 = vector.extract %reduce_sum3A_211[15] : f32 from vector<16xf32>
        %min3A_213 = arith.minimumf %min3A, %reduce_sum3A_212 : f32
        %broadcast_in_dim3A_214 = arith.constant 0.000000e+00 : f32
        %broadcast_in_dim3A_215 = vector.broadcast %broadcast_in_dim3A_214 : f32 to vector<16xf32>
        %get3A_216 = arith.index_cast %add3A_127 : i32 to index
        %get3A_217 = arith.constant 96 : index
        %get3A_218 = tpu.vector_load %arg8[%get3A_216, %get3A_217] {strides = array<i32>} : memref<128x128xi32, #tpu.memory_space<vmem>>, vector<16xi32>,
        %bitcast3A_219 = vector.bitcast %get3A_218 : vector<16xi32> to vector<32xbf16>
        %sub3A_220 = arith.subf %pack3A, %bitcast3A_219 : vector<32xbf16>
        %abs3A_221 = math.absf %sub3A_220 : vector<32xbf16>
        %unpack3A_222 = tpu.unpack_subelements %abs3A_221, 0 {pack_format = #tpu.pack_format<interleaved>} : vector<32xbf16> -> vector<16xf32>
        %unpack3A_223 = tpu.unpack_subelements %abs3A_221, 1 {pack_format = #tpu.pack_format<interleaved>} : vector<32xbf16> -> vector<16xf32>
        %add3A_224 = arith.addf %broadcast_in_dim3A_215, %unpack3A_222 : vector<16xf32>
        %add3A_225 = arith.addf %add3A_224, %unpack3A_223 : vector<16xf32>
        %get3A_226 = arith.index_cast %add3A_127 : i32 to index
        %get3A_227 = arith.constant 112 : index
        %get3A_228 = tpu.vector_load %arg8[%get3A_226, %get3A_227] {strides = array<i32>} : memref<128x128xi32, #tpu.memory_space<vmem>>, vector<16xi32>,
        %bitcast3A_229 = vector.bitcast %get3A_228 : vector<16xi32> to vector<32xbf16>
        %sub3A_230 = arith.subf %pack3A_139, %bitcast3A_229 : vector<32xbf16>
        %abs3A_231 = math.absf %sub3A_230 : vector<32xbf16>
        %unpack3A_232 = tpu.unpack_subelements %abs3A_231, 0 {pack_format = #tpu.pack_format<interleaved>} : vector<32xbf16> -> vector<16xf32>
        %unpack3A_233 = tpu.unpack_subelements %abs3A_231, 1 {pack_format = #tpu.pack_format<interleaved>} : vector<32xbf16> -> vector<16xf32>
        %add3A_234 = arith.addf %add3A_225, %unpack3A_232 : vector<16xf32>
        %add3A_235 = arith.addf %add3A_234, %unpack3A_233 : vector<16xf32>
        %reduce_sum3A_236 = arith.constant true
        %reduce_sum3A_237 = vector.broadcast %reduce_sum3A_236 : i1 to vector<16xi1>
        %reduce_sum3A_238 = tpu.scan <sum>, %add3A_235 masked %reduce_sum3A_237 : vector<16xf32>, vector<16xi1> -> vector<16xf32>
        %reduce_sum3A_239 = vector.extract %reduce_sum3A_238[15] : f32 from vector<16xf32>
        %min3A_240 = arith.minimumf %min3A_213, %reduce_sum3A_239 : f32
        %mul3A_241 = arith.constant 1.562500e-02 : f32
        %mul3A_242 = arith.mulf %min3A_240, %mul3A_241 : f32
        %broadcast_in_dim3A_243 = vector.broadcast %mul3A_242 : f32 to vector<16xf32>
        %select_n3A = arith.select %eq3A_2, %broadcast_in_dim3A_243, %broadcast_in_dim3A_123 : vector<16xi1>, vector<16xf32>
        %mul3A_244 = arith.constant 16 : i32
        %mul3A_245 = arith.muli %scan3A_122, %mul3A_244 : i32
        %add3A_246 = arith.constant 1 : i32
        %add3A_247 = arith.addi %mul3A_245, %add3A_246 : i32
        %get3A_248 = arith.index_cast %add3A_247 : i32 to index
        %get3A_249 = arith.constant 0 : index
        %get3A_250 = tpu.vector_load %arg10[%get3A_248, %get3A_249] {strides = array<i32>} : memref<128x64xf32, #tpu.memory_space<vmem>>, vector<16xf32>,
        %get3A_251 = arith.index_cast %add3A_247 : i32 to index
        %get3A_252 = arith.constant 16 : index
        %get3A_253 = tpu.vector_load %arg10[%get3A_251, %get3A_252] {strides = array<i32>} : memref<128x64xf32, #tpu.memory_space<vmem>>, vector<16xf32>,
        %get3A_254 = arith.index_cast %add3A_247 : i32 to index
        %get3A_255 = arith.constant 32 : index
        %get3A_256 = tpu.vector_load %arg10[%get3A_254, %get3A_255] {strides = array<i32>} : memref<128x64xf32, #tpu.memory_space<vmem>>, vector<16xf32>,
        %get3A_257 = arith.index_cast %add3A_247 : i32 to index
        %get3A_258 = arith.constant 48 : index
        %get3A_259 = tpu.vector_load %arg10[%get3A_257, %get3A_258] {strides = array<i32>} : memref<128x64xf32, #tpu.memory_space<vmem>>, vector<16xf32>,
        %pack3A_260 = tpu.pack_subelements %get3A_250, %get3A_253 {pack_format = #tpu.pack_format<interleaved>, positions = array<i32: 0, 1>} : vector<16xf32>, vector<16xf32> -> vector<32xbf16>
        %pack3A_261 = tpu.pack_subelements %get3A_256, %get3A_259 {pack_format = #tpu.pack_format<interleaved>, positions = array<i32: 0, 1>} : vector<16xf32>, vector<16xf32> -> vector<32xbf16>
        %broadcast_in_dim3A_262 = arith.constant 0.000000e+00 : f32
        %broadcast_in_dim3A_263 = vector.broadcast %broadcast_in_dim3A_262 : f32 to vector<16xf32>
        %get3A_264 = arith.index_cast %add3A_247 : i32 to index
        %get3A_265 = arith.constant 0 : index
        %get3A_266 = tpu.vector_load %arg8[%get3A_264, %get3A_265] {strides = array<i32>} : memref<128x128xi32, #tpu.memory_space<vmem>>, vector<16xi32>,
        %bitcast3A_267 = vector.bitcast %get3A_266 : vector<16xi32> to vector<32xbf16>
        %sub3A_268 = arith.subf %pack3A_260, %bitcast3A_267 : vector<32xbf16>
        %abs3A_269 = math.absf %sub3A_268 : vector<32xbf16>
        %unpack3A_270 = tpu.unpack_subelements %abs3A_269, 0 {pack_format = #tpu.pack_format<interleaved>} : vector<32xbf16> -> vector<16xf32>
        %unpack3A_271 = tpu.unpack_subelements %abs3A_269, 1 {pack_format = #tpu.pack_format<interleaved>} : vector<32xbf16> -> vector<16xf32>
        %add3A_272 = arith.addf %broadcast_in_dim3A_263, %unpack3A_270 : vector<16xf32>
        %add3A_273 = arith.addf %add3A_272, %unpack3A_271 : vector<16xf32>
        %get3A_274 = arith.index_cast %add3A_247 : i32 to index
        %get3A_275 = arith.constant 16 : index
        %get3A_276 = tpu.vector_load %arg8[%get3A_274, %get3A_275] {strides = array<i32>} : memref<128x128xi32, #tpu.memory_space<vmem>>, vector<16xi32>,
        %bitcast3A_277 = vector.bitcast %get3A_276 : vector<16xi32> to vector<32xbf16>
        %sub3A_278 = arith.subf %pack3A_261, %bitcast3A_277 : vector<32xbf16>
        %abs3A_279 = math.absf %sub3A_278 : vector<32xbf16>
        %unpack3A_280 = tpu.unpack_subelements %abs3A_279, 0 {pack_format = #tpu.pack_format<interleaved>} : vector<32xbf16> -> vector<16xf32>
        %unpack3A_281 = tpu.unpack_subelements %abs3A_279, 1 {pack_format = #tpu.pack_format<interleaved>} : vector<32xbf16> -> vector<16xf32>
        %add3A_282 = arith.addf %add3A_273, %unpack3A_280 : vector<16xf32>
        %add3A_283 = arith.addf %add3A_282, %unpack3A_281 : vector<16xf32>
        %reduce_sum3A_284 = arith.constant true
        %reduce_sum3A_285 = vector.broadcast %reduce_sum3A_284 : i1 to vector<16xi1>
        %reduce_sum3A_286 = tpu.scan <sum>, %add3A_283 masked %reduce_sum3A_285 : vector<16xf32>, vector<16xi1> -> vector<16xf32>
        %reduce_sum3A_287 = vector.extract %reduce_sum3A_286[15] : f32 from vector<16xf32>
        %broadcast_in_dim3A_288 = arith.constant 0.000000e+00 : f32
        %broadcast_in_dim3A_289 = vector.broadcast %broadcast_in_dim3A_288 : f32 to vector<16xf32>
        %get3A_290 = arith.index_cast %add3A_247 : i32 to index
        %get3A_291 = arith.constant 32 : index
        %get3A_292 = tpu.vector_load %arg8[%get3A_290, %get3A_291] {strides = array<i32>} : memref<128x128xi32, #tpu.memory_space<vmem>>, vector<16xi32>,
        %bitcast3A_293 = vector.bitcast %get3A_292 : vector<16xi32> to vector<32xbf16>
        %sub3A_294 = arith.subf %pack3A_260, %bitcast3A_293 : vector<32xbf16>
        %abs3A_295 = math.absf %sub3A_294 : vector<32xbf16>
        %unpack3A_296 = tpu.unpack_subelements %abs3A_295, 0 {pack_format = #tpu.pack_format<interleaved>} : vector<32xbf16> -> vector<16xf32>
        %unpack3A_297 = tpu.unpack_subelements %abs3A_295, 1 {pack_format = #tpu.pack_format<interleaved>} : vector<32xbf16> -> vector<16xf32>
        %add3A_298 = arith.addf %broadcast_in_dim3A_289, %unpack3A_296 : vector<16xf32>
        %add3A_299 = arith.addf %add3A_298, %unpack3A_297 : vector<16xf32>
        %get3A_300 = arith.index_cast %add3A_247 : i32 to index
        %get3A_301 = arith.constant 48 : index
        %get3A_302 = tpu.vector_load %arg8[%get3A_300, %get3A_301] {strides = array<i32>} : memref<128x128xi32, #tpu.memory_space<vmem>>, vector<16xi32>,
        %bitcast3A_303 = vector.bitcast %get3A_302 : vector<16xi32> to vector<32xbf16>
        %sub3A_304 = arith.subf %pack3A_261, %bitcast3A_303 : vector<32xbf16>
        %abs3A_305 = math.absf %sub3A_304 : vector<32xbf16>
        %unpack3A_306 = tpu.unpack_subelements %abs3A_305, 0 {pack_format = #tpu.pack_format<interleaved>} : vector<32xbf16> -> vector<16xf32>
        %unpack3A_307 = tpu.unpack_subelements %abs3A_305, 1 {pack_format = #tpu.pack_format<interleaved>} : vector<32xbf16> -> vector<16xf32>
        %add3A_308 = arith.addf %add3A_299, %unpack3A_306 : vector<16xf32>
        %add3A_309 = arith.addf %add3A_308, %unpack3A_307 : vector<16xf32>
        %reduce_sum3A_310 = arith.constant true
        %reduce_sum3A_311 = vector.broadcast %reduce_sum3A_310 : i1 to vector<16xi1>
        %reduce_sum3A_312 = tpu.scan <sum>, %add3A_309 masked %reduce_sum3A_311 : vector<16xf32>, vector<16xi1> -> vector<16xf32>
        %reduce_sum3A_313 = vector.extract %reduce_sum3A_312[15] : f32 from vector<16xf32>
        %min3A_314 = arith.minimumf %reduce_sum3A_287, %reduce_sum3A_313 : f32
        %broadcast_in_dim3A_315 = arith.constant 0.000000e+00 : f32
        %broadcast_in_dim3A_316 = vector.broadcast %broadcast_in_dim3A_315 : f32 to vector<16xf32>
        %get3A_317 = arith.index_cast %add3A_247 : i32 to index
        %get3A_318 = arith.constant 64 : index
        %get3A_319 = tpu.vector_load %arg8[%get3A_317, %get3A_318] {strides = array<i32>} : memref<128x128xi32, #tpu.memory_space<vmem>>, vector<16xi32>,
        %bitcast3A_320 = vector.bitcast %get3A_319 : vector<16xi32> to vector<32xbf16>
        %sub3A_321 = arith.subf %pack3A_260, %bitcast3A_320 : vector<32xbf16>
        %abs3A_322 = math.absf %sub3A_321 : vector<32xbf16>
        %unpack3A_323 = tpu.unpack_subelements %abs3A_322, 0 {pack_format = #tpu.pack_format<interleaved>} : vector<32xbf16> -> vector<16xf32>
        %unpack3A_324 = tpu.unpack_subelements %abs3A_322, 1 {pack_format = #tpu.pack_format<interleaved>} : vector<32xbf16> -> vector<16xf32>
        %add3A_325 = arith.addf %broadcast_in_dim3A_316, %unpack3A_323 : vector<16xf32>
        %add3A_326 = arith.addf %add3A_325, %unpack3A_324 : vector<16xf32>
        %get3A_327 = arith.index_cast %add3A_247 : i32 to index
        %get3A_328 = arith.constant 80 : index
        %get3A_329 = tpu.vector_load %arg8[%get3A_327, %get3A_328] {strides = array<i32>} : memref<128x128xi32, #tpu.memory_space<vmem>>, vector<16xi32>,
        %bitcast3A_330 = vector.bitcast %get3A_329 : vector<16xi32> to vector<32xbf16>
        %sub3A_331 = arith.subf %pack3A_261, %bitcast3A_330 : vector<32xbf16>
        %abs3A_332 = math.absf %sub3A_331 : vector<32xbf16>
        %unpack3A_333 = tpu.unpack_subelements %abs3A_332, 0 {pack_format = #tpu.pack_format<interleaved>} : vector<32xbf16> -> vector<16xf32>
        %unpack3A_334 = tpu.unpack_subelements %abs3A_332, 1 {pack_format = #tpu.pack_format<interleaved>} : vector<32xbf16> -> vector<16xf32>
        %add3A_335 = arith.addf %add3A_326, %unpack3A_333 : vector<16xf32>
        %add3A_336 = arith.addf %add3A_335, %unpack3A_334 : vector<16xf32>
        %reduce_sum3A_337 = arith.constant true
        %reduce_sum3A_338 = vector.broadcast %reduce_sum3A_337 : i1 to vector<16xi1>
        %reduce_sum3A_339 = tpu.scan <sum>, %add3A_336 masked %reduce_sum3A_338 : vector<16xf32>, vector<16xi1> -> vector<16xf32>
        %reduce_sum3A_340 = vector.extract %reduce_sum3A_339[15] : f32 from vector<16xf32>
        %min3A_341 = arith.minimumf %min3A_314, %reduce_sum3A_340 : f32
        %broadcast_in_dim3A_342 = arith.constant 0.000000e+00 : f32
        %broadcast_in_dim3A_343 = vector.broadcast %broadcast_in_dim3A_342 : f32 to vector<16xf32>
        %get3A_344 = arith.index_cast %add3A_247 : i32 to index
        %get3A_345 = arith.constant 96 : index
        %get3A_346 = tpu.vector_load %arg8[%get3A_344, %get3A_345] {strides = array<i32>} : memref<128x128xi32, #tpu.memory_space<vmem>>, vector<16xi32>,
        %bitcast3A_347 = vector.bitcast %get3A_346 : vector<16xi32> to vector<32xbf16>
        %sub3A_348 = arith.subf %pack3A_260, %bitcast3A_347 : vector<32xbf16>
        %abs3A_349 = math.absf %sub3A_348 : vector<32xbf16>
        %unpack3A_350 = tpu.unpack_subelements %abs3A_349, 0 {pack_format = #tpu.pack_format<interleaved>} : vector<32xbf16> -> vector<16xf32>
        %unpack3A_351 = tpu.unpack_subelements %abs3A_349, 1 {pack_format = #tpu.pack_format<interleaved>} : vector<32xbf16> -> vector<16xf32>
        %add3A_352 = arith.addf %broadcast_in_dim3A_343, %unpack3A_350 : vector<16xf32>
        %add3A_353 = arith.addf %add3A_352, %unpack3A_351 : vector<16xf32>
        %get3A_354 = arith.index_cast %add3A_247 : i32 to index
        %get3A_355 = arith.constant 112 : index
        %get3A_356 = tpu.vector_load %arg8[%get3A_354, %get3A_355] {strides = array<i32>} : memref<128x128xi32, #tpu.memory_space<vmem>>, vector<16xi32>,
        %bitcast3A_357 = vector.bitcast %get3A_356 : vector<16xi32> to vector<32xbf16>
        %sub3A_358 = arith.subf %pack3A_261, %bitcast3A_357 : vector<32xbf16>
        %abs3A_359 = math.absf %sub3A_358 : vector<32xbf16>
        %unpack3A_360 = tpu.unpack_subelements %abs3A_359, 0 {pack_format = #tpu.pack_format<interleaved>} : vector<32xbf16> -> vector<16xf32>
        %unpack3A_361 = tpu.unpack_subelements %abs3A_359, 1 {pack_format = #tpu.pack_format<interleaved>} : vector<32xbf16> -> vector<16xf32>
        %add3A_362 = arith.addf %add3A_353, %unpack3A_360 : vector<16xf32>
        %add3A_363 = arith.addf %add3A_362, %unpack3A_361 : vector<16xf32>
        %reduce_sum3A_364 = arith.constant true
        %reduce_sum3A_365 = vector.broadcast %reduce_sum3A_364 : i1 to vector<16xi1>
        %reduce_sum3A_366 = tpu.scan <sum>, %add3A_363 masked %reduce_sum3A_365 : vector<16xf32>, vector<16xi1> -> vector<16xf32>
        %reduce_sum3A_367 = vector.extract %reduce_sum3A_366[15] : f32 from vector<16xf32>
        %min3A_368 = arith.minimumf %min3A_341, %reduce_sum3A_367 : f32
        %mul3A_369 = arith.constant 1.562500e-02 : f32
        %mul3A_370 = arith.mulf %min3A_368, %mul3A_369 : f32
        %broadcast_in_dim3A_371 = vector.broadcast %mul3A_370 : f32 to vector<16xf32>
        %select_n3A_372 = arith.select %eq3A_5, %broadcast_in_dim3A_371, %select_n3A : vector<16xi1>, vector<16xf32>
        %mul3A_373 = arith.constant 16 : i32
        %mul3A_374 = arith.muli %scan3A_122, %mul3A_373 : i32
        %add3A_375 = arith.constant 2 : i32
        %add3A_376 = arith.addi %mul3A_374, %add3A_375 : i32
        %get3A_377 = arith.index_cast %add3A_376 : i32 to index
        %get3A_378 = arith.constant 0 : index
        %get3A_379 = tpu.vector_load %arg10[%get3A_377, %get3A_378] {strides = array<i32>} : memref<128x64xf32, #tpu.memory_space<vmem>>, vector<16xf32>,
        %get3A_380 = arith.index_cast %add3A_376 : i32 to index
        %get3A_381 = arith.constant 16 : index
        %get3A_382 = tpu.vector_load %arg10[%get3A_380, %get3A_381] {strides = array<i32>} : memref<128x64xf32, #tpu.memory_space<vmem>>, vector<16xf32>,
        %get3A_383 = arith.index_cast %add3A_376 : i32 to index
        %get3A_384 = arith.constant 32 : index
        %get3A_385 = tpu.vector_load %arg10[%get3A_383, %get3A_384] {strides = array<i32>} : memref<128x64xf32, #tpu.memory_space<vmem>>, vector<16xf32>,
        %get3A_386 = arith.index_cast %add3A_376 : i32 to index
        %get3A_387 = arith.constant 48 : index
        %get3A_388 = tpu.vector_load %arg10[%get3A_386, %get3A_387] {strides = array<i32>} : memref<128x64xf32, #tpu.memory_space<vmem>>, vector<16xf32>,
        %pack3A_389 = tpu.pack_subelements %get3A_379, %get3A_382 {pack_format = #tpu.pack_format<interleaved>, positions = array<i32: 0, 1>} : vector<16xf32>, vector<16xf32> -> vector<32xbf16>
        %pack3A_390 = tpu.pack_subelements %get3A_385, %get3A_388 {pack_format = #tpu.pack_format<interleaved>, positions = array<i32: 0, 1>} : vector<16xf32>, vector<16xf32> -> vector<32xbf16>
        %broadcast_in_dim3A_391 = arith.constant 0.000000e+00 : f32
        %broadcast_in_dim3A_392 = vector.broadcast %broadcast_in_dim3A_391 : f32 to vector<16xf32>
        %get3A_393 = arith.index_cast %add3A_376 : i32 to index
        %get3A_394 = arith.constant 0 : index
        %get3A_395 = tpu.vector_load %arg8[%get3A_393, %get3A_394] {strides = array<i32>} : memref<128x128xi32, #tpu.memory_space<vmem>>, vector<16xi32>,
        %bitcast3A_396 = vector.bitcast %get3A_395 : vector<16xi32> to vector<32xbf16>
        %sub3A_397 = arith.subf %pack3A_389, %bitcast3A_396 : vector<32xbf16>
        %abs3A_398 = math.absf %sub3A_397 : vector<32xbf16>
        %unpack3A_399 = tpu.unpack_subelements %abs3A_398, 0 {pack_format = #tpu.pack_format<interleaved>} : vector<32xbf16> -> vector<16xf32>
        %unpack3A_400 = tpu.unpack_subelements %abs3A_398, 1 {pack_format = #tpu.pack_format<interleaved>} : vector<32xbf16> -> vector<16xf32>
        %add3A_401 = arith.addf %broadcast_in_dim3A_392, %unpack3A_399 : vector<16xf32>
        %add3A_402 = arith.addf %add3A_401, %unpack3A_400 : vector<16xf32>
        %get3A_403 = arith.index_cast %add3A_376 : i32 to index
        %get3A_404 = arith.constant 16 : index
        %get3A_405 = tpu.vector_load %arg8[%get3A_403, %get3A_404] {strides = array<i32>} : memref<128x128xi32, #tpu.memory_space<vmem>>, vector<16xi32>,
        %bitcast3A_406 = vector.bitcast %get3A_405 : vector<16xi32> to vector<32xbf16>
        %sub3A_407 = arith.subf %pack3A_390, %bitcast3A_406 : vector<32xbf16>
        %abs3A_408 = math.absf %sub3A_407 : vector<32xbf16>
        %unpack3A_409 = tpu.unpack_subelements %abs3A_408, 0 {pack_format = #tpu.pack_format<interleaved>} : vector<32xbf16> -> vector<16xf32>
        %unpack3A_410 = tpu.unpack_subelements %abs3A_408, 1 {pack_format = #tpu.pack_format<interleaved>} : vector<32xbf16> -> vector<16xf32>
        %add3A_411 = arith.addf %add3A_402, %unpack3A_409 : vector<16xf32>
        %add3A_412 = arith.addf %add3A_411, %unpack3A_410 : vector<16xf32>
        %reduce_sum3A_413 = arith.constant true
        %reduce_sum3A_414 = vector.broadcast %reduce_sum3A_413 : i1 to vector<16xi1>
        %reduce_sum3A_415 = tpu.scan <sum>, %add3A_412 masked %reduce_sum3A_414 : vector<16xf32>, vector<16xi1> -> vector<16xf32>
        %reduce_sum3A_416 = vector.extract %reduce_sum3A_415[15] : f32 from vector<16xf32>
        %broadcast_in_dim3A_417 = arith.constant 0.000000e+00 : f32
        %broadcast_in_dim3A_418 = vector.broadcast %broadcast_in_dim3A_417 : f32 to vector<16xf32>
        %get3A_419 = arith.index_cast %add3A_376 : i32 to index
        %get3A_420 = arith.constant 32 : index
        %get3A_421 = tpu.vector_load %arg8[%get3A_419, %get3A_420] {strides = array<i32>} : memref<128x128xi32, #tpu.memory_space<vmem>>, vector<16xi32>,
        %bitcast3A_422 = vector.bitcast %get3A_421 : vector<16xi32> to vector<32xbf16>
        %sub3A_423 = arith.subf %pack3A_389, %bitcast3A_422 : vector<32xbf16>
        %abs3A_424 = math.absf %sub3A_423 : vector<32xbf16>
        %unpack3A_425 = tpu.unpack_subelements %abs3A_424, 0 {pack_format = #tpu.pack_format<interleaved>} : vector<32xbf16> -> vector<16xf32>
        %unpack3A_426 = tpu.unpack_subelements %abs3A_424, 1 {pack_format = #tpu.pack_format<interleaved>} : vector<32xbf16> -> vector<16xf32>
        %add3A_427 = arith.addf %broadcast_in_dim3A_418, %unpack3A_425 : vector<16xf32>
        %add3A_428 = arith.addf %add3A_427, %unpack3A_426 : vector<16xf32>
        %get3A_429 = arith.index_cast %add3A_376 : i32 to index
        %get3A_430 = arith.constant 48 : index
        %get3A_431 = tpu.vector_load %arg8[%get3A_429, %get3A_430] {strides = array<i32>} : memref<128x128xi32, #tpu.memory_space<vmem>>, vector<16xi32>,
        %bitcast3A_432 = vector.bitcast %get3A_431 : vector<16xi32> to vector<32xbf16>
        %sub3A_433 = arith.subf %pack3A_390, %bitcast3A_432 : vector<32xbf16>
        %abs3A_434 = math.absf %sub3A_433 : vector<32xbf16>
        %unpack3A_435 = tpu.unpack_subelements %abs3A_434, 0 {pack_format = #tpu.pack_format<interleaved>} : vector<32xbf16> -> vector<16xf32>
        %unpack3A_436 = tpu.unpack_subelements %abs3A_434, 1 {pack_format = #tpu.pack_format<interleaved>} : vector<32xbf16> -> vector<16xf32>
        %add3A_437 = arith.addf %add3A_428, %unpack3A_435 : vector<16xf32>
        %add3A_438 = arith.addf %add3A_437, %unpack3A_436 : vector<16xf32>
        %reduce_sum3A_439 = arith.constant true
        %reduce_sum3A_440 = vector.broadcast %reduce_sum3A_439 : i1 to vector<16xi1>
        %reduce_sum3A_441 = tpu.scan <sum>, %add3A_438 masked %reduce_sum3A_440 : vector<16xf32>, vector<16xi1> -> vector<16xf32>
        %reduce_sum3A_442 = vector.extract %reduce_sum3A_441[15] : f32 from vector<16xf32>
        %min3A_443 = arith.minimumf %reduce_sum3A_416, %reduce_sum3A_442 : f32
        %broadcast_in_dim3A_444 = arith.constant 0.000000e+00 : f32
        %broadcast_in_dim3A_445 = vector.broadcast %broadcast_in_dim3A_444 : f32 to vector<16xf32>
        %get3A_446 = arith.index_cast %add3A_376 : i32 to index
        %get3A_447 = arith.constant 64 : index
        %get3A_448 = tpu.vector_load %arg8[%get3A_446, %get3A_447] {strides = array<i32>} : memref<128x128xi32, #tpu.memory_space<vmem>>, vector<16xi32>,
        %bitcast3A_449 = vector.bitcast %get3A_448 : vector<16xi32> to vector<32xbf16>
        %sub3A_450 = arith.subf %pack3A_389, %bitcast3A_449 : vector<32xbf16>
        %abs3A_451 = math.absf %sub3A_450 : vector<32xbf16>
        %unpack3A_452 = tpu.unpack_subelements %abs3A_451, 0 {pack_format = #tpu.pack_format<interleaved>} : vector<32xbf16> -> vector<16xf32>
        %unpack3A_453 = tpu.unpack_subelements %abs3A_451, 1 {pack_format = #tpu.pack_format<interleaved>} : vector<32xbf16> -> vector<16xf32>
        %add3A_454 = arith.addf %broadcast_in_dim3A_445, %unpack3A_452 : vector<16xf32>
        %add3A_455 = arith.addf %add3A_454, %unpack3A_453 : vector<16xf32>
        %get3A_456 = arith.index_cast %add3A_376 : i32 to index
        %get3A_457 = arith.constant 80 : index
        %get3A_458 = tpu.vector_load %arg8[%get3A_456, %get3A_457] {strides = array<i32>} : memref<128x128xi32, #tpu.memory_space<vmem>>, vector<16xi32>,
        %bitcast3A_459 = vector.bitcast %get3A_458 : vector<16xi32> to vector<32xbf16>
        %sub3A_460 = arith.subf %pack3A_390, %bitcast3A_459 : vector<32xbf16>
        %abs3A_461 = math.absf %sub3A_460 : vector<32xbf16>
        %unpack3A_462 = tpu.unpack_subelements %abs3A_461, 0 {pack_format = #tpu.pack_format<interleaved>} : vector<32xbf16> -> vector<16xf32>
        %unpack3A_463 = tpu.unpack_subelements %abs3A_461, 1 {pack_format = #tpu.pack_format<interleaved>} : vector<32xbf16> -> vector<16xf32>
        %add3A_464 = arith.addf %add3A_455, %unpack3A_462 : vector<16xf32>
        %add3A_465 = arith.addf %add3A_464, %unpack3A_463 : vector<16xf32>
        %reduce_sum3A_466 = arith.constant true
        %reduce_sum3A_467 = vector.broadcast %reduce_sum3A_466 : i1 to vector<16xi1>
        %reduce_sum3A_468 = tpu.scan <sum>, %add3A_465 masked %reduce_sum3A_467 : vector<16xf32>, vector<16xi1> -> vector<16xf32>
        %reduce_sum3A_469 = vector.extract %reduce_sum3A_468[15] : f32 from vector<16xf32>
        %min3A_470 = arith.minimumf %min3A_443, %reduce_sum3A_469 : f32
        %broadcast_in_dim3A_471 = arith.constant 0.000000e+00 : f32
        %broadcast_in_dim3A_472 = vector.broadcast %broadcast_in_dim3A_471 : f32 to vector<16xf32>
        %get3A_473 = arith.index_cast %add3A_376 : i32 to index
        %get3A_474 = arith.constant 96 : index
        %get3A_475 = tpu.vector_load %arg8[%get3A_473, %get3A_474] {strides = array<i32>} : memref<128x128xi32, #tpu.memory_space<vmem>>, vector<16xi32>,
        %bitcast3A_476 = vector.bitcast %get3A_475 : vector<16xi32> to vector<32xbf16>
        %sub3A_477 = arith.subf %pack3A_389, %bitcast3A_476 : vector<32xbf16>
        %abs3A_478 = math.absf %sub3A_477 : vector<32xbf16>
        %unpack3A_479 = tpu.unpack_subelements %abs3A_478, 0 {pack_format = #tpu.pack_format<interleaved>} : vector<32xbf16> -> vector<16xf32>
        %unpack3A_480 = tpu.unpack_subelements %abs3A_478, 1 {pack_format = #tpu.pack_format<interleaved>} : vector<32xbf16> -> vector<16xf32>
        %add3A_481 = arith.addf %broadcast_in_dim3A_472, %unpack3A_479 : vector<16xf32>
        %add3A_482 = arith.addf %add3A_481, %unpack3A_480 : vector<16xf32>
        %get3A_483 = arith.index_cast %add3A_376 : i32 to index
        %get3A_484 = arith.constant 112 : index
        %get3A_485 = tpu.vector_load %arg8[%get3A_483, %get3A_484] {strides = array<i32>} : memref<128x128xi32, #tpu.memory_space<vmem>>, vector<16xi32>,
        %bitcast3A_486 = vector.bitcast %get3A_485 : vector<16xi32> to vector<32xbf16>
        %sub3A_487 = arith.subf %pack3A_390, %bitcast3A_486 : vector<32xbf16>
        %abs3A_488 = math.absf %sub3A_487 : vector<32xbf16>
        %unpack3A_489 = tpu.unpack_subelements %abs3A_488, 0 {pack_format = #tpu.pack_format<interleaved>} : vector<32xbf16> -> vector<16xf32>
        %unpack3A_490 = tpu.unpack_subelements %abs3A_488, 1 {pack_format = #tpu.pack_format<interleaved>} : vector<32xbf16> -> vector<16xf32>
        %add3A_491 = arith.addf %add3A_482, %unpack3A_489 : vector<16xf32>
        %add3A_492 = arith.addf %add3A_491, %unpack3A_490 : vector<16xf32>
        %reduce_sum3A_493 = arith.constant true
        %reduce_sum3A_494 = vector.broadcast %reduce_sum3A_493 : i1 to vector<16xi1>
        %reduce_sum3A_495 = tpu.scan <sum>, %add3A_492 masked %reduce_sum3A_494 : vector<16xf32>, vector<16xi1> -> vector<16xf32>
        %reduce_sum3A_496 = vector.extract %reduce_sum3A_495[15] : f32 from vector<16xf32>
        %min3A_497 = arith.minimumf %min3A_470, %reduce_sum3A_496 : f32
        %mul3A_498 = arith.constant 1.562500e-02 : f32
        %mul3A_499 = arith.mulf %min3A_497, %mul3A_498 : f32
        %broadcast_in_dim3A_500 = vector.broadcast %mul3A_499 : f32 to vector<16xf32>
        %select_n3A_501 = arith.select %eq3A_8, %broadcast_in_dim3A_500, %select_n3A_372 : vector<16xi1>, vector<16xf32>
        %mul3A_502 = arith.constant 16 : i32
        %mul3A_503 = arith.muli %scan3A_122, %mul3A_502 : i32
        %add3A_504 = arith.constant 3 : i32
        %add3A_505 = arith.addi %mul3A_503, %add3A_504 : i32
        %get3A_506 = arith.index_cast %add3A_505 : i32 to index
        %get3A_507 = arith.constant 0 : index
        %get3A_508 = tpu.vector_load %arg10[%get3A_506, %get3A_507] {strides = array<i32>} : memref<128x64xf32, #tpu.memory_space<vmem>>, vector<16xf32>,
        %get3A_509 = arith.index_cast %add3A_505 : i32 to index
        %get3A_510 = arith.constant 16 : index
        %get3A_511 = tpu.vector_load %arg10[%get3A_509, %get3A_510] {strides = array<i32>} : memref<128x64xf32, #tpu.memory_space<vmem>>, vector<16xf32>,
        %get3A_512 = arith.index_cast %add3A_505 : i32 to index
        %get3A_513 = arith.constant 32 : index
        %get3A_514 = tpu.vector_load %arg10[%get3A_512, %get3A_513] {strides = array<i32>} : memref<128x64xf32, #tpu.memory_space<vmem>>, vector<16xf32>,
        %get3A_515 = arith.index_cast %add3A_505 : i32 to index
        %get3A_516 = arith.constant 48 : index
        %get3A_517 = tpu.vector_load %arg10[%get3A_515, %get3A_516] {strides = array<i32>} : memref<128x64xf32, #tpu.memory_space<vmem>>, vector<16xf32>,
        %pack3A_518 = tpu.pack_subelements %get3A_508, %get3A_511 {pack_format = #tpu.pack_format<interleaved>, positions = array<i32: 0, 1>} : vector<16xf32>, vector<16xf32> -> vector<32xbf16>
        %pack3A_519 = tpu.pack_subelements %get3A_514, %get3A_517 {pack_format = #tpu.pack_format<interleaved>, positions = array<i32: 0, 1>} : vector<16xf32>, vector<16xf32> -> vector<32xbf16>
        %broadcast_in_dim3A_520 = arith.constant 0.000000e+00 : f32
        %broadcast_in_dim3A_521 = vector.broadcast %broadcast_in_dim3A_520 : f32 to vector<16xf32>
        %get3A_522 = arith.index_cast %add3A_505 : i32 to index
        %get3A_523 = arith.constant 0 : index
        %get3A_524 = tpu.vector_load %arg8[%get3A_522, %get3A_523] {strides = array<i32>} : memref<128x128xi32, #tpu.memory_space<vmem>>, vector<16xi32>,
        %bitcast3A_525 = vector.bitcast %get3A_524 : vector<16xi32> to vector<32xbf16>
        %sub3A_526 = arith.subf %pack3A_518, %bitcast3A_525 : vector<32xbf16>
        %abs3A_527 = math.absf %sub3A_526 : vector<32xbf16>
        %unpack3A_528 = tpu.unpack_subelements %abs3A_527, 0 {pack_format = #tpu.pack_format<interleaved>} : vector<32xbf16> -> vector<16xf32>
        %unpack3A_529 = tpu.unpack_subelements %abs3A_527, 1 {pack_format = #tpu.pack_format<interleaved>} : vector<32xbf16> -> vector<16xf32>
        %add3A_530 = arith.addf %broadcast_in_dim3A_521, %unpack3A_528 : vector<16xf32>
        %add3A_531 = arith.addf %add3A_530, %unpack3A_529 : vector<16xf32>
        %get3A_532 = arith.index_cast %add3A_505 : i32 to index
        %get3A_533 = arith.constant 16 : index
        %get3A_534 = tpu.vector_load %arg8[%get3A_532, %get3A_533] {strides = array<i32>} : memref<128x128xi32, #tpu.memory_space<vmem>>, vector<16xi32>,
        %bitcast3A_535 = vector.bitcast %get3A_534 : vector<16xi32> to vector<32xbf16>
        %sub3A_536 = arith.subf %pack3A_519, %bitcast3A_535 : vector<32xbf16>
        %abs3A_537 = math.absf %sub3A_536 : vector<32xbf16>
        %unpack3A_538 = tpu.unpack_subelements %abs3A_537, 0 {pack_format = #tpu.pack_format<interleaved>} : vector<32xbf16> -> vector<16xf32>
        %unpack3A_539 = tpu.unpack_subelements %abs3A_537, 1 {pack_format = #tpu.pack_format<interleaved>} : vector<32xbf16> -> vector<16xf32>
        %add3A_540 = arith.addf %add3A_531, %unpack3A_538 : vector<16xf32>
        %add3A_541 = arith.addf %add3A_540, %unpack3A_539 : vector<16xf32>
        %reduce_sum3A_542 = arith.constant true
        %reduce_sum3A_543 = vector.broadcast %reduce_sum3A_542 : i1 to vector<16xi1>
        %reduce_sum3A_544 = tpu.scan <sum>, %add3A_541 masked %reduce_sum3A_543 : vector<16xf32>, vector<16xi1> -> vector<16xf32>
        %reduce_sum3A_545 = vector.extract %reduce_sum3A_544[15] : f32 from vector<16xf32>
        %broadcast_in_dim3A_546 = arith.constant 0.000000e+00 : f32
        %broadcast_in_dim3A_547 = vector.broadcast %broadcast_in_dim3A_546 : f32 to vector<16xf32>
        %get3A_548 = arith.index_cast %add3A_505 : i32 to index
        %get3A_549 = arith.constant 32 : index
        %get3A_550 = tpu.vector_load %arg8[%get3A_548, %get3A_549] {strides = array<i32>} : memref<128x128xi32, #tpu.memory_space<vmem>>, vector<16xi32>,
        %bitcast3A_551 = vector.bitcast %get3A_550 : vector<16xi32> to vector<32xbf16>
        %sub3A_552 = arith.subf %pack3A_518, %bitcast3A_551 : vector<32xbf16>
        %abs3A_553 = math.absf %sub3A_552 : vector<32xbf16>
        %unpack3A_554 = tpu.unpack_subelements %abs3A_553, 0 {pack_format = #tpu.pack_format<interleaved>} : vector<32xbf16> -> vector<16xf32>
        %unpack3A_555 = tpu.unpack_subelements %abs3A_553, 1 {pack_format = #tpu.pack_format<interleaved>} : vector<32xbf16> -> vector<16xf32>
        %add3A_556 = arith.addf %broadcast_in_dim3A_547, %unpack3A_554 : vector<16xf32>
        %add3A_557 = arith.addf %add3A_556, %unpack3A_555 : vector<16xf32>
        %get3A_558 = arith.index_cast %add3A_505 : i32 to index
        %get3A_559 = arith.constant 48 : index
        %get3A_560 = tpu.vector_load %arg8[%get3A_558, %get3A_559] {strides = array<i32>} : memref<128x128xi32, #tpu.memory_space<vmem>>, vector<16xi32>,
        %bitcast3A_561 = vector.bitcast %get3A_560 : vector<16xi32> to vector<32xbf16>
        %sub3A_562 = arith.subf %pack3A_519, %bitcast3A_561 : vector<32xbf16>
        %abs3A_563 = math.absf %sub3A_562 : vector<32xbf16>
        %unpack3A_564 = tpu.unpack_subelements %abs3A_563, 0 {pack_format = #tpu.pack_format<interleaved>} : vector<32xbf16> -> vector<16xf32>
        %unpack3A_565 = tpu.unpack_subelements %abs3A_563, 1 {pack_format = #tpu.pack_format<interleaved>} : vector<32xbf16> -> vector<16xf32>
        %add3A_566 = arith.addf %add3A_557, %unpack3A_564 : vector<16xf32>
        %add3A_567 = arith.addf %add3A_566, %unpack3A_565 : vector<16xf32>
        %reduce_sum3A_568 = arith.constant true
        %reduce_sum3A_569 = vector.broadcast %reduce_sum3A_568 : i1 to vector<16xi1>
        %reduce_sum3A_570 = tpu.scan <sum>, %add3A_567 masked %reduce_sum3A_569 : vector<16xf32>, vector<16xi1> -> vector<16xf32>
        %reduce_sum3A_571 = vector.extract %reduce_sum3A_570[15] : f32 from vector<16xf32>
        %min3A_572 = arith.minimumf %reduce_sum3A_545, %reduce_sum3A_571 : f32
        %broadcast_in_dim3A_573 = arith.constant 0.000000e+00 : f32
        %broadcast_in_dim3A_574 = vector.broadcast %broadcast_in_dim3A_573 : f32 to vector<16xf32>
        %get3A_575 = arith.index_cast %add3A_505 : i32 to index
        %get3A_576 = arith.constant 64 : index
        %get3A_577 = tpu.vector_load %arg8[%get3A_575, %get3A_576] {strides = array<i32>} : memref<128x128xi32, #tpu.memory_space<vmem>>, vector<16xi32>,
        %bitcast3A_578 = vector.bitcast %get3A_577 : vector<16xi32> to vector<32xbf16>
        %sub3A_579 = arith.subf %pack3A_518, %bitcast3A_578 : vector<32xbf16>
        %abs3A_580 = math.absf %sub3A_579 : vector<32xbf16>
        %unpack3A_581 = tpu.unpack_subelements %abs3A_580, 0 {pack_format = #tpu.pack_format<interleaved>} : vector<32xbf16> -> vector<16xf32>
        %unpack3A_582 = tpu.unpack_subelements %abs3A_580, 1 {pack_format = #tpu.pack_format<interleaved>} : vector<32xbf16> -> vector<16xf32>
        %add3A_583 = arith.addf %broadcast_in_dim3A_574, %unpack3A_581 : vector<16xf32>
        %add3A_584 = arith.addf %add3A_583, %unpack3A_582 : vector<16xf32>
        %get3A_585 = arith.index_cast %add3A_505 : i32 to index
        %get3A_586 = arith.constant 80 : index
        %get3A_587 = tpu.vector_load %arg8[%get3A_585, %get3A_586] {strides = array<i32>} : memref<128x128xi32, #tpu.memory_space<vmem>>, vector<16xi32>,
        %bitcast3A_588 = vector.bitcast %get3A_587 : vector<16xi32> to vector<32xbf16>
        %sub3A_589 = arith.subf %pack3A_519, %bitcast3A_588 : vector<32xbf16>
        %abs3A_590 = math.absf %sub3A_589 : vector<32xbf16>
        %unpack3A_591 = tpu.unpack_subelements %abs3A_590, 0 {pack_format = #tpu.pack_format<interleaved>} : vector<32xbf16> -> vector<16xf32>
        %unpack3A_592 = tpu.unpack_subelements %abs3A_590, 1 {pack_format = #tpu.pack_format<interleaved>} : vector<32xbf16> -> vector<16xf32>
        %add3A_593 = arith.addf %add3A_584, %unpack3A_591 : vector<16xf32>
        %add3A_594 = arith.addf %add3A_593, %unpack3A_592 : vector<16xf32>
        %reduce_sum3A_595 = arith.constant true
        %reduce_sum3A_596 = vector.broadcast %reduce_sum3A_595 : i1 to vector<16xi1>
        %reduce_sum3A_597 = tpu.scan <sum>, %add3A_594 masked %reduce_sum3A_596 : vector<16xf32>, vector<16xi1> -> vector<16xf32>
        %reduce_sum3A_598 = vector.extract %reduce_sum3A_597[15] : f32 from vector<16xf32>
        %min3A_599 = arith.minimumf %min3A_572, %reduce_sum3A_598 : f32
        %broadcast_in_dim3A_600 = arith.constant 0.000000e+00 : f32
        %broadcast_in_dim3A_601 = vector.broadcast %broadcast_in_dim3A_600 : f32 to vector<16xf32>
        %get3A_602 = arith.index_cast %add3A_505 : i32 to index
        %get3A_603 = arith.constant 96 : index
        %get3A_604 = tpu.vector_load %arg8[%get3A_602, %get3A_603] {strides = array<i32>} : memref<128x128xi32, #tpu.memory_space<vmem>>, vector<16xi32>,
        %bitcast3A_605 = vector.bitcast %get3A_604 : vector<16xi32> to vector<32xbf16>
        %sub3A_606 = arith.subf %pack3A_518, %bitcast3A_605 : vector<32xbf16>
        %abs3A_607 = math.absf %sub3A_606 : vector<32xbf16>
        %unpack3A_608 = tpu.unpack_subelements %abs3A_607, 0 {pack_format = #tpu.pack_format<interleaved>} : vector<32xbf16> -> vector<16xf32>
        %unpack3A_609 = tpu.unpack_subelements %abs3A_607, 1 {pack_format = #tpu.pack_format<interleaved>} : vector<32xbf16> -> vector<16xf32>
        %add3A_610 = arith.addf %broadcast_in_dim3A_601, %unpack3A_608 : vector<16xf32>
        %add3A_611 = arith.addf %add3A_610, %unpack3A_609 : vector<16xf32>
        %get3A_612 = arith.index_cast %add3A_505 : i32 to index
        %get3A_613 = arith.constant 112 : index
        %get3A_614 = tpu.vector_load %arg8[%get3A_612, %get3A_613] {strides = array<i32>} : memref<128x128xi32, #tpu.memory_space<vmem>>, vector<16xi32>,
        %bitcast3A_615 = vector.bitcast %get3A_614 : vector<16xi32> to vector<32xbf16>
        %sub3A_616 = arith.subf %pack3A_519, %bitcast3A_615 : vector<32xbf16>
        %abs3A_617 = math.absf %sub3A_616 : vector<32xbf16>
        %unpack3A_618 = tpu.unpack_subelements %abs3A_617, 0 {pack_format = #tpu.pack_format<interleaved>} : vector<32xbf16> -> vector<16xf32>
        %unpack3A_619 = tpu.unpack_subelements %abs3A_617, 1 {pack_format = #tpu.pack_format<interleaved>} : vector<32xbf16> -> vector<16xf32>
        %add3A_620 = arith.addf %add3A_611, %unpack3A_618 : vector<16xf32>
        %add3A_621 = arith.addf %add3A_620, %unpack3A_619 : vector<16xf32>
        %reduce_sum3A_622 = arith.constant true
        %reduce_sum3A_623 = vector.broadcast %reduce_sum3A_622 : i1 to vector<16xi1>
        %reduce_sum3A_624 = tpu.scan <sum>, %add3A_621 masked %reduce_sum3A_623 : vector<16xf32>, vector<16xi1> -> vector<16xf32>
        %reduce_sum3A_625 = vector.extract %reduce_sum3A_624[15] : f32 from vector<16xf32>
        %min3A_626 = arith.minimumf %min3A_599, %reduce_sum3A_625 : f32
        %mul3A_627 = arith.constant 1.562500e-02 : f32
        %mul3A_628 = arith.mulf %min3A_626, %mul3A_627 : f32
        %broadcast_in_dim3A_629 = vector.broadcast %mul3A_628 : f32 to vector<16xf32>
        %select_n3A_630 = arith.select %eq3A_11, %broadcast_in_dim3A_629, %select_n3A_501 : vector<16xi1>, vector<16xf32>
        %mul3A_631 = arith.constant 16 : i32
        %mul3A_632 = arith.muli %scan3A_122, %mul3A_631 : i32
        %add3A_633 = arith.constant 4 : i32
        %add3A_634 = arith.addi %mul3A_632, %add3A_633 : i32
        %get3A_635 = arith.index_cast %add3A_634 : i32 to index
        %get3A_636 = arith.constant 0 : index
        %get3A_637 = tpu.vector_load %arg10[%get3A_635, %get3A_636] {strides = array<i32>} : memref<128x64xf32, #tpu.memory_space<vmem>>, vector<16xf32>,
        %get3A_638 = arith.index_cast %add3A_634 : i32 to index
        %get3A_639 = arith.constant 16 : index
        %get3A_640 = tpu.vector_load %arg10[%get3A_638, %get3A_639] {strides = array<i32>} : memref<128x64xf32, #tpu.memory_space<vmem>>, vector<16xf32>,
        %get3A_641 = arith.index_cast %add3A_634 : i32 to index
        %get3A_642 = arith.constant 32 : index
        %get3A_643 = tpu.vector_load %arg10[%get3A_641, %get3A_642] {strides = array<i32>} : memref<128x64xf32, #tpu.memory_space<vmem>>, vector<16xf32>,
        %get3A_644 = arith.index_cast %add3A_634 : i32 to index
        %get3A_645 = arith.constant 48 : index
        %get3A_646 = tpu.vector_load %arg10[%get3A_644, %get3A_645] {strides = array<i32>} : memref<128x64xf32, #tpu.memory_space<vmem>>, vector<16xf32>,
        %pack3A_647 = tpu.pack_subelements %get3A_637, %get3A_640 {pack_format = #tpu.pack_format<interleaved>, positions = array<i32: 0, 1>} : vector<16xf32>, vector<16xf32> -> vector<32xbf16>
        %pack3A_648 = tpu.pack_subelements %get3A_643, %get3A_646 {pack_format = #tpu.pack_format<interleaved>, positions = array<i32: 0, 1>} : vector<16xf32>, vector<16xf32> -> vector<32xbf16>
        %broadcast_in_dim3A_649 = arith.constant 0.000000e+00 : f32
        %broadcast_in_dim3A_650 = vector.broadcast %broadcast_in_dim3A_649 : f32 to vector<16xf32>
        %get3A_651 = arith.index_cast %add3A_634 : i32 to index
        %get3A_652 = arith.constant 0 : index
        %get3A_653 = tpu.vector_load %arg8[%get3A_651, %get3A_652] {strides = array<i32>} : memref<128x128xi32, #tpu.memory_space<vmem>>, vector<16xi32>,
        %bitcast3A_654 = vector.bitcast %get3A_653 : vector<16xi32> to vector<32xbf16>
        %sub3A_655 = arith.subf %pack3A_647, %bitcast3A_654 : vector<32xbf16>
        %abs3A_656 = math.absf %sub3A_655 : vector<32xbf16>
        %unpack3A_657 = tpu.unpack_subelements %abs3A_656, 0 {pack_format = #tpu.pack_format<interleaved>} : vector<32xbf16> -> vector<16xf32>
        %unpack3A_658 = tpu.unpack_subelements %abs3A_656, 1 {pack_format = #tpu.pack_format<interleaved>} : vector<32xbf16> -> vector<16xf32>
        %add3A_659 = arith.addf %broadcast_in_dim3A_650, %unpack3A_657 : vector<16xf32>
        %add3A_660 = arith.addf %add3A_659, %unpack3A_658 : vector<16xf32>
        %get3A_661 = arith.index_cast %add3A_634 : i32 to index
        %get3A_662 = arith.constant 16 : index
        %get3A_663 = tpu.vector_load %arg8[%get3A_661, %get3A_662] {strides = array<i32>} : memref<128x128xi32, #tpu.memory_space<vmem>>, vector<16xi32>,
        %bitcast3A_664 = vector.bitcast %get3A_663 : vector<16xi32> to vector<32xbf16>
        %sub3A_665 = arith.subf %pack3A_648, %bitcast3A_664 : vector<32xbf16>
        %abs3A_666 = math.absf %sub3A_665 : vector<32xbf16>
        %unpack3A_667 = tpu.unpack_subelements %abs3A_666, 0 {pack_format = #tpu.pack_format<interleaved>} : vector<32xbf16> -> vector<16xf32>
        %unpack3A_668 = tpu.unpack_subelements %abs3A_666, 1 {pack_format = #tpu.pack_format<interleaved>} : vector<32xbf16> -> vector<16xf32>
        %add3A_669 = arith.addf %add3A_660, %unpack3A_667 : vector<16xf32>
        %add3A_670 = arith.addf %add3A_669, %unpack3A_668 : vector<16xf32>
        %reduce_sum3A_671 = arith.constant true
        %reduce_sum3A_672 = vector.broadcast %reduce_sum3A_671 : i1 to vector<16xi1>
        %reduce_sum3A_673 = tpu.scan <sum>, %add3A_670 masked %reduce_sum3A_672 : vector<16xf32>, vector<16xi1> -> vector<16xf32>
        %reduce_sum3A_674 = vector.extract %reduce_sum3A_673[15] : f32 from vector<16xf32>
        %broadcast_in_dim3A_675 = arith.constant 0.000000e+00 : f32
        %broadcast_in_dim3A_676 = vector.broadcast %broadcast_in_dim3A_675 : f32 to vector<16xf32>
        %get3A_677 = arith.index_cast %add3A_634 : i32 to index
        %get3A_678 = arith.constant 32 : index
        %get3A_679 = tpu.vector_load %arg8[%get3A_677, %get3A_678] {strides = array<i32>} : memref<128x128xi32, #tpu.memory_space<vmem>>, vector<16xi32>,
        %bitcast3A_680 = vector.bitcast %get3A_679 : vector<16xi32> to vector<32xbf16>
        %sub3A_681 = arith.subf %pack3A_647, %bitcast3A_680 : vector<32xbf16>
        %abs3A_682 = math.absf %sub3A_681 : vector<32xbf16>
        %unpack3A_683 = tpu.unpack_subelements %abs3A_682, 0 {pack_format = #tpu.pack_format<interleaved>} : vector<32xbf16> -> vector<16xf32>
        %unpack3A_684 = tpu.unpack_subelements %abs3A_682, 1 {pack_format = #tpu.pack_format<interleaved>} : vector<32xbf16> -> vector<16xf32>
        %add3A_685 = arith.addf %broadcast_in_dim3A_676, %unpack3A_683 : vector<16xf32>
        %add3A_686 = arith.addf %add3A_685, %unpack3A_684 : vector<16xf32>
        %get3A_687 = arith.index_cast %add3A_634 : i32 to index
        %get3A_688 = arith.constant 48 : index
        %get3A_689 = tpu.vector_load %arg8[%get3A_687, %get3A_688] {strides = array<i32>} : memref<128x128xi32, #tpu.memory_space<vmem>>, vector<16xi32>,
        %bitcast3A_690 = vector.bitcast %get3A_689 : vector<16xi32> to vector<32xbf16>
        %sub3A_691 = arith.subf %pack3A_648, %bitcast3A_690 : vector<32xbf16>
        %abs3A_692 = math.absf %sub3A_691 : vector<32xbf16>
        %unpack3A_693 = tpu.unpack_subelements %abs3A_692, 0 {pack_format = #tpu.pack_format<interleaved>} : vector<32xbf16> -> vector<16xf32>
        %unpack3A_694 = tpu.unpack_subelements %abs3A_692, 1 {pack_format = #tpu.pack_format<interleaved>} : vector<32xbf16> -> vector<16xf32>
        %add3A_695 = arith.addf %add3A_686, %unpack3A_693 : vector<16xf32>
        %add3A_696 = arith.addf %add3A_695, %unpack3A_694 : vector<16xf32>
        %reduce_sum3A_697 = arith.constant true
        %reduce_sum3A_698 = vector.broadcast %reduce_sum3A_697 : i1 to vector<16xi1>
        %reduce_sum3A_699 = tpu.scan <sum>, %add3A_696 masked %reduce_sum3A_698 : vector<16xf32>, vector<16xi1> -> vector<16xf32>
        %reduce_sum3A_700 = vector.extract %reduce_sum3A_699[15] : f32 from vector<16xf32>
        %min3A_701 = arith.minimumf %reduce_sum3A_674, %reduce_sum3A_700 : f32
        %broadcast_in_dim3A_702 = arith.constant 0.000000e+00 : f32
        %broadcast_in_dim3A_703 = vector.broadcast %broadcast_in_dim3A_702 : f32 to vector<16xf32>
        %get3A_704 = arith.index_cast %add3A_634 : i32 to index
        %get3A_705 = arith.constant 64 : index
        %get3A_706 = tpu.vector_load %arg8[%get3A_704, %get3A_705] {strides = array<i32>} : memref<128x128xi32, #tpu.memory_space<vmem>>, vector<16xi32>,
        %bitcast3A_707 = vector.bitcast %get3A_706 : vector<16xi32> to vector<32xbf16>
        %sub3A_708 = arith.subf %pack3A_647, %bitcast3A_707 : vector<32xbf16>
        %abs3A_709 = math.absf %sub3A_708 : vector<32xbf16>
        %unpack3A_710 = tpu.unpack_subelements %abs3A_709, 0 {pack_format = #tpu.pack_format<interleaved>} : vector<32xbf16> -> vector<16xf32>
        %unpack3A_711 = tpu.unpack_subelements %abs3A_709, 1 {pack_format = #tpu.pack_format<interleaved>} : vector<32xbf16> -> vector<16xf32>
        %add3A_712 = arith.addf %broadcast_in_dim3A_703, %unpack3A_710 : vector<16xf32>
        %add3A_713 = arith.addf %add3A_712, %unpack3A_711 : vector<16xf32>
        %get3A_714 = arith.index_cast %add3A_634 : i32 to index
        %get3A_715 = arith.constant 80 : index
        %get3A_716 = tpu.vector_load %arg8[%get3A_714, %get3A_715] {strides = array<i32>} : memref<128x128xi32, #tpu.memory_space<vmem>>, vector<16xi32>,
        %bitcast3A_717 = vector.bitcast %get3A_716 : vector<16xi32> to vector<32xbf16>
        %sub3A_718 = arith.subf %pack3A_648, %bitcast3A_717 : vector<32xbf16>
        %abs3A_719 = math.absf %sub3A_718 : vector<32xbf16>
        %unpack3A_720 = tpu.unpack_subelements %abs3A_719, 0 {pack_format = #tpu.pack_format<interleaved>} : vector<32xbf16> -> vector<16xf32>
        %unpack3A_721 = tpu.unpack_subelements %abs3A_719, 1 {pack_format = #tpu.pack_format<interleaved>} : vector<32xbf16> -> vector<16xf32>
        %add3A_722 = arith.addf %add3A_713, %unpack3A_720 : vector<16xf32>
        %add3A_723 = arith.addf %add3A_722, %unpack3A_721 : vector<16xf32>
        %reduce_sum3A_724 = arith.constant true
        %reduce_sum3A_725 = vector.broadcast %reduce_sum3A_724 : i1 to vector<16xi1>
        %reduce_sum3A_726 = tpu.scan <sum>, %add3A_723 masked %reduce_sum3A_725 : vector<16xf32>, vector<16xi1> -> vector<16xf32>
        %reduce_sum3A_727 = vector.extract %reduce_sum3A_726[15] : f32 from vector<16xf32>
        %min3A_728 = arith.minimumf %min3A_701, %reduce_sum3A_727 : f32
        %broadcast_in_dim3A_729 = arith.constant 0.000000e+00 : f32
        %broadcast_in_dim3A_730 = vector.broadcast %broadcast_in_dim3A_729 : f32 to vector<16xf32>
        %get3A_731 = arith.index_cast %add3A_634 : i32 to index
        %get3A_732 = arith.constant 96 : index
        %get3A_733 = tpu.vector_load %arg8[%get3A_731, %get3A_732] {strides = array<i32>} : memref<128x128xi32, #tpu.memory_space<vmem>>, vector<16xi32>,
        %bitcast3A_734 = vector.bitcast %get3A_733 : vector<16xi32> to vector<32xbf16>
        %sub3A_735 = arith.subf %pack3A_647, %bitcast3A_734 : vector<32xbf16>
        %abs3A_736 = math.absf %sub3A_735 : vector<32xbf16>
        %unpack3A_737 = tpu.unpack_subelements %abs3A_736, 0 {pack_format = #tpu.pack_format<interleaved>} : vector<32xbf16> -> vector<16xf32>
        %unpack3A_738 = tpu.unpack_subelements %abs3A_736, 1 {pack_format = #tpu.pack_format<interleaved>} : vector<32xbf16> -> vector<16xf32>
        %add3A_739 = arith.addf %broadcast_in_dim3A_730, %unpack3A_737 : vector<16xf32>
        %add3A_740 = arith.addf %add3A_739, %unpack3A_738 : vector<16xf32>
        %get3A_741 = arith.index_cast %add3A_634 : i32 to index
        %get3A_742 = arith.constant 112 : index
        %get3A_743 = tpu.vector_load %arg8[%get3A_741, %get3A_742] {strides = array<i32>} : memref<128x128xi32, #tpu.memory_space<vmem>>, vector<16xi32>,
        %bitcast3A_744 = vector.bitcast %get3A_743 : vector<16xi32> to vector<32xbf16>
        %sub3A_745 = arith.subf %pack3A_648, %bitcast3A_744 : vector<32xbf16>
        %abs3A_746 = math.absf %sub3A_745 : vector<32xbf16>
        %unpack3A_747 = tpu.unpack_subelements %abs3A_746, 0 {pack_format = #tpu.pack_format<interleaved>} : vector<32xbf16> -> vector<16xf32>
        %unpack3A_748 = tpu.unpack_subelements %abs3A_746, 1 {pack_format = #tpu.pack_format<interleaved>} : vector<32xbf16> -> vector<16xf32>
        %add3A_749 = arith.addf %add3A_740, %unpack3A_747 : vector<16xf32>
        %add3A_750 = arith.addf %add3A_749, %unpack3A_748 : vector<16xf32>
        %reduce_sum3A_751 = arith.constant true
        %reduce_sum3A_752 = vector.broadcast %reduce_sum3A_751 : i1 to vector<16xi1>
        %reduce_sum3A_753 = tpu.scan <sum>, %add3A_750 masked %reduce_sum3A_752 : vector<16xf32>, vector<16xi1> -> vector<16xf32>
        %reduce_sum3A_754 = vector.extract %reduce_sum3A_753[15] : f32 from vector<16xf32>
        %min3A_755 = arith.minimumf %min3A_728, %reduce_sum3A_754 : f32
        %mul3A_756 = arith.constant 1.562500e-02 : f32
        %mul3A_757 = arith.mulf %min3A_755, %mul3A_756 : f32
        %broadcast_in_dim3A_758 = vector.broadcast %mul3A_757 : f32 to vector<16xf32>
        %select_n3A_759 = arith.select %eq3A_14, %broadcast_in_dim3A_758, %select_n3A_630 : vector<16xi1>, vector<16xf32>
        %mul3A_760 = arith.constant 16 : i32
        %mul3A_761 = arith.muli %scan3A_122, %mul3A_760 : i32
        %add3A_762 = arith.constant 5 : i32
        %add3A_763 = arith.addi %mul3A_761, %add3A_762 : i32
        %get3A_764 = arith.index_cast %add3A_763 : i32 to index
        %get3A_765 = arith.constant 0 : index
        %get3A_766 = tpu.vector_load %arg10[%get3A_764, %get3A_765] {strides = array<i32>} : memref<128x64xf32, #tpu.memory_space<vmem>>, vector<16xf32>,
        %get3A_767 = arith.index_cast %add3A_763 : i32 to index
        %get3A_768 = arith.constant 16 : index
        %get3A_769 = tpu.vector_load %arg10[%get3A_767, %get3A_768] {strides = array<i32>} : memref<128x64xf32, #tpu.memory_space<vmem>>, vector<16xf32>,
        %get3A_770 = arith.index_cast %add3A_763 : i32 to index
        %get3A_771 = arith.constant 32 : index
        %get3A_772 = tpu.vector_load %arg10[%get3A_770, %get3A_771] {strides = array<i32>} : memref<128x64xf32, #tpu.memory_space<vmem>>, vector<16xf32>,
        %get3A_773 = arith.index_cast %add3A_763 : i32 to index
        %get3A_774 = arith.constant 48 : index
        %get3A_775 = tpu.vector_load %arg10[%get3A_773, %get3A_774] {strides = array<i32>} : memref<128x64xf32, #tpu.memory_space<vmem>>, vector<16xf32>,
        %pack3A_776 = tpu.pack_subelements %get3A_766, %get3A_769 {pack_format = #tpu.pack_format<interleaved>, positions = array<i32: 0, 1>} : vector<16xf32>, vector<16xf32> -> vector<32xbf16>
        %pack3A_777 = tpu.pack_subelements %get3A_772, %get3A_775 {pack_format = #tpu.pack_format<interleaved>, positions = array<i32: 0, 1>} : vector<16xf32>, vector<16xf32> -> vector<32xbf16>
        %broadcast_in_dim3A_778 = arith.constant 0.000000e+00 : f32
        %broadcast_in_dim3A_779 = vector.broadcast %broadcast_in_dim3A_778 : f32 to vector<16xf32>
        %get3A_780 = arith.index_cast %add3A_763 : i32 to index
        %get3A_781 = arith.constant 0 : index
        %get3A_782 = tpu.vector_load %arg8[%get3A_780, %get3A_781] {strides = array<i32>} : memref<128x128xi32, #tpu.memory_space<vmem>>, vector<16xi32>,
        %bitcast3A_783 = vector.bitcast %get3A_782 : vector<16xi32> to vector<32xbf16>
        %sub3A_784 = arith.subf %pack3A_776, %bitcast3A_783 : vector<32xbf16>
        %abs3A_785 = math.absf %sub3A_784 : vector<32xbf16>
        %unpack3A_786 = tpu.unpack_subelements %abs3A_785, 0 {pack_format = #tpu.pack_format<interleaved>} : vector<32xbf16> -> vector<16xf32>
        %unpack3A_787 = tpu.unpack_subelements %abs3A_785, 1 {pack_format = #tpu.pack_format<interleaved>} : vector<32xbf16> -> vector<16xf32>
        %add3A_788 = arith.addf %broadcast_in_dim3A_779, %unpack3A_786 : vector<16xf32>
        %add3A_789 = arith.addf %add3A_788, %unpack3A_787 : vector<16xf32>
        %get3A_790 = arith.index_cast %add3A_763 : i32 to index
        %get3A_791 = arith.constant 16 : index
        %get3A_792 = tpu.vector_load %arg8[%get3A_790, %get3A_791] {strides = array<i32>} : memref<128x128xi32, #tpu.memory_space<vmem>>, vector<16xi32>,
        %bitcast3A_793 = vector.bitcast %get3A_792 : vector<16xi32> to vector<32xbf16>
        %sub3A_794 = arith.subf %pack3A_777, %bitcast3A_793 : vector<32xbf16>
        %abs3A_795 = math.absf %sub3A_794 : vector<32xbf16>
        %unpack3A_796 = tpu.unpack_subelements %abs3A_795, 0 {pack_format = #tpu.pack_format<interleaved>} : vector<32xbf16> -> vector<16xf32>
        %unpack3A_797 = tpu.unpack_subelements %abs3A_795, 1 {pack_format = #tpu.pack_format<interleaved>} : vector<32xbf16> -> vector<16xf32>
        %add3A_798 = arith.addf %add3A_789, %unpack3A_796 : vector<16xf32>
        %add3A_799 = arith.addf %add3A_798, %unpack3A_797 : vector<16xf32>
        %reduce_sum3A_800 = arith.constant true
        %reduce_sum3A_801 = vector.broadcast %reduce_sum3A_800 : i1 to vector<16xi1>
        %reduce_sum3A_802 = tpu.scan <sum>, %add3A_799 masked %reduce_sum3A_801 : vector<16xf32>, vector<16xi1> -> vector<16xf32>
        %reduce_sum3A_803 = vector.extract %reduce_sum3A_802[15] : f32 from vector<16xf32>
        %broadcast_in_dim3A_804 = arith.constant 0.000000e+00 : f32
        %broadcast_in_dim3A_805 = vector.broadcast %broadcast_in_dim3A_804 : f32 to vector<16xf32>
        %get3A_806 = arith.index_cast %add3A_763 : i32 to index
        %get3A_807 = arith.constant 32 : index
        %get3A_808 = tpu.vector_load %arg8[%get3A_806, %get3A_807] {strides = array<i32>} : memref<128x128xi32, #tpu.memory_space<vmem>>, vector<16xi32>,
        %bitcast3A_809 = vector.bitcast %get3A_808 : vector<16xi32> to vector<32xbf16>
        %sub3A_810 = arith.subf %pack3A_776, %bitcast3A_809 : vector<32xbf16>
        %abs3A_811 = math.absf %sub3A_810 : vector<32xbf16>
        %unpack3A_812 = tpu.unpack_subelements %abs3A_811, 0 {pack_format = #tpu.pack_format<interleaved>} : vector<32xbf16> -> vector<16xf32>
        %unpack3A_813 = tpu.unpack_subelements %abs3A_811, 1 {pack_format = #tpu.pack_format<interleaved>} : vector<32xbf16> -> vector<16xf32>
        %add3A_814 = arith.addf %broadcast_in_dim3A_805, %unpack3A_812 : vector<16xf32>
        %add3A_815 = arith.addf %add3A_814, %unpack3A_813 : vector<16xf32>
        %get3A_816 = arith.index_cast %add3A_763 : i32 to index
        %get3A_817 = arith.constant 48 : index
        %get3A_818 = tpu.vector_load %arg8[%get3A_816, %get3A_817] {strides = array<i32>} : memref<128x128xi32, #tpu.memory_space<vmem>>, vector<16xi32>,
        %bitcast3A_819 = vector.bitcast %get3A_818 : vector<16xi32> to vector<32xbf16>
        %sub3A_820 = arith.subf %pack3A_777, %bitcast3A_819 : vector<32xbf16>
        %abs3A_821 = math.absf %sub3A_820 : vector<32xbf16>
        %unpack3A_822 = tpu.unpack_subelements %abs3A_821, 0 {pack_format = #tpu.pack_format<interleaved>} : vector<32xbf16> -> vector<16xf32>
        %unpack3A_823 = tpu.unpack_subelements %abs3A_821, 1 {pack_format = #tpu.pack_format<interleaved>} : vector<32xbf16> -> vector<16xf32>
        %add3A_824 = arith.addf %add3A_815, %unpack3A_822 : vector<16xf32>
        %add3A_825 = arith.addf %add3A_824, %unpack3A_823 : vector<16xf32>
        %reduce_sum3A_826 = arith.constant true
        %reduce_sum3A_827 = vector.broadcast %reduce_sum3A_826 : i1 to vector<16xi1>
        %reduce_sum3A_828 = tpu.scan <sum>, %add3A_825 masked %reduce_sum3A_827 : vector<16xf32>, vector<16xi1> -> vector<16xf32>
        %reduce_sum3A_829 = vector.extract %reduce_sum3A_828[15] : f32 from vector<16xf32>
        %min3A_830 = arith.minimumf %reduce_sum3A_803, %reduce_sum3A_829 : f32
        %broadcast_in_dim3A_831 = arith.constant 0.000000e+00 : f32
        %broadcast_in_dim3A_832 = vector.broadcast %broadcast_in_dim3A_831 : f32 to vector<16xf32>
        %get3A_833 = arith.index_cast %add3A_763 : i32 to index
        %get3A_834 = arith.constant 64 : index
        %get3A_835 = tpu.vector_load %arg8[%get3A_833, %get3A_834] {strides = array<i32>} : memref<128x128xi32, #tpu.memory_space<vmem>>, vector<16xi32>,
        %bitcast3A_836 = vector.bitcast %get3A_835 : vector<16xi32> to vector<32xbf16>
        %sub3A_837 = arith.subf %pack3A_776, %bitcast3A_836 : vector<32xbf16>
        %abs3A_838 = math.absf %sub3A_837 : vector<32xbf16>
        %unpack3A_839 = tpu.unpack_subelements %abs3A_838, 0 {pack_format = #tpu.pack_format<interleaved>} : vector<32xbf16> -> vector<16xf32>
        %unpack3A_840 = tpu.unpack_subelements %abs3A_838, 1 {pack_format = #tpu.pack_format<interleaved>} : vector<32xbf16> -> vector<16xf32>
        %add3A_841 = arith.addf %broadcast_in_dim3A_832, %unpack3A_839 : vector<16xf32>
        %add3A_842 = arith.addf %add3A_841, %unpack3A_840 : vector<16xf32>
        %get3A_843 = arith.index_cast %add3A_763 : i32 to index
        %get3A_844 = arith.constant 80 : index
        %get3A_845 = tpu.vector_load %arg8[%get3A_843, %get3A_844] {strides = array<i32>} : memref<128x128xi32, #tpu.memory_space<vmem>>, vector<16xi32>,
        %bitcast3A_846 = vector.bitcast %get3A_845 : vector<16xi32> to vector<32xbf16>
        %sub3A_847 = arith.subf %pack3A_777, %bitcast3A_846 : vector<32xbf16>
        %abs3A_848 = math.absf %sub3A_847 : vector<32xbf16>
        %unpack3A_849 = tpu.unpack_subelements %abs3A_848, 0 {pack_format = #tpu.pack_format<interleaved>} : vector<32xbf16> -> vector<16xf32>
        %unpack3A_850 = tpu.unpack_subelements %abs3A_848, 1 {pack_format = #tpu.pack_format<interleaved>} : vector<32xbf16> -> vector<16xf32>
        %add3A_851 = arith.addf %add3A_842, %unpack3A_849 : vector<16xf32>
        %add3A_852 = arith.addf %add3A_851, %unpack3A_850 : vector<16xf32>
        %reduce_sum3A_853 = arith.constant true
        %reduce_sum3A_854 = vector.broadcast %reduce_sum3A_853 : i1 to vector<16xi1>
        %reduce_sum3A_855 = tpu.scan <sum>, %add3A_852 masked %reduce_sum3A_854 : vector<16xf32>, vector<16xi1> -> vector<16xf32>
        %reduce_sum3A_856 = vector.extract %reduce_sum3A_855[15] : f32 from vector<16xf32>
        %min3A_857 = arith.minimumf %min3A_830, %reduce_sum3A_856 : f32
        %broadcast_in_dim3A_858 = arith.constant 0.000000e+00 : f32
        %broadcast_in_dim3A_859 = vector.broadcast %broadcast_in_dim3A_858 : f32 to vector<16xf32>
        %get3A_860 = arith.index_cast %add3A_763 : i32 to index
        %get3A_861 = arith.constant 96 : index
        %get3A_862 = tpu.vector_load %arg8[%get3A_860, %get3A_861] {strides = array<i32>} : memref<128x128xi32, #tpu.memory_space<vmem>>, vector<16xi32>,
        %bitcast3A_863 = vector.bitcast %get3A_862 : vector<16xi32> to vector<32xbf16>
        %sub3A_864 = arith.subf %pack3A_776, %bitcast3A_863 : vector<32xbf16>
        %abs3A_865 = math.absf %sub3A_864 : vector<32xbf16>
        %unpack3A_866 = tpu.unpack_subelements %abs3A_865, 0 {pack_format = #tpu.pack_format<interleaved>} : vector<32xbf16> -> vector<16xf32>
        %unpack3A_867 = tpu.unpack_subelements %abs3A_865, 1 {pack_format = #tpu.pack_format<interleaved>} : vector<32xbf16> -> vector<16xf32>
        %add3A_868 = arith.addf %broadcast_in_dim3A_859, %unpack3A_866 : vector<16xf32>
        %add3A_869 = arith.addf %add3A_868, %unpack3A_867 : vector<16xf32>
        %get3A_870 = arith.index_cast %add3A_763 : i32 to index
        %get3A_871 = arith.constant 112 : index
        %get3A_872 = tpu.vector_load %arg8[%get3A_870, %get3A_871] {strides = array<i32>} : memref<128x128xi32, #tpu.memory_space<vmem>>, vector<16xi32>,
        %bitcast3A_873 = vector.bitcast %get3A_872 : vector<16xi32> to vector<32xbf16>
        %sub3A_874 = arith.subf %pack3A_777, %bitcast3A_873 : vector<32xbf16>
        %abs3A_875 = math.absf %sub3A_874 : vector<32xbf16>
        %unpack3A_876 = tpu.unpack_subelements %abs3A_875, 0 {pack_format = #tpu.pack_format<interleaved>} : vector<32xbf16> -> vector<16xf32>
        %unpack3A_877 = tpu.unpack_subelements %abs3A_875, 1 {pack_format = #tpu.pack_format<interleaved>} : vector<32xbf16> -> vector<16xf32>
        %add3A_878 = arith.addf %add3A_869, %unpack3A_876 : vector<16xf32>
        %add3A_879 = arith.addf %add3A_878, %unpack3A_877 : vector<16xf32>
        %reduce_sum3A_880 = arith.constant true
        %reduce_sum3A_881 = vector.broadcast %reduce_sum3A_880 : i1 to vector<16xi1>
        %reduce_sum3A_882 = tpu.scan <sum>, %add3A_879 masked %reduce_sum3A_881 : vector<16xf32>, vector<16xi1> -> vector<16xf32>
        %reduce_sum3A_883 = vector.extract %reduce_sum3A_882[15] : f32 from vector<16xf32>
        %min3A_884 = arith.minimumf %min3A_857, %reduce_sum3A_883 : f32
        %mul3A_885 = arith.constant 1.562500e-02 : f32
        %mul3A_886 = arith.mulf %min3A_884, %mul3A_885 : f32
        %broadcast_in_dim3A_887 = vector.broadcast %mul3A_886 : f32 to vector<16xf32>
        %select_n3A_888 = arith.select %eq3A_17, %broadcast_in_dim3A_887, %select_n3A_759 : vector<16xi1>, vector<16xf32>
        %mul3A_889 = arith.constant 16 : i32
        %mul3A_890 = arith.muli %scan3A_122, %mul3A_889 : i32
        %add3A_891 = arith.constant 6 : i32
        %add3A_892 = arith.addi %mul3A_890, %add3A_891 : i32
        %get3A_893 = arith.index_cast %add3A_892 : i32 to index
        %get3A_894 = arith.constant 0 : index
        %get3A_895 = tpu.vector_load %arg10[%get3A_893, %get3A_894] {strides = array<i32>} : memref<128x64xf32, #tpu.memory_space<vmem>>, vector<16xf32>,
        %get3A_896 = arith.index_cast %add3A_892 : i32 to index
        %get3A_897 = arith.constant 16 : index
        %get3A_898 = tpu.vector_load %arg10[%get3A_896, %get3A_897] {strides = array<i32>} : memref<128x64xf32, #tpu.memory_space<vmem>>, vector<16xf32>,
        %get3A_899 = arith.index_cast %add3A_892 : i32 to index
        %get3A_900 = arith.constant 32 : index
        %get3A_901 = tpu.vector_load %arg10[%get3A_899, %get3A_900] {strides = array<i32>} : memref<128x64xf32, #tpu.memory_space<vmem>>, vector<16xf32>,
        %get3A_902 = arith.index_cast %add3A_892 : i32 to index
        %get3A_903 = arith.constant 48 : index
        %get3A_904 = tpu.vector_load %arg10[%get3A_902, %get3A_903] {strides = array<i32>} : memref<128x64xf32, #tpu.memory_space<vmem>>, vector<16xf32>,
        %pack3A_905 = tpu.pack_subelements %get3A_895, %get3A_898 {pack_format = #tpu.pack_format<interleaved>, positions = array<i32: 0, 1>} : vector<16xf32>, vector<16xf32> -> vector<32xbf16>
        %pack3A_906 = tpu.pack_subelements %get3A_901, %get3A_904 {pack_format = #tpu.pack_format<interleaved>, positions = array<i32: 0, 1>} : vector<16xf32>, vector<16xf32> -> vector<32xbf16>
        %broadcast_in_dim3A_907 = arith.constant 0.000000e+00 : f32
        %broadcast_in_dim3A_908 = vector.broadcast %broadcast_in_dim3A_907 : f32 to vector<16xf32>
        %get3A_909 = arith.index_cast %add3A_892 : i32 to index
        %get3A_910 = arith.constant 0 : index
        %get3A_911 = tpu.vector_load %arg8[%get3A_909, %get3A_910] {strides = array<i32>} : memref<128x128xi32, #tpu.memory_space<vmem>>, vector<16xi32>,
        %bitcast3A_912 = vector.bitcast %get3A_911 : vector<16xi32> to vector<32xbf16>
        %sub3A_913 = arith.subf %pack3A_905, %bitcast3A_912 : vector<32xbf16>
        %abs3A_914 = math.absf %sub3A_913 : vector<32xbf16>
        %unpack3A_915 = tpu.unpack_subelements %abs3A_914, 0 {pack_format = #tpu.pack_format<interleaved>} : vector<32xbf16> -> vector<16xf32>
        %unpack3A_916 = tpu.unpack_subelements %abs3A_914, 1 {pack_format = #tpu.pack_format<interleaved>} : vector<32xbf16> -> vector<16xf32>
        %add3A_917 = arith.addf %broadcast_in_dim3A_908, %unpack3A_915 : vector<16xf32>
        %add3A_918 = arith.addf %add3A_917, %unpack3A_916 : vector<16xf32>
        %get3A_919 = arith.index_cast %add3A_892 : i32 to index
        %get3A_920 = arith.constant 16 : index
        %get3A_921 = tpu.vector_load %arg8[%get3A_919, %get3A_920] {strides = array<i32>} : memref<128x128xi32, #tpu.memory_space<vmem>>, vector<16xi32>,
        %bitcast3A_922 = vector.bitcast %get3A_921 : vector<16xi32> to vector<32xbf16>
        %sub3A_923 = arith.subf %pack3A_906, %bitcast3A_922 : vector<32xbf16>
        %abs3A_924 = math.absf %sub3A_923 : vector<32xbf16>
        %unpack3A_925 = tpu.unpack_subelements %abs3A_924, 0 {pack_format = #tpu.pack_format<interleaved>} : vector<32xbf16> -> vector<16xf32>
        %unpack3A_926 = tpu.unpack_subelements %abs3A_924, 1 {pack_format = #tpu.pack_format<interleaved>} : vector<32xbf16> -> vector<16xf32>
        %add3A_927 = arith.addf %add3A_918, %unpack3A_925 : vector<16xf32>
        %add3A_928 = arith.addf %add3A_927, %unpack3A_926 : vector<16xf32>
        %reduce_sum3A_929 = arith.constant true
        %reduce_sum3A_930 = vector.broadcast %reduce_sum3A_929 : i1 to vector<16xi1>
        %reduce_sum3A_931 = tpu.scan <sum>, %add3A_928 masked %reduce_sum3A_930 : vector<16xf32>, vector<16xi1> -> vector<16xf32>
        %reduce_sum3A_932 = vector.extract %reduce_sum3A_931[15] : f32 from vector<16xf32>
        %broadcast_in_dim3A_933 = arith.constant 0.000000e+00 : f32
        %broadcast_in_dim3A_934 = vector.broadcast %broadcast_in_dim3A_933 : f32 to vector<16xf32>
        %get3A_935 = arith.index_cast %add3A_892 : i32 to index
        %get3A_936 = arith.constant 32 : index
        %get3A_937 = tpu.vector_load %arg8[%get3A_935, %get3A_936] {strides = array<i32>} : memref<128x128xi32, #tpu.memory_space<vmem>>, vector<16xi32>,
        %bitcast3A_938 = vector.bitcast %get3A_937 : vector<16xi32> to vector<32xbf16>
        %sub3A_939 = arith.subf %pack3A_905, %bitcast3A_938 : vector<32xbf16>
        %abs3A_940 = math.absf %sub3A_939 : vector<32xbf16>
        %unpack3A_941 = tpu.unpack_subelements %abs3A_940, 0 {pack_format = #tpu.pack_format<interleaved>} : vector<32xbf16> -> vector<16xf32>
        %unpack3A_942 = tpu.unpack_subelements %abs3A_940, 1 {pack_format = #tpu.pack_format<interleaved>} : vector<32xbf16> -> vector<16xf32>
        %add3A_943 = arith.addf %broadcast_in_dim3A_934, %unpack3A_941 : vector<16xf32>
        %add3A_944 = arith.addf %add3A_943, %unpack3A_942 : vector<16xf32>
        %get3A_945 = arith.index_cast %add3A_892 : i32 to index
        %get3A_946 = arith.constant 48 : index
        %get3A_947 = tpu.vector_load %arg8[%get3A_945, %get3A_946] {strides = array<i32>} : memref<128x128xi32, #tpu.memory_space<vmem>>, vector<16xi32>,
        %bitcast3A_948 = vector.bitcast %get3A_947 : vector<16xi32> to vector<32xbf16>
        %sub3A_949 = arith.subf %pack3A_906, %bitcast3A_948 : vector<32xbf16>
        %abs3A_950 = math.absf %sub3A_949 : vector<32xbf16>
        %unpack3A_951 = tpu.unpack_subelements %abs3A_950, 0 {pack_format = #tpu.pack_format<interleaved>} : vector<32xbf16> -> vector<16xf32>
        %unpack3A_952 = tpu.unpack_subelements %abs3A_950, 1 {pack_format = #tpu.pack_format<interleaved>} : vector<32xbf16> -> vector<16xf32>
        %add3A_953 = arith.addf %add3A_944, %unpack3A_951 : vector<16xf32>
        %add3A_954 = arith.addf %add3A_953, %unpack3A_952 : vector<16xf32>
        %reduce_sum3A_955 = arith.constant true
        %reduce_sum3A_956 = vector.broadcast %reduce_sum3A_955 : i1 to vector<16xi1>
        %reduce_sum3A_957 = tpu.scan <sum>, %add3A_954 masked %reduce_sum3A_956 : vector<16xf32>, vector<16xi1> -> vector<16xf32>
        %reduce_sum3A_958 = vector.extract %reduce_sum3A_957[15] : f32 from vector<16xf32>
        %min3A_959 = arith.minimumf %reduce_sum3A_932, %reduce_sum3A_958 : f32
        %broadcast_in_dim3A_960 = arith.constant 0.000000e+00 : f32
        %broadcast_in_dim3A_961 = vector.broadcast %broadcast_in_dim3A_960 : f32 to vector<16xf32>
        %get3A_962 = arith.index_cast %add3A_892 : i32 to index
        %get3A_963 = arith.constant 64 : index
        %get3A_964 = tpu.vector_load %arg8[%get3A_962, %get3A_963] {strides = array<i32>} : memref<128x128xi32, #tpu.memory_space<vmem>>, vector<16xi32>,
        %bitcast3A_965 = vector.bitcast %get3A_964 : vector<16xi32> to vector<32xbf16>
        %sub3A_966 = arith.subf %pack3A_905, %bitcast3A_965 : vector<32xbf16>
        %abs3A_967 = math.absf %sub3A_966 : vector<32xbf16>
        %unpack3A_968 = tpu.unpack_subelements %abs3A_967, 0 {pack_format = #tpu.pack_format<interleaved>} : vector<32xbf16> -> vector<16xf32>
        %unpack3A_969 = tpu.unpack_subelements %abs3A_967, 1 {pack_format = #tpu.pack_format<interleaved>} : vector<32xbf16> -> vector<16xf32>
        %add3A_970 = arith.addf %broadcast_in_dim3A_961, %unpack3A_968 : vector<16xf32>
        %add3A_971 = arith.addf %add3A_970, %unpack3A_969 : vector<16xf32>
        %get3A_972 = arith.index_cast %add3A_892 : i32 to index
        %get3A_973 = arith.constant 80 : index
        %get3A_974 = tpu.vector_load %arg8[%get3A_972, %get3A_973] {strides = array<i32>} : memref<128x128xi32, #tpu.memory_space<vmem>>, vector<16xi32>,
        %bitcast3A_975 = vector.bitcast %get3A_974 : vector<16xi32> to vector<32xbf16>
        %sub3A_976 = arith.subf %pack3A_906, %bitcast3A_975 : vector<32xbf16>
        %abs3A_977 = math.absf %sub3A_976 : vector<32xbf16>
        %unpack3A_978 = tpu.unpack_subelements %abs3A_977, 0 {pack_format = #tpu.pack_format<interleaved>} : vector<32xbf16> -> vector<16xf32>
        %unpack3A_979 = tpu.unpack_subelements %abs3A_977, 1 {pack_format = #tpu.pack_format<interleaved>} : vector<32xbf16> -> vector<16xf32>
        %add3A_980 = arith.addf %add3A_971, %unpack3A_978 : vector<16xf32>
        %add3A_981 = arith.addf %add3A_980, %unpack3A_979 : vector<16xf32>
        %reduce_sum3A_982 = arith.constant true
        %reduce_sum3A_983 = vector.broadcast %reduce_sum3A_982 : i1 to vector<16xi1>
        %reduce_sum3A_984 = tpu.scan <sum>, %add3A_981 masked %reduce_sum3A_983 : vector<16xf32>, vector<16xi1> -> vector<16xf32>
        %reduce_sum3A_985 = vector.extract %reduce_sum3A_984[15] : f32 from vector<16xf32>
        %min3A_986 = arith.minimumf %min3A_959, %reduce_sum3A_985 : f32
        %broadcast_in_dim3A_987 = arith.constant 0.000000e+00 : f32
        %broadcast_in_dim3A_988 = vector.broadcast %broadcast_in_dim3A_987 : f32 to vector<16xf32>
        %get3A_989 = arith.index_cast %add3A_892 : i32 to index
        %get3A_990 = arith.constant 96 : index
        %get3A_991 = tpu.vector_load %arg8[%get3A_989, %get3A_990] {strides = array<i32>} : memref<128x128xi32, #tpu.memory_space<vmem>>, vector<16xi32>,
        %bitcast3A_992 = vector.bitcast %get3A_991 : vector<16xi32> to vector<32xbf16>
        %sub3A_993 = arith.subf %pack3A_905, %bitcast3A_992 : vector<32xbf16>
        %abs3A_994 = math.absf %sub3A_993 : vector<32xbf16>
        %unpack3A_995 = tpu.unpack_subelements %abs3A_994, 0 {pack_format = #tpu.pack_format<interleaved>} : vector<32xbf16> -> vector<16xf32>
        %unpack3A_996 = tpu.unpack_subelements %abs3A_994, 1 {pack_format = #tpu.pack_format<interleaved>} : vector<32xbf16> -> vector<16xf32>
        %add3A_997 = arith.addf %broadcast_in_dim3A_988, %unpack3A_995 : vector<16xf32>
        %add3A_998 = arith.addf %add3A_997, %unpack3A_996 : vector<16xf32>
        %get3A_999 = arith.index_cast %add3A_892 : i32 to index
        %get3A_1000 = arith.constant 112 : index
        %get3A_1001 = tpu.vector_load %arg8[%get3A_999, %get3A_1000] {strides = array<i32>} : memref<128x128xi32, #tpu.memory_space<vmem>>, vector<16xi32>,
        %bitcast3A_1002 = vector.bitcast %get3A_1001 : vector<16xi32> to vector<32xbf16>
        %sub3A_1003 = arith.subf %pack3A_906, %bitcast3A_1002 : vector<32xbf16>
        %abs3A_1004 = math.absf %sub3A_1003 : vector<32xbf16>
        %unpack3A_1005 = tpu.unpack_subelements %abs3A_1004, 0 {pack_format = #tpu.pack_format<interleaved>} : vector<32xbf16> -> vector<16xf32>
        %unpack3A_1006 = tpu.unpack_subelements %abs3A_1004, 1 {pack_format = #tpu.pack_format<interleaved>} : vector<32xbf16> -> vector<16xf32>
        %add3A_1007 = arith.addf %add3A_998, %unpack3A_1005 : vector<16xf32>
        %add3A_1008 = arith.addf %add3A_1007, %unpack3A_1006 : vector<16xf32>
        %reduce_sum3A_1009 = arith.constant true
        %reduce_sum3A_1010 = vector.broadcast %reduce_sum3A_1009 : i1 to vector<16xi1>
        %reduce_sum3A_1011 = tpu.scan <sum>, %add3A_1008 masked %reduce_sum3A_1010 : vector<16xf32>, vector<16xi1> -> vector<16xf32>
        %reduce_sum3A_1012 = vector.extract %reduce_sum3A_1011[15] : f32 from vector<16xf32>
        %min3A_1013 = arith.minimumf %min3A_986, %reduce_sum3A_1012 : f32
        %mul3A_1014 = arith.constant 1.562500e-02 : f32
        %mul3A_1015 = arith.mulf %min3A_1013, %mul3A_1014 : f32
        %broadcast_in_dim3A_1016 = vector.broadcast %mul3A_1015 : f32 to vector<16xf32>
        %select_n3A_1017 = arith.select %eq3A_20, %broadcast_in_dim3A_1016, %select_n3A_888 : vector<16xi1>, vector<16xf32>
        %mul3A_1018 = arith.constant 16 : i32
        %mul3A_1019 = arith.muli %scan3A_122, %mul3A_1018 : i32
        %add3A_1020 = arith.constant 7 : i32
        %add3A_1021 = arith.addi %mul3A_1019, %add3A_1020 : i32
        %get3A_1022 = arith.index_cast %add3A_1021 : i32 to index
        %get3A_1023 = arith.constant 0 : index
        %get3A_1024 = tpu.vector_load %arg10[%get3A_1022, %get3A_1023] {strides = array<i32>} : memref<128x64xf32, #tpu.memory_space<vmem>>, vector<16xf32>,
        %get3A_1025 = arith.index_cast %add3A_1021 : i32 to index
        %get3A_1026 = arith.constant 16 : index
        %get3A_1027 = tpu.vector_load %arg10[%get3A_1025, %get3A_1026] {strides = array<i32>} : memref<128x64xf32, #tpu.memory_space<vmem>>, vector<16xf32>,
        %get3A_1028 = arith.index_cast %add3A_1021 : i32 to index
        %get3A_1029 = arith.constant 32 : index
        %get3A_1030 = tpu.vector_load %arg10[%get3A_1028, %get3A_1029] {strides = array<i32>} : memref<128x64xf32, #tpu.memory_space<vmem>>, vector<16xf32>,
        %get3A_1031 = arith.index_cast %add3A_1021 : i32 to index
        %get3A_1032 = arith.constant 48 : index
        %get3A_1033 = tpu.vector_load %arg10[%get3A_1031, %get3A_1032] {strides = array<i32>} : memref<128x64xf32, #tpu.memory_space<vmem>>, vector<16xf32>,
        %pack3A_1034 = tpu.pack_subelements %get3A_1024, %get3A_1027 {pack_format = #tpu.pack_format<interleaved>, positions = array<i32: 0, 1>} : vector<16xf32>, vector<16xf32> -> vector<32xbf16>
        %pack3A_1035 = tpu.pack_subelements %get3A_1030, %get3A_1033 {pack_format = #tpu.pack_format<interleaved>, positions = array<i32: 0, 1>} : vector<16xf32>, vector<16xf32> -> vector<32xbf16>
        %broadcast_in_dim3A_1036 = arith.constant 0.000000e+00 : f32
        %broadcast_in_dim3A_1037 = vector.broadcast %broadcast_in_dim3A_1036 : f32 to vector<16xf32>
        %get3A_1038 = arith.index_cast %add3A_1021 : i32 to index
        %get3A_1039 = arith.constant 0 : index
        %get3A_1040 = tpu.vector_load %arg8[%get3A_1038, %get3A_1039] {strides = array<i32>} : memref<128x128xi32, #tpu.memory_space<vmem>>, vector<16xi32>,
        %bitcast3A_1041 = vector.bitcast %get3A_1040 : vector<16xi32> to vector<32xbf16>
        %sub3A_1042 = arith.subf %pack3A_1034, %bitcast3A_1041 : vector<32xbf16>
        %abs3A_1043 = math.absf %sub3A_1042 : vector<32xbf16>
        %unpack3A_1044 = tpu.unpack_subelements %abs3A_1043, 0 {pack_format = #tpu.pack_format<interleaved>} : vector<32xbf16> -> vector<16xf32>
        %unpack3A_1045 = tpu.unpack_subelements %abs3A_1043, 1 {pack_format = #tpu.pack_format<interleaved>} : vector<32xbf16> -> vector<16xf32>
        %add3A_1046 = arith.addf %broadcast_in_dim3A_1037, %unpack3A_1044 : vector<16xf32>
        %add3A_1047 = arith.addf %add3A_1046, %unpack3A_1045 : vector<16xf32>
        %get3A_1048 = arith.index_cast %add3A_1021 : i32 to index
        %get3A_1049 = arith.constant 16 : index
        %get3A_1050 = tpu.vector_load %arg8[%get3A_1048, %get3A_1049] {strides = array<i32>} : memref<128x128xi32, #tpu.memory_space<vmem>>, vector<16xi32>,
        %bitcast3A_1051 = vector.bitcast %get3A_1050 : vector<16xi32> to vector<32xbf16>
        %sub3A_1052 = arith.subf %pack3A_1035, %bitcast3A_1051 : vector<32xbf16>
        %abs3A_1053 = math.absf %sub3A_1052 : vector<32xbf16>
        %unpack3A_1054 = tpu.unpack_subelements %abs3A_1053, 0 {pack_format = #tpu.pack_format<interleaved>} : vector<32xbf16> -> vector<16xf32>
        %unpack3A_1055 = tpu.unpack_subelements %abs3A_1053, 1 {pack_format = #tpu.pack_format<interleaved>} : vector<32xbf16> -> vector<16xf32>
        %add3A_1056 = arith.addf %add3A_1047, %unpack3A_1054 : vector<16xf32>
        %add3A_1057 = arith.addf %add3A_1056, %unpack3A_1055 : vector<16xf32>
        %reduce_sum3A_1058 = arith.constant true
        %reduce_sum3A_1059 = vector.broadcast %reduce_sum3A_1058 : i1 to vector<16xi1>
        %reduce_sum3A_1060 = tpu.scan <sum>, %add3A_1057 masked %reduce_sum3A_1059 : vector<16xf32>, vector<16xi1> -> vector<16xf32>
        %reduce_sum3A_1061 = vector.extract %reduce_sum3A_1060[15] : f32 from vector<16xf32>
        %broadcast_in_dim3A_1062 = arith.constant 0.000000e+00 : f32
        %broadcast_in_dim3A_1063 = vector.broadcast %broadcast_in_dim3A_1062 : f32 to vector<16xf32>
        %get3A_1064 = arith.index_cast %add3A_1021 : i32 to index
        %get3A_1065 = arith.constant 32 : index
        %get3A_1066 = tpu.vector_load %arg8[%get3A_1064, %get3A_1065] {strides = array<i32>} : memref<128x128xi32, #tpu.memory_space<vmem>>, vector<16xi32>,
        %bitcast3A_1067 = vector.bitcast %get3A_1066 : vector<16xi32> to vector<32xbf16>
        %sub3A_1068 = arith.subf %pack3A_1034, %bitcast3A_1067 : vector<32xbf16>
        %abs3A_1069 = math.absf %sub3A_1068 : vector<32xbf16>
        %unpack3A_1070 = tpu.unpack_subelements %abs3A_1069, 0 {pack_format = #tpu.pack_format<interleaved>} : vector<32xbf16> -> vector<16xf32>
        %unpack3A_1071 = tpu.unpack_subelements %abs3A_1069, 1 {pack_format = #tpu.pack_format<interleaved>} : vector<32xbf16> -> vector<16xf32>
        %add3A_1072 = arith.addf %broadcast_in_dim3A_1063, %unpack3A_1070 : vector<16xf32>
        %add3A_1073 = arith.addf %add3A_1072, %unpack3A_1071 : vector<16xf32>
        %get3A_1074 = arith.index_cast %add3A_1021 : i32 to index
        %get3A_1075 = arith.constant 48 : index
        %get3A_1076 = tpu.vector_load %arg8[%get3A_1074, %get3A_1075] {strides = array<i32>} : memref<128x128xi32, #tpu.memory_space<vmem>>, vector<16xi32>,
        %bitcast3A_1077 = vector.bitcast %get3A_1076 : vector<16xi32> to vector<32xbf16>
        %sub3A_1078 = arith.subf %pack3A_1035, %bitcast3A_1077 : vector<32xbf16>
        %abs3A_1079 = math.absf %sub3A_1078 : vector<32xbf16>
        %unpack3A_1080 = tpu.unpack_subelements %abs3A_1079, 0 {pack_format = #tpu.pack_format<interleaved>} : vector<32xbf16> -> vector<16xf32>
        %unpack3A_1081 = tpu.unpack_subelements %abs3A_1079, 1 {pack_format = #tpu.pack_format<interleaved>} : vector<32xbf16> -> vector<16xf32>
        %add3A_1082 = arith.addf %add3A_1073, %unpack3A_1080 : vector<16xf32>
        %add3A_1083 = arith.addf %add3A_1082, %unpack3A_1081 : vector<16xf32>
        %reduce_sum3A_1084 = arith.constant true
        %reduce_sum3A_1085 = vector.broadcast %reduce_sum3A_1084 : i1 to vector<16xi1>
        %reduce_sum3A_1086 = tpu.scan <sum>, %add3A_1083 masked %reduce_sum3A_1085 : vector<16xf32>, vector<16xi1> -> vector<16xf32>
        %reduce_sum3A_1087 = vector.extract %reduce_sum3A_1086[15] : f32 from vector<16xf32>
        %min3A_1088 = arith.minimumf %reduce_sum3A_1061, %reduce_sum3A_1087 : f32
        %broadcast_in_dim3A_1089 = arith.constant 0.000000e+00 : f32
        %broadcast_in_dim3A_1090 = vector.broadcast %broadcast_in_dim3A_1089 : f32 to vector<16xf32>
        %get3A_1091 = arith.index_cast %add3A_1021 : i32 to index
        %get3A_1092 = arith.constant 64 : index
        %get3A_1093 = tpu.vector_load %arg8[%get3A_1091, %get3A_1092] {strides = array<i32>} : memref<128x128xi32, #tpu.memory_space<vmem>>, vector<16xi32>,
        %bitcast3A_1094 = vector.bitcast %get3A_1093 : vector<16xi32> to vector<32xbf16>
        %sub3A_1095 = arith.subf %pack3A_1034, %bitcast3A_1094 : vector<32xbf16>
        %abs3A_1096 = math.absf %sub3A_1095 : vector<32xbf16>
        %unpack3A_1097 = tpu.unpack_subelements %abs3A_1096, 0 {pack_format = #tpu.pack_format<interleaved>} : vector<32xbf16> -> vector<16xf32>
        %unpack3A_1098 = tpu.unpack_subelements %abs3A_1096, 1 {pack_format = #tpu.pack_format<interleaved>} : vector<32xbf16> -> vector<16xf32>
        %add3A_1099 = arith.addf %broadcast_in_dim3A_1090, %unpack3A_1097 : vector<16xf32>
        %add3A_1100 = arith.addf %add3A_1099, %unpack3A_1098 : vector<16xf32>
        %get3A_1101 = arith.index_cast %add3A_1021 : i32 to index
        %get3A_1102 = arith.constant 80 : index
        %get3A_1103 = tpu.vector_load %arg8[%get3A_1101, %get3A_1102] {strides = array<i32>} : memref<128x128xi32, #tpu.memory_space<vmem>>, vector<16xi32>,
        %bitcast3A_1104 = vector.bitcast %get3A_1103 : vector<16xi32> to vector<32xbf16>
        %sub3A_1105 = arith.subf %pack3A_1035, %bitcast3A_1104 : vector<32xbf16>
        %abs3A_1106 = math.absf %sub3A_1105 : vector<32xbf16>
        %unpack3A_1107 = tpu.unpack_subelements %abs3A_1106, 0 {pack_format = #tpu.pack_format<interleaved>} : vector<32xbf16> -> vector<16xf32>
        %unpack3A_1108 = tpu.unpack_subelements %abs3A_1106, 1 {pack_format = #tpu.pack_format<interleaved>} : vector<32xbf16> -> vector<16xf32>
        %add3A_1109 = arith.addf %add3A_1100, %unpack3A_1107 : vector<16xf32>
        %add3A_1110 = arith.addf %add3A_1109, %unpack3A_1108 : vector<16xf32>
        %reduce_sum3A_1111 = arith.constant true
        %reduce_sum3A_1112 = vector.broadcast %reduce_sum3A_1111 : i1 to vector<16xi1>
        %reduce_sum3A_1113 = tpu.scan <sum>, %add3A_1110 masked %reduce_sum3A_1112 : vector<16xf32>, vector<16xi1> -> vector<16xf32>
        %reduce_sum3A_1114 = vector.extract %reduce_sum3A_1113[15] : f32 from vector<16xf32>
        %min3A_1115 = arith.minimumf %min3A_1088, %reduce_sum3A_1114 : f32
        %broadcast_in_dim3A_1116 = arith.constant 0.000000e+00 : f32
        %broadcast_in_dim3A_1117 = vector.broadcast %broadcast_in_dim3A_1116 : f32 to vector<16xf32>
        %get3A_1118 = arith.index_cast %add3A_1021 : i32 to index
        %get3A_1119 = arith.constant 96 : index
        %get3A_1120 = tpu.vector_load %arg8[%get3A_1118, %get3A_1119] {strides = array<i32>} : memref<128x128xi32, #tpu.memory_space<vmem>>, vector<16xi32>,
        %bitcast3A_1121 = vector.bitcast %get3A_1120 : vector<16xi32> to vector<32xbf16>
        %sub3A_1122 = arith.subf %pack3A_1034, %bitcast3A_1121 : vector<32xbf16>
        %abs3A_1123 = math.absf %sub3A_1122 : vector<32xbf16>
        %unpack3A_1124 = tpu.unpack_subelements %abs3A_1123, 0 {pack_format = #tpu.pack_format<interleaved>} : vector<32xbf16> -> vector<16xf32>
        %unpack3A_1125 = tpu.unpack_subelements %abs3A_1123, 1 {pack_format = #tpu.pack_format<interleaved>} : vector<32xbf16> -> vector<16xf32>
        %add3A_1126 = arith.addf %broadcast_in_dim3A_1117, %unpack3A_1124 : vector<16xf32>
        %add3A_1127 = arith.addf %add3A_1126, %unpack3A_1125 : vector<16xf32>
        %get3A_1128 = arith.index_cast %add3A_1021 : i32 to index
        %get3A_1129 = arith.constant 112 : index
        %get3A_1130 = tpu.vector_load %arg8[%get3A_1128, %get3A_1129] {strides = array<i32>} : memref<128x128xi32, #tpu.memory_space<vmem>>, vector<16xi32>,
        %bitcast3A_1131 = vector.bitcast %get3A_1130 : vector<16xi32> to vector<32xbf16>
        %sub3A_1132 = arith.subf %pack3A_1035, %bitcast3A_1131 : vector<32xbf16>
        %abs3A_1133 = math.absf %sub3A_1132 : vector<32xbf16>
        %unpack3A_1134 = tpu.unpack_subelements %abs3A_1133, 0 {pack_format = #tpu.pack_format<interleaved>} : vector<32xbf16> -> vector<16xf32>
        %unpack3A_1135 = tpu.unpack_subelements %abs3A_1133, 1 {pack_format = #tpu.pack_format<interleaved>} : vector<32xbf16> -> vector<16xf32>
        %add3A_1136 = arith.addf %add3A_1127, %unpack3A_1134 : vector<16xf32>
        %add3A_1137 = arith.addf %add3A_1136, %unpack3A_1135 : vector<16xf32>
        %reduce_sum3A_1138 = arith.constant true
        %reduce_sum3A_1139 = vector.broadcast %reduce_sum3A_1138 : i1 to vector<16xi1>
        %reduce_sum3A_1140 = tpu.scan <sum>, %add3A_1137 masked %reduce_sum3A_1139 : vector<16xf32>, vector<16xi1> -> vector<16xf32>
        %reduce_sum3A_1141 = vector.extract %reduce_sum3A_1140[15] : f32 from vector<16xf32>
        %min3A_1142 = arith.minimumf %min3A_1115, %reduce_sum3A_1141 : f32
        %mul3A_1143 = arith.constant 1.562500e-02 : f32
        %mul3A_1144 = arith.mulf %min3A_1142, %mul3A_1143 : f32
        %broadcast_in_dim3A_1145 = vector.broadcast %mul3A_1144 : f32 to vector<16xf32>
        %select_n3A_1146 = arith.select %eq3A_23, %broadcast_in_dim3A_1145, %select_n3A_1017 : vector<16xi1>, vector<16xf32>
        %mul3A_1147 = arith.constant 16 : i32
        %mul3A_1148 = arith.muli %scan3A_122, %mul3A_1147 : i32
        %add3A_1149 = arith.constant 8 : i32
        %add3A_1150 = arith.addi %mul3A_1148, %add3A_1149 : i32
        %get3A_1151 = arith.index_cast %add3A_1150 : i32 to index
        %get3A_1152 = arith.constant 0 : index
        %get3A_1153 = tpu.vector_load %arg10[%get3A_1151, %get3A_1152] {strides = array<i32>} : memref<128x64xf32, #tpu.memory_space<vmem>>, vector<16xf32>,
        %get3A_1154 = arith.index_cast %add3A_1150 : i32 to index
        %get3A_1155 = arith.constant 16 : index
        %get3A_1156 = tpu.vector_load %arg10[%get3A_1154, %get3A_1155] {strides = array<i32>} : memref<128x64xf32, #tpu.memory_space<vmem>>, vector<16xf32>,
        %get3A_1157 = arith.index_cast %add3A_1150 : i32 to index
        %get3A_1158 = arith.constant 32 : index
        %get3A_1159 = tpu.vector_load %arg10[%get3A_1157, %get3A_1158] {strides = array<i32>} : memref<128x64xf32, #tpu.memory_space<vmem>>, vector<16xf32>,
        %get3A_1160 = arith.index_cast %add3A_1150 : i32 to index
        %get3A_1161 = arith.constant 48 : index
        %get3A_1162 = tpu.vector_load %arg10[%get3A_1160, %get3A_1161] {strides = array<i32>} : memref<128x64xf32, #tpu.memory_space<vmem>>, vector<16xf32>,
        %pack3A_1163 = tpu.pack_subelements %get3A_1153, %get3A_1156 {pack_format = #tpu.pack_format<interleaved>, positions = array<i32: 0, 1>} : vector<16xf32>, vector<16xf32> -> vector<32xbf16>
        %pack3A_1164 = tpu.pack_subelements %get3A_1159, %get3A_1162 {pack_format = #tpu.pack_format<interleaved>, positions = array<i32: 0, 1>} : vector<16xf32>, vector<16xf32> -> vector<32xbf16>
        %broadcast_in_dim3A_1165 = arith.constant 0.000000e+00 : f32
        %broadcast_in_dim3A_1166 = vector.broadcast %broadcast_in_dim3A_1165 : f32 to vector<16xf32>
        %get3A_1167 = arith.index_cast %add3A_1150 : i32 to index
        %get3A_1168 = arith.constant 0 : index
        %get3A_1169 = tpu.vector_load %arg8[%get3A_1167, %get3A_1168] {strides = array<i32>} : memref<128x128xi32, #tpu.memory_space<vmem>>, vector<16xi32>,
        %bitcast3A_1170 = vector.bitcast %get3A_1169 : vector<16xi32> to vector<32xbf16>
        %sub3A_1171 = arith.subf %pack3A_1163, %bitcast3A_1170 : vector<32xbf16>
        %abs3A_1172 = math.absf %sub3A_1171 : vector<32xbf16>
        %unpack3A_1173 = tpu.unpack_subelements %abs3A_1172, 0 {pack_format = #tpu.pack_format<interleaved>} : vector<32xbf16> -> vector<16xf32>
        %unpack3A_1174 = tpu.unpack_subelements %abs3A_1172, 1 {pack_format = #tpu.pack_format<interleaved>} : vector<32xbf16> -> vector<16xf32>
        %add3A_1175 = arith.addf %broadcast_in_dim3A_1166, %unpack3A_1173 : vector<16xf32>
        %add3A_1176 = arith.addf %add3A_1175, %unpack3A_1174 : vector<16xf32>
        %get3A_1177 = arith.index_cast %add3A_1150 : i32 to index
        %get3A_1178 = arith.constant 16 : index
        %get3A_1179 = tpu.vector_load %arg8[%get3A_1177, %get3A_1178] {strides = array<i32>} : memref<128x128xi32, #tpu.memory_space<vmem>>, vector<16xi32>,
        %bitcast3A_1180 = vector.bitcast %get3A_1179 : vector<16xi32> to vector<32xbf16>
        %sub3A_1181 = arith.subf %pack3A_1164, %bitcast3A_1180 : vector<32xbf16>
        %abs3A_1182 = math.absf %sub3A_1181 : vector<32xbf16>
        %unpack3A_1183 = tpu.unpack_subelements %abs3A_1182, 0 {pack_format = #tpu.pack_format<interleaved>} : vector<32xbf16> -> vector<16xf32>
        %unpack3A_1184 = tpu.unpack_subelements %abs3A_1182, 1 {pack_format = #tpu.pack_format<interleaved>} : vector<32xbf16> -> vector<16xf32>
        %add3A_1185 = arith.addf %add3A_1176, %unpack3A_1183 : vector<16xf32>
        %add3A_1186 = arith.addf %add3A_1185, %unpack3A_1184 : vector<16xf32>
        %reduce_sum3A_1187 = arith.constant true
        %reduce_sum3A_1188 = vector.broadcast %reduce_sum3A_1187 : i1 to vector<16xi1>
        %reduce_sum3A_1189 = tpu.scan <sum>, %add3A_1186 masked %reduce_sum3A_1188 : vector<16xf32>, vector<16xi1> -> vector<16xf32>
        %reduce_sum3A_1190 = vector.extract %reduce_sum3A_1189[15] : f32 from vector<16xf32>
        %broadcast_in_dim3A_1191 = arith.constant 0.000000e+00 : f32
        %broadcast_in_dim3A_1192 = vector.broadcast %broadcast_in_dim3A_1191 : f32 to vector<16xf32>
        %get3A_1193 = arith.index_cast %add3A_1150 : i32 to index
        %get3A_1194 = arith.constant 32 : index
        %get3A_1195 = tpu.vector_load %arg8[%get3A_1193, %get3A_1194] {strides = array<i32>} : memref<128x128xi32, #tpu.memory_space<vmem>>, vector<16xi32>,
        %bitcast3A_1196 = vector.bitcast %get3A_1195 : vector<16xi32> to vector<32xbf16>
        %sub3A_1197 = arith.subf %pack3A_1163, %bitcast3A_1196 : vector<32xbf16>
        %abs3A_1198 = math.absf %sub3A_1197 : vector<32xbf16>
        %unpack3A_1199 = tpu.unpack_subelements %abs3A_1198, 0 {pack_format = #tpu.pack_format<interleaved>} : vector<32xbf16> -> vector<16xf32>
        %unpack3A_1200 = tpu.unpack_subelements %abs3A_1198, 1 {pack_format = #tpu.pack_format<interleaved>} : vector<32xbf16> -> vector<16xf32>
        %add3A_1201 = arith.addf %broadcast_in_dim3A_1192, %unpack3A_1199 : vector<16xf32>
        %add3A_1202 = arith.addf %add3A_1201, %unpack3A_1200 : vector<16xf32>
        %get3A_1203 = arith.index_cast %add3A_1150 : i32 to index
        %get3A_1204 = arith.constant 48 : index
        %get3A_1205 = tpu.vector_load %arg8[%get3A_1203, %get3A_1204] {strides = array<i32>} : memref<128x128xi32, #tpu.memory_space<vmem>>, vector<16xi32>,
        %bitcast3A_1206 = vector.bitcast %get3A_1205 : vector<16xi32> to vector<32xbf16>
        %sub3A_1207 = arith.subf %pack3A_1164, %bitcast3A_1206 : vector<32xbf16>
        %abs3A_1208 = math.absf %sub3A_1207 : vector<32xbf16>
        %unpack3A_1209 = tpu.unpack_subelements %abs3A_1208, 0 {pack_format = #tpu.pack_format<interleaved>} : vector<32xbf16> -> vector<16xf32>
        %unpack3A_1210 = tpu.unpack_subelements %abs3A_1208, 1 {pack_format = #tpu.pack_format<interleaved>} : vector<32xbf16> -> vector<16xf32>
        %add3A_1211 = arith.addf %add3A_1202, %unpack3A_1209 : vector<16xf32>
        %add3A_1212 = arith.addf %add3A_1211, %unpack3A_1210 : vector<16xf32>
        %reduce_sum3A_1213 = arith.constant true
        %reduce_sum3A_1214 = vector.broadcast %reduce_sum3A_1213 : i1 to vector<16xi1>
        %reduce_sum3A_1215 = tpu.scan <sum>, %add3A_1212 masked %reduce_sum3A_1214 : vector<16xf32>, vector<16xi1> -> vector<16xf32>
        %reduce_sum3A_1216 = vector.extract %reduce_sum3A_1215[15] : f32 from vector<16xf32>
        %min3A_1217 = arith.minimumf %reduce_sum3A_1190, %reduce_sum3A_1216 : f32
        %broadcast_in_dim3A_1218 = arith.constant 0.000000e+00 : f32
        %broadcast_in_dim3A_1219 = vector.broadcast %broadcast_in_dim3A_1218 : f32 to vector<16xf32>
        %get3A_1220 = arith.index_cast %add3A_1150 : i32 to index
        %get3A_1221 = arith.constant 64 : index
        %get3A_1222 = tpu.vector_load %arg8[%get3A_1220, %get3A_1221] {strides = array<i32>} : memref<128x128xi32, #tpu.memory_space<vmem>>, vector<16xi32>,
        %bitcast3A_1223 = vector.bitcast %get3A_1222 : vector<16xi32> to vector<32xbf16>
        %sub3A_1224 = arith.subf %pack3A_1163, %bitcast3A_1223 : vector<32xbf16>
        %abs3A_1225 = math.absf %sub3A_1224 : vector<32xbf16>
        %unpack3A_1226 = tpu.unpack_subelements %abs3A_1225, 0 {pack_format = #tpu.pack_format<interleaved>} : vector<32xbf16> -> vector<16xf32>
        %unpack3A_1227 = tpu.unpack_subelements %abs3A_1225, 1 {pack_format = #tpu.pack_format<interleaved>} : vector<32xbf16> -> vector<16xf32>
        %add3A_1228 = arith.addf %broadcast_in_dim3A_1219, %unpack3A_1226 : vector<16xf32>
        %add3A_1229 = arith.addf %add3A_1228, %unpack3A_1227 : vector<16xf32>
        %get3A_1230 = arith.index_cast %add3A_1150 : i32 to index
        %get3A_1231 = arith.constant 80 : index
        %get3A_1232 = tpu.vector_load %arg8[%get3A_1230, %get3A_1231] {strides = array<i32>} : memref<128x128xi32, #tpu.memory_space<vmem>>, vector<16xi32>,
        %bitcast3A_1233 = vector.bitcast %get3A_1232 : vector<16xi32> to vector<32xbf16>
        %sub3A_1234 = arith.subf %pack3A_1164, %bitcast3A_1233 : vector<32xbf16>
        %abs3A_1235 = math.absf %sub3A_1234 : vector<32xbf16>
        %unpack3A_1236 = tpu.unpack_subelements %abs3A_1235, 0 {pack_format = #tpu.pack_format<interleaved>} : vector<32xbf16> -> vector<16xf32>
        %unpack3A_1237 = tpu.unpack_subelements %abs3A_1235, 1 {pack_format = #tpu.pack_format<interleaved>} : vector<32xbf16> -> vector<16xf32>
        %add3A_1238 = arith.addf %add3A_1229, %unpack3A_1236 : vector<16xf32>
        %add3A_1239 = arith.addf %add3A_1238, %unpack3A_1237 : vector<16xf32>
        %reduce_sum3A_1240 = arith.constant true
        %reduce_sum3A_1241 = vector.broadcast %reduce_sum3A_1240 : i1 to vector<16xi1>
        %reduce_sum3A_1242 = tpu.scan <sum>, %add3A_1239 masked %reduce_sum3A_1241 : vector<16xf32>, vector<16xi1> -> vector<16xf32>
        %reduce_sum3A_1243 = vector.extract %reduce_sum3A_1242[15] : f32 from vector<16xf32>
        %min3A_1244 = arith.minimumf %min3A_1217, %reduce_sum3A_1243 : f32
        %broadcast_in_dim3A_1245 = arith.constant 0.000000e+00 : f32
        %broadcast_in_dim3A_1246 = vector.broadcast %broadcast_in_dim3A_1245 : f32 to vector<16xf32>
        %get3A_1247 = arith.index_cast %add3A_1150 : i32 to index
        %get3A_1248 = arith.constant 96 : index
        %get3A_1249 = tpu.vector_load %arg8[%get3A_1247, %get3A_1248] {strides = array<i32>} : memref<128x128xi32, #tpu.memory_space<vmem>>, vector<16xi32>,
        %bitcast3A_1250 = vector.bitcast %get3A_1249 : vector<16xi32> to vector<32xbf16>
        %sub3A_1251 = arith.subf %pack3A_1163, %bitcast3A_1250 : vector<32xbf16>
        %abs3A_1252 = math.absf %sub3A_1251 : vector<32xbf16>
        %unpack3A_1253 = tpu.unpack_subelements %abs3A_1252, 0 {pack_format = #tpu.pack_format<interleaved>} : vector<32xbf16> -> vector<16xf32>
        %unpack3A_1254 = tpu.unpack_subelements %abs3A_1252, 1 {pack_format = #tpu.pack_format<interleaved>} : vector<32xbf16> -> vector<16xf32>
        %add3A_1255 = arith.addf %broadcast_in_dim3A_1246, %unpack3A_1253 : vector<16xf32>
        %add3A_1256 = arith.addf %add3A_1255, %unpack3A_1254 : vector<16xf32>
        %get3A_1257 = arith.index_cast %add3A_1150 : i32 to index
        %get3A_1258 = arith.constant 112 : index
        %get3A_1259 = tpu.vector_load %arg8[%get3A_1257, %get3A_1258] {strides = array<i32>} : memref<128x128xi32, #tpu.memory_space<vmem>>, vector<16xi32>,
        %bitcast3A_1260 = vector.bitcast %get3A_1259 : vector<16xi32> to vector<32xbf16>
        %sub3A_1261 = arith.subf %pack3A_1164, %bitcast3A_1260 : vector<32xbf16>
        %abs3A_1262 = math.absf %sub3A_1261 : vector<32xbf16>
        %unpack3A_1263 = tpu.unpack_subelements %abs3A_1262, 0 {pack_format = #tpu.pack_format<interleaved>} : vector<32xbf16> -> vector<16xf32>
        %unpack3A_1264 = tpu.unpack_subelements %abs3A_1262, 1 {pack_format = #tpu.pack_format<interleaved>} : vector<32xbf16> -> vector<16xf32>
        %add3A_1265 = arith.addf %add3A_1256, %unpack3A_1263 : vector<16xf32>
        %add3A_1266 = arith.addf %add3A_1265, %unpack3A_1264 : vector<16xf32>
        %reduce_sum3A_1267 = arith.constant true
        %reduce_sum3A_1268 = vector.broadcast %reduce_sum3A_1267 : i1 to vector<16xi1>
        %reduce_sum3A_1269 = tpu.scan <sum>, %add3A_1266 masked %reduce_sum3A_1268 : vector<16xf32>, vector<16xi1> -> vector<16xf32>
        %reduce_sum3A_1270 = vector.extract %reduce_sum3A_1269[15] : f32 from vector<16xf32>
        %min3A_1271 = arith.minimumf %min3A_1244, %reduce_sum3A_1270 : f32
        %mul3A_1272 = arith.constant 1.562500e-02 : f32
        %mul3A_1273 = arith.mulf %min3A_1271, %mul3A_1272 : f32
        %broadcast_in_dim3A_1274 = vector.broadcast %mul3A_1273 : f32 to vector<16xf32>
        %select_n3A_1275 = arith.select %eq3A_26, %broadcast_in_dim3A_1274, %select_n3A_1146 : vector<16xi1>, vector<16xf32>
        %mul3A_1276 = arith.constant 16 : i32
        %mul3A_1277 = arith.muli %scan3A_122, %mul3A_1276 : i32
        %add3A_1278 = arith.constant 9 : i32
        %add3A_1279 = arith.addi %mul3A_1277, %add3A_1278 : i32
        %get3A_1280 = arith.index_cast %add3A_1279 : i32 to index
        %get3A_1281 = arith.constant 0 : index
        %get3A_1282 = tpu.vector_load %arg10[%get3A_1280, %get3A_1281] {strides = array<i32>} : memref<128x64xf32, #tpu.memory_space<vmem>>, vector<16xf32>,
        %get3A_1283 = arith.index_cast %add3A_1279 : i32 to index
        %get3A_1284 = arith.constant 16 : index
        %get3A_1285 = tpu.vector_load %arg10[%get3A_1283, %get3A_1284] {strides = array<i32>} : memref<128x64xf32, #tpu.memory_space<vmem>>, vector<16xf32>,
        %get3A_1286 = arith.index_cast %add3A_1279 : i32 to index
        %get3A_1287 = arith.constant 32 : index
        %get3A_1288 = tpu.vector_load %arg10[%get3A_1286, %get3A_1287] {strides = array<i32>} : memref<128x64xf32, #tpu.memory_space<vmem>>, vector<16xf32>,
        %get3A_1289 = arith.index_cast %add3A_1279 : i32 to index
        %get3A_1290 = arith.constant 48 : index
        %get3A_1291 = tpu.vector_load %arg10[%get3A_1289, %get3A_1290] {strides = array<i32>} : memref<128x64xf32, #tpu.memory_space<vmem>>, vector<16xf32>,
        %pack3A_1292 = tpu.pack_subelements %get3A_1282, %get3A_1285 {pack_format = #tpu.pack_format<interleaved>, positions = array<i32: 0, 1>} : vector<16xf32>, vector<16xf32> -> vector<32xbf16>
        %pack3A_1293 = tpu.pack_subelements %get3A_1288, %get3A_1291 {pack_format = #tpu.pack_format<interleaved>, positions = array<i32: 0, 1>} : vector<16xf32>, vector<16xf32> -> vector<32xbf16>
        %broadcast_in_dim3A_1294 = arith.constant 0.000000e+00 : f32
        %broadcast_in_dim3A_1295 = vector.broadcast %broadcast_in_dim3A_1294 : f32 to vector<16xf32>
        %get3A_1296 = arith.index_cast %add3A_1279 : i32 to index
        %get3A_1297 = arith.constant 0 : index
        %get3A_1298 = tpu.vector_load %arg8[%get3A_1296, %get3A_1297] {strides = array<i32>} : memref<128x128xi32, #tpu.memory_space<vmem>>, vector<16xi32>,
        %bitcast3A_1299 = vector.bitcast %get3A_1298 : vector<16xi32> to vector<32xbf16>
        %sub3A_1300 = arith.subf %pack3A_1292, %bitcast3A_1299 : vector<32xbf16>
        %abs3A_1301 = math.absf %sub3A_1300 : vector<32xbf16>
        %unpack3A_1302 = tpu.unpack_subelements %abs3A_1301, 0 {pack_format = #tpu.pack_format<interleaved>} : vector<32xbf16> -> vector<16xf32>
        %unpack3A_1303 = tpu.unpack_subelements %abs3A_1301, 1 {pack_format = #tpu.pack_format<interleaved>} : vector<32xbf16> -> vector<16xf32>
        %add3A_1304 = arith.addf %broadcast_in_dim3A_1295, %unpack3A_1302 : vector<16xf32>
        %add3A_1305 = arith.addf %add3A_1304, %unpack3A_1303 : vector<16xf32>
        %get3A_1306 = arith.index_cast %add3A_1279 : i32 to index
        %get3A_1307 = arith.constant 16 : index
        %get3A_1308 = tpu.vector_load %arg8[%get3A_1306, %get3A_1307] {strides = array<i32>} : memref<128x128xi32, #tpu.memory_space<vmem>>, vector<16xi32>,
        %bitcast3A_1309 = vector.bitcast %get3A_1308 : vector<16xi32> to vector<32xbf16>
        %sub3A_1310 = arith.subf %pack3A_1293, %bitcast3A_1309 : vector<32xbf16>
        %abs3A_1311 = math.absf %sub3A_1310 : vector<32xbf16>
        %unpack3A_1312 = tpu.unpack_subelements %abs3A_1311, 0 {pack_format = #tpu.pack_format<interleaved>} : vector<32xbf16> -> vector<16xf32>
        %unpack3A_1313 = tpu.unpack_subelements %abs3A_1311, 1 {pack_format = #tpu.pack_format<interleaved>} : vector<32xbf16> -> vector<16xf32>
        %add3A_1314 = arith.addf %add3A_1305, %unpack3A_1312 : vector<16xf32>
        %add3A_1315 = arith.addf %add3A_1314, %unpack3A_1313 : vector<16xf32>
        %reduce_sum3A_1316 = arith.constant true
        %reduce_sum3A_1317 = vector.broadcast %reduce_sum3A_1316 : i1 to vector<16xi1>
        %reduce_sum3A_1318 = tpu.scan <sum>, %add3A_1315 masked %reduce_sum3A_1317 : vector<16xf32>, vector<16xi1> -> vector<16xf32>
        %reduce_sum3A_1319 = vector.extract %reduce_sum3A_1318[15] : f32 from vector<16xf32>
        %broadcast_in_dim3A_1320 = arith.constant 0.000000e+00 : f32
        %broadcast_in_dim3A_1321 = vector.broadcast %broadcast_in_dim3A_1320 : f32 to vector<16xf32>
        %get3A_1322 = arith.index_cast %add3A_1279 : i32 to index
        %get3A_1323 = arith.constant 32 : index
        %get3A_1324 = tpu.vector_load %arg8[%get3A_1322, %get3A_1323] {strides = array<i32>} : memref<128x128xi32, #tpu.memory_space<vmem>>, vector<16xi32>,
        %bitcast3A_1325 = vector.bitcast %get3A_1324 : vector<16xi32> to vector<32xbf16>
        %sub3A_1326 = arith.subf %pack3A_1292, %bitcast3A_1325 : vector<32xbf16>
        %abs3A_1327 = math.absf %sub3A_1326 : vector<32xbf16>
        %unpack3A_1328 = tpu.unpack_subelements %abs3A_1327, 0 {pack_format = #tpu.pack_format<interleaved>} : vector<32xbf16> -> vector<16xf32>
        %unpack3A_1329 = tpu.unpack_subelements %abs3A_1327, 1 {pack_format = #tpu.pack_format<interleaved>} : vector<32xbf16> -> vector<16xf32>
        %add3A_1330 = arith.addf %broadcast_in_dim3A_1321, %unpack3A_1328 : vector<16xf32>
        %add3A_1331 = arith.addf %add3A_1330, %unpack3A_1329 : vector<16xf32>
        %get3A_1332 = arith.index_cast %add3A_1279 : i32 to index
        %get3A_1333 = arith.constant 48 : index
        %get3A_1334 = tpu.vector_load %arg8[%get3A_1332, %get3A_1333] {strides = array<i32>} : memref<128x128xi32, #tpu.memory_space<vmem>>, vector<16xi32>,
        %bitcast3A_1335 = vector.bitcast %get3A_1334 : vector<16xi32> to vector<32xbf16>
        %sub3A_1336 = arith.subf %pack3A_1293, %bitcast3A_1335 : vector<32xbf16>
        %abs3A_1337 = math.absf %sub3A_1336 : vector<32xbf16>
        %unpack3A_1338 = tpu.unpack_subelements %abs3A_1337, 0 {pack_format = #tpu.pack_format<interleaved>} : vector<32xbf16> -> vector<16xf32>
        %unpack3A_1339 = tpu.unpack_subelements %abs3A_1337, 1 {pack_format = #tpu.pack_format<interleaved>} : vector<32xbf16> -> vector<16xf32>
        %add3A_1340 = arith.addf %add3A_1331, %unpack3A_1338 : vector<16xf32>
        %add3A_1341 = arith.addf %add3A_1340, %unpack3A_1339 : vector<16xf32>
        %reduce_sum3A_1342 = arith.constant true
        %reduce_sum3A_1343 = vector.broadcast %reduce_sum3A_1342 : i1 to vector<16xi1>
        %reduce_sum3A_1344 = tpu.scan <sum>, %add3A_1341 masked %reduce_sum3A_1343 : vector<16xf32>, vector<16xi1> -> vector<16xf32>
        %reduce_sum3A_1345 = vector.extract %reduce_sum3A_1344[15] : f32 from vector<16xf32>
        %min3A_1346 = arith.minimumf %reduce_sum3A_1319, %reduce_sum3A_1345 : f32
        %broadcast_in_dim3A_1347 = arith.constant 0.000000e+00 : f32
        %broadcast_in_dim3A_1348 = vector.broadcast %broadcast_in_dim3A_1347 : f32 to vector<16xf32>
        %get3A_1349 = arith.index_cast %add3A_1279 : i32 to index
        %get3A_1350 = arith.constant 64 : index
        %get3A_1351 = tpu.vector_load %arg8[%get3A_1349, %get3A_1350] {strides = array<i32>} : memref<128x128xi32, #tpu.memory_space<vmem>>, vector<16xi32>,
        %bitcast3A_1352 = vector.bitcast %get3A_1351 : vector<16xi32> to vector<32xbf16>
        %sub3A_1353 = arith.subf %pack3A_1292, %bitcast3A_1352 : vector<32xbf16>
        %abs3A_1354 = math.absf %sub3A_1353 : vector<32xbf16>
        %unpack3A_1355 = tpu.unpack_subelements %abs3A_1354, 0 {pack_format = #tpu.pack_format<interleaved>} : vector<32xbf16> -> vector<16xf32>
        %unpack3A_1356 = tpu.unpack_subelements %abs3A_1354, 1 {pack_format = #tpu.pack_format<interleaved>} : vector<32xbf16> -> vector<16xf32>
        %add3A_1357 = arith.addf %broadcast_in_dim3A_1348, %unpack3A_1355 : vector<16xf32>
        %add3A_1358 = arith.addf %add3A_1357, %unpack3A_1356 : vector<16xf32>
        %get3A_1359 = arith.index_cast %add3A_1279 : i32 to index
        %get3A_1360 = arith.constant 80 : index
        %get3A_1361 = tpu.vector_load %arg8[%get3A_1359, %get3A_1360] {strides = array<i32>} : memref<128x128xi32, #tpu.memory_space<vmem>>, vector<16xi32>,
        %bitcast3A_1362 = vector.bitcast %get3A_1361 : vector<16xi32> to vector<32xbf16>
        %sub3A_1363 = arith.subf %pack3A_1293, %bitcast3A_1362 : vector<32xbf16>
        %abs3A_1364 = math.absf %sub3A_1363 : vector<32xbf16>
        %unpack3A_1365 = tpu.unpack_subelements %abs3A_1364, 0 {pack_format = #tpu.pack_format<interleaved>} : vector<32xbf16> -> vector<16xf32>
        %unpack3A_1366 = tpu.unpack_subelements %abs3A_1364, 1 {pack_format = #tpu.pack_format<interleaved>} : vector<32xbf16> -> vector<16xf32>
        %add3A_1367 = arith.addf %add3A_1358, %unpack3A_1365 : vector<16xf32>
        %add3A_1368 = arith.addf %add3A_1367, %unpack3A_1366 : vector<16xf32>
        %reduce_sum3A_1369 = arith.constant true
        %reduce_sum3A_1370 = vector.broadcast %reduce_sum3A_1369 : i1 to vector<16xi1>
        %reduce_sum3A_1371 = tpu.scan <sum>, %add3A_1368 masked %reduce_sum3A_1370 : vector<16xf32>, vector<16xi1> -> vector<16xf32>
        %reduce_sum3A_1372 = vector.extract %reduce_sum3A_1371[15] : f32 from vector<16xf32>
        %min3A_1373 = arith.minimumf %min3A_1346, %reduce_sum3A_1372 : f32
        %broadcast_in_dim3A_1374 = arith.constant 0.000000e+00 : f32
        %broadcast_in_dim3A_1375 = vector.broadcast %broadcast_in_dim3A_1374 : f32 to vector<16xf32>
        %get3A_1376 = arith.index_cast %add3A_1279 : i32 to index
        %get3A_1377 = arith.constant 96 : index
        %get3A_1378 = tpu.vector_load %arg8[%get3A_1376, %get3A_1377] {strides = array<i32>} : memref<128x128xi32, #tpu.memory_space<vmem>>, vector<16xi32>,
        %bitcast3A_1379 = vector.bitcast %get3A_1378 : vector<16xi32> to vector<32xbf16>
        %sub3A_1380 = arith.subf %pack3A_1292, %bitcast3A_1379 : vector<32xbf16>
        %abs3A_1381 = math.absf %sub3A_1380 : vector<32xbf16>
        %unpack3A_1382 = tpu.unpack_subelements %abs3A_1381, 0 {pack_format = #tpu.pack_format<interleaved>} : vector<32xbf16> -> vector<16xf32>
        %unpack3A_1383 = tpu.unpack_subelements %abs3A_1381, 1 {pack_format = #tpu.pack_format<interleaved>} : vector<32xbf16> -> vector<16xf32>
        %add3A_1384 = arith.addf %broadcast_in_dim3A_1375, %unpack3A_1382 : vector<16xf32>
        %add3A_1385 = arith.addf %add3A_1384, %unpack3A_1383 : vector<16xf32>
        %get3A_1386 = arith.index_cast %add3A_1279 : i32 to index
        %get3A_1387 = arith.constant 112 : index
        %get3A_1388 = tpu.vector_load %arg8[%get3A_1386, %get3A_1387] {strides = array<i32>} : memref<128x128xi32, #tpu.memory_space<vmem>>, vector<16xi32>,
        %bitcast3A_1389 = vector.bitcast %get3A_1388 : vector<16xi32> to vector<32xbf16>
        %sub3A_1390 = arith.subf %pack3A_1293, %bitcast3A_1389 : vector<32xbf16>
        %abs3A_1391 = math.absf %sub3A_1390 : vector<32xbf16>
        %unpack3A_1392 = tpu.unpack_subelements %abs3A_1391, 0 {pack_format = #tpu.pack_format<interleaved>} : vector<32xbf16> -> vector<16xf32>
        %unpack3A_1393 = tpu.unpack_subelements %abs3A_1391, 1 {pack_format = #tpu.pack_format<interleaved>} : vector<32xbf16> -> vector<16xf32>
        %add3A_1394 = arith.addf %add3A_1385, %unpack3A_1392 : vector<16xf32>
        %add3A_1395 = arith.addf %add3A_1394, %unpack3A_1393 : vector<16xf32>
        %reduce_sum3A_1396 = arith.constant true
        %reduce_sum3A_1397 = vector.broadcast %reduce_sum3A_1396 : i1 to vector<16xi1>
        %reduce_sum3A_1398 = tpu.scan <sum>, %add3A_1395 masked %reduce_sum3A_1397 : vector<16xf32>, vector<16xi1> -> vector<16xf32>
        %reduce_sum3A_1399 = vector.extract %reduce_sum3A_1398[15] : f32 from vector<16xf32>
        %min3A_1400 = arith.minimumf %min3A_1373, %reduce_sum3A_1399 : f32
        %mul3A_1401 = arith.constant 1.562500e-02 : f32
        %mul3A_1402 = arith.mulf %min3A_1400, %mul3A_1401 : f32
        %broadcast_in_dim3A_1403 = vector.broadcast %mul3A_1402 : f32 to vector<16xf32>
        %select_n3A_1404 = arith.select %eq3A_29, %broadcast_in_dim3A_1403, %select_n3A_1275 : vector<16xi1>, vector<16xf32>
        %mul3A_1405 = arith.constant 16 : i32
        %mul3A_1406 = arith.muli %scan3A_122, %mul3A_1405 : i32
        %add3A_1407 = arith.constant 10 : i32
        %add3A_1408 = arith.addi %mul3A_1406, %add3A_1407 : i32
        %get3A_1409 = arith.index_cast %add3A_1408 : i32 to index
        %get3A_1410 = arith.constant 0 : index
        %get3A_1411 = tpu.vector_load %arg10[%get3A_1409, %get3A_1410] {strides = array<i32>} : memref<128x64xf32, #tpu.memory_space<vmem>>, vector<16xf32>,
        %get3A_1412 = arith.index_cast %add3A_1408 : i32 to index
        %get3A_1413 = arith.constant 16 : index
        %get3A_1414 = tpu.vector_load %arg10[%get3A_1412, %get3A_1413] {strides = array<i32>} : memref<128x64xf32, #tpu.memory_space<vmem>>, vector<16xf32>,
        %get3A_1415 = arith.index_cast %add3A_1408 : i32 to index
        %get3A_1416 = arith.constant 32 : index
        %get3A_1417 = tpu.vector_load %arg10[%get3A_1415, %get3A_1416] {strides = array<i32>} : memref<128x64xf32, #tpu.memory_space<vmem>>, vector<16xf32>,
        %get3A_1418 = arith.index_cast %add3A_1408 : i32 to index
        %get3A_1419 = arith.constant 48 : index
        %get3A_1420 = tpu.vector_load %arg10[%get3A_1418, %get3A_1419] {strides = array<i32>} : memref<128x64xf32, #tpu.memory_space<vmem>>, vector<16xf32>,
        %pack3A_1421 = tpu.pack_subelements %get3A_1411, %get3A_1414 {pack_format = #tpu.pack_format<interleaved>, positions = array<i32: 0, 1>} : vector<16xf32>, vector<16xf32> -> vector<32xbf16>
        %pack3A_1422 = tpu.pack_subelements %get3A_1417, %get3A_1420 {pack_format = #tpu.pack_format<interleaved>, positions = array<i32: 0, 1>} : vector<16xf32>, vector<16xf32> -> vector<32xbf16>
        %broadcast_in_dim3A_1423 = arith.constant 0.000000e+00 : f32
        %broadcast_in_dim3A_1424 = vector.broadcast %broadcast_in_dim3A_1423 : f32 to vector<16xf32>
        %get3A_1425 = arith.index_cast %add3A_1408 : i32 to index
        %get3A_1426 = arith.constant 0 : index
        %get3A_1427 = tpu.vector_load %arg8[%get3A_1425, %get3A_1426] {strides = array<i32>} : memref<128x128xi32, #tpu.memory_space<vmem>>, vector<16xi32>,
        %bitcast3A_1428 = vector.bitcast %get3A_1427 : vector<16xi32> to vector<32xbf16>
        %sub3A_1429 = arith.subf %pack3A_1421, %bitcast3A_1428 : vector<32xbf16>
        %abs3A_1430 = math.absf %sub3A_1429 : vector<32xbf16>
        %unpack3A_1431 = tpu.unpack_subelements %abs3A_1430, 0 {pack_format = #tpu.pack_format<interleaved>} : vector<32xbf16> -> vector<16xf32>
        %unpack3A_1432 = tpu.unpack_subelements %abs3A_1430, 1 {pack_format = #tpu.pack_format<interleaved>} : vector<32xbf16> -> vector<16xf32>
        %add3A_1433 = arith.addf %broadcast_in_dim3A_1424, %unpack3A_1431 : vector<16xf32>
        %add3A_1434 = arith.addf %add3A_1433, %unpack3A_1432 : vector<16xf32>
        %get3A_1435 = arith.index_cast %add3A_1408 : i32 to index
        %get3A_1436 = arith.constant 16 : index
        %get3A_1437 = tpu.vector_load %arg8[%get3A_1435, %get3A_1436] {strides = array<i32>} : memref<128x128xi32, #tpu.memory_space<vmem>>, vector<16xi32>,
        %bitcast3A_1438 = vector.bitcast %get3A_1437 : vector<16xi32> to vector<32xbf16>
        %sub3A_1439 = arith.subf %pack3A_1422, %bitcast3A_1438 : vector<32xbf16>
        %abs3A_1440 = math.absf %sub3A_1439 : vector<32xbf16>
        %unpack3A_1441 = tpu.unpack_subelements %abs3A_1440, 0 {pack_format = #tpu.pack_format<interleaved>} : vector<32xbf16> -> vector<16xf32>
        %unpack3A_1442 = tpu.unpack_subelements %abs3A_1440, 1 {pack_format = #tpu.pack_format<interleaved>} : vector<32xbf16> -> vector<16xf32>
        %add3A_1443 = arith.addf %add3A_1434, %unpack3A_1441 : vector<16xf32>
        %add3A_1444 = arith.addf %add3A_1443, %unpack3A_1442 : vector<16xf32>
        %reduce_sum3A_1445 = arith.constant true
        %reduce_sum3A_1446 = vector.broadcast %reduce_sum3A_1445 : i1 to vector<16xi1>
        %reduce_sum3A_1447 = tpu.scan <sum>, %add3A_1444 masked %reduce_sum3A_1446 : vector<16xf32>, vector<16xi1> -> vector<16xf32>
        %reduce_sum3A_1448 = vector.extract %reduce_sum3A_1447[15] : f32 from vector<16xf32>
        %broadcast_in_dim3A_1449 = arith.constant 0.000000e+00 : f32
        %broadcast_in_dim3A_1450 = vector.broadcast %broadcast_in_dim3A_1449 : f32 to vector<16xf32>
        %get3A_1451 = arith.index_cast %add3A_1408 : i32 to index
        %get3A_1452 = arith.constant 32 : index
        %get3A_1453 = tpu.vector_load %arg8[%get3A_1451, %get3A_1452] {strides = array<i32>} : memref<128x128xi32, #tpu.memory_space<vmem>>, vector<16xi32>,
        %bitcast3A_1454 = vector.bitcast %get3A_1453 : vector<16xi32> to vector<32xbf16>
        %sub3A_1455 = arith.subf %pack3A_1421, %bitcast3A_1454 : vector<32xbf16>
        %abs3A_1456 = math.absf %sub3A_1455 : vector<32xbf16>
        %unpack3A_1457 = tpu.unpack_subelements %abs3A_1456, 0 {pack_format = #tpu.pack_format<interleaved>} : vector<32xbf16> -> vector<16xf32>
        %unpack3A_1458 = tpu.unpack_subelements %abs3A_1456, 1 {pack_format = #tpu.pack_format<interleaved>} : vector<32xbf16> -> vector<16xf32>
        %add3A_1459 = arith.addf %broadcast_in_dim3A_1450, %unpack3A_1457 : vector<16xf32>
        %add3A_1460 = arith.addf %add3A_1459, %unpack3A_1458 : vector<16xf32>
        %get3A_1461 = arith.index_cast %add3A_1408 : i32 to index
        %get3A_1462 = arith.constant 48 : index
        %get3A_1463 = tpu.vector_load %arg8[%get3A_1461, %get3A_1462] {strides = array<i32>} : memref<128x128xi32, #tpu.memory_space<vmem>>, vector<16xi32>,
        %bitcast3A_1464 = vector.bitcast %get3A_1463 : vector<16xi32> to vector<32xbf16>
        %sub3A_1465 = arith.subf %pack3A_1422, %bitcast3A_1464 : vector<32xbf16>
        %abs3A_1466 = math.absf %sub3A_1465 : vector<32xbf16>
        %unpack3A_1467 = tpu.unpack_subelements %abs3A_1466, 0 {pack_format = #tpu.pack_format<interleaved>} : vector<32xbf16> -> vector<16xf32>
        %unpack3A_1468 = tpu.unpack_subelements %abs3A_1466, 1 {pack_format = #tpu.pack_format<interleaved>} : vector<32xbf16> -> vector<16xf32>
        %add3A_1469 = arith.addf %add3A_1460, %unpack3A_1467 : vector<16xf32>
        %add3A_1470 = arith.addf %add3A_1469, %unpack3A_1468 : vector<16xf32>
        %reduce_sum3A_1471 = arith.constant true
        %reduce_sum3A_1472 = vector.broadcast %reduce_sum3A_1471 : i1 to vector<16xi1>
        %reduce_sum3A_1473 = tpu.scan <sum>, %add3A_1470 masked %reduce_sum3A_1472 : vector<16xf32>, vector<16xi1> -> vector<16xf32>
        %reduce_sum3A_1474 = vector.extract %reduce_sum3A_1473[15] : f32 from vector<16xf32>
        %min3A_1475 = arith.minimumf %reduce_sum3A_1448, %reduce_sum3A_1474 : f32
        %broadcast_in_dim3A_1476 = arith.constant 0.000000e+00 : f32
        %broadcast_in_dim3A_1477 = vector.broadcast %broadcast_in_dim3A_1476 : f32 to vector<16xf32>
        %get3A_1478 = arith.index_cast %add3A_1408 : i32 to index
        %get3A_1479 = arith.constant 64 : index
        %get3A_1480 = tpu.vector_load %arg8[%get3A_1478, %get3A_1479] {strides = array<i32>} : memref<128x128xi32, #tpu.memory_space<vmem>>, vector<16xi32>,
        %bitcast3A_1481 = vector.bitcast %get3A_1480 : vector<16xi32> to vector<32xbf16>
        %sub3A_1482 = arith.subf %pack3A_1421, %bitcast3A_1481 : vector<32xbf16>
        %abs3A_1483 = math.absf %sub3A_1482 : vector<32xbf16>
        %unpack3A_1484 = tpu.unpack_subelements %abs3A_1483, 0 {pack_format = #tpu.pack_format<interleaved>} : vector<32xbf16> -> vector<16xf32>
        %unpack3A_1485 = tpu.unpack_subelements %abs3A_1483, 1 {pack_format = #tpu.pack_format<interleaved>} : vector<32xbf16> -> vector<16xf32>
        %add3A_1486 = arith.addf %broadcast_in_dim3A_1477, %unpack3A_1484 : vector<16xf32>
        %add3A_1487 = arith.addf %add3A_1486, %unpack3A_1485 : vector<16xf32>
        %get3A_1488 = arith.index_cast %add3A_1408 : i32 to index
        %get3A_1489 = arith.constant 80 : index
        %get3A_1490 = tpu.vector_load %arg8[%get3A_1488, %get3A_1489] {strides = array<i32>} : memref<128x128xi32, #tpu.memory_space<vmem>>, vector<16xi32>,
        %bitcast3A_1491 = vector.bitcast %get3A_1490 : vector<16xi32> to vector<32xbf16>
        %sub3A_1492 = arith.subf %pack3A_1422, %bitcast3A_1491 : vector<32xbf16>
        %abs3A_1493 = math.absf %sub3A_1492 : vector<32xbf16>
        %unpack3A_1494 = tpu.unpack_subelements %abs3A_1493, 0 {pack_format = #tpu.pack_format<interleaved>} : vector<32xbf16> -> vector<16xf32>
        %unpack3A_1495 = tpu.unpack_subelements %abs3A_1493, 1 {pack_format = #tpu.pack_format<interleaved>} : vector<32xbf16> -> vector<16xf32>
        %add3A_1496 = arith.addf %add3A_1487, %unpack3A_1494 : vector<16xf32>
        %add3A_1497 = arith.addf %add3A_1496, %unpack3A_1495 : vector<16xf32>
        %reduce_sum3A_1498 = arith.constant true
        %reduce_sum3A_1499 = vector.broadcast %reduce_sum3A_1498 : i1 to vector<16xi1>
        %reduce_sum3A_1500 = tpu.scan <sum>, %add3A_1497 masked %reduce_sum3A_1499 : vector<16xf32>, vector<16xi1> -> vector<16xf32>
        %reduce_sum3A_1501 = vector.extract %reduce_sum3A_1500[15] : f32 from vector<16xf32>
        %min3A_1502 = arith.minimumf %min3A_1475, %reduce_sum3A_1501 : f32
        %broadcast_in_dim3A_1503 = arith.constant 0.000000e+00 : f32
        %broadcast_in_dim3A_1504 = vector.broadcast %broadcast_in_dim3A_1503 : f32 to vector<16xf32>
        %get3A_1505 = arith.index_cast %add3A_1408 : i32 to index
        %get3A_1506 = arith.constant 96 : index
        %get3A_1507 = tpu.vector_load %arg8[%get3A_1505, %get3A_1506] {strides = array<i32>} : memref<128x128xi32, #tpu.memory_space<vmem>>, vector<16xi32>,
        %bitcast3A_1508 = vector.bitcast %get3A_1507 : vector<16xi32> to vector<32xbf16>
        %sub3A_1509 = arith.subf %pack3A_1421, %bitcast3A_1508 : vector<32xbf16>
        %abs3A_1510 = math.absf %sub3A_1509 : vector<32xbf16>
        %unpack3A_1511 = tpu.unpack_subelements %abs3A_1510, 0 {pack_format = #tpu.pack_format<interleaved>} : vector<32xbf16> -> vector<16xf32>
        %unpack3A_1512 = tpu.unpack_subelements %abs3A_1510, 1 {pack_format = #tpu.pack_format<interleaved>} : vector<32xbf16> -> vector<16xf32>
        %add3A_1513 = arith.addf %broadcast_in_dim3A_1504, %unpack3A_1511 : vector<16xf32>
        %add3A_1514 = arith.addf %add3A_1513, %unpack3A_1512 : vector<16xf32>
        %get3A_1515 = arith.index_cast %add3A_1408 : i32 to index
        %get3A_1516 = arith.constant 112 : index
        %get3A_1517 = tpu.vector_load %arg8[%get3A_1515, %get3A_1516] {strides = array<i32>} : memref<128x128xi32, #tpu.memory_space<vmem>>, vector<16xi32>,
        %bitcast3A_1518 = vector.bitcast %get3A_1517 : vector<16xi32> to vector<32xbf16>
        %sub3A_1519 = arith.subf %pack3A_1422, %bitcast3A_1518 : vector<32xbf16>
        %abs3A_1520 = math.absf %sub3A_1519 : vector<32xbf16>
        %unpack3A_1521 = tpu.unpack_subelements %abs3A_1520, 0 {pack_format = #tpu.pack_format<interleaved>} : vector<32xbf16> -> vector<16xf32>
        %unpack3A_1522 = tpu.unpack_subelements %abs3A_1520, 1 {pack_format = #tpu.pack_format<interleaved>} : vector<32xbf16> -> vector<16xf32>
        %add3A_1523 = arith.addf %add3A_1514, %unpack3A_1521 : vector<16xf32>
        %add3A_1524 = arith.addf %add3A_1523, %unpack3A_1522 : vector<16xf32>
        %reduce_sum3A_1525 = arith.constant true
        %reduce_sum3A_1526 = vector.broadcast %reduce_sum3A_1525 : i1 to vector<16xi1>
        %reduce_sum3A_1527 = tpu.scan <sum>, %add3A_1524 masked %reduce_sum3A_1526 : vector<16xf32>, vector<16xi1> -> vector<16xf32>
        %reduce_sum3A_1528 = vector.extract %reduce_sum3A_1527[15] : f32 from vector<16xf32>
        %min3A_1529 = arith.minimumf %min3A_1502, %reduce_sum3A_1528 : f32
        %mul3A_1530 = arith.constant 1.562500e-02 : f32
        %mul3A_1531 = arith.mulf %min3A_1529, %mul3A_1530 : f32
        %broadcast_in_dim3A_1532 = vector.broadcast %mul3A_1531 : f32 to vector<16xf32>
        %select_n3A_1533 = arith.select %eq3A_32, %broadcast_in_dim3A_1532, %select_n3A_1404 : vector<16xi1>, vector<16xf32>
        %mul3A_1534 = arith.constant 16 : i32
        %mul3A_1535 = arith.muli %scan3A_122, %mul3A_1534 : i32
        %add3A_1536 = arith.constant 11 : i32
        %add3A_1537 = arith.addi %mul3A_1535, %add3A_1536 : i32
        %get3A_1538 = arith.index_cast %add3A_1537 : i32 to index
        %get3A_1539 = arith.constant 0 : index
        %get3A_1540 = tpu.vector_load %arg10[%get3A_1538, %get3A_1539] {strides = array<i32>} : memref<128x64xf32, #tpu.memory_space<vmem>>, vector<16xf32>,
        %get3A_1541 = arith.index_cast %add3A_1537 : i32 to index
        %get3A_1542 = arith.constant 16 : index
        %get3A_1543 = tpu.vector_load %arg10[%get3A_1541, %get3A_1542] {strides = array<i32>} : memref<128x64xf32, #tpu.memory_space<vmem>>, vector<16xf32>,
        %get3A_1544 = arith.index_cast %add3A_1537 : i32 to index
        %get3A_1545 = arith.constant 32 : index
        %get3A_1546 = tpu.vector_load %arg10[%get3A_1544, %get3A_1545] {strides = array<i32>} : memref<128x64xf32, #tpu.memory_space<vmem>>, vector<16xf32>,
        %get3A_1547 = arith.index_cast %add3A_1537 : i32 to index
        %get3A_1548 = arith.constant 48 : index
        %get3A_1549 = tpu.vector_load %arg10[%get3A_1547, %get3A_1548] {strides = array<i32>} : memref<128x64xf32, #tpu.memory_space<vmem>>, vector<16xf32>,
        %pack3A_1550 = tpu.pack_subelements %get3A_1540, %get3A_1543 {pack_format = #tpu.pack_format<interleaved>, positions = array<i32: 0, 1>} : vector<16xf32>, vector<16xf32> -> vector<32xbf16>
        %pack3A_1551 = tpu.pack_subelements %get3A_1546, %get3A_1549 {pack_format = #tpu.pack_format<interleaved>, positions = array<i32: 0, 1>} : vector<16xf32>, vector<16xf32> -> vector<32xbf16>
        %broadcast_in_dim3A_1552 = arith.constant 0.000000e+00 : f32
        %broadcast_in_dim3A_1553 = vector.broadcast %broadcast_in_dim3A_1552 : f32 to vector<16xf32>
        %get3A_1554 = arith.index_cast %add3A_1537 : i32 to index
        %get3A_1555 = arith.constant 0 : index
        %get3A_1556 = tpu.vector_load %arg8[%get3A_1554, %get3A_1555] {strides = array<i32>} : memref<128x128xi32, #tpu.memory_space<vmem>>, vector<16xi32>,
        %bitcast3A_1557 = vector.bitcast %get3A_1556 : vector<16xi32> to vector<32xbf16>
        %sub3A_1558 = arith.subf %pack3A_1550, %bitcast3A_1557 : vector<32xbf16>
        %abs3A_1559 = math.absf %sub3A_1558 : vector<32xbf16>
        %unpack3A_1560 = tpu.unpack_subelements %abs3A_1559, 0 {pack_format = #tpu.pack_format<interleaved>} : vector<32xbf16> -> vector<16xf32>
        %unpack3A_1561 = tpu.unpack_subelements %abs3A_1559, 1 {pack_format = #tpu.pack_format<interleaved>} : vector<32xbf16> -> vector<16xf32>
        %add3A_1562 = arith.addf %broadcast_in_dim3A_1553, %unpack3A_1560 : vector<16xf32>
        %add3A_1563 = arith.addf %add3A_1562, %unpack3A_1561 : vector<16xf32>
        %get3A_1564 = arith.index_cast %add3A_1537 : i32 to index
        %get3A_1565 = arith.constant 16 : index
        %get3A_1566 = tpu.vector_load %arg8[%get3A_1564, %get3A_1565] {strides = array<i32>} : memref<128x128xi32, #tpu.memory_space<vmem>>, vector<16xi32>,
        %bitcast3A_1567 = vector.bitcast %get3A_1566 : vector<16xi32> to vector<32xbf16>
        %sub3A_1568 = arith.subf %pack3A_1551, %bitcast3A_1567 : vector<32xbf16>
        %abs3A_1569 = math.absf %sub3A_1568 : vector<32xbf16>
        %unpack3A_1570 = tpu.unpack_subelements %abs3A_1569, 0 {pack_format = #tpu.pack_format<interleaved>} : vector<32xbf16> -> vector<16xf32>
        %unpack3A_1571 = tpu.unpack_subelements %abs3A_1569, 1 {pack_format = #tpu.pack_format<interleaved>} : vector<32xbf16> -> vector<16xf32>
        %add3A_1572 = arith.addf %add3A_1563, %unpack3A_1570 : vector<16xf32>
        %add3A_1573 = arith.addf %add3A_1572, %unpack3A_1571 : vector<16xf32>
        %reduce_sum3A_1574 = arith.constant true
        %reduce_sum3A_1575 = vector.broadcast %reduce_sum3A_1574 : i1 to vector<16xi1>
        %reduce_sum3A_1576 = tpu.scan <sum>, %add3A_1573 masked %reduce_sum3A_1575 : vector<16xf32>, vector<16xi1> -> vector<16xf32>
        %reduce_sum3A_1577 = vector.extract %reduce_sum3A_1576[15] : f32 from vector<16xf32>
        %broadcast_in_dim3A_1578 = arith.constant 0.000000e+00 : f32
        %broadcast_in_dim3A_1579 = vector.broadcast %broadcast_in_dim3A_1578 : f32 to vector<16xf32>
        %get3A_1580 = arith.index_cast %add3A_1537 : i32 to index
        %get3A_1581 = arith.constant 32 : index
        %get3A_1582 = tpu.vector_load %arg8[%get3A_1580, %get3A_1581] {strides = array<i32>} : memref<128x128xi32, #tpu.memory_space<vmem>>, vector<16xi32>,
        %bitcast3A_1583 = vector.bitcast %get3A_1582 : vector<16xi32> to vector<32xbf16>
        %sub3A_1584 = arith.subf %pack3A_1550, %bitcast3A_1583 : vector<32xbf16>
        %abs3A_1585 = math.absf %sub3A_1584 : vector<32xbf16>
        %unpack3A_1586 = tpu.unpack_subelements %abs3A_1585, 0 {pack_format = #tpu.pack_format<interleaved>} : vector<32xbf16> -> vector<16xf32>
        %unpack3A_1587 = tpu.unpack_subelements %abs3A_1585, 1 {pack_format = #tpu.pack_format<interleaved>} : vector<32xbf16> -> vector<16xf32>
        %add3A_1588 = arith.addf %broadcast_in_dim3A_1579, %unpack3A_1586 : vector<16xf32>
        %add3A_1589 = arith.addf %add3A_1588, %unpack3A_1587 : vector<16xf32>
        %get3A_1590 = arith.index_cast %add3A_1537 : i32 to index
        %get3A_1591 = arith.constant 48 : index
        %get3A_1592 = tpu.vector_load %arg8[%get3A_1590, %get3A_1591] {strides = array<i32>} : memref<128x128xi32, #tpu.memory_space<vmem>>, vector<16xi32>,
        %bitcast3A_1593 = vector.bitcast %get3A_1592 : vector<16xi32> to vector<32xbf16>
        %sub3A_1594 = arith.subf %pack3A_1551, %bitcast3A_1593 : vector<32xbf16>
        %abs3A_1595 = math.absf %sub3A_1594 : vector<32xbf16>
        %unpack3A_1596 = tpu.unpack_subelements %abs3A_1595, 0 {pack_format = #tpu.pack_format<interleaved>} : vector<32xbf16> -> vector<16xf32>
        %unpack3A_1597 = tpu.unpack_subelements %abs3A_1595, 1 {pack_format = #tpu.pack_format<interleaved>} : vector<32xbf16> -> vector<16xf32>
        %add3A_1598 = arith.addf %add3A_1589, %unpack3A_1596 : vector<16xf32>
        %add3A_1599 = arith.addf %add3A_1598, %unpack3A_1597 : vector<16xf32>
        %reduce_sum3A_1600 = arith.constant true
        %reduce_sum3A_1601 = vector.broadcast %reduce_sum3A_1600 : i1 to vector<16xi1>
        %reduce_sum3A_1602 = tpu.scan <sum>, %add3A_1599 masked %reduce_sum3A_1601 : vector<16xf32>, vector<16xi1> -> vector<16xf32>
        %reduce_sum3A_1603 = vector.extract %reduce_sum3A_1602[15] : f32 from vector<16xf32>
        %min3A_1604 = arith.minimumf %reduce_sum3A_1577, %reduce_sum3A_1603 : f32
        %broadcast_in_dim3A_1605 = arith.constant 0.000000e+00 : f32
        %broadcast_in_dim3A_1606 = vector.broadcast %broadcast_in_dim3A_1605 : f32 to vector<16xf32>
        %get3A_1607 = arith.index_cast %add3A_1537 : i32 to index
        %get3A_1608 = arith.constant 64 : index
        %get3A_1609 = tpu.vector_load %arg8[%get3A_1607, %get3A_1608] {strides = array<i32>} : memref<128x128xi32, #tpu.memory_space<vmem>>, vector<16xi32>,
        %bitcast3A_1610 = vector.bitcast %get3A_1609 : vector<16xi32> to vector<32xbf16>
        %sub3A_1611 = arith.subf %pack3A_1550, %bitcast3A_1610 : vector<32xbf16>
        %abs3A_1612 = math.absf %sub3A_1611 : vector<32xbf16>
        %unpack3A_1613 = tpu.unpack_subelements %abs3A_1612, 0 {pack_format = #tpu.pack_format<interleaved>} : vector<32xbf16> -> vector<16xf32>
        %unpack3A_1614 = tpu.unpack_subelements %abs3A_1612, 1 {pack_format = #tpu.pack_format<interleaved>} : vector<32xbf16> -> vector<16xf32>
        %add3A_1615 = arith.addf %broadcast_in_dim3A_1606, %unpack3A_1613 : vector<16xf32>
        %add3A_1616 = arith.addf %add3A_1615, %unpack3A_1614 : vector<16xf32>
        %get3A_1617 = arith.index_cast %add3A_1537 : i32 to index
        %get3A_1618 = arith.constant 80 : index
        %get3A_1619 = tpu.vector_load %arg8[%get3A_1617, %get3A_1618] {strides = array<i32>} : memref<128x128xi32, #tpu.memory_space<vmem>>, vector<16xi32>,
        %bitcast3A_1620 = vector.bitcast %get3A_1619 : vector<16xi32> to vector<32xbf16>
        %sub3A_1621 = arith.subf %pack3A_1551, %bitcast3A_1620 : vector<32xbf16>
        %abs3A_1622 = math.absf %sub3A_1621 : vector<32xbf16>
        %unpack3A_1623 = tpu.unpack_subelements %abs3A_1622, 0 {pack_format = #tpu.pack_format<interleaved>} : vector<32xbf16> -> vector<16xf32>
        %unpack3A_1624 = tpu.unpack_subelements %abs3A_1622, 1 {pack_format = #tpu.pack_format<interleaved>} : vector<32xbf16> -> vector<16xf32>
        %add3A_1625 = arith.addf %add3A_1616, %unpack3A_1623 : vector<16xf32>
        %add3A_1626 = arith.addf %add3A_1625, %unpack3A_1624 : vector<16xf32>
        %reduce_sum3A_1627 = arith.constant true
        %reduce_sum3A_1628 = vector.broadcast %reduce_sum3A_1627 : i1 to vector<16xi1>
        %reduce_sum3A_1629 = tpu.scan <sum>, %add3A_1626 masked %reduce_sum3A_1628 : vector<16xf32>, vector<16xi1> -> vector<16xf32>
        %reduce_sum3A_1630 = vector.extract %reduce_sum3A_1629[15] : f32 from vector<16xf32>
        %min3A_1631 = arith.minimumf %min3A_1604, %reduce_sum3A_1630 : f32
        %broadcast_in_dim3A_1632 = arith.constant 0.000000e+00 : f32
        %broadcast_in_dim3A_1633 = vector.broadcast %broadcast_in_dim3A_1632 : f32 to vector<16xf32>
        %get3A_1634 = arith.index_cast %add3A_1537 : i32 to index
        %get3A_1635 = arith.constant 96 : index
        %get3A_1636 = tpu.vector_load %arg8[%get3A_1634, %get3A_1635] {strides = array<i32>} : memref<128x128xi32, #tpu.memory_space<vmem>>, vector<16xi32>,
        %bitcast3A_1637 = vector.bitcast %get3A_1636 : vector<16xi32> to vector<32xbf16>
        %sub3A_1638 = arith.subf %pack3A_1550, %bitcast3A_1637 : vector<32xbf16>
        %abs3A_1639 = math.absf %sub3A_1638 : vector<32xbf16>
        %unpack3A_1640 = tpu.unpack_subelements %abs3A_1639, 0 {pack_format = #tpu.pack_format<interleaved>} : vector<32xbf16> -> vector<16xf32>
        %unpack3A_1641 = tpu.unpack_subelements %abs3A_1639, 1 {pack_format = #tpu.pack_format<interleaved>} : vector<32xbf16> -> vector<16xf32>
        %add3A_1642 = arith.addf %broadcast_in_dim3A_1633, %unpack3A_1640 : vector<16xf32>
        %add3A_1643 = arith.addf %add3A_1642, %unpack3A_1641 : vector<16xf32>
        %get3A_1644 = arith.index_cast %add3A_1537 : i32 to index
        %get3A_1645 = arith.constant 112 : index
        %get3A_1646 = tpu.vector_load %arg8[%get3A_1644, %get3A_1645] {strides = array<i32>} : memref<128x128xi32, #tpu.memory_space<vmem>>, vector<16xi32>,
        %bitcast3A_1647 = vector.bitcast %get3A_1646 : vector<16xi32> to vector<32xbf16>
        %sub3A_1648 = arith.subf %pack3A_1551, %bitcast3A_1647 : vector<32xbf16>
        %abs3A_1649 = math.absf %sub3A_1648 : vector<32xbf16>
        %unpack3A_1650 = tpu.unpack_subelements %abs3A_1649, 0 {pack_format = #tpu.pack_format<interleaved>} : vector<32xbf16> -> vector<16xf32>
        %unpack3A_1651 = tpu.unpack_subelements %abs3A_1649, 1 {pack_format = #tpu.pack_format<interleaved>} : vector<32xbf16> -> vector<16xf32>
        %add3A_1652 = arith.addf %add3A_1643, %unpack3A_1650 : vector<16xf32>
        %add3A_1653 = arith.addf %add3A_1652, %unpack3A_1651 : vector<16xf32>
        %reduce_sum3A_1654 = arith.constant true
        %reduce_sum3A_1655 = vector.broadcast %reduce_sum3A_1654 : i1 to vector<16xi1>
        %reduce_sum3A_1656 = tpu.scan <sum>, %add3A_1653 masked %reduce_sum3A_1655 : vector<16xf32>, vector<16xi1> -> vector<16xf32>
        %reduce_sum3A_1657 = vector.extract %reduce_sum3A_1656[15] : f32 from vector<16xf32>
        %min3A_1658 = arith.minimumf %min3A_1631, %reduce_sum3A_1657 : f32
        %mul3A_1659 = arith.constant 1.562500e-02 : f32
        %mul3A_1660 = arith.mulf %min3A_1658, %mul3A_1659 : f32
        %broadcast_in_dim3A_1661 = vector.broadcast %mul3A_1660 : f32 to vector<16xf32>
        %select_n3A_1662 = arith.select %eq3A_35, %broadcast_in_dim3A_1661, %select_n3A_1533 : vector<16xi1>, vector<16xf32>
        %mul3A_1663 = arith.constant 16 : i32
        %mul3A_1664 = arith.muli %scan3A_122, %mul3A_1663 : i32
        %add3A_1665 = arith.constant 12 : i32
        %add3A_1666 = arith.addi %mul3A_1664, %add3A_1665 : i32
        %get3A_1667 = arith.index_cast %add3A_1666 : i32 to index
        %get3A_1668 = arith.constant 0 : index
        %get3A_1669 = tpu.vector_load %arg10[%get3A_1667, %get3A_1668] {strides = array<i32>} : memref<128x64xf32, #tpu.memory_space<vmem>>, vector<16xf32>,
        %get3A_1670 = arith.index_cast %add3A_1666 : i32 to index
        %get3A_1671 = arith.constant 16 : index
        %get3A_1672 = tpu.vector_load %arg10[%get3A_1670, %get3A_1671] {strides = array<i32>} : memref<128x64xf32, #tpu.memory_space<vmem>>, vector<16xf32>,
        %get3A_1673 = arith.index_cast %add3A_1666 : i32 to index
        %get3A_1674 = arith.constant 32 : index
        %get3A_1675 = tpu.vector_load %arg10[%get3A_1673, %get3A_1674] {strides = array<i32>} : memref<128x64xf32, #tpu.memory_space<vmem>>, vector<16xf32>,
        %get3A_1676 = arith.index_cast %add3A_1666 : i32 to index
        %get3A_1677 = arith.constant 48 : index
        %get3A_1678 = tpu.vector_load %arg10[%get3A_1676, %get3A_1677] {strides = array<i32>} : memref<128x64xf32, #tpu.memory_space<vmem>>, vector<16xf32>,
        %pack3A_1679 = tpu.pack_subelements %get3A_1669, %get3A_1672 {pack_format = #tpu.pack_format<interleaved>, positions = array<i32: 0, 1>} : vector<16xf32>, vector<16xf32> -> vector<32xbf16>
        %pack3A_1680 = tpu.pack_subelements %get3A_1675, %get3A_1678 {pack_format = #tpu.pack_format<interleaved>, positions = array<i32: 0, 1>} : vector<16xf32>, vector<16xf32> -> vector<32xbf16>
        %broadcast_in_dim3A_1681 = arith.constant 0.000000e+00 : f32
        %broadcast_in_dim3A_1682 = vector.broadcast %broadcast_in_dim3A_1681 : f32 to vector<16xf32>
        %get3A_1683 = arith.index_cast %add3A_1666 : i32 to index
        %get3A_1684 = arith.constant 0 : index
        %get3A_1685 = tpu.vector_load %arg8[%get3A_1683, %get3A_1684] {strides = array<i32>} : memref<128x128xi32, #tpu.memory_space<vmem>>, vector<16xi32>,
        %bitcast3A_1686 = vector.bitcast %get3A_1685 : vector<16xi32> to vector<32xbf16>
        %sub3A_1687 = arith.subf %pack3A_1679, %bitcast3A_1686 : vector<32xbf16>
        %abs3A_1688 = math.absf %sub3A_1687 : vector<32xbf16>
        %unpack3A_1689 = tpu.unpack_subelements %abs3A_1688, 0 {pack_format = #tpu.pack_format<interleaved>} : vector<32xbf16> -> vector<16xf32>
        %unpack3A_1690 = tpu.unpack_subelements %abs3A_1688, 1 {pack_format = #tpu.pack_format<interleaved>} : vector<32xbf16> -> vector<16xf32>
        %add3A_1691 = arith.addf %broadcast_in_dim3A_1682, %unpack3A_1689 : vector<16xf32>
        %add3A_1692 = arith.addf %add3A_1691, %unpack3A_1690 : vector<16xf32>
        %get3A_1693 = arith.index_cast %add3A_1666 : i32 to index
        %get3A_1694 = arith.constant 16 : index
        %get3A_1695 = tpu.vector_load %arg8[%get3A_1693, %get3A_1694] {strides = array<i32>} : memref<128x128xi32, #tpu.memory_space<vmem>>, vector<16xi32>,
        %bitcast3A_1696 = vector.bitcast %get3A_1695 : vector<16xi32> to vector<32xbf16>
        %sub3A_1697 = arith.subf %pack3A_1680, %bitcast3A_1696 : vector<32xbf16>
        %abs3A_1698 = math.absf %sub3A_1697 : vector<32xbf16>
        %unpack3A_1699 = tpu.unpack_subelements %abs3A_1698, 0 {pack_format = #tpu.pack_format<interleaved>} : vector<32xbf16> -> vector<16xf32>
        %unpack3A_1700 = tpu.unpack_subelements %abs3A_1698, 1 {pack_format = #tpu.pack_format<interleaved>} : vector<32xbf16> -> vector<16xf32>
        %add3A_1701 = arith.addf %add3A_1692, %unpack3A_1699 : vector<16xf32>
        %add3A_1702 = arith.addf %add3A_1701, %unpack3A_1700 : vector<16xf32>
        %reduce_sum3A_1703 = arith.constant true
        %reduce_sum3A_1704 = vector.broadcast %reduce_sum3A_1703 : i1 to vector<16xi1>
        %reduce_sum3A_1705 = tpu.scan <sum>, %add3A_1702 masked %reduce_sum3A_1704 : vector<16xf32>, vector<16xi1> -> vector<16xf32>
        %reduce_sum3A_1706 = vector.extract %reduce_sum3A_1705[15] : f32 from vector<16xf32>
        %broadcast_in_dim3A_1707 = arith.constant 0.000000e+00 : f32
        %broadcast_in_dim3A_1708 = vector.broadcast %broadcast_in_dim3A_1707 : f32 to vector<16xf32>
        %get3A_1709 = arith.index_cast %add3A_1666 : i32 to index
        %get3A_1710 = arith.constant 32 : index
        %get3A_1711 = tpu.vector_load %arg8[%get3A_1709, %get3A_1710] {strides = array<i32>} : memref<128x128xi32, #tpu.memory_space<vmem>>, vector<16xi32>,
        %bitcast3A_1712 = vector.bitcast %get3A_1711 : vector<16xi32> to vector<32xbf16>
        %sub3A_1713 = arith.subf %pack3A_1679, %bitcast3A_1712 : vector<32xbf16>
        %abs3A_1714 = math.absf %sub3A_1713 : vector<32xbf16>
        %unpack3A_1715 = tpu.unpack_subelements %abs3A_1714, 0 {pack_format = #tpu.pack_format<interleaved>} : vector<32xbf16> -> vector<16xf32>
        %unpack3A_1716 = tpu.unpack_subelements %abs3A_1714, 1 {pack_format = #tpu.pack_format<interleaved>} : vector<32xbf16> -> vector<16xf32>
        %add3A_1717 = arith.addf %broadcast_in_dim3A_1708, %unpack3A_1715 : vector<16xf32>
        %add3A_1718 = arith.addf %add3A_1717, %unpack3A_1716 : vector<16xf32>
        %get3A_1719 = arith.index_cast %add3A_1666 : i32 to index
        %get3A_1720 = arith.constant 48 : index
        %get3A_1721 = tpu.vector_load %arg8[%get3A_1719, %get3A_1720] {strides = array<i32>} : memref<128x128xi32, #tpu.memory_space<vmem>>, vector<16xi32>,
        %bitcast3A_1722 = vector.bitcast %get3A_1721 : vector<16xi32> to vector<32xbf16>
        %sub3A_1723 = arith.subf %pack3A_1680, %bitcast3A_1722 : vector<32xbf16>
        %abs3A_1724 = math.absf %sub3A_1723 : vector<32xbf16>
        %unpack3A_1725 = tpu.unpack_subelements %abs3A_1724, 0 {pack_format = #tpu.pack_format<interleaved>} : vector<32xbf16> -> vector<16xf32>
        %unpack3A_1726 = tpu.unpack_subelements %abs3A_1724, 1 {pack_format = #tpu.pack_format<interleaved>} : vector<32xbf16> -> vector<16xf32>
        %add3A_1727 = arith.addf %add3A_1718, %unpack3A_1725 : vector<16xf32>
        %add3A_1728 = arith.addf %add3A_1727, %unpack3A_1726 : vector<16xf32>
        %reduce_sum3A_1729 = arith.constant true
        %reduce_sum3A_1730 = vector.broadcast %reduce_sum3A_1729 : i1 to vector<16xi1>
        %reduce_sum3A_1731 = tpu.scan <sum>, %add3A_1728 masked %reduce_sum3A_1730 : vector<16xf32>, vector<16xi1> -> vector<16xf32>
        %reduce_sum3A_1732 = vector.extract %reduce_sum3A_1731[15] : f32 from vector<16xf32>
        %min3A_1733 = arith.minimumf %reduce_sum3A_1706, %reduce_sum3A_1732 : f32
        %broadcast_in_dim3A_1734 = arith.constant 0.000000e+00 : f32
        %broadcast_in_dim3A_1735 = vector.broadcast %broadcast_in_dim3A_1734 : f32 to vector<16xf32>
        %get3A_1736 = arith.index_cast %add3A_1666 : i32 to index
        %get3A_1737 = arith.constant 64 : index
        %get3A_1738 = tpu.vector_load %arg8[%get3A_1736, %get3A_1737] {strides = array<i32>} : memref<128x128xi32, #tpu.memory_space<vmem>>, vector<16xi32>,
        %bitcast3A_1739 = vector.bitcast %get3A_1738 : vector<16xi32> to vector<32xbf16>
        %sub3A_1740 = arith.subf %pack3A_1679, %bitcast3A_1739 : vector<32xbf16>
        %abs3A_1741 = math.absf %sub3A_1740 : vector<32xbf16>
        %unpack3A_1742 = tpu.unpack_subelements %abs3A_1741, 0 {pack_format = #tpu.pack_format<interleaved>} : vector<32xbf16> -> vector<16xf32>
        %unpack3A_1743 = tpu.unpack_subelements %abs3A_1741, 1 {pack_format = #tpu.pack_format<interleaved>} : vector<32xbf16> -> vector<16xf32>
        %add3A_1744 = arith.addf %broadcast_in_dim3A_1735, %unpack3A_1742 : vector<16xf32>
        %add3A_1745 = arith.addf %add3A_1744, %unpack3A_1743 : vector<16xf32>
        %get3A_1746 = arith.index_cast %add3A_1666 : i32 to index
        %get3A_1747 = arith.constant 80 : index
        %get3A_1748 = tpu.vector_load %arg8[%get3A_1746, %get3A_1747] {strides = array<i32>} : memref<128x128xi32, #tpu.memory_space<vmem>>, vector<16xi32>,
        %bitcast3A_1749 = vector.bitcast %get3A_1748 : vector<16xi32> to vector<32xbf16>
        %sub3A_1750 = arith.subf %pack3A_1680, %bitcast3A_1749 : vector<32xbf16>
        %abs3A_1751 = math.absf %sub3A_1750 : vector<32xbf16>
        %unpack3A_1752 = tpu.unpack_subelements %abs3A_1751, 0 {pack_format = #tpu.pack_format<interleaved>} : vector<32xbf16> -> vector<16xf32>
        %unpack3A_1753 = tpu.unpack_subelements %abs3A_1751, 1 {pack_format = #tpu.pack_format<interleaved>} : vector<32xbf16> -> vector<16xf32>
        %add3A_1754 = arith.addf %add3A_1745, %unpack3A_1752 : vector<16xf32>
        %add3A_1755 = arith.addf %add3A_1754, %unpack3A_1753 : vector<16xf32>
        %reduce_sum3A_1756 = arith.constant true
        %reduce_sum3A_1757 = vector.broadcast %reduce_sum3A_1756 : i1 to vector<16xi1>
        %reduce_sum3A_1758 = tpu.scan <sum>, %add3A_1755 masked %reduce_sum3A_1757 : vector<16xf32>, vector<16xi1> -> vector<16xf32>
        %reduce_sum3A_1759 = vector.extract %reduce_sum3A_1758[15] : f32 from vector<16xf32>
        %min3A_1760 = arith.minimumf %min3A_1733, %reduce_sum3A_1759 : f32
        %broadcast_in_dim3A_1761 = arith.constant 0.000000e+00 : f32
        %broadcast_in_dim3A_1762 = vector.broadcast %broadcast_in_dim3A_1761 : f32 to vector<16xf32>
        %get3A_1763 = arith.index_cast %add3A_1666 : i32 to index
        %get3A_1764 = arith.constant 96 : index
        %get3A_1765 = tpu.vector_load %arg8[%get3A_1763, %get3A_1764] {strides = array<i32>} : memref<128x128xi32, #tpu.memory_space<vmem>>, vector<16xi32>,
        %bitcast3A_1766 = vector.bitcast %get3A_1765 : vector<16xi32> to vector<32xbf16>
        %sub3A_1767 = arith.subf %pack3A_1679, %bitcast3A_1766 : vector<32xbf16>
        %abs3A_1768 = math.absf %sub3A_1767 : vector<32xbf16>
        %unpack3A_1769 = tpu.unpack_subelements %abs3A_1768, 0 {pack_format = #tpu.pack_format<interleaved>} : vector<32xbf16> -> vector<16xf32>
        %unpack3A_1770 = tpu.unpack_subelements %abs3A_1768, 1 {pack_format = #tpu.pack_format<interleaved>} : vector<32xbf16> -> vector<16xf32>
        %add3A_1771 = arith.addf %broadcast_in_dim3A_1762, %unpack3A_1769 : vector<16xf32>
        %add3A_1772 = arith.addf %add3A_1771, %unpack3A_1770 : vector<16xf32>
        %get3A_1773 = arith.index_cast %add3A_1666 : i32 to index
        %get3A_1774 = arith.constant 112 : index
        %get3A_1775 = tpu.vector_load %arg8[%get3A_1773, %get3A_1774] {strides = array<i32>} : memref<128x128xi32, #tpu.memory_space<vmem>>, vector<16xi32>,
        %bitcast3A_1776 = vector.bitcast %get3A_1775 : vector<16xi32> to vector<32xbf16>
        %sub3A_1777 = arith.subf %pack3A_1680, %bitcast3A_1776 : vector<32xbf16>
        %abs3A_1778 = math.absf %sub3A_1777 : vector<32xbf16>
        %unpack3A_1779 = tpu.unpack_subelements %abs3A_1778, 0 {pack_format = #tpu.pack_format<interleaved>} : vector<32xbf16> -> vector<16xf32>
        %unpack3A_1780 = tpu.unpack_subelements %abs3A_1778, 1 {pack_format = #tpu.pack_format<interleaved>} : vector<32xbf16> -> vector<16xf32>
        %add3A_1781 = arith.addf %add3A_1772, %unpack3A_1779 : vector<16xf32>
        %add3A_1782 = arith.addf %add3A_1781, %unpack3A_1780 : vector<16xf32>
        %reduce_sum3A_1783 = arith.constant true
        %reduce_sum3A_1784 = vector.broadcast %reduce_sum3A_1783 : i1 to vector<16xi1>
        %reduce_sum3A_1785 = tpu.scan <sum>, %add3A_1782 masked %reduce_sum3A_1784 : vector<16xf32>, vector<16xi1> -> vector<16xf32>
        %reduce_sum3A_1786 = vector.extract %reduce_sum3A_1785[15] : f32 from vector<16xf32>
        %min3A_1787 = arith.minimumf %min3A_1760, %reduce_sum3A_1786 : f32
        %mul3A_1788 = arith.constant 1.562500e-02 : f32
        %mul3A_1789 = arith.mulf %min3A_1787, %mul3A_1788 : f32
        %broadcast_in_dim3A_1790 = vector.broadcast %mul3A_1789 : f32 to vector<16xf32>
        %select_n3A_1791 = arith.select %eq3A_38, %broadcast_in_dim3A_1790, %select_n3A_1662 : vector<16xi1>, vector<16xf32>
        %mul3A_1792 = arith.constant 16 : i32
        %mul3A_1793 = arith.muli %scan3A_122, %mul3A_1792 : i32
        %add3A_1794 = arith.constant 13 : i32
        %add3A_1795 = arith.addi %mul3A_1793, %add3A_1794 : i32
        %get3A_1796 = arith.index_cast %add3A_1795 : i32 to index
        %get3A_1797 = arith.constant 0 : index
        %get3A_1798 = tpu.vector_load %arg10[%get3A_1796, %get3A_1797] {strides = array<i32>} : memref<128x64xf32, #tpu.memory_space<vmem>>, vector<16xf32>,
        %get3A_1799 = arith.index_cast %add3A_1795 : i32 to index
        %get3A_1800 = arith.constant 16 : index
        %get3A_1801 = tpu.vector_load %arg10[%get3A_1799, %get3A_1800] {strides = array<i32>} : memref<128x64xf32, #tpu.memory_space<vmem>>, vector<16xf32>,
        %get3A_1802 = arith.index_cast %add3A_1795 : i32 to index
        %get3A_1803 = arith.constant 32 : index
        %get3A_1804 = tpu.vector_load %arg10[%get3A_1802, %get3A_1803] {strides = array<i32>} : memref<128x64xf32, #tpu.memory_space<vmem>>, vector<16xf32>,
        %get3A_1805 = arith.index_cast %add3A_1795 : i32 to index
        %get3A_1806 = arith.constant 48 : index
        %get3A_1807 = tpu.vector_load %arg10[%get3A_1805, %get3A_1806] {strides = array<i32>} : memref<128x64xf32, #tpu.memory_space<vmem>>, vector<16xf32>,
        %pack3A_1808 = tpu.pack_subelements %get3A_1798, %get3A_1801 {pack_format = #tpu.pack_format<interleaved>, positions = array<i32: 0, 1>} : vector<16xf32>, vector<16xf32> -> vector<32xbf16>
        %pack3A_1809 = tpu.pack_subelements %get3A_1804, %get3A_1807 {pack_format = #tpu.pack_format<interleaved>, positions = array<i32: 0, 1>} : vector<16xf32>, vector<16xf32> -> vector<32xbf16>
        %broadcast_in_dim3A_1810 = arith.constant 0.000000e+00 : f32
        %broadcast_in_dim3A_1811 = vector.broadcast %broadcast_in_dim3A_1810 : f32 to vector<16xf32>
        %get3A_1812 = arith.index_cast %add3A_1795 : i32 to index
        %get3A_1813 = arith.constant 0 : index
        %get3A_1814 = tpu.vector_load %arg8[%get3A_1812, %get3A_1813] {strides = array<i32>} : memref<128x128xi32, #tpu.memory_space<vmem>>, vector<16xi32>,
        %bitcast3A_1815 = vector.bitcast %get3A_1814 : vector<16xi32> to vector<32xbf16>
        %sub3A_1816 = arith.subf %pack3A_1808, %bitcast3A_1815 : vector<32xbf16>
        %abs3A_1817 = math.absf %sub3A_1816 : vector<32xbf16>
        %unpack3A_1818 = tpu.unpack_subelements %abs3A_1817, 0 {pack_format = #tpu.pack_format<interleaved>} : vector<32xbf16> -> vector<16xf32>
        %unpack3A_1819 = tpu.unpack_subelements %abs3A_1817, 1 {pack_format = #tpu.pack_format<interleaved>} : vector<32xbf16> -> vector<16xf32>
        %add3A_1820 = arith.addf %broadcast_in_dim3A_1811, %unpack3A_1818 : vector<16xf32>
        %add3A_1821 = arith.addf %add3A_1820, %unpack3A_1819 : vector<16xf32>
        %get3A_1822 = arith.index_cast %add3A_1795 : i32 to index
        %get3A_1823 = arith.constant 16 : index
        %get3A_1824 = tpu.vector_load %arg8[%get3A_1822, %get3A_1823] {strides = array<i32>} : memref<128x128xi32, #tpu.memory_space<vmem>>, vector<16xi32>,
        %bitcast3A_1825 = vector.bitcast %get3A_1824 : vector<16xi32> to vector<32xbf16>
        %sub3A_1826 = arith.subf %pack3A_1809, %bitcast3A_1825 : vector<32xbf16>
        %abs3A_1827 = math.absf %sub3A_1826 : vector<32xbf16>
        %unpack3A_1828 = tpu.unpack_subelements %abs3A_1827, 0 {pack_format = #tpu.pack_format<interleaved>} : vector<32xbf16> -> vector<16xf32>
        %unpack3A_1829 = tpu.unpack_subelements %abs3A_1827, 1 {pack_format = #tpu.pack_format<interleaved>} : vector<32xbf16> -> vector<16xf32>
        %add3A_1830 = arith.addf %add3A_1821, %unpack3A_1828 : vector<16xf32>
        %add3A_1831 = arith.addf %add3A_1830, %unpack3A_1829 : vector<16xf32>
        %reduce_sum3A_1832 = arith.constant true
        %reduce_sum3A_1833 = vector.broadcast %reduce_sum3A_1832 : i1 to vector<16xi1>
        %reduce_sum3A_1834 = tpu.scan <sum>, %add3A_1831 masked %reduce_sum3A_1833 : vector<16xf32>, vector<16xi1> -> vector<16xf32>
        %reduce_sum3A_1835 = vector.extract %reduce_sum3A_1834[15] : f32 from vector<16xf32>
        %broadcast_in_dim3A_1836 = arith.constant 0.000000e+00 : f32
        %broadcast_in_dim3A_1837 = vector.broadcast %broadcast_in_dim3A_1836 : f32 to vector<16xf32>
        %get3A_1838 = arith.index_cast %add3A_1795 : i32 to index
        %get3A_1839 = arith.constant 32 : index
        %get3A_1840 = tpu.vector_load %arg8[%get3A_1838, %get3A_1839] {strides = array<i32>} : memref<128x128xi32, #tpu.memory_space<vmem>>, vector<16xi32>,
        %bitcast3A_1841 = vector.bitcast %get3A_1840 : vector<16xi32> to vector<32xbf16>
        %sub3A_1842 = arith.subf %pack3A_1808, %bitcast3A_1841 : vector<32xbf16>
        %abs3A_1843 = math.absf %sub3A_1842 : vector<32xbf16>
        %unpack3A_1844 = tpu.unpack_subelements %abs3A_1843, 0 {pack_format = #tpu.pack_format<interleaved>} : vector<32xbf16> -> vector<16xf32>
        %unpack3A_1845 = tpu.unpack_subelements %abs3A_1843, 1 {pack_format = #tpu.pack_format<interleaved>} : vector<32xbf16> -> vector<16xf32>
        %add3A_1846 = arith.addf %broadcast_in_dim3A_1837, %unpack3A_1844 : vector<16xf32>
        %add3A_1847 = arith.addf %add3A_1846, %unpack3A_1845 : vector<16xf32>
        %get3A_1848 = arith.index_cast %add3A_1795 : i32 to index
        %get3A_1849 = arith.constant 48 : index
        %get3A_1850 = tpu.vector_load %arg8[%get3A_1848, %get3A_1849] {strides = array<i32>} : memref<128x128xi32, #tpu.memory_space<vmem>>, vector<16xi32>,
        %bitcast3A_1851 = vector.bitcast %get3A_1850 : vector<16xi32> to vector<32xbf16>
        %sub3A_1852 = arith.subf %pack3A_1809, %bitcast3A_1851 : vector<32xbf16>
        %abs3A_1853 = math.absf %sub3A_1852 : vector<32xbf16>
        %unpack3A_1854 = tpu.unpack_subelements %abs3A_1853, 0 {pack_format = #tpu.pack_format<interleaved>} : vector<32xbf16> -> vector<16xf32>
        %unpack3A_1855 = tpu.unpack_subelements %abs3A_1853, 1 {pack_format = #tpu.pack_format<interleaved>} : vector<32xbf16> -> vector<16xf32>
        %add3A_1856 = arith.addf %add3A_1847, %unpack3A_1854 : vector<16xf32>
        %add3A_1857 = arith.addf %add3A_1856, %unpack3A_1855 : vector<16xf32>
        %reduce_sum3A_1858 = arith.constant true
        %reduce_sum3A_1859 = vector.broadcast %reduce_sum3A_1858 : i1 to vector<16xi1>
        %reduce_sum3A_1860 = tpu.scan <sum>, %add3A_1857 masked %reduce_sum3A_1859 : vector<16xf32>, vector<16xi1> -> vector<16xf32>
        %reduce_sum3A_1861 = vector.extract %reduce_sum3A_1860[15] : f32 from vector<16xf32>
        %min3A_1862 = arith.minimumf %reduce_sum3A_1835, %reduce_sum3A_1861 : f32
        %broadcast_in_dim3A_1863 = arith.constant 0.000000e+00 : f32
        %broadcast_in_dim3A_1864 = vector.broadcast %broadcast_in_dim3A_1863 : f32 to vector<16xf32>
        %get3A_1865 = arith.index_cast %add3A_1795 : i32 to index
        %get3A_1866 = arith.constant 64 : index
        %get3A_1867 = tpu.vector_load %arg8[%get3A_1865, %get3A_1866] {strides = array<i32>} : memref<128x128xi32, #tpu.memory_space<vmem>>, vector<16xi32>,
        %bitcast3A_1868 = vector.bitcast %get3A_1867 : vector<16xi32> to vector<32xbf16>
        %sub3A_1869 = arith.subf %pack3A_1808, %bitcast3A_1868 : vector<32xbf16>
        %abs3A_1870 = math.absf %sub3A_1869 : vector<32xbf16>
        %unpack3A_1871 = tpu.unpack_subelements %abs3A_1870, 0 {pack_format = #tpu.pack_format<interleaved>} : vector<32xbf16> -> vector<16xf32>
        %unpack3A_1872 = tpu.unpack_subelements %abs3A_1870, 1 {pack_format = #tpu.pack_format<interleaved>} : vector<32xbf16> -> vector<16xf32>
        %add3A_1873 = arith.addf %broadcast_in_dim3A_1864, %unpack3A_1871 : vector<16xf32>
        %add3A_1874 = arith.addf %add3A_1873, %unpack3A_1872 : vector<16xf32>
        %get3A_1875 = arith.index_cast %add3A_1795 : i32 to index
        %get3A_1876 = arith.constant 80 : index
        %get3A_1877 = tpu.vector_load %arg8[%get3A_1875, %get3A_1876] {strides = array<i32>} : memref<128x128xi32, #tpu.memory_space<vmem>>, vector<16xi32>,
        %bitcast3A_1878 = vector.bitcast %get3A_1877 : vector<16xi32> to vector<32xbf16>
        %sub3A_1879 = arith.subf %pack3A_1809, %bitcast3A_1878 : vector<32xbf16>
        %abs3A_1880 = math.absf %sub3A_1879 : vector<32xbf16>
        %unpack3A_1881 = tpu.unpack_subelements %abs3A_1880, 0 {pack_format = #tpu.pack_format<interleaved>} : vector<32xbf16> -> vector<16xf32>
        %unpack3A_1882 = tpu.unpack_subelements %abs3A_1880, 1 {pack_format = #tpu.pack_format<interleaved>} : vector<32xbf16> -> vector<16xf32>
        %add3A_1883 = arith.addf %add3A_1874, %unpack3A_1881 : vector<16xf32>
        %add3A_1884 = arith.addf %add3A_1883, %unpack3A_1882 : vector<16xf32>
        %reduce_sum3A_1885 = arith.constant true
        %reduce_sum3A_1886 = vector.broadcast %reduce_sum3A_1885 : i1 to vector<16xi1>
        %reduce_sum3A_1887 = tpu.scan <sum>, %add3A_1884 masked %reduce_sum3A_1886 : vector<16xf32>, vector<16xi1> -> vector<16xf32>
        %reduce_sum3A_1888 = vector.extract %reduce_sum3A_1887[15] : f32 from vector<16xf32>
        %min3A_1889 = arith.minimumf %min3A_1862, %reduce_sum3A_1888 : f32
        %broadcast_in_dim3A_1890 = arith.constant 0.000000e+00 : f32
        %broadcast_in_dim3A_1891 = vector.broadcast %broadcast_in_dim3A_1890 : f32 to vector<16xf32>
        %get3A_1892 = arith.index_cast %add3A_1795 : i32 to index
        %get3A_1893 = arith.constant 96 : index
        %get3A_1894 = tpu.vector_load %arg8[%get3A_1892, %get3A_1893] {strides = array<i32>} : memref<128x128xi32, #tpu.memory_space<vmem>>, vector<16xi32>,
        %bitcast3A_1895 = vector.bitcast %get3A_1894 : vector<16xi32> to vector<32xbf16>
        %sub3A_1896 = arith.subf %pack3A_1808, %bitcast3A_1895 : vector<32xbf16>
        %abs3A_1897 = math.absf %sub3A_1896 : vector<32xbf16>
        %unpack3A_1898 = tpu.unpack_subelements %abs3A_1897, 0 {pack_format = #tpu.pack_format<interleaved>} : vector<32xbf16> -> vector<16xf32>
        %unpack3A_1899 = tpu.unpack_subelements %abs3A_1897, 1 {pack_format = #tpu.pack_format<interleaved>} : vector<32xbf16> -> vector<16xf32>
        %add3A_1900 = arith.addf %broadcast_in_dim3A_1891, %unpack3A_1898 : vector<16xf32>
        %add3A_1901 = arith.addf %add3A_1900, %unpack3A_1899 : vector<16xf32>
        %get3A_1902 = arith.index_cast %add3A_1795 : i32 to index
        %get3A_1903 = arith.constant 112 : index
        %get3A_1904 = tpu.vector_load %arg8[%get3A_1902, %get3A_1903] {strides = array<i32>} : memref<128x128xi32, #tpu.memory_space<vmem>>, vector<16xi32>,
        %bitcast3A_1905 = vector.bitcast %get3A_1904 : vector<16xi32> to vector<32xbf16>
        %sub3A_1906 = arith.subf %pack3A_1809, %bitcast3A_1905 : vector<32xbf16>
        %abs3A_1907 = math.absf %sub3A_1906 : vector<32xbf16>
        %unpack3A_1908 = tpu.unpack_subelements %abs3A_1907, 0 {pack_format = #tpu.pack_format<interleaved>} : vector<32xbf16> -> vector<16xf32>
        %unpack3A_1909 = tpu.unpack_subelements %abs3A_1907, 1 {pack_format = #tpu.pack_format<interleaved>} : vector<32xbf16> -> vector<16xf32>
        %add3A_1910 = arith.addf %add3A_1901, %unpack3A_1908 : vector<16xf32>
        %add3A_1911 = arith.addf %add3A_1910, %unpack3A_1909 : vector<16xf32>
        %reduce_sum3A_1912 = arith.constant true
        %reduce_sum3A_1913 = vector.broadcast %reduce_sum3A_1912 : i1 to vector<16xi1>
        %reduce_sum3A_1914 = tpu.scan <sum>, %add3A_1911 masked %reduce_sum3A_1913 : vector<16xf32>, vector<16xi1> -> vector<16xf32>
        %reduce_sum3A_1915 = vector.extract %reduce_sum3A_1914[15] : f32 from vector<16xf32>
        %min3A_1916 = arith.minimumf %min3A_1889, %reduce_sum3A_1915 : f32
        %mul3A_1917 = arith.constant 1.562500e-02 : f32
        %mul3A_1918 = arith.mulf %min3A_1916, %mul3A_1917 : f32
        %broadcast_in_dim3A_1919 = vector.broadcast %mul3A_1918 : f32 to vector<16xf32>
        %select_n3A_1920 = arith.select %eq3A_41, %broadcast_in_dim3A_1919, %select_n3A_1791 : vector<16xi1>, vector<16xf32>
        %mul3A_1921 = arith.constant 16 : i32
        %mul3A_1922 = arith.muli %scan3A_122, %mul3A_1921 : i32
        %add3A_1923 = arith.constant 14 : i32
        %add3A_1924 = arith.addi %mul3A_1922, %add3A_1923 : i32
        %get3A_1925 = arith.index_cast %add3A_1924 : i32 to index
        %get3A_1926 = arith.constant 0 : index
        %get3A_1927 = tpu.vector_load %arg10[%get3A_1925, %get3A_1926] {strides = array<i32>} : memref<128x64xf32, #tpu.memory_space<vmem>>, vector<16xf32>,
        %get3A_1928 = arith.index_cast %add3A_1924 : i32 to index
        %get3A_1929 = arith.constant 16 : index
        %get3A_1930 = tpu.vector_load %arg10[%get3A_1928, %get3A_1929] {strides = array<i32>} : memref<128x64xf32, #tpu.memory_space<vmem>>, vector<16xf32>,
        %get3A_1931 = arith.index_cast %add3A_1924 : i32 to index
        %get3A_1932 = arith.constant 32 : index
        %get3A_1933 = tpu.vector_load %arg10[%get3A_1931, %get3A_1932] {strides = array<i32>} : memref<128x64xf32, #tpu.memory_space<vmem>>, vector<16xf32>,
        %get3A_1934 = arith.index_cast %add3A_1924 : i32 to index
        %get3A_1935 = arith.constant 48 : index
        %get3A_1936 = tpu.vector_load %arg10[%get3A_1934, %get3A_1935] {strides = array<i32>} : memref<128x64xf32, #tpu.memory_space<vmem>>, vector<16xf32>,
        %pack3A_1937 = tpu.pack_subelements %get3A_1927, %get3A_1930 {pack_format = #tpu.pack_format<interleaved>, positions = array<i32: 0, 1>} : vector<16xf32>, vector<16xf32> -> vector<32xbf16>
        %pack3A_1938 = tpu.pack_subelements %get3A_1933, %get3A_1936 {pack_format = #tpu.pack_format<interleaved>, positions = array<i32: 0, 1>} : vector<16xf32>, vector<16xf32> -> vector<32xbf16>
        %broadcast_in_dim3A_1939 = arith.constant 0.000000e+00 : f32
        %broadcast_in_dim3A_1940 = vector.broadcast %broadcast_in_dim3A_1939 : f32 to vector<16xf32>
        %get3A_1941 = arith.index_cast %add3A_1924 : i32 to index
        %get3A_1942 = arith.constant 0 : index
        %get3A_1943 = tpu.vector_load %arg8[%get3A_1941, %get3A_1942] {strides = array<i32>} : memref<128x128xi32, #tpu.memory_space<vmem>>, vector<16xi32>,
        %bitcast3A_1944 = vector.bitcast %get3A_1943 : vector<16xi32> to vector<32xbf16>
        %sub3A_1945 = arith.subf %pack3A_1937, %bitcast3A_1944 : vector<32xbf16>
        %abs3A_1946 = math.absf %sub3A_1945 : vector<32xbf16>
        %unpack3A_1947 = tpu.unpack_subelements %abs3A_1946, 0 {pack_format = #tpu.pack_format<interleaved>} : vector<32xbf16> -> vector<16xf32>
        %unpack3A_1948 = tpu.unpack_subelements %abs3A_1946, 1 {pack_format = #tpu.pack_format<interleaved>} : vector<32xbf16> -> vector<16xf32>
        %add3A_1949 = arith.addf %broadcast_in_dim3A_1940, %unpack3A_1947 : vector<16xf32>
        %add3A_1950 = arith.addf %add3A_1949, %unpack3A_1948 : vector<16xf32>
        %get3A_1951 = arith.index_cast %add3A_1924 : i32 to index
        %get3A_1952 = arith.constant 16 : index
        %get3A_1953 = tpu.vector_load %arg8[%get3A_1951, %get3A_1952] {strides = array<i32>} : memref<128x128xi32, #tpu.memory_space<vmem>>, vector<16xi32>,
        %bitcast3A_1954 = vector.bitcast %get3A_1953 : vector<16xi32> to vector<32xbf16>
        %sub3A_1955 = arith.subf %pack3A_1938, %bitcast3A_1954 : vector<32xbf16>
        %abs3A_1956 = math.absf %sub3A_1955 : vector<32xbf16>
        %unpack3A_1957 = tpu.unpack_subelements %abs3A_1956, 0 {pack_format = #tpu.pack_format<interleaved>} : vector<32xbf16> -> vector<16xf32>
        %unpack3A_1958 = tpu.unpack_subelements %abs3A_1956, 1 {pack_format = #tpu.pack_format<interleaved>} : vector<32xbf16> -> vector<16xf32>
        %add3A_1959 = arith.addf %add3A_1950, %unpack3A_1957 : vector<16xf32>
        %add3A_1960 = arith.addf %add3A_1959, %unpack3A_1958 : vector<16xf32>
        %reduce_sum3A_1961 = arith.constant true
        %reduce_sum3A_1962 = vector.broadcast %reduce_sum3A_1961 : i1 to vector<16xi1>
        %reduce_sum3A_1963 = tpu.scan <sum>, %add3A_1960 masked %reduce_sum3A_1962 : vector<16xf32>, vector<16xi1> -> vector<16xf32>
        %reduce_sum3A_1964 = vector.extract %reduce_sum3A_1963[15] : f32 from vector<16xf32>
        %broadcast_in_dim3A_1965 = arith.constant 0.000000e+00 : f32
        %broadcast_in_dim3A_1966 = vector.broadcast %broadcast_in_dim3A_1965 : f32 to vector<16xf32>
        %get3A_1967 = arith.index_cast %add3A_1924 : i32 to index
        %get3A_1968 = arith.constant 32 : index
        %get3A_1969 = tpu.vector_load %arg8[%get3A_1967, %get3A_1968] {strides = array<i32>} : memref<128x128xi32, #tpu.memory_space<vmem>>, vector<16xi32>,
        %bitcast3A_1970 = vector.bitcast %get3A_1969 : vector<16xi32> to vector<32xbf16>
        %sub3A_1971 = arith.subf %pack3A_1937, %bitcast3A_1970 : vector<32xbf16>
        %abs3A_1972 = math.absf %sub3A_1971 : vector<32xbf16>
        %unpack3A_1973 = tpu.unpack_subelements %abs3A_1972, 0 {pack_format = #tpu.pack_format<interleaved>} : vector<32xbf16> -> vector<16xf32>
        %unpack3A_1974 = tpu.unpack_subelements %abs3A_1972, 1 {pack_format = #tpu.pack_format<interleaved>} : vector<32xbf16> -> vector<16xf32>
        %add3A_1975 = arith.addf %broadcast_in_dim3A_1966, %unpack3A_1973 : vector<16xf32>
        %add3A_1976 = arith.addf %add3A_1975, %unpack3A_1974 : vector<16xf32>
        %get3A_1977 = arith.index_cast %add3A_1924 : i32 to index
        %get3A_1978 = arith.constant 48 : index
        %get3A_1979 = tpu.vector_load %arg8[%get3A_1977, %get3A_1978] {strides = array<i32>} : memref<128x128xi32, #tpu.memory_space<vmem>>, vector<16xi32>,
        %bitcast3A_1980 = vector.bitcast %get3A_1979 : vector<16xi32> to vector<32xbf16>
        %sub3A_1981 = arith.subf %pack3A_1938, %bitcast3A_1980 : vector<32xbf16>
        %abs3A_1982 = math.absf %sub3A_1981 : vector<32xbf16>
        %unpack3A_1983 = tpu.unpack_subelements %abs3A_1982, 0 {pack_format = #tpu.pack_format<interleaved>} : vector<32xbf16> -> vector<16xf32>
        %unpack3A_1984 = tpu.unpack_subelements %abs3A_1982, 1 {pack_format = #tpu.pack_format<interleaved>} : vector<32xbf16> -> vector<16xf32>
        %add3A_1985 = arith.addf %add3A_1976, %unpack3A_1983 : vector<16xf32>
        %add3A_1986 = arith.addf %add3A_1985, %unpack3A_1984 : vector<16xf32>
        %reduce_sum3A_1987 = arith.constant true
        %reduce_sum3A_1988 = vector.broadcast %reduce_sum3A_1987 : i1 to vector<16xi1>
        %reduce_sum3A_1989 = tpu.scan <sum>, %add3A_1986 masked %reduce_sum3A_1988 : vector<16xf32>, vector<16xi1> -> vector<16xf32>
        %reduce_sum3A_1990 = vector.extract %reduce_sum3A_1989[15] : f32 from vector<16xf32>
        %min3A_1991 = arith.minimumf %reduce_sum3A_1964, %reduce_sum3A_1990 : f32
        %broadcast_in_dim3A_1992 = arith.constant 0.000000e+00 : f32
        %broadcast_in_dim3A_1993 = vector.broadcast %broadcast_in_dim3A_1992 : f32 to vector<16xf32>
        %get3A_1994 = arith.index_cast %add3A_1924 : i32 to index
        %get3A_1995 = arith.constant 64 : index
        %get3A_1996 = tpu.vector_load %arg8[%get3A_1994, %get3A_1995] {strides = array<i32>} : memref<128x128xi32, #tpu.memory_space<vmem>>, vector<16xi32>,
        %bitcast3A_1997 = vector.bitcast %get3A_1996 : vector<16xi32> to vector<32xbf16>
        %sub3A_1998 = arith.subf %pack3A_1937, %bitcast3A_1997 : vector<32xbf16>
        %abs3A_1999 = math.absf %sub3A_1998 : vector<32xbf16>
        %unpack3A_2000 = tpu.unpack_subelements %abs3A_1999, 0 {pack_format = #tpu.pack_format<interleaved>} : vector<32xbf16> -> vector<16xf32>
        %unpack3A_2001 = tpu.unpack_subelements %abs3A_1999, 1 {pack_format = #tpu.pack_format<interleaved>} : vector<32xbf16> -> vector<16xf32>
        %add3A_2002 = arith.addf %broadcast_in_dim3A_1993, %unpack3A_2000 : vector<16xf32>
        %add3A_2003 = arith.addf %add3A_2002, %unpack3A_2001 : vector<16xf32>
        %get3A_2004 = arith.index_cast %add3A_1924 : i32 to index
        %get3A_2005 = arith.constant 80 : index
        %get3A_2006 = tpu.vector_load %arg8[%get3A_2004, %get3A_2005] {strides = array<i32>} : memref<128x128xi32, #tpu.memory_space<vmem>>, vector<16xi32>,
        %bitcast3A_2007 = vector.bitcast %get3A_2006 : vector<16xi32> to vector<32xbf16>
        %sub3A_2008 = arith.subf %pack3A_1938, %bitcast3A_2007 : vector<32xbf16>
        %abs3A_2009 = math.absf %sub3A_2008 : vector<32xbf16>
        %unpack3A_2010 = tpu.unpack_subelements %abs3A_2009, 0 {pack_format = #tpu.pack_format<interleaved>} : vector<32xbf16> -> vector<16xf32>
        %unpack3A_2011 = tpu.unpack_subelements %abs3A_2009, 1 {pack_format = #tpu.pack_format<interleaved>} : vector<32xbf16> -> vector<16xf32>
        %add3A_2012 = arith.addf %add3A_2003, %unpack3A_2010 : vector<16xf32>
        %add3A_2013 = arith.addf %add3A_2012, %unpack3A_2011 : vector<16xf32>
        %reduce_sum3A_2014 = arith.constant true
        %reduce_sum3A_2015 = vector.broadcast %reduce_sum3A_2014 : i1 to vector<16xi1>
        %reduce_sum3A_2016 = tpu.scan <sum>, %add3A_2013 masked %reduce_sum3A_2015 : vector<16xf32>, vector<16xi1> -> vector<16xf32>
        %reduce_sum3A_2017 = vector.extract %reduce_sum3A_2016[15] : f32 from vector<16xf32>
        %min3A_2018 = arith.minimumf %min3A_1991, %reduce_sum3A_2017 : f32
        %broadcast_in_dim3A_2019 = arith.constant 0.000000e+00 : f32
        %broadcast_in_dim3A_2020 = vector.broadcast %broadcast_in_dim3A_2019 : f32 to vector<16xf32>
        %get3A_2021 = arith.index_cast %add3A_1924 : i32 to index
        %get3A_2022 = arith.constant 96 : index
        %get3A_2023 = tpu.vector_load %arg8[%get3A_2021, %get3A_2022] {strides = array<i32>} : memref<128x128xi32, #tpu.memory_space<vmem>>, vector<16xi32>,
        %bitcast3A_2024 = vector.bitcast %get3A_2023 : vector<16xi32> to vector<32xbf16>
        %sub3A_2025 = arith.subf %pack3A_1937, %bitcast3A_2024 : vector<32xbf16>
        %abs3A_2026 = math.absf %sub3A_2025 : vector<32xbf16>
        %unpack3A_2027 = tpu.unpack_subelements %abs3A_2026, 0 {pack_format = #tpu.pack_format<interleaved>} : vector<32xbf16> -> vector<16xf32>
        %unpack3A_2028 = tpu.unpack_subelements %abs3A_2026, 1 {pack_format = #tpu.pack_format<interleaved>} : vector<32xbf16> -> vector<16xf32>
        %add3A_2029 = arith.addf %broadcast_in_dim3A_2020, %unpack3A_2027 : vector<16xf32>
        %add3A_2030 = arith.addf %add3A_2029, %unpack3A_2028 : vector<16xf32>
        %get3A_2031 = arith.index_cast %add3A_1924 : i32 to index
        %get3A_2032 = arith.constant 112 : index
        %get3A_2033 = tpu.vector_load %arg8[%get3A_2031, %get3A_2032] {strides = array<i32>} : memref<128x128xi32, #tpu.memory_space<vmem>>, vector<16xi32>,
        %bitcast3A_2034 = vector.bitcast %get3A_2033 : vector<16xi32> to vector<32xbf16>
        %sub3A_2035 = arith.subf %pack3A_1938, %bitcast3A_2034 : vector<32xbf16>
        %abs3A_2036 = math.absf %sub3A_2035 : vector<32xbf16>
        %unpack3A_2037 = tpu.unpack_subelements %abs3A_2036, 0 {pack_format = #tpu.pack_format<interleaved>} : vector<32xbf16> -> vector<16xf32>
        %unpack3A_2038 = tpu.unpack_subelements %abs3A_2036, 1 {pack_format = #tpu.pack_format<interleaved>} : vector<32xbf16> -> vector<16xf32>
        %add3A_2039 = arith.addf %add3A_2030, %unpack3A_2037 : vector<16xf32>
        %add3A_2040 = arith.addf %add3A_2039, %unpack3A_2038 : vector<16xf32>
        %reduce_sum3A_2041 = arith.constant true
        %reduce_sum3A_2042 = vector.broadcast %reduce_sum3A_2041 : i1 to vector<16xi1>
        %reduce_sum3A_2043 = tpu.scan <sum>, %add3A_2040 masked %reduce_sum3A_2042 : vector<16xf32>, vector<16xi1> -> vector<16xf32>
        %reduce_sum3A_2044 = vector.extract %reduce_sum3A_2043[15] : f32 from vector<16xf32>
        %min3A_2045 = arith.minimumf %min3A_2018, %reduce_sum3A_2044 : f32
        %mul3A_2046 = arith.constant 1.562500e-02 : f32
        %mul3A_2047 = arith.mulf %min3A_2045, %mul3A_2046 : f32
        %broadcast_in_dim3A_2048 = vector.broadcast %mul3A_2047 : f32 to vector<16xf32>
        %select_n3A_2049 = arith.select %eq3A_44, %broadcast_in_dim3A_2048, %select_n3A_1920 : vector<16xi1>, vector<16xf32>
        %mul3A_2050 = arith.constant 16 : i32
        %mul3A_2051 = arith.muli %scan3A_122, %mul3A_2050 : i32
        %add3A_2052 = arith.constant 15 : i32
        %add3A_2053 = arith.addi %mul3A_2051, %add3A_2052 : i32
        %get3A_2054 = arith.index_cast %add3A_2053 : i32 to index
        %get3A_2055 = arith.constant 0 : index
        %get3A_2056 = tpu.vector_load %arg10[%get3A_2054, %get3A_2055] {strides = array<i32>} : memref<128x64xf32, #tpu.memory_space<vmem>>, vector<16xf32>,
        %get3A_2057 = arith.index_cast %add3A_2053 : i32 to index
        %get3A_2058 = arith.constant 16 : index
        %get3A_2059 = tpu.vector_load %arg10[%get3A_2057, %get3A_2058] {strides = array<i32>} : memref<128x64xf32, #tpu.memory_space<vmem>>, vector<16xf32>,
        %get3A_2060 = arith.index_cast %add3A_2053 : i32 to index
        %get3A_2061 = arith.constant 32 : index
        %get3A_2062 = tpu.vector_load %arg10[%get3A_2060, %get3A_2061] {strides = array<i32>} : memref<128x64xf32, #tpu.memory_space<vmem>>, vector<16xf32>,
        %get3A_2063 = arith.index_cast %add3A_2053 : i32 to index
        %get3A_2064 = arith.constant 48 : index
        %get3A_2065 = tpu.vector_load %arg10[%get3A_2063, %get3A_2064] {strides = array<i32>} : memref<128x64xf32, #tpu.memory_space<vmem>>, vector<16xf32>,
        %pack3A_2066 = tpu.pack_subelements %get3A_2056, %get3A_2059 {pack_format = #tpu.pack_format<interleaved>, positions = array<i32: 0, 1>} : vector<16xf32>, vector<16xf32> -> vector<32xbf16>
        %pack3A_2067 = tpu.pack_subelements %get3A_2062, %get3A_2065 {pack_format = #tpu.pack_format<interleaved>, positions = array<i32: 0, 1>} : vector<16xf32>, vector<16xf32> -> vector<32xbf16>
        %broadcast_in_dim3A_2068 = arith.constant 0.000000e+00 : f32
        %broadcast_in_dim3A_2069 = vector.broadcast %broadcast_in_dim3A_2068 : f32 to vector<16xf32>
        %get3A_2070 = arith.index_cast %add3A_2053 : i32 to index
        %get3A_2071 = arith.constant 0 : index
        %get3A_2072 = tpu.vector_load %arg8[%get3A_2070, %get3A_2071] {strides = array<i32>} : memref<128x128xi32, #tpu.memory_space<vmem>>, vector<16xi32>,
        %bitcast3A_2073 = vector.bitcast %get3A_2072 : vector<16xi32> to vector<32xbf16>
        %sub3A_2074 = arith.subf %pack3A_2066, %bitcast3A_2073 : vector<32xbf16>
        %abs3A_2075 = math.absf %sub3A_2074 : vector<32xbf16>
        %unpack3A_2076 = tpu.unpack_subelements %abs3A_2075, 0 {pack_format = #tpu.pack_format<interleaved>} : vector<32xbf16> -> vector<16xf32>
        %unpack3A_2077 = tpu.unpack_subelements %abs3A_2075, 1 {pack_format = #tpu.pack_format<interleaved>} : vector<32xbf16> -> vector<16xf32>
        %add3A_2078 = arith.addf %broadcast_in_dim3A_2069, %unpack3A_2076 : vector<16xf32>
        %add3A_2079 = arith.addf %add3A_2078, %unpack3A_2077 : vector<16xf32>
        %get3A_2080 = arith.index_cast %add3A_2053 : i32 to index
        %get3A_2081 = arith.constant 16 : index
        %get3A_2082 = tpu.vector_load %arg8[%get3A_2080, %get3A_2081] {strides = array<i32>} : memref<128x128xi32, #tpu.memory_space<vmem>>, vector<16xi32>,
        %bitcast3A_2083 = vector.bitcast %get3A_2082 : vector<16xi32> to vector<32xbf16>
        %sub3A_2084 = arith.subf %pack3A_2067, %bitcast3A_2083 : vector<32xbf16>
        %abs3A_2085 = math.absf %sub3A_2084 : vector<32xbf16>
        %unpack3A_2086 = tpu.unpack_subelements %abs3A_2085, 0 {pack_format = #tpu.pack_format<interleaved>} : vector<32xbf16> -> vector<16xf32>
        %unpack3A_2087 = tpu.unpack_subelements %abs3A_2085, 1 {pack_format = #tpu.pack_format<interleaved>} : vector<32xbf16> -> vector<16xf32>
        %add3A_2088 = arith.addf %add3A_2079, %unpack3A_2086 : vector<16xf32>
        %add3A_2089 = arith.addf %add3A_2088, %unpack3A_2087 : vector<16xf32>
        %reduce_sum3A_2090 = arith.constant true
        %reduce_sum3A_2091 = vector.broadcast %reduce_sum3A_2090 : i1 to vector<16xi1>
        %reduce_sum3A_2092 = tpu.scan <sum>, %add3A_2089 masked %reduce_sum3A_2091 : vector<16xf32>, vector<16xi1> -> vector<16xf32>
        %reduce_sum3A_2093 = vector.extract %reduce_sum3A_2092[15] : f32 from vector<16xf32>
        %broadcast_in_dim3A_2094 = arith.constant 0.000000e+00 : f32
        %broadcast_in_dim3A_2095 = vector.broadcast %broadcast_in_dim3A_2094 : f32 to vector<16xf32>
        %get3A_2096 = arith.index_cast %add3A_2053 : i32 to index
        %get3A_2097 = arith.constant 32 : index
        %get3A_2098 = tpu.vector_load %arg8[%get3A_2096, %get3A_2097] {strides = array<i32>} : memref<128x128xi32, #tpu.memory_space<vmem>>, vector<16xi32>,
        %bitcast3A_2099 = vector.bitcast %get3A_2098 : vector<16xi32> to vector<32xbf16>
        %sub3A_2100 = arith.subf %pack3A_2066, %bitcast3A_2099 : vector<32xbf16>
        %abs3A_2101 = math.absf %sub3A_2100 : vector<32xbf16>
        %unpack3A_2102 = tpu.unpack_subelements %abs3A_2101, 0 {pack_format = #tpu.pack_format<interleaved>} : vector<32xbf16> -> vector<16xf32>
        %unpack3A_2103 = tpu.unpack_subelements %abs3A_2101, 1 {pack_format = #tpu.pack_format<interleaved>} : vector<32xbf16> -> vector<16xf32>
        %add3A_2104 = arith.addf %broadcast_in_dim3A_2095, %unpack3A_2102 : vector<16xf32>
        %add3A_2105 = arith.addf %add3A_2104, %unpack3A_2103 : vector<16xf32>
        %get3A_2106 = arith.index_cast %add3A_2053 : i32 to index
        %get3A_2107 = arith.constant 48 : index
        %get3A_2108 = tpu.vector_load %arg8[%get3A_2106, %get3A_2107] {strides = array<i32>} : memref<128x128xi32, #tpu.memory_space<vmem>>, vector<16xi32>,
        %bitcast3A_2109 = vector.bitcast %get3A_2108 : vector<16xi32> to vector<32xbf16>
        %sub3A_2110 = arith.subf %pack3A_2067, %bitcast3A_2109 : vector<32xbf16>
        %abs3A_2111 = math.absf %sub3A_2110 : vector<32xbf16>
        %unpack3A_2112 = tpu.unpack_subelements %abs3A_2111, 0 {pack_format = #tpu.pack_format<interleaved>} : vector<32xbf16> -> vector<16xf32>
        %unpack3A_2113 = tpu.unpack_subelements %abs3A_2111, 1 {pack_format = #tpu.pack_format<interleaved>} : vector<32xbf16> -> vector<16xf32>
        %add3A_2114 = arith.addf %add3A_2105, %unpack3A_2112 : vector<16xf32>
        %add3A_2115 = arith.addf %add3A_2114, %unpack3A_2113 : vector<16xf32>
        %reduce_sum3A_2116 = arith.constant true
        %reduce_sum3A_2117 = vector.broadcast %reduce_sum3A_2116 : i1 to vector<16xi1>
        %reduce_sum3A_2118 = tpu.scan <sum>, %add3A_2115 masked %reduce_sum3A_2117 : vector<16xf32>, vector<16xi1> -> vector<16xf32>
        %reduce_sum3A_2119 = vector.extract %reduce_sum3A_2118[15] : f32 from vector<16xf32>
        %min3A_2120 = arith.minimumf %reduce_sum3A_2093, %reduce_sum3A_2119 : f32
        %broadcast_in_dim3A_2121 = arith.constant 0.000000e+00 : f32
        %broadcast_in_dim3A_2122 = vector.broadcast %broadcast_in_dim3A_2121 : f32 to vector<16xf32>
        %get3A_2123 = arith.index_cast %add3A_2053 : i32 to index
        %get3A_2124 = arith.constant 64 : index
        %get3A_2125 = tpu.vector_load %arg8[%get3A_2123, %get3A_2124] {strides = array<i32>} : memref<128x128xi32, #tpu.memory_space<vmem>>, vector<16xi32>,
        %bitcast3A_2126 = vector.bitcast %get3A_2125 : vector<16xi32> to vector<32xbf16>
        %sub3A_2127 = arith.subf %pack3A_2066, %bitcast3A_2126 : vector<32xbf16>
        %abs3A_2128 = math.absf %sub3A_2127 : vector<32xbf16>
        %unpack3A_2129 = tpu.unpack_subelements %abs3A_2128, 0 {pack_format = #tpu.pack_format<interleaved>} : vector<32xbf16> -> vector<16xf32>
        %unpack3A_2130 = tpu.unpack_subelements %abs3A_2128, 1 {pack_format = #tpu.pack_format<interleaved>} : vector<32xbf16> -> vector<16xf32>
        %add3A_2131 = arith.addf %broadcast_in_dim3A_2122, %unpack3A_2129 : vector<16xf32>
        %add3A_2132 = arith.addf %add3A_2131, %unpack3A_2130 : vector<16xf32>
        %get3A_2133 = arith.index_cast %add3A_2053 : i32 to index
        %get3A_2134 = arith.constant 80 : index
        %get3A_2135 = tpu.vector_load %arg8[%get3A_2133, %get3A_2134] {strides = array<i32>} : memref<128x128xi32, #tpu.memory_space<vmem>>, vector<16xi32>,
        %bitcast3A_2136 = vector.bitcast %get3A_2135 : vector<16xi32> to vector<32xbf16>
        %sub3A_2137 = arith.subf %pack3A_2067, %bitcast3A_2136 : vector<32xbf16>
        %abs3A_2138 = math.absf %sub3A_2137 : vector<32xbf16>
        %unpack3A_2139 = tpu.unpack_subelements %abs3A_2138, 0 {pack_format = #tpu.pack_format<interleaved>} : vector<32xbf16> -> vector<16xf32>
        %unpack3A_2140 = tpu.unpack_subelements %abs3A_2138, 1 {pack_format = #tpu.pack_format<interleaved>} : vector<32xbf16> -> vector<16xf32>
        %add3A_2141 = arith.addf %add3A_2132, %unpack3A_2139 : vector<16xf32>
        %add3A_2142 = arith.addf %add3A_2141, %unpack3A_2140 : vector<16xf32>
        %reduce_sum3A_2143 = arith.constant true
        %reduce_sum3A_2144 = vector.broadcast %reduce_sum3A_2143 : i1 to vector<16xi1>
        %reduce_sum3A_2145 = tpu.scan <sum>, %add3A_2142 masked %reduce_sum3A_2144 : vector<16xf32>, vector<16xi1> -> vector<16xf32>
        %reduce_sum3A_2146 = vector.extract %reduce_sum3A_2145[15] : f32 from vector<16xf32>
        %min3A_2147 = arith.minimumf %min3A_2120, %reduce_sum3A_2146 : f32
        %broadcast_in_dim3A_2148 = arith.constant 0.000000e+00 : f32
        %broadcast_in_dim3A_2149 = vector.broadcast %broadcast_in_dim3A_2148 : f32 to vector<16xf32>
        %get3A_2150 = arith.index_cast %add3A_2053 : i32 to index
        %get3A_2151 = arith.constant 96 : index
        %get3A_2152 = tpu.vector_load %arg8[%get3A_2150, %get3A_2151] {strides = array<i32>} : memref<128x128xi32, #tpu.memory_space<vmem>>, vector<16xi32>,
        %bitcast3A_2153 = vector.bitcast %get3A_2152 : vector<16xi32> to vector<32xbf16>
        %sub3A_2154 = arith.subf %pack3A_2066, %bitcast3A_2153 : vector<32xbf16>
        %abs3A_2155 = math.absf %sub3A_2154 : vector<32xbf16>
        %unpack3A_2156 = tpu.unpack_subelements %abs3A_2155, 0 {pack_format = #tpu.pack_format<interleaved>} : vector<32xbf16> -> vector<16xf32>
        %unpack3A_2157 = tpu.unpack_subelements %abs3A_2155, 1 {pack_format = #tpu.pack_format<interleaved>} : vector<32xbf16> -> vector<16xf32>
        %add3A_2158 = arith.addf %broadcast_in_dim3A_2149, %unpack3A_2156 : vector<16xf32>
        %add3A_2159 = arith.addf %add3A_2158, %unpack3A_2157 : vector<16xf32>
        %get3A_2160 = arith.index_cast %add3A_2053 : i32 to index
        %get3A_2161 = arith.constant 112 : index
        %get3A_2162 = tpu.vector_load %arg8[%get3A_2160, %get3A_2161] {strides = array<i32>} : memref<128x128xi32, #tpu.memory_space<vmem>>, vector<16xi32>,
        %bitcast3A_2163 = vector.bitcast %get3A_2162 : vector<16xi32> to vector<32xbf16>
        %sub3A_2164 = arith.subf %pack3A_2067, %bitcast3A_2163 : vector<32xbf16>
        %abs3A_2165 = math.absf %sub3A_2164 : vector<32xbf16>
        %unpack3A_2166 = tpu.unpack_subelements %abs3A_2165, 0 {pack_format = #tpu.pack_format<interleaved>} : vector<32xbf16> -> vector<16xf32>
        %unpack3A_2167 = tpu.unpack_subelements %abs3A_2165, 1 {pack_format = #tpu.pack_format<interleaved>} : vector<32xbf16> -> vector<16xf32>
        %add3A_2168 = arith.addf %add3A_2159, %unpack3A_2166 : vector<16xf32>
        %add3A_2169 = arith.addf %add3A_2168, %unpack3A_2167 : vector<16xf32>
        %reduce_sum3A_2170 = arith.constant true
        %reduce_sum3A_2171 = vector.broadcast %reduce_sum3A_2170 : i1 to vector<16xi1>
        %reduce_sum3A_2172 = tpu.scan <sum>, %add3A_2169 masked %reduce_sum3A_2171 : vector<16xf32>, vector<16xi1> -> vector<16xf32>
        %reduce_sum3A_2173 = vector.extract %reduce_sum3A_2172[15] : f32 from vector<16xf32>
        %min3A_2174 = arith.minimumf %min3A_2147, %reduce_sum3A_2173 : f32
        %mul3A_2175 = arith.constant 1.562500e-02 : f32
        %mul3A_2176 = arith.mulf %min3A_2174, %mul3A_2175 : f32
        %broadcast_in_dim3A_2177 = vector.broadcast %mul3A_2176 : f32 to vector<16xf32>
        %select_n3A_2178 = arith.select %eq3A_47, %broadcast_in_dim3A_2177, %select_n3A_2049 : vector<16xi1>, vector<16xf32>
        %mul3A_2179 = arith.constant 16 : i32
        %mul3A_2180 = arith.muli %scan3A_122, %mul3A_2179 : i32
        %swap3A = arith.index_cast %mul3A_2180 : i32 to index
        %swap3A_2181 = tpu.vector_load %arg12[%swap3A] {strides = array<i32>} : memref<128xf32, #tpu.memory_space<vmem>>, vector<16xf32>,
        tpu.vector_store %arg12[%swap3A], %select_n3A_2178 {strides = array<i32>} : memref<128xf32, #tpu.memory_space<vmem>>, vector<16xf32>,
      }
      %scan3A_90 = arith.constant 8 : i32
      "tpu.region"() ({
        %run_scoped3A = tpu.sem_alloc : memref<!tpu.dma_semaphore, #tpu.memory_space<semaphore_mem>>
        %dma_start3A_122 = tpu.memref_slice %arg5[%add3A_84] : memref<131072xf32, #tpu.memory_space<hbm>> -> memref<128xf32, #tpu.memory_space<hbm>>
        %dma_start3A_123 = tpu.memref_slice %arg5[%add3A_84] : memref<131072xf32, #tpu.memory_space<hbm>> -> memref<128xf32, #tpu.memory_space<hbm>>
        tpu.enqueue_dma source(%arg12 : memref<128xf32, #tpu.memory_space<vmem>>) target(%dma_start3A_123 : memref<128xf32, #tpu.memory_space<hbm>>) target_semaphore(%run_scoped3A : memref<!tpu.dma_semaphore, #tpu.memory_space<semaphore_mem>>)
        %dma_wait3A_124 = tpu.memref_slice %arg5[%add3A_84] : memref<131072xf32, #tpu.memory_space<hbm>> -> memref<128xf32, #tpu.memory_space<hbm>>
        %dma_wait3A_125 = tpu.memref_slice %arg5[%add3A_84] : memref<131072xf32, #tpu.memory_space<hbm>> -> memref<128xf32, #tpu.memory_space<hbm>>
        tpu.wait_dma2 semaphore(%run_scoped3A : memref<!tpu.dma_semaphore, #tpu.memory_space<semaphore_mem>>) src(%arg12 : memref<128xf32, #tpu.memory_space<vmem>>) dst(%dma_wait3A_125 : memref<128xf32, #tpu.memory_space<hbm>>)
        tpu.yield
      }) : () -> ()
      %mul3A_91 = arith.constant 2 : i32
      %mul3A_92 = arith.muli %scan3A_63, %mul3A_91 : i32
      %add3A_93 = arith.constant 1 : i32
      %add3A_94 = arith.addi %mul3A_92, %add3A_93 : i32
      %add3A_95 = arith.constant 1 : i32
      %add3A_96 = arith.addi %add3A_94, %add3A_95 : i32
      %lt3A_97 = arith.constant 32 : i32
      %lt3A_98 = arith.cmpi slt, %add3A_96, %lt3A_97 : i32
      %convert_element_type3A_99 = arith.extui %lt3A_98 : i1 to i32
      %cond3A_100 = arith.constant 0 : i32
      %cond3A_101 = arith.cmpi ne, %convert_element_type3A_99, %cond3A_100 : i32
      scf.if %cond3A_101 {
        %add3A_122 = arith.constant 1 : i32
        %add3A_123 = arith.addi %add3A_94, %add3A_122 : i32
        %mul3A_124 = arith.constant 4096 : i32
        %mul3A_125 = arith.muli %add3A, %mul3A_124 : i32
        %mul3A_126 = arith.constant 128 : i32
        %mul3A_127 = arith.muli %add3A_123, %mul3A_126 : i32
        %add3A_128 = arith.addi %mul3A_125, %mul3A_127 : i32
        "tpu.region"() ({
          %run_scoped3A = tpu.sem_alloc : memref<!tpu.dma_semaphore, #tpu.memory_space<semaphore_mem>>
          %dma_start3A_136 = tpu.memref_slice %arg3[%add3A_128] : memref<131072xi32, #tpu.memory_space<hbm>> -> memref<128xi32, #tpu.memory_space<hbm>>
          %dma_start3A_137 = tpu.memref_slice %arg3[%add3A_128] : memref<131072xi32, #tpu.memory_space<hbm>> -> memref<128xi32, #tpu.memory_space<hbm>>
          tpu.enqueue_dma source(%dma_start3A_137 : memref<128xi32, #tpu.memory_space<hbm>>) target(%arg6 : memref<128xi32, #tpu.memory_space<vmem>>) target_semaphore(%run_scoped3A : memref<!tpu.dma_semaphore, #tpu.memory_space<semaphore_mem>>)
          %dma_wait3A_138 = tpu.memref_slice %arg3[%add3A_128] : memref<131072xi32, #tpu.memory_space<hbm>> -> memref<128xi32, #tpu.memory_space<hbm>>
          %dma_wait3A_139 = tpu.memref_slice %arg3[%add3A_128] : memref<131072xi32, #tpu.memory_space<hbm>> -> memref<128xi32, #tpu.memory_space<hbm>>
          tpu.wait_dma2 semaphore(%run_scoped3A : memref<!tpu.dma_semaphore, #tpu.memory_space<semaphore_mem>>) src(%dma_wait3A_139 : memref<128xi32, #tpu.memory_space<hbm>>) dst(%arg6 : memref<128xi32, #tpu.memory_space<vmem>>)
          tpu.yield
        }) : () -> ()
        %dma_start3A_129 = arith.constant 0 : i32
        %dma_start3A_130 = arith.constant 0 : i32
        %dma_start3A_131 = tpu.memref_slice %arg4[%dma_start3A_129, %dma_start3A_130] : memref<8192x128xi32, #tpu.memory_space<hbm>> -> memref<8192x128xi32, #tpu.memory_space<hbm>>
        tpu.enqueue_indirect_dma source(%dma_start3A_131 : memref<8192x128xi32, #tpu.memory_space<hbm>>) target(%arg8 : memref<128x128xi32, #tpu.memory_space<vmem>>) offsets(%arg6 : memref<128xi32, #tpu.memory_space<vmem>>) semaphore(%arg13 : memref<!tpu.dma_semaphore, #tpu.memory_space<semaphore_mem>>)
        %dma_start3A_132 = arith.constant 0 : i32
        %dma_start3A_133 = tpu.memref_slice %arg2[%add3A_128, %dma_start3A_132] : memref<131072x64xf32, #tpu.memory_space<hbm>> -> memref<128x64xf32, #tpu.memory_space<hbm>>
        %dma_start3A_134 = arith.constant 0 : i32
        %dma_start3A_135 = tpu.memref_slice %arg2[%add3A_128, %dma_start3A_134] : memref<131072x64xf32, #tpu.memory_space<hbm>> -> memref<128x64xf32, #tpu.memory_space<hbm>>
        tpu.enqueue_dma source(%dma_start3A_135 : memref<128x64xf32, #tpu.memory_space<hbm>>) target(%arg10 : memref<128x64xf32, #tpu.memory_space<vmem>>) target_semaphore(%arg15 : memref<!tpu.dma_semaphore, #tpu.memory_space<semaphore_mem>>)
      } else {
      }
      %dma_wait3A_102 = arith.constant 0 : i32
      %dma_wait3A_103 = arith.constant 0 : i32
      %dma_wait3A_104 = tpu.memref_slice %arg4[%dma_wait3A_102, %dma_wait3A_103] : memref<8192x128xi32, #tpu.memory_space<hbm>> -> memref<8192x128xi32, #tpu.memory_space<hbm>>
      tpu.wait_indirect_dma semaphore(%arg14 : memref<!tpu.dma_semaphore, #tpu.memory_space<semaphore_mem>>) src(%dma_wait3A_104 : memref<8192x128xi32, #tpu.memory_space<hbm>>) dst(%arg9 : memref<128x128xi32, #tpu.memory_space<vmem>>)
      %dma_wait3A_105 = arith.constant 0 : i32
      %dma_wait3A_106 = arith.constant 0 : i32
      %dma_wait3A_107 = tpu.memref_slice %arg2[%dma_wait3A_105, %dma_wait3A_106] : memref<131072x64xf32, #tpu.memory_space<hbm>> -> memref<128x64xf32, #tpu.memory_space<hbm>>
      %dma_wait3A_108 = arith.constant 0 : i32
      %dma_wait3A_109 = arith.constant 0 : i32
      %dma_wait3A_110 = tpu.memref_slice %arg2[%dma_wait3A_108, %dma_wait3A_109] : memref<131072x64xf32, #tpu.memory_space<hbm>> -> memref<128x64xf32, #tpu.memory_space<hbm>>
      tpu.wait_dma2 semaphore(%arg16 : memref<!tpu.dma_semaphore, #tpu.memory_space<semaphore_mem>>) src(%dma_wait3A_110 : memref<128x64xf32, #tpu.memory_space<hbm>>) dst(%arg11 : memref<128x64xf32, #tpu.memory_space<vmem>>)
      %mul3A_111 = arith.constant 4096 : i32
      %mul3A_112 = arith.muli %add3A, %mul3A_111 : i32
      %mul3A_113 = arith.constant 128 : i32
      %mul3A_114 = arith.muli %add3A_94, %mul3A_113 : i32
      %add3A_115 = arith.addi %mul3A_112, %mul3A_114 : i32
      %scan3A_116 = arith.constant 0 : i32
      %scan3A_117 = arith.constant 0 : i32
      %scan3A_118 = arith.constant 8 : i32
      %scan3A_119 = arith.addi %scan3A_117, %scan3A_118 : i32
      %scan3A_120 = arith.constant 1 : i32
      scf.for %scan3A_122 = %scan3A_117 to %scan3A_119 step %scan3A_120  : i32 {
        %broadcast_in_dim3A = arith.constant 0.000000e+00 : f32
        %broadcast_in_dim3A_123 = vector.broadcast %broadcast_in_dim3A : f32 to vector<16xf32>
        %mul3A_124 = arith.constant 16 : i32
        %mul3A_125 = arith.muli %scan3A_122, %mul3A_124 : i32
        %add3A_126 = arith.constant 0 : i32
        %add3A_127 = arith.addi %mul3A_125, %add3A_126 : i32
        %get3A = arith.index_cast %add3A_127 : i32 to index
        %get3A_128 = arith.constant 0 : index
        %get3A_129 = tpu.vector_load %arg11[%get3A, %get3A_128] {strides = array<i32>} : memref<128x64xf32, #tpu.memory_space<vmem>>, vector<16xf32>,
        %get3A_130 = arith.index_cast %add3A_127 : i32 to index
        %get3A_131 = arith.constant 16 : index
        %get3A_132 = tpu.vector_load %arg11[%get3A_130, %get3A_131] {strides = array<i32>} : memref<128x64xf32, #tpu.memory_space<vmem>>, vector<16xf32>,
        %get3A_133 = arith.index_cast %add3A_127 : i32 to index
        %get3A_134 = arith.constant 32 : index
        %get3A_135 = tpu.vector_load %arg11[%get3A_133, %get3A_134] {strides = array<i32>} : memref<128x64xf32, #tpu.memory_space<vmem>>, vector<16xf32>,
        %get3A_136 = arith.index_cast %add3A_127 : i32 to index
        %get3A_137 = arith.constant 48 : index
        %get3A_138 = tpu.vector_load %arg11[%get3A_136, %get3A_137] {strides = array<i32>} : memref<128x64xf32, #tpu.memory_space<vmem>>, vector<16xf32>,
        %pack3A = tpu.pack_subelements %get3A_129, %get3A_132 {pack_format = #tpu.pack_format<interleaved>, positions = array<i32: 0, 1>} : vector<16xf32>, vector<16xf32> -> vector<32xbf16>
        %pack3A_139 = tpu.pack_subelements %get3A_135, %get3A_138 {pack_format = #tpu.pack_format<interleaved>, positions = array<i32: 0, 1>} : vector<16xf32>, vector<16xf32> -> vector<32xbf16>
        %broadcast_in_dim3A_140 = arith.constant 0.000000e+00 : f32
        %broadcast_in_dim3A_141 = vector.broadcast %broadcast_in_dim3A_140 : f32 to vector<16xf32>
        %get3A_142 = arith.index_cast %add3A_127 : i32 to index
        %get3A_143 = arith.constant 0 : index
        %get3A_144 = tpu.vector_load %arg9[%get3A_142, %get3A_143] {strides = array<i32>} : memref<128x128xi32, #tpu.memory_space<vmem>>, vector<16xi32>,
        %bitcast3A = vector.bitcast %get3A_144 : vector<16xi32> to vector<32xbf16>
        %sub3A = arith.subf %pack3A, %bitcast3A : vector<32xbf16>
        %abs3A = math.absf %sub3A : vector<32xbf16>
        %unpack3A = tpu.unpack_subelements %abs3A, 0 {pack_format = #tpu.pack_format<interleaved>} : vector<32xbf16> -> vector<16xf32>
        %unpack3A_145 = tpu.unpack_subelements %abs3A, 1 {pack_format = #tpu.pack_format<interleaved>} : vector<32xbf16> -> vector<16xf32>
        %add3A_146 = arith.addf %broadcast_in_dim3A_141, %unpack3A : vector<16xf32>
        %add3A_147 = arith.addf %add3A_146, %unpack3A_145 : vector<16xf32>
        %get3A_148 = arith.index_cast %add3A_127 : i32 to index
        %get3A_149 = arith.constant 16 : index
        %get3A_150 = tpu.vector_load %arg9[%get3A_148, %get3A_149] {strides = array<i32>} : memref<128x128xi32, #tpu.memory_space<vmem>>, vector<16xi32>,
        %bitcast3A_151 = vector.bitcast %get3A_150 : vector<16xi32> to vector<32xbf16>
        %sub3A_152 = arith.subf %pack3A_139, %bitcast3A_151 : vector<32xbf16>
        %abs3A_153 = math.absf %sub3A_152 : vector<32xbf16>
        %unpack3A_154 = tpu.unpack_subelements %abs3A_153, 0 {pack_format = #tpu.pack_format<interleaved>} : vector<32xbf16> -> vector<16xf32>
        %unpack3A_155 = tpu.unpack_subelements %abs3A_153, 1 {pack_format = #tpu.pack_format<interleaved>} : vector<32xbf16> -> vector<16xf32>
        %add3A_156 = arith.addf %add3A_147, %unpack3A_154 : vector<16xf32>
        %add3A_157 = arith.addf %add3A_156, %unpack3A_155 : vector<16xf32>
        %reduce_sum3A = arith.constant true
        %reduce_sum3A_158 = vector.broadcast %reduce_sum3A : i1 to vector<16xi1>
        %reduce_sum3A_159 = tpu.scan <sum>, %add3A_157 masked %reduce_sum3A_158 : vector<16xf32>, vector<16xi1> -> vector<16xf32>
        %reduce_sum3A_160 = vector.extract %reduce_sum3A_159[15] : f32 from vector<16xf32>
        %broadcast_in_dim3A_161 = arith.constant 0.000000e+00 : f32
        %broadcast_in_dim3A_162 = vector.broadcast %broadcast_in_dim3A_161 : f32 to vector<16xf32>
        %get3A_163 = arith.index_cast %add3A_127 : i32 to index
        %get3A_164 = arith.constant 32 : index
        %get3A_165 = tpu.vector_load %arg9[%get3A_163, %get3A_164] {strides = array<i32>} : memref<128x128xi32, #tpu.memory_space<vmem>>, vector<16xi32>,
        %bitcast3A_166 = vector.bitcast %get3A_165 : vector<16xi32> to vector<32xbf16>
        %sub3A_167 = arith.subf %pack3A, %bitcast3A_166 : vector<32xbf16>
        %abs3A_168 = math.absf %sub3A_167 : vector<32xbf16>
        %unpack3A_169 = tpu.unpack_subelements %abs3A_168, 0 {pack_format = #tpu.pack_format<interleaved>} : vector<32xbf16> -> vector<16xf32>
        %unpack3A_170 = tpu.unpack_subelements %abs3A_168, 1 {pack_format = #tpu.pack_format<interleaved>} : vector<32xbf16> -> vector<16xf32>
        %add3A_171 = arith.addf %broadcast_in_dim3A_162, %unpack3A_169 : vector<16xf32>
        %add3A_172 = arith.addf %add3A_171, %unpack3A_170 : vector<16xf32>
        %get3A_173 = arith.index_cast %add3A_127 : i32 to index
        %get3A_174 = arith.constant 48 : index
        %get3A_175 = tpu.vector_load %arg9[%get3A_173, %get3A_174] {strides = array<i32>} : memref<128x128xi32, #tpu.memory_space<vmem>>, vector<16xi32>,
        %bitcast3A_176 = vector.bitcast %get3A_175 : vector<16xi32> to vector<32xbf16>
        %sub3A_177 = arith.subf %pack3A_139, %bitcast3A_176 : vector<32xbf16>
        %abs3A_178 = math.absf %sub3A_177 : vector<32xbf16>
        %unpack3A_179 = tpu.unpack_subelements %abs3A_178, 0 {pack_format = #tpu.pack_format<interleaved>} : vector<32xbf16> -> vector<16xf32>
        %unpack3A_180 = tpu.unpack_subelements %abs3A_178, 1 {pack_format = #tpu.pack_format<interleaved>} : vector<32xbf16> -> vector<16xf32>
        %add3A_181 = arith.addf %add3A_172, %unpack3A_179 : vector<16xf32>
        %add3A_182 = arith.addf %add3A_181, %unpack3A_180 : vector<16xf32>
        %reduce_sum3A_183 = arith.constant true
        %reduce_sum3A_184 = vector.broadcast %reduce_sum3A_183 : i1 to vector<16xi1>
        %reduce_sum3A_185 = tpu.scan <sum>, %add3A_182 masked %reduce_sum3A_184 : vector<16xf32>, vector<16xi1> -> vector<16xf32>
        %reduce_sum3A_186 = vector.extract %reduce_sum3A_185[15] : f32 from vector<16xf32>
        %min3A = arith.minimumf %reduce_sum3A_160, %reduce_sum3A_186 : f32
        %broadcast_in_dim3A_187 = arith.constant 0.000000e+00 : f32
        %broadcast_in_dim3A_188 = vector.broadcast %broadcast_in_dim3A_187 : f32 to vector<16xf32>
        %get3A_189 = arith.index_cast %add3A_127 : i32 to index
        %get3A_190 = arith.constant 64 : index
        %get3A_191 = tpu.vector_load %arg9[%get3A_189, %get3A_190] {strides = array<i32>} : memref<128x128xi32, #tpu.memory_space<vmem>>, vector<16xi32>,
        %bitcast3A_192 = vector.bitcast %get3A_191 : vector<16xi32> to vector<32xbf16>
        %sub3A_193 = arith.subf %pack3A, %bitcast3A_192 : vector<32xbf16>
        %abs3A_194 = math.absf %sub3A_193 : vector<32xbf16>
        %unpack3A_195 = tpu.unpack_subelements %abs3A_194, 0 {pack_format = #tpu.pack_format<interleaved>} : vector<32xbf16> -> vector<16xf32>
        %unpack3A_196 = tpu.unpack_subelements %abs3A_194, 1 {pack_format = #tpu.pack_format<interleaved>} : vector<32xbf16> -> vector<16xf32>
        %add3A_197 = arith.addf %broadcast_in_dim3A_188, %unpack3A_195 : vector<16xf32>
        %add3A_198 = arith.addf %add3A_197, %unpack3A_196 : vector<16xf32>
        %get3A_199 = arith.index_cast %add3A_127 : i32 to index
        %get3A_200 = arith.constant 80 : index
        %get3A_201 = tpu.vector_load %arg9[%get3A_199, %get3A_200] {strides = array<i32>} : memref<128x128xi32, #tpu.memory_space<vmem>>, vector<16xi32>,
        %bitcast3A_202 = vector.bitcast %get3A_201 : vector<16xi32> to vector<32xbf16>
        %sub3A_203 = arith.subf %pack3A_139, %bitcast3A_202 : vector<32xbf16>
        %abs3A_204 = math.absf %sub3A_203 : vector<32xbf16>
        %unpack3A_205 = tpu.unpack_subelements %abs3A_204, 0 {pack_format = #tpu.pack_format<interleaved>} : vector<32xbf16> -> vector<16xf32>
        %unpack3A_206 = tpu.unpack_subelements %abs3A_204, 1 {pack_format = #tpu.pack_format<interleaved>} : vector<32xbf16> -> vector<16xf32>
        %add3A_207 = arith.addf %add3A_198, %unpack3A_205 : vector<16xf32>
        %add3A_208 = arith.addf %add3A_207, %unpack3A_206 : vector<16xf32>
        %reduce_sum3A_209 = arith.constant true
        %reduce_sum3A_210 = vector.broadcast %reduce_sum3A_209 : i1 to vector<16xi1>
        %reduce_sum3A_211 = tpu.scan <sum>, %add3A_208 masked %reduce_sum3A_210 : vector<16xf32>, vector<16xi1> -> vector<16xf32>
        %reduce_sum3A_212 = vector.extract %reduce_sum3A_211[15] : f32 from vector<16xf32>
        %min3A_213 = arith.minimumf %min3A, %reduce_sum3A_212 : f32
        %broadcast_in_dim3A_214 = arith.constant 0.000000e+00 : f32
        %broadcast_in_dim3A_215 = vector.broadcast %broadcast_in_dim3A_214 : f32 to vector<16xf32>
        %get3A_216 = arith.index_cast %add3A_127 : i32 to index
        %get3A_217 = arith.constant 96 : index
        %get3A_218 = tpu.vector_load %arg9[%get3A_216, %get3A_217] {strides = array<i32>} : memref<128x128xi32, #tpu.memory_space<vmem>>, vector<16xi32>,
        %bitcast3A_219 = vector.bitcast %get3A_218 : vector<16xi32> to vector<32xbf16>
        %sub3A_220 = arith.subf %pack3A, %bitcast3A_219 : vector<32xbf16>
        %abs3A_221 = math.absf %sub3A_220 : vector<32xbf16>
        %unpack3A_222 = tpu.unpack_subelements %abs3A_221, 0 {pack_format = #tpu.pack_format<interleaved>} : vector<32xbf16> -> vector<16xf32>
        %unpack3A_223 = tpu.unpack_subelements %abs3A_221, 1 {pack_format = #tpu.pack_format<interleaved>} : vector<32xbf16> -> vector<16xf32>
        %add3A_224 = arith.addf %broadcast_in_dim3A_215, %unpack3A_222 : vector<16xf32>
        %add3A_225 = arith.addf %add3A_224, %unpack3A_223 : vector<16xf32>
        %get3A_226 = arith.index_cast %add3A_127 : i32 to index
        %get3A_227 = arith.constant 112 : index
        %get3A_228 = tpu.vector_load %arg9[%get3A_226, %get3A_227] {strides = array<i32>} : memref<128x128xi32, #tpu.memory_space<vmem>>, vector<16xi32>,
        %bitcast3A_229 = vector.bitcast %get3A_228 : vector<16xi32> to vector<32xbf16>
        %sub3A_230 = arith.subf %pack3A_139, %bitcast3A_229 : vector<32xbf16>
        %abs3A_231 = math.absf %sub3A_230 : vector<32xbf16>
        %unpack3A_232 = tpu.unpack_subelements %abs3A_231, 0 {pack_format = #tpu.pack_format<interleaved>} : vector<32xbf16> -> vector<16xf32>
        %unpack3A_233 = tpu.unpack_subelements %abs3A_231, 1 {pack_format = #tpu.pack_format<interleaved>} : vector<32xbf16> -> vector<16xf32>
        %add3A_234 = arith.addf %add3A_225, %unpack3A_232 : vector<16xf32>
        %add3A_235 = arith.addf %add3A_234, %unpack3A_233 : vector<16xf32>
        %reduce_sum3A_236 = arith.constant true
        %reduce_sum3A_237 = vector.broadcast %reduce_sum3A_236 : i1 to vector<16xi1>
        %reduce_sum3A_238 = tpu.scan <sum>, %add3A_235 masked %reduce_sum3A_237 : vector<16xf32>, vector<16xi1> -> vector<16xf32>
        %reduce_sum3A_239 = vector.extract %reduce_sum3A_238[15] : f32 from vector<16xf32>
        %min3A_240 = arith.minimumf %min3A_213, %reduce_sum3A_239 : f32
        %mul3A_241 = arith.constant 1.562500e-02 : f32
        %mul3A_242 = arith.mulf %min3A_240, %mul3A_241 : f32
        %broadcast_in_dim3A_243 = vector.broadcast %mul3A_242 : f32 to vector<16xf32>
        %select_n3A = arith.select %eq3A_2, %broadcast_in_dim3A_243, %broadcast_in_dim3A_123 : vector<16xi1>, vector<16xf32>
        %mul3A_244 = arith.constant 16 : i32
        %mul3A_245 = arith.muli %scan3A_122, %mul3A_244 : i32
        %add3A_246 = arith.constant 1 : i32
        %add3A_247 = arith.addi %mul3A_245, %add3A_246 : i32
        %get3A_248 = arith.index_cast %add3A_247 : i32 to index
        %get3A_249 = arith.constant 0 : index
        %get3A_250 = tpu.vector_load %arg11[%get3A_248, %get3A_249] {strides = array<i32>} : memref<128x64xf32, #tpu.memory_space<vmem>>, vector<16xf32>,
        %get3A_251 = arith.index_cast %add3A_247 : i32 to index
        %get3A_252 = arith.constant 16 : index
        %get3A_253 = tpu.vector_load %arg11[%get3A_251, %get3A_252] {strides = array<i32>} : memref<128x64xf32, #tpu.memory_space<vmem>>, vector<16xf32>,
        %get3A_254 = arith.index_cast %add3A_247 : i32 to index
        %get3A_255 = arith.constant 32 : index
        %get3A_256 = tpu.vector_load %arg11[%get3A_254, %get3A_255] {strides = array<i32>} : memref<128x64xf32, #tpu.memory_space<vmem>>, vector<16xf32>,
        %get3A_257 = arith.index_cast %add3A_247 : i32 to index
        %get3A_258 = arith.constant 48 : index
        %get3A_259 = tpu.vector_load %arg11[%get3A_257, %get3A_258] {strides = array<i32>} : memref<128x64xf32, #tpu.memory_space<vmem>>, vector<16xf32>,
        %pack3A_260 = tpu.pack_subelements %get3A_250, %get3A_253 {pack_format = #tpu.pack_format<interleaved>, positions = array<i32: 0, 1>} : vector<16xf32>, vector<16xf32> -> vector<32xbf16>
        %pack3A_261 = tpu.pack_subelements %get3A_256, %get3A_259 {pack_format = #tpu.pack_format<interleaved>, positions = array<i32: 0, 1>} : vector<16xf32>, vector<16xf32> -> vector<32xbf16>
        %broadcast_in_dim3A_262 = arith.constant 0.000000e+00 : f32
        %broadcast_in_dim3A_263 = vector.broadcast %broadcast_in_dim3A_262 : f32 to vector<16xf32>
        %get3A_264 = arith.index_cast %add3A_247 : i32 to index
        %get3A_265 = arith.constant 0 : index
        %get3A_266 = tpu.vector_load %arg9[%get3A_264, %get3A_265] {strides = array<i32>} : memref<128x128xi32, #tpu.memory_space<vmem>>, vector<16xi32>,
        %bitcast3A_267 = vector.bitcast %get3A_266 : vector<16xi32> to vector<32xbf16>
        %sub3A_268 = arith.subf %pack3A_260, %bitcast3A_267 : vector<32xbf16>
        %abs3A_269 = math.absf %sub3A_268 : vector<32xbf16>
        %unpack3A_270 = tpu.unpack_subelements %abs3A_269, 0 {pack_format = #tpu.pack_format<interleaved>} : vector<32xbf16> -> vector<16xf32>
        %unpack3A_271 = tpu.unpack_subelements %abs3A_269, 1 {pack_format = #tpu.pack_format<interleaved>} : vector<32xbf16> -> vector<16xf32>
        %add3A_272 = arith.addf %broadcast_in_dim3A_263, %unpack3A_270 : vector<16xf32>
        %add3A_273 = arith.addf %add3A_272, %unpack3A_271 : vector<16xf32>
        %get3A_274 = arith.index_cast %add3A_247 : i32 to index
        %get3A_275 = arith.constant 16 : index
        %get3A_276 = tpu.vector_load %arg9[%get3A_274, %get3A_275] {strides = array<i32>} : memref<128x128xi32, #tpu.memory_space<vmem>>, vector<16xi32>,
        %bitcast3A_277 = vector.bitcast %get3A_276 : vector<16xi32> to vector<32xbf16>
        %sub3A_278 = arith.subf %pack3A_261, %bitcast3A_277 : vector<32xbf16>
        %abs3A_279 = math.absf %sub3A_278 : vector<32xbf16>
        %unpack3A_280 = tpu.unpack_subelements %abs3A_279, 0 {pack_format = #tpu.pack_format<interleaved>} : vector<32xbf16> -> vector<16xf32>
        %unpack3A_281 = tpu.unpack_subelements %abs3A_279, 1 {pack_format = #tpu.pack_format<interleaved>} : vector<32xbf16> -> vector<16xf32>
        %add3A_282 = arith.addf %add3A_273, %unpack3A_280 : vector<16xf32>
        %add3A_283 = arith.addf %add3A_282, %unpack3A_281 : vector<16xf32>
        %reduce_sum3A_284 = arith.constant true
        %reduce_sum3A_285 = vector.broadcast %reduce_sum3A_284 : i1 to vector<16xi1>
        %reduce_sum3A_286 = tpu.scan <sum>, %add3A_283 masked %reduce_sum3A_285 : vector<16xf32>, vector<16xi1> -> vector<16xf32>
        %reduce_sum3A_287 = vector.extract %reduce_sum3A_286[15] : f32 from vector<16xf32>
        %broadcast_in_dim3A_288 = arith.constant 0.000000e+00 : f32
        %broadcast_in_dim3A_289 = vector.broadcast %broadcast_in_dim3A_288 : f32 to vector<16xf32>
        %get3A_290 = arith.index_cast %add3A_247 : i32 to index
        %get3A_291 = arith.constant 32 : index
        %get3A_292 = tpu.vector_load %arg9[%get3A_290, %get3A_291] {strides = array<i32>} : memref<128x128xi32, #tpu.memory_space<vmem>>, vector<16xi32>,
        %bitcast3A_293 = vector.bitcast %get3A_292 : vector<16xi32> to vector<32xbf16>
        %sub3A_294 = arith.subf %pack3A_260, %bitcast3A_293 : vector<32xbf16>
        %abs3A_295 = math.absf %sub3A_294 : vector<32xbf16>
        %unpack3A_296 = tpu.unpack_subelements %abs3A_295, 0 {pack_format = #tpu.pack_format<interleaved>} : vector<32xbf16> -> vector<16xf32>
        %unpack3A_297 = tpu.unpack_subelements %abs3A_295, 1 {pack_format = #tpu.pack_format<interleaved>} : vector<32xbf16> -> vector<16xf32>
        %add3A_298 = arith.addf %broadcast_in_dim3A_289, %unpack3A_296 : vector<16xf32>
        %add3A_299 = arith.addf %add3A_298, %unpack3A_297 : vector<16xf32>
        %get3A_300 = arith.index_cast %add3A_247 : i32 to index
        %get3A_301 = arith.constant 48 : index
        %get3A_302 = tpu.vector_load %arg9[%get3A_300, %get3A_301] {strides = array<i32>} : memref<128x128xi32, #tpu.memory_space<vmem>>, vector<16xi32>,
        %bitcast3A_303 = vector.bitcast %get3A_302 : vector<16xi32> to vector<32xbf16>
        %sub3A_304 = arith.subf %pack3A_261, %bitcast3A_303 : vector<32xbf16>
        %abs3A_305 = math.absf %sub3A_304 : vector<32xbf16>
        %unpack3A_306 = tpu.unpack_subelements %abs3A_305, 0 {pack_format = #tpu.pack_format<interleaved>} : vector<32xbf16> -> vector<16xf32>
        %unpack3A_307 = tpu.unpack_subelements %abs3A_305, 1 {pack_format = #tpu.pack_format<interleaved>} : vector<32xbf16> -> vector<16xf32>
        %add3A_308 = arith.addf %add3A_299, %unpack3A_306 : vector<16xf32>
        %add3A_309 = arith.addf %add3A_308, %unpack3A_307 : vector<16xf32>
        %reduce_sum3A_310 = arith.constant true
        %reduce_sum3A_311 = vector.broadcast %reduce_sum3A_310 : i1 to vector<16xi1>
        %reduce_sum3A_312 = tpu.scan <sum>, %add3A_309 masked %reduce_sum3A_311 : vector<16xf32>, vector<16xi1> -> vector<16xf32>
        %reduce_sum3A_313 = vector.extract %reduce_sum3A_312[15] : f32 from vector<16xf32>
        %min3A_314 = arith.minimumf %reduce_sum3A_287, %reduce_sum3A_313 : f32
        %broadcast_in_dim3A_315 = arith.constant 0.000000e+00 : f32
        %broadcast_in_dim3A_316 = vector.broadcast %broadcast_in_dim3A_315 : f32 to vector<16xf32>
        %get3A_317 = arith.index_cast %add3A_247 : i32 to index
        %get3A_318 = arith.constant 64 : index
        %get3A_319 = tpu.vector_load %arg9[%get3A_317, %get3A_318] {strides = array<i32>} : memref<128x128xi32, #tpu.memory_space<vmem>>, vector<16xi32>,
        %bitcast3A_320 = vector.bitcast %get3A_319 : vector<16xi32> to vector<32xbf16>
        %sub3A_321 = arith.subf %pack3A_260, %bitcast3A_320 : vector<32xbf16>
        %abs3A_322 = math.absf %sub3A_321 : vector<32xbf16>
        %unpack3A_323 = tpu.unpack_subelements %abs3A_322, 0 {pack_format = #tpu.pack_format<interleaved>} : vector<32xbf16> -> vector<16xf32>
        %unpack3A_324 = tpu.unpack_subelements %abs3A_322, 1 {pack_format = #tpu.pack_format<interleaved>} : vector<32xbf16> -> vector<16xf32>
        %add3A_325 = arith.addf %broadcast_in_dim3A_316, %unpack3A_323 : vector<16xf32>
        %add3A_326 = arith.addf %add3A_325, %unpack3A_324 : vector<16xf32>
        %get3A_327 = arith.index_cast %add3A_247 : i32 to index
        %get3A_328 = arith.constant 80 : index
        %get3A_329 = tpu.vector_load %arg9[%get3A_327, %get3A_328] {strides = array<i32>} : memref<128x128xi32, #tpu.memory_space<vmem>>, vector<16xi32>,
        %bitcast3A_330 = vector.bitcast %get3A_329 : vector<16xi32> to vector<32xbf16>
        %sub3A_331 = arith.subf %pack3A_261, %bitcast3A_330 : vector<32xbf16>
        %abs3A_332 = math.absf %sub3A_331 : vector<32xbf16>
        %unpack3A_333 = tpu.unpack_subelements %abs3A_332, 0 {pack_format = #tpu.pack_format<interleaved>} : vector<32xbf16> -> vector<16xf32>
        %unpack3A_334 = tpu.unpack_subelements %abs3A_332, 1 {pack_format = #tpu.pack_format<interleaved>} : vector<32xbf16> -> vector<16xf32>
        %add3A_335 = arith.addf %add3A_326, %unpack3A_333 : vector<16xf32>
        %add3A_336 = arith.addf %add3A_335, %unpack3A_334 : vector<16xf32>
        %reduce_sum3A_337 = arith.constant true
        %reduce_sum3A_338 = vector.broadcast %reduce_sum3A_337 : i1 to vector<16xi1>
        %reduce_sum3A_339 = tpu.scan <sum>, %add3A_336 masked %reduce_sum3A_338 : vector<16xf32>, vector<16xi1> -> vector<16xf32>
        %reduce_sum3A_340 = vector.extract %reduce_sum3A_339[15] : f32 from vector<16xf32>
        %min3A_341 = arith.minimumf %min3A_314, %reduce_sum3A_340 : f32
        %broadcast_in_dim3A_342 = arith.constant 0.000000e+00 : f32
        %broadcast_in_dim3A_343 = vector.broadcast %broadcast_in_dim3A_342 : f32 to vector<16xf32>
        %get3A_344 = arith.index_cast %add3A_247 : i32 to index
        %get3A_345 = arith.constant 96 : index
        %get3A_346 = tpu.vector_load %arg9[%get3A_344, %get3A_345] {strides = array<i32>} : memref<128x128xi32, #tpu.memory_space<vmem>>, vector<16xi32>,
        %bitcast3A_347 = vector.bitcast %get3A_346 : vector<16xi32> to vector<32xbf16>
        %sub3A_348 = arith.subf %pack3A_260, %bitcast3A_347 : vector<32xbf16>
        %abs3A_349 = math.absf %sub3A_348 : vector<32xbf16>
        %unpack3A_350 = tpu.unpack_subelements %abs3A_349, 0 {pack_format = #tpu.pack_format<interleaved>} : vector<32xbf16> -> vector<16xf32>
        %unpack3A_351 = tpu.unpack_subelements %abs3A_349, 1 {pack_format = #tpu.pack_format<interleaved>} : vector<32xbf16> -> vector<16xf32>
        %add3A_352 = arith.addf %broadcast_in_dim3A_343, %unpack3A_350 : vector<16xf32>
        %add3A_353 = arith.addf %add3A_352, %unpack3A_351 : vector<16xf32>
        %get3A_354 = arith.index_cast %add3A_247 : i32 to index
        %get3A_355 = arith.constant 112 : index
        %get3A_356 = tpu.vector_load %arg9[%get3A_354, %get3A_355] {strides = array<i32>} : memref<128x128xi32, #tpu.memory_space<vmem>>, vector<16xi32>,
        %bitcast3A_357 = vector.bitcast %get3A_356 : vector<16xi32> to vector<32xbf16>
        %sub3A_358 = arith.subf %pack3A_261, %bitcast3A_357 : vector<32xbf16>
        %abs3A_359 = math.absf %sub3A_358 : vector<32xbf16>
        %unpack3A_360 = tpu.unpack_subelements %abs3A_359, 0 {pack_format = #tpu.pack_format<interleaved>} : vector<32xbf16> -> vector<16xf32>
        %unpack3A_361 = tpu.unpack_subelements %abs3A_359, 1 {pack_format = #tpu.pack_format<interleaved>} : vector<32xbf16> -> vector<16xf32>
        %add3A_362 = arith.addf %add3A_353, %unpack3A_360 : vector<16xf32>
        %add3A_363 = arith.addf %add3A_362, %unpack3A_361 : vector<16xf32>
        %reduce_sum3A_364 = arith.constant true
        %reduce_sum3A_365 = vector.broadcast %reduce_sum3A_364 : i1 to vector<16xi1>
        %reduce_sum3A_366 = tpu.scan <sum>, %add3A_363 masked %reduce_sum3A_365 : vector<16xf32>, vector<16xi1> -> vector<16xf32>
        %reduce_sum3A_367 = vector.extract %reduce_sum3A_366[15] : f32 from vector<16xf32>
        %min3A_368 = arith.minimumf %min3A_341, %reduce_sum3A_367 : f32
        %mul3A_369 = arith.constant 1.562500e-02 : f32
        %mul3A_370 = arith.mulf %min3A_368, %mul3A_369 : f32
        %broadcast_in_dim3A_371 = vector.broadcast %mul3A_370 : f32 to vector<16xf32>
        %select_n3A_372 = arith.select %eq3A_5, %broadcast_in_dim3A_371, %select_n3A : vector<16xi1>, vector<16xf32>
        %mul3A_373 = arith.constant 16 : i32
        %mul3A_374 = arith.muli %scan3A_122, %mul3A_373 : i32
        %add3A_375 = arith.constant 2 : i32
        %add3A_376 = arith.addi %mul3A_374, %add3A_375 : i32
        %get3A_377 = arith.index_cast %add3A_376 : i32 to index
        %get3A_378 = arith.constant 0 : index
        %get3A_379 = tpu.vector_load %arg11[%get3A_377, %get3A_378] {strides = array<i32>} : memref<128x64xf32, #tpu.memory_space<vmem>>, vector<16xf32>,
        %get3A_380 = arith.index_cast %add3A_376 : i32 to index
        %get3A_381 = arith.constant 16 : index
        %get3A_382 = tpu.vector_load %arg11[%get3A_380, %get3A_381] {strides = array<i32>} : memref<128x64xf32, #tpu.memory_space<vmem>>, vector<16xf32>,
        %get3A_383 = arith.index_cast %add3A_376 : i32 to index
        %get3A_384 = arith.constant 32 : index
        %get3A_385 = tpu.vector_load %arg11[%get3A_383, %get3A_384] {strides = array<i32>} : memref<128x64xf32, #tpu.memory_space<vmem>>, vector<16xf32>,
        %get3A_386 = arith.index_cast %add3A_376 : i32 to index
        %get3A_387 = arith.constant 48 : index
        %get3A_388 = tpu.vector_load %arg11[%get3A_386, %get3A_387] {strides = array<i32>} : memref<128x64xf32, #tpu.memory_space<vmem>>, vector<16xf32>,
        %pack3A_389 = tpu.pack_subelements %get3A_379, %get3A_382 {pack_format = #tpu.pack_format<interleaved>, positions = array<i32: 0, 1>} : vector<16xf32>, vector<16xf32> -> vector<32xbf16>
        %pack3A_390 = tpu.pack_subelements %get3A_385, %get3A_388 {pack_format = #tpu.pack_format<interleaved>, positions = array<i32: 0, 1>} : vector<16xf32>, vector<16xf32> -> vector<32xbf16>
        %broadcast_in_dim3A_391 = arith.constant 0.000000e+00 : f32
        %broadcast_in_dim3A_392 = vector.broadcast %broadcast_in_dim3A_391 : f32 to vector<16xf32>
        %get3A_393 = arith.index_cast %add3A_376 : i32 to index
        %get3A_394 = arith.constant 0 : index
        %get3A_395 = tpu.vector_load %arg9[%get3A_393, %get3A_394] {strides = array<i32>} : memref<128x128xi32, #tpu.memory_space<vmem>>, vector<16xi32>,
        %bitcast3A_396 = vector.bitcast %get3A_395 : vector<16xi32> to vector<32xbf16>
        %sub3A_397 = arith.subf %pack3A_389, %bitcast3A_396 : vector<32xbf16>
        %abs3A_398 = math.absf %sub3A_397 : vector<32xbf16>
        %unpack3A_399 = tpu.unpack_subelements %abs3A_398, 0 {pack_format = #tpu.pack_format<interleaved>} : vector<32xbf16> -> vector<16xf32>
        %unpack3A_400 = tpu.unpack_subelements %abs3A_398, 1 {pack_format = #tpu.pack_format<interleaved>} : vector<32xbf16> -> vector<16xf32>
        %add3A_401 = arith.addf %broadcast_in_dim3A_392, %unpack3A_399 : vector<16xf32>
        %add3A_402 = arith.addf %add3A_401, %unpack3A_400 : vector<16xf32>
        %get3A_403 = arith.index_cast %add3A_376 : i32 to index
        %get3A_404 = arith.constant 16 : index
        %get3A_405 = tpu.vector_load %arg9[%get3A_403, %get3A_404] {strides = array<i32>} : memref<128x128xi32, #tpu.memory_space<vmem>>, vector<16xi32>,
        %bitcast3A_406 = vector.bitcast %get3A_405 : vector<16xi32> to vector<32xbf16>
        %sub3A_407 = arith.subf %pack3A_390, %bitcast3A_406 : vector<32xbf16>
        %abs3A_408 = math.absf %sub3A_407 : vector<32xbf16>
        %unpack3A_409 = tpu.unpack_subelements %abs3A_408, 0 {pack_format = #tpu.pack_format<interleaved>} : vector<32xbf16> -> vector<16xf32>
        %unpack3A_410 = tpu.unpack_subelements %abs3A_408, 1 {pack_format = #tpu.pack_format<interleaved>} : vector<32xbf16> -> vector<16xf32>
        %add3A_411 = arith.addf %add3A_402, %unpack3A_409 : vector<16xf32>
        %add3A_412 = arith.addf %add3A_411, %unpack3A_410 : vector<16xf32>
        %reduce_sum3A_413 = arith.constant true
        %reduce_sum3A_414 = vector.broadcast %reduce_sum3A_413 : i1 to vector<16xi1>
        %reduce_sum3A_415 = tpu.scan <sum>, %add3A_412 masked %reduce_sum3A_414 : vector<16xf32>, vector<16xi1> -> vector<16xf32>
        %reduce_sum3A_416 = vector.extract %reduce_sum3A_415[15] : f32 from vector<16xf32>
        %broadcast_in_dim3A_417 = arith.constant 0.000000e+00 : f32
        %broadcast_in_dim3A_418 = vector.broadcast %broadcast_in_dim3A_417 : f32 to vector<16xf32>
        %get3A_419 = arith.index_cast %add3A_376 : i32 to index
        %get3A_420 = arith.constant 32 : index
        %get3A_421 = tpu.vector_load %arg9[%get3A_419, %get3A_420] {strides = array<i32>} : memref<128x128xi32, #tpu.memory_space<vmem>>, vector<16xi32>,
        %bitcast3A_422 = vector.bitcast %get3A_421 : vector<16xi32> to vector<32xbf16>
        %sub3A_423 = arith.subf %pack3A_389, %bitcast3A_422 : vector<32xbf16>
        %abs3A_424 = math.absf %sub3A_423 : vector<32xbf16>
        %unpack3A_425 = tpu.unpack_subelements %abs3A_424, 0 {pack_format = #tpu.pack_format<interleaved>} : vector<32xbf16> -> vector<16xf32>
        %unpack3A_426 = tpu.unpack_subelements %abs3A_424, 1 {pack_format = #tpu.pack_format<interleaved>} : vector<32xbf16> -> vector<16xf32>
        %add3A_427 = arith.addf %broadcast_in_dim3A_418, %unpack3A_425 : vector<16xf32>
        %add3A_428 = arith.addf %add3A_427, %unpack3A_426 : vector<16xf32>
        %get3A_429 = arith.index_cast %add3A_376 : i32 to index
        %get3A_430 = arith.constant 48 : index
        %get3A_431 = tpu.vector_load %arg9[%get3A_429, %get3A_430] {strides = array<i32>} : memref<128x128xi32, #tpu.memory_space<vmem>>, vector<16xi32>,
        %bitcast3A_432 = vector.bitcast %get3A_431 : vector<16xi32> to vector<32xbf16>
        %sub3A_433 = arith.subf %pack3A_390, %bitcast3A_432 : vector<32xbf16>
        %abs3A_434 = math.absf %sub3A_433 : vector<32xbf16>
        %unpack3A_435 = tpu.unpack_subelements %abs3A_434, 0 {pack_format = #tpu.pack_format<interleaved>} : vector<32xbf16> -> vector<16xf32>
        %unpack3A_436 = tpu.unpack_subelements %abs3A_434, 1 {pack_format = #tpu.pack_format<interleaved>} : vector<32xbf16> -> vector<16xf32>
        %add3A_437 = arith.addf %add3A_428, %unpack3A_435 : vector<16xf32>
        %add3A_438 = arith.addf %add3A_437, %unpack3A_436 : vector<16xf32>
        %reduce_sum3A_439 = arith.constant true
        %reduce_sum3A_440 = vector.broadcast %reduce_sum3A_439 : i1 to vector<16xi1>
        %reduce_sum3A_441 = tpu.scan <sum>, %add3A_438 masked %reduce_sum3A_440 : vector<16xf32>, vector<16xi1> -> vector<16xf32>
        %reduce_sum3A_442 = vector.extract %reduce_sum3A_441[15] : f32 from vector<16xf32>
        %min3A_443 = arith.minimumf %reduce_sum3A_416, %reduce_sum3A_442 : f32
        %broadcast_in_dim3A_444 = arith.constant 0.000000e+00 : f32
        %broadcast_in_dim3A_445 = vector.broadcast %broadcast_in_dim3A_444 : f32 to vector<16xf32>
        %get3A_446 = arith.index_cast %add3A_376 : i32 to index
        %get3A_447 = arith.constant 64 : index
        %get3A_448 = tpu.vector_load %arg9[%get3A_446, %get3A_447] {strides = array<i32>} : memref<128x128xi32, #tpu.memory_space<vmem>>, vector<16xi32>,
        %bitcast3A_449 = vector.bitcast %get3A_448 : vector<16xi32> to vector<32xbf16>
        %sub3A_450 = arith.subf %pack3A_389, %bitcast3A_449 : vector<32xbf16>
        %abs3A_451 = math.absf %sub3A_450 : vector<32xbf16>
        %unpack3A_452 = tpu.unpack_subelements %abs3A_451, 0 {pack_format = #tpu.pack_format<interleaved>} : vector<32xbf16> -> vector<16xf32>
        %unpack3A_453 = tpu.unpack_subelements %abs3A_451, 1 {pack_format = #tpu.pack_format<interleaved>} : vector<32xbf16> -> vector<16xf32>
        %add3A_454 = arith.addf %broadcast_in_dim3A_445, %unpack3A_452 : vector<16xf32>
        %add3A_455 = arith.addf %add3A_454, %unpack3A_453 : vector<16xf32>
        %get3A_456 = arith.index_cast %add3A_376 : i32 to index
        %get3A_457 = arith.constant 80 : index
        %get3A_458 = tpu.vector_load %arg9[%get3A_456, %get3A_457] {strides = array<i32>} : memref<128x128xi32, #tpu.memory_space<vmem>>, vector<16xi32>,
        %bitcast3A_459 = vector.bitcast %get3A_458 : vector<16xi32> to vector<32xbf16>
        %sub3A_460 = arith.subf %pack3A_390, %bitcast3A_459 : vector<32xbf16>
        %abs3A_461 = math.absf %sub3A_460 : vector<32xbf16>
        %unpack3A_462 = tpu.unpack_subelements %abs3A_461, 0 {pack_format = #tpu.pack_format<interleaved>} : vector<32xbf16> -> vector<16xf32>
        %unpack3A_463 = tpu.unpack_subelements %abs3A_461, 1 {pack_format = #tpu.pack_format<interleaved>} : vector<32xbf16> -> vector<16xf32>
        %add3A_464 = arith.addf %add3A_455, %unpack3A_462 : vector<16xf32>
        %add3A_465 = arith.addf %add3A_464, %unpack3A_463 : vector<16xf32>
        %reduce_sum3A_466 = arith.constant true
        %reduce_sum3A_467 = vector.broadcast %reduce_sum3A_466 : i1 to vector<16xi1>
        %reduce_sum3A_468 = tpu.scan <sum>, %add3A_465 masked %reduce_sum3A_467 : vector<16xf32>, vector<16xi1> -> vector<16xf32>
        %reduce_sum3A_469 = vector.extract %reduce_sum3A_468[15] : f32 from vector<16xf32>
        %min3A_470 = arith.minimumf %min3A_443, %reduce_sum3A_469 : f32
        %broadcast_in_dim3A_471 = arith.constant 0.000000e+00 : f32
        %broadcast_in_dim3A_472 = vector.broadcast %broadcast_in_dim3A_471 : f32 to vector<16xf32>
        %get3A_473 = arith.index_cast %add3A_376 : i32 to index
        %get3A_474 = arith.constant 96 : index
        %get3A_475 = tpu.vector_load %arg9[%get3A_473, %get3A_474] {strides = array<i32>} : memref<128x128xi32, #tpu.memory_space<vmem>>, vector<16xi32>,
        %bitcast3A_476 = vector.bitcast %get3A_475 : vector<16xi32> to vector<32xbf16>
        %sub3A_477 = arith.subf %pack3A_389, %bitcast3A_476 : vector<32xbf16>
        %abs3A_478 = math.absf %sub3A_477 : vector<32xbf16>
        %unpack3A_479 = tpu.unpack_subelements %abs3A_478, 0 {pack_format = #tpu.pack_format<interleaved>} : vector<32xbf16> -> vector<16xf32>
        %unpack3A_480 = tpu.unpack_subelements %abs3A_478, 1 {pack_format = #tpu.pack_format<interleaved>} : vector<32xbf16> -> vector<16xf32>
        %add3A_481 = arith.addf %broadcast_in_dim3A_472, %unpack3A_479 : vector<16xf32>
        %add3A_482 = arith.addf %add3A_481, %unpack3A_480 : vector<16xf32>
        %get3A_483 = arith.index_cast %add3A_376 : i32 to index
        %get3A_484 = arith.constant 112 : index
        %get3A_485 = tpu.vector_load %arg9[%get3A_483, %get3A_484] {strides = array<i32>} : memref<128x128xi32, #tpu.memory_space<vmem>>, vector<16xi32>,
        %bitcast3A_486 = vector.bitcast %get3A_485 : vector<16xi32> to vector<32xbf16>
        %sub3A_487 = arith.subf %pack3A_390, %bitcast3A_486 : vector<32xbf16>
        %abs3A_488 = math.absf %sub3A_487 : vector<32xbf16>
        %unpack3A_489 = tpu.unpack_subelements %abs3A_488, 0 {pack_format = #tpu.pack_format<interleaved>} : vector<32xbf16> -> vector<16xf32>
        %unpack3A_490 = tpu.unpack_subelements %abs3A_488, 1 {pack_format = #tpu.pack_format<interleaved>} : vector<32xbf16> -> vector<16xf32>
        %add3A_491 = arith.addf %add3A_482, %unpack3A_489 : vector<16xf32>
        %add3A_492 = arith.addf %add3A_491, %unpack3A_490 : vector<16xf32>
        %reduce_sum3A_493 = arith.constant true
        %reduce_sum3A_494 = vector.broadcast %reduce_sum3A_493 : i1 to vector<16xi1>
        %reduce_sum3A_495 = tpu.scan <sum>, %add3A_492 masked %reduce_sum3A_494 : vector<16xf32>, vector<16xi1> -> vector<16xf32>
        %reduce_sum3A_496 = vector.extract %reduce_sum3A_495[15] : f32 from vector<16xf32>
        %min3A_497 = arith.minimumf %min3A_470, %reduce_sum3A_496 : f32
        %mul3A_498 = arith.constant 1.562500e-02 : f32
        %mul3A_499 = arith.mulf %min3A_497, %mul3A_498 : f32
        %broadcast_in_dim3A_500 = vector.broadcast %mul3A_499 : f32 to vector<16xf32>
        %select_n3A_501 = arith.select %eq3A_8, %broadcast_in_dim3A_500, %select_n3A_372 : vector<16xi1>, vector<16xf32>
        %mul3A_502 = arith.constant 16 : i32
        %mul3A_503 = arith.muli %scan3A_122, %mul3A_502 : i32
        %add3A_504 = arith.constant 3 : i32
        %add3A_505 = arith.addi %mul3A_503, %add3A_504 : i32
        %get3A_506 = arith.index_cast %add3A_505 : i32 to index
        %get3A_507 = arith.constant 0 : index
        %get3A_508 = tpu.vector_load %arg11[%get3A_506, %get3A_507] {strides = array<i32>} : memref<128x64xf32, #tpu.memory_space<vmem>>, vector<16xf32>,
        %get3A_509 = arith.index_cast %add3A_505 : i32 to index
        %get3A_510 = arith.constant 16 : index
        %get3A_511 = tpu.vector_load %arg11[%get3A_509, %get3A_510] {strides = array<i32>} : memref<128x64xf32, #tpu.memory_space<vmem>>, vector<16xf32>,
        %get3A_512 = arith.index_cast %add3A_505 : i32 to index
        %get3A_513 = arith.constant 32 : index
        %get3A_514 = tpu.vector_load %arg11[%get3A_512, %get3A_513] {strides = array<i32>} : memref<128x64xf32, #tpu.memory_space<vmem>>, vector<16xf32>,
        %get3A_515 = arith.index_cast %add3A_505 : i32 to index
        %get3A_516 = arith.constant 48 : index
        %get3A_517 = tpu.vector_load %arg11[%get3A_515, %get3A_516] {strides = array<i32>} : memref<128x64xf32, #tpu.memory_space<vmem>>, vector<16xf32>,
        %pack3A_518 = tpu.pack_subelements %get3A_508, %get3A_511 {pack_format = #tpu.pack_format<interleaved>, positions = array<i32: 0, 1>} : vector<16xf32>, vector<16xf32> -> vector<32xbf16>
        %pack3A_519 = tpu.pack_subelements %get3A_514, %get3A_517 {pack_format = #tpu.pack_format<interleaved>, positions = array<i32: 0, 1>} : vector<16xf32>, vector<16xf32> -> vector<32xbf16>
        %broadcast_in_dim3A_520 = arith.constant 0.000000e+00 : f32
        %broadcast_in_dim3A_521 = vector.broadcast %broadcast_in_dim3A_520 : f32 to vector<16xf32>
        %get3A_522 = arith.index_cast %add3A_505 : i32 to index
        %get3A_523 = arith.constant 0 : index
        %get3A_524 = tpu.vector_load %arg9[%get3A_522, %get3A_523] {strides = array<i32>} : memref<128x128xi32, #tpu.memory_space<vmem>>, vector<16xi32>,
        %bitcast3A_525 = vector.bitcast %get3A_524 : vector<16xi32> to vector<32xbf16>
        %sub3A_526 = arith.subf %pack3A_518, %bitcast3A_525 : vector<32xbf16>
        %abs3A_527 = math.absf %sub3A_526 : vector<32xbf16>
        %unpack3A_528 = tpu.unpack_subelements %abs3A_527, 0 {pack_format = #tpu.pack_format<interleaved>} : vector<32xbf16> -> vector<16xf32>
        %unpack3A_529 = tpu.unpack_subelements %abs3A_527, 1 {pack_format = #tpu.pack_format<interleaved>} : vector<32xbf16> -> vector<16xf32>
        %add3A_530 = arith.addf %broadcast_in_dim3A_521, %unpack3A_528 : vector<16xf32>
        %add3A_531 = arith.addf %add3A_530, %unpack3A_529 : vector<16xf32>
        %get3A_532 = arith.index_cast %add3A_505 : i32 to index
        %get3A_533 = arith.constant 16 : index
        %get3A_534 = tpu.vector_load %arg9[%get3A_532, %get3A_533] {strides = array<i32>} : memref<128x128xi32, #tpu.memory_space<vmem>>, vector<16xi32>,
        %bitcast3A_535 = vector.bitcast %get3A_534 : vector<16xi32> to vector<32xbf16>
        %sub3A_536 = arith.subf %pack3A_519, %bitcast3A_535 : vector<32xbf16>
        %abs3A_537 = math.absf %sub3A_536 : vector<32xbf16>
        %unpack3A_538 = tpu.unpack_subelements %abs3A_537, 0 {pack_format = #tpu.pack_format<interleaved>} : vector<32xbf16> -> vector<16xf32>
        %unpack3A_539 = tpu.unpack_subelements %abs3A_537, 1 {pack_format = #tpu.pack_format<interleaved>} : vector<32xbf16> -> vector<16xf32>
        %add3A_540 = arith.addf %add3A_531, %unpack3A_538 : vector<16xf32>
        %add3A_541 = arith.addf %add3A_540, %unpack3A_539 : vector<16xf32>
        %reduce_sum3A_542 = arith.constant true
        %reduce_sum3A_543 = vector.broadcast %reduce_sum3A_542 : i1 to vector<16xi1>
        %reduce_sum3A_544 = tpu.scan <sum>, %add3A_541 masked %reduce_sum3A_543 : vector<16xf32>, vector<16xi1> -> vector<16xf32>
        %reduce_sum3A_545 = vector.extract %reduce_sum3A_544[15] : f32 from vector<16xf32>
        %broadcast_in_dim3A_546 = arith.constant 0.000000e+00 : f32
        %broadcast_in_dim3A_547 = vector.broadcast %broadcast_in_dim3A_546 : f32 to vector<16xf32>
        %get3A_548 = arith.index_cast %add3A_505 : i32 to index
        %get3A_549 = arith.constant 32 : index
        %get3A_550 = tpu.vector_load %arg9[%get3A_548, %get3A_549] {strides = array<i32>} : memref<128x128xi32, #tpu.memory_space<vmem>>, vector<16xi32>,
        %bitcast3A_551 = vector.bitcast %get3A_550 : vector<16xi32> to vector<32xbf16>
        %sub3A_552 = arith.subf %pack3A_518, %bitcast3A_551 : vector<32xbf16>
        %abs3A_553 = math.absf %sub3A_552 : vector<32xbf16>
        %unpack3A_554 = tpu.unpack_subelements %abs3A_553, 0 {pack_format = #tpu.pack_format<interleaved>} : vector<32xbf16> -> vector<16xf32>
        %unpack3A_555 = tpu.unpack_subelements %abs3A_553, 1 {pack_format = #tpu.pack_format<interleaved>} : vector<32xbf16> -> vector<16xf32>
        %add3A_556 = arith.addf %broadcast_in_dim3A_547, %unpack3A_554 : vector<16xf32>
        %add3A_557 = arith.addf %add3A_556, %unpack3A_555 : vector<16xf32>
        %get3A_558 = arith.index_cast %add3A_505 : i32 to index
        %get3A_559 = arith.constant 48 : index
        %get3A_560 = tpu.vector_load %arg9[%get3A_558, %get3A_559] {strides = array<i32>} : memref<128x128xi32, #tpu.memory_space<vmem>>, vector<16xi32>,
        %bitcast3A_561 = vector.bitcast %get3A_560 : vector<16xi32> to vector<32xbf16>
        %sub3A_562 = arith.subf %pack3A_519, %bitcast3A_561 : vector<32xbf16>
        %abs3A_563 = math.absf %sub3A_562 : vector<32xbf16>
        %unpack3A_564 = tpu.unpack_subelements %abs3A_563, 0 {pack_format = #tpu.pack_format<interleaved>} : vector<32xbf16> -> vector<16xf32>
        %unpack3A_565 = tpu.unpack_subelements %abs3A_563, 1 {pack_format = #tpu.pack_format<interleaved>} : vector<32xbf16> -> vector<16xf32>
        %add3A_566 = arith.addf %add3A_557, %unpack3A_564 : vector<16xf32>
        %add3A_567 = arith.addf %add3A_566, %unpack3A_565 : vector<16xf32>
        %reduce_sum3A_568 = arith.constant true
        %reduce_sum3A_569 = vector.broadcast %reduce_sum3A_568 : i1 to vector<16xi1>
        %reduce_sum3A_570 = tpu.scan <sum>, %add3A_567 masked %reduce_sum3A_569 : vector<16xf32>, vector<16xi1> -> vector<16xf32>
        %reduce_sum3A_571 = vector.extract %reduce_sum3A_570[15] : f32 from vector<16xf32>
        %min3A_572 = arith.minimumf %reduce_sum3A_545, %reduce_sum3A_571 : f32
        %broadcast_in_dim3A_573 = arith.constant 0.000000e+00 : f32
        %broadcast_in_dim3A_574 = vector.broadcast %broadcast_in_dim3A_573 : f32 to vector<16xf32>
        %get3A_575 = arith.index_cast %add3A_505 : i32 to index
        %get3A_576 = arith.constant 64 : index
        %get3A_577 = tpu.vector_load %arg9[%get3A_575, %get3A_576] {strides = array<i32>} : memref<128x128xi32, #tpu.memory_space<vmem>>, vector<16xi32>,
        %bitcast3A_578 = vector.bitcast %get3A_577 : vector<16xi32> to vector<32xbf16>
        %sub3A_579 = arith.subf %pack3A_518, %bitcast3A_578 : vector<32xbf16>
        %abs3A_580 = math.absf %sub3A_579 : vector<32xbf16>
        %unpack3A_581 = tpu.unpack_subelements %abs3A_580, 0 {pack_format = #tpu.pack_format<interleaved>} : vector<32xbf16> -> vector<16xf32>
        %unpack3A_582 = tpu.unpack_subelements %abs3A_580, 1 {pack_format = #tpu.pack_format<interleaved>} : vector<32xbf16> -> vector<16xf32>
        %add3A_583 = arith.addf %broadcast_in_dim3A_574, %unpack3A_581 : vector<16xf32>
        %add3A_584 = arith.addf %add3A_583, %unpack3A_582 : vector<16xf32>
        %get3A_585 = arith.index_cast %add3A_505 : i32 to index
        %get3A_586 = arith.constant 80 : index
        %get3A_587 = tpu.vector_load %arg9[%get3A_585, %get3A_586] {strides = array<i32>} : memref<128x128xi32, #tpu.memory_space<vmem>>, vector<16xi32>,
        %bitcast3A_588 = vector.bitcast %get3A_587 : vector<16xi32> to vector<32xbf16>
        %sub3A_589 = arith.subf %pack3A_519, %bitcast3A_588 : vector<32xbf16>
        %abs3A_590 = math.absf %sub3A_589 : vector<32xbf16>
        %unpack3A_591 = tpu.unpack_subelements %abs3A_590, 0 {pack_format = #tpu.pack_format<interleaved>} : vector<32xbf16> -> vector<16xf32>
        %unpack3A_592 = tpu.unpack_subelements %abs3A_590, 1 {pack_format = #tpu.pack_format<interleaved>} : vector<32xbf16> -> vector<16xf32>
        %add3A_593 = arith.addf %add3A_584, %unpack3A_591 : vector<16xf32>
        %add3A_594 = arith.addf %add3A_593, %unpack3A_592 : vector<16xf32>
        %reduce_sum3A_595 = arith.constant true
        %reduce_sum3A_596 = vector.broadcast %reduce_sum3A_595 : i1 to vector<16xi1>
        %reduce_sum3A_597 = tpu.scan <sum>, %add3A_594 masked %reduce_sum3A_596 : vector<16xf32>, vector<16xi1> -> vector<16xf32>
        %reduce_sum3A_598 = vector.extract %reduce_sum3A_597[15] : f32 from vector<16xf32>
        %min3A_599 = arith.minimumf %min3A_572, %reduce_sum3A_598 : f32
        %broadcast_in_dim3A_600 = arith.constant 0.000000e+00 : f32
        %broadcast_in_dim3A_601 = vector.broadcast %broadcast_in_dim3A_600 : f32 to vector<16xf32>
        %get3A_602 = arith.index_cast %add3A_505 : i32 to index
        %get3A_603 = arith.constant 96 : index
        %get3A_604 = tpu.vector_load %arg9[%get3A_602, %get3A_603] {strides = array<i32>} : memref<128x128xi32, #tpu.memory_space<vmem>>, vector<16xi32>,
        %bitcast3A_605 = vector.bitcast %get3A_604 : vector<16xi32> to vector<32xbf16>
        %sub3A_606 = arith.subf %pack3A_518, %bitcast3A_605 : vector<32xbf16>
        %abs3A_607 = math.absf %sub3A_606 : vector<32xbf16>
        %unpack3A_608 = tpu.unpack_subelements %abs3A_607, 0 {pack_format = #tpu.pack_format<interleaved>} : vector<32xbf16> -> vector<16xf32>
        %unpack3A_609 = tpu.unpack_subelements %abs3A_607, 1 {pack_format = #tpu.pack_format<interleaved>} : vector<32xbf16> -> vector<16xf32>
        %add3A_610 = arith.addf %broadcast_in_dim3A_601, %unpack3A_608 : vector<16xf32>
        %add3A_611 = arith.addf %add3A_610, %unpack3A_609 : vector<16xf32>
        %get3A_612 = arith.index_cast %add3A_505 : i32 to index
        %get3A_613 = arith.constant 112 : index
        %get3A_614 = tpu.vector_load %arg9[%get3A_612, %get3A_613] {strides = array<i32>} : memref<128x128xi32, #tpu.memory_space<vmem>>, vector<16xi32>,
        %bitcast3A_615 = vector.bitcast %get3A_614 : vector<16xi32> to vector<32xbf16>
        %sub3A_616 = arith.subf %pack3A_519, %bitcast3A_615 : vector<32xbf16>
        %abs3A_617 = math.absf %sub3A_616 : vector<32xbf16>
        %unpack3A_618 = tpu.unpack_subelements %abs3A_617, 0 {pack_format = #tpu.pack_format<interleaved>} : vector<32xbf16> -> vector<16xf32>
        %unpack3A_619 = tpu.unpack_subelements %abs3A_617, 1 {pack_format = #tpu.pack_format<interleaved>} : vector<32xbf16> -> vector<16xf32>
        %add3A_620 = arith.addf %add3A_611, %unpack3A_618 : vector<16xf32>
        %add3A_621 = arith.addf %add3A_620, %unpack3A_619 : vector<16xf32>
        %reduce_sum3A_622 = arith.constant true
        %reduce_sum3A_623 = vector.broadcast %reduce_sum3A_622 : i1 to vector<16xi1>
        %reduce_sum3A_624 = tpu.scan <sum>, %add3A_621 masked %reduce_sum3A_623 : vector<16xf32>, vector<16xi1> -> vector<16xf32>
        %reduce_sum3A_625 = vector.extract %reduce_sum3A_624[15] : f32 from vector<16xf32>
        %min3A_626 = arith.minimumf %min3A_599, %reduce_sum3A_625 : f32
        %mul3A_627 = arith.constant 1.562500e-02 : f32
        %mul3A_628 = arith.mulf %min3A_626, %mul3A_627 : f32
        %broadcast_in_dim3A_629 = vector.broadcast %mul3A_628 : f32 to vector<16xf32>
        %select_n3A_630 = arith.select %eq3A_11, %broadcast_in_dim3A_629, %select_n3A_501 : vector<16xi1>, vector<16xf32>
        %mul3A_631 = arith.constant 16 : i32
        %mul3A_632 = arith.muli %scan3A_122, %mul3A_631 : i32
        %add3A_633 = arith.constant 4 : i32
        %add3A_634 = arith.addi %mul3A_632, %add3A_633 : i32
        %get3A_635 = arith.index_cast %add3A_634 : i32 to index
        %get3A_636 = arith.constant 0 : index
        %get3A_637 = tpu.vector_load %arg11[%get3A_635, %get3A_636] {strides = array<i32>} : memref<128x64xf32, #tpu.memory_space<vmem>>, vector<16xf32>,
        %get3A_638 = arith.index_cast %add3A_634 : i32 to index
        %get3A_639 = arith.constant 16 : index
        %get3A_640 = tpu.vector_load %arg11[%get3A_638, %get3A_639] {strides = array<i32>} : memref<128x64xf32, #tpu.memory_space<vmem>>, vector<16xf32>,
        %get3A_641 = arith.index_cast %add3A_634 : i32 to index
        %get3A_642 = arith.constant 32 : index
        %get3A_643 = tpu.vector_load %arg11[%get3A_641, %get3A_642] {strides = array<i32>} : memref<128x64xf32, #tpu.memory_space<vmem>>, vector<16xf32>,
        %get3A_644 = arith.index_cast %add3A_634 : i32 to index
        %get3A_645 = arith.constant 48 : index
        %get3A_646 = tpu.vector_load %arg11[%get3A_644, %get3A_645] {strides = array<i32>} : memref<128x64xf32, #tpu.memory_space<vmem>>, vector<16xf32>,
        %pack3A_647 = tpu.pack_subelements %get3A_637, %get3A_640 {pack_format = #tpu.pack_format<interleaved>, positions = array<i32: 0, 1>} : vector<16xf32>, vector<16xf32> -> vector<32xbf16>
        %pack3A_648 = tpu.pack_subelements %get3A_643, %get3A_646 {pack_format = #tpu.pack_format<interleaved>, positions = array<i32: 0, 1>} : vector<16xf32>, vector<16xf32> -> vector<32xbf16>
        %broadcast_in_dim3A_649 = arith.constant 0.000000e+00 : f32
        %broadcast_in_dim3A_650 = vector.broadcast %broadcast_in_dim3A_649 : f32 to vector<16xf32>
        %get3A_651 = arith.index_cast %add3A_634 : i32 to index
        %get3A_652 = arith.constant 0 : index
        %get3A_653 = tpu.vector_load %arg9[%get3A_651, %get3A_652] {strides = array<i32>} : memref<128x128xi32, #tpu.memory_space<vmem>>, vector<16xi32>,
        %bitcast3A_654 = vector.bitcast %get3A_653 : vector<16xi32> to vector<32xbf16>
        %sub3A_655 = arith.subf %pack3A_647, %bitcast3A_654 : vector<32xbf16>
        %abs3A_656 = math.absf %sub3A_655 : vector<32xbf16>
        %unpack3A_657 = tpu.unpack_subelements %abs3A_656, 0 {pack_format = #tpu.pack_format<interleaved>} : vector<32xbf16> -> vector<16xf32>
        %unpack3A_658 = tpu.unpack_subelements %abs3A_656, 1 {pack_format = #tpu.pack_format<interleaved>} : vector<32xbf16> -> vector<16xf32>
        %add3A_659 = arith.addf %broadcast_in_dim3A_650, %unpack3A_657 : vector<16xf32>
        %add3A_660 = arith.addf %add3A_659, %unpack3A_658 : vector<16xf32>
        %get3A_661 = arith.index_cast %add3A_634 : i32 to index
        %get3A_662 = arith.constant 16 : index
        %get3A_663 = tpu.vector_load %arg9[%get3A_661, %get3A_662] {strides = array<i32>} : memref<128x128xi32, #tpu.memory_space<vmem>>, vector<16xi32>,
        %bitcast3A_664 = vector.bitcast %get3A_663 : vector<16xi32> to vector<32xbf16>
        %sub3A_665 = arith.subf %pack3A_648, %bitcast3A_664 : vector<32xbf16>
        %abs3A_666 = math.absf %sub3A_665 : vector<32xbf16>
        %unpack3A_667 = tpu.unpack_subelements %abs3A_666, 0 {pack_format = #tpu.pack_format<interleaved>} : vector<32xbf16> -> vector<16xf32>
        %unpack3A_668 = tpu.unpack_subelements %abs3A_666, 1 {pack_format = #tpu.pack_format<interleaved>} : vector<32xbf16> -> vector<16xf32>
        %add3A_669 = arith.addf %add3A_660, %unpack3A_667 : vector<16xf32>
        %add3A_670 = arith.addf %add3A_669, %unpack3A_668 : vector<16xf32>
        %reduce_sum3A_671 = arith.constant true
        %reduce_sum3A_672 = vector.broadcast %reduce_sum3A_671 : i1 to vector<16xi1>
        %reduce_sum3A_673 = tpu.scan <sum>, %add3A_670 masked %reduce_sum3A_672 : vector<16xf32>, vector<16xi1> -> vector<16xf32>
        %reduce_sum3A_674 = vector.extract %reduce_sum3A_673[15] : f32 from vector<16xf32>
        %broadcast_in_dim3A_675 = arith.constant 0.000000e+00 : f32
        %broadcast_in_dim3A_676 = vector.broadcast %broadcast_in_dim3A_675 : f32 to vector<16xf32>
        %get3A_677 = arith.index_cast %add3A_634 : i32 to index
        %get3A_678 = arith.constant 32 : index
        %get3A_679 = tpu.vector_load %arg9[%get3A_677, %get3A_678] {strides = array<i32>} : memref<128x128xi32, #tpu.memory_space<vmem>>, vector<16xi32>,
        %bitcast3A_680 = vector.bitcast %get3A_679 : vector<16xi32> to vector<32xbf16>
        %sub3A_681 = arith.subf %pack3A_647, %bitcast3A_680 : vector<32xbf16>
        %abs3A_682 = math.absf %sub3A_681 : vector<32xbf16>
        %unpack3A_683 = tpu.unpack_subelements %abs3A_682, 0 {pack_format = #tpu.pack_format<interleaved>} : vector<32xbf16> -> vector<16xf32>
        %unpack3A_684 = tpu.unpack_subelements %abs3A_682, 1 {pack_format = #tpu.pack_format<interleaved>} : vector<32xbf16> -> vector<16xf32>
        %add3A_685 = arith.addf %broadcast_in_dim3A_676, %unpack3A_683 : vector<16xf32>
        %add3A_686 = arith.addf %add3A_685, %unpack3A_684 : vector<16xf32>
        %get3A_687 = arith.index_cast %add3A_634 : i32 to index
        %get3A_688 = arith.constant 48 : index
        %get3A_689 = tpu.vector_load %arg9[%get3A_687, %get3A_688] {strides = array<i32>} : memref<128x128xi32, #tpu.memory_space<vmem>>, vector<16xi32>,
        %bitcast3A_690 = vector.bitcast %get3A_689 : vector<16xi32> to vector<32xbf16>
        %sub3A_691 = arith.subf %pack3A_648, %bitcast3A_690 : vector<32xbf16>
        %abs3A_692 = math.absf %sub3A_691 : vector<32xbf16>
        %unpack3A_693 = tpu.unpack_subelements %abs3A_692, 0 {pack_format = #tpu.pack_format<interleaved>} : vector<32xbf16> -> vector<16xf32>
        %unpack3A_694 = tpu.unpack_subelements %abs3A_692, 1 {pack_format = #tpu.pack_format<interleaved>} : vector<32xbf16> -> vector<16xf32>
        %add3A_695 = arith.addf %add3A_686, %unpack3A_693 : vector<16xf32>
        %add3A_696 = arith.addf %add3A_695, %unpack3A_694 : vector<16xf32>
        %reduce_sum3A_697 = arith.constant true
        %reduce_sum3A_698 = vector.broadcast %reduce_sum3A_697 : i1 to vector<16xi1>
        %reduce_sum3A_699 = tpu.scan <sum>, %add3A_696 masked %reduce_sum3A_698 : vector<16xf32>, vector<16xi1> -> vector<16xf32>
        %reduce_sum3A_700 = vector.extract %reduce_sum3A_699[15] : f32 from vector<16xf32>
        %min3A_701 = arith.minimumf %reduce_sum3A_674, %reduce_sum3A_700 : f32
        %broadcast_in_dim3A_702 = arith.constant 0.000000e+00 : f32
        %broadcast_in_dim3A_703 = vector.broadcast %broadcast_in_dim3A_702 : f32 to vector<16xf32>
        %get3A_704 = arith.index_cast %add3A_634 : i32 to index
        %get3A_705 = arith.constant 64 : index
        %get3A_706 = tpu.vector_load %arg9[%get3A_704, %get3A_705] {strides = array<i32>} : memref<128x128xi32, #tpu.memory_space<vmem>>, vector<16xi32>,
        %bitcast3A_707 = vector.bitcast %get3A_706 : vector<16xi32> to vector<32xbf16>
        %sub3A_708 = arith.subf %pack3A_647, %bitcast3A_707 : vector<32xbf16>
        %abs3A_709 = math.absf %sub3A_708 : vector<32xbf16>
        %unpack3A_710 = tpu.unpack_subelements %abs3A_709, 0 {pack_format = #tpu.pack_format<interleaved>} : vector<32xbf16> -> vector<16xf32>
        %unpack3A_711 = tpu.unpack_subelements %abs3A_709, 1 {pack_format = #tpu.pack_format<interleaved>} : vector<32xbf16> -> vector<16xf32>
        %add3A_712 = arith.addf %broadcast_in_dim3A_703, %unpack3A_710 : vector<16xf32>
        %add3A_713 = arith.addf %add3A_712, %unpack3A_711 : vector<16xf32>
        %get3A_714 = arith.index_cast %add3A_634 : i32 to index
        %get3A_715 = arith.constant 80 : index
        %get3A_716 = tpu.vector_load %arg9[%get3A_714, %get3A_715] {strides = array<i32>} : memref<128x128xi32, #tpu.memory_space<vmem>>, vector<16xi32>,
        %bitcast3A_717 = vector.bitcast %get3A_716 : vector<16xi32> to vector<32xbf16>
        %sub3A_718 = arith.subf %pack3A_648, %bitcast3A_717 : vector<32xbf16>
        %abs3A_719 = math.absf %sub3A_718 : vector<32xbf16>
        %unpack3A_720 = tpu.unpack_subelements %abs3A_719, 0 {pack_format = #tpu.pack_format<interleaved>} : vector<32xbf16> -> vector<16xf32>
        %unpack3A_721 = tpu.unpack_subelements %abs3A_719, 1 {pack_format = #tpu.pack_format<interleaved>} : vector<32xbf16> -> vector<16xf32>
        %add3A_722 = arith.addf %add3A_713, %unpack3A_720 : vector<16xf32>
        %add3A_723 = arith.addf %add3A_722, %unpack3A_721 : vector<16xf32>
        %reduce_sum3A_724 = arith.constant true
        %reduce_sum3A_725 = vector.broadcast %reduce_sum3A_724 : i1 to vector<16xi1>
        %reduce_sum3A_726 = tpu.scan <sum>, %add3A_723 masked %reduce_sum3A_725 : vector<16xf32>, vector<16xi1> -> vector<16xf32>
        %reduce_sum3A_727 = vector.extract %reduce_sum3A_726[15] : f32 from vector<16xf32>
        %min3A_728 = arith.minimumf %min3A_701, %reduce_sum3A_727 : f32
        %broadcast_in_dim3A_729 = arith.constant 0.000000e+00 : f32
        %broadcast_in_dim3A_730 = vector.broadcast %broadcast_in_dim3A_729 : f32 to vector<16xf32>
        %get3A_731 = arith.index_cast %add3A_634 : i32 to index
        %get3A_732 = arith.constant 96 : index
        %get3A_733 = tpu.vector_load %arg9[%get3A_731, %get3A_732] {strides = array<i32>} : memref<128x128xi32, #tpu.memory_space<vmem>>, vector<16xi32>,
        %bitcast3A_734 = vector.bitcast %get3A_733 : vector<16xi32> to vector<32xbf16>
        %sub3A_735 = arith.subf %pack3A_647, %bitcast3A_734 : vector<32xbf16>
        %abs3A_736 = math.absf %sub3A_735 : vector<32xbf16>
        %unpack3A_737 = tpu.unpack_subelements %abs3A_736, 0 {pack_format = #tpu.pack_format<interleaved>} : vector<32xbf16> -> vector<16xf32>
        %unpack3A_738 = tpu.unpack_subelements %abs3A_736, 1 {pack_format = #tpu.pack_format<interleaved>} : vector<32xbf16> -> vector<16xf32>
        %add3A_739 = arith.addf %broadcast_in_dim3A_730, %unpack3A_737 : vector<16xf32>
        %add3A_740 = arith.addf %add3A_739, %unpack3A_738 : vector<16xf32>
        %get3A_741 = arith.index_cast %add3A_634 : i32 to index
        %get3A_742 = arith.constant 112 : index
        %get3A_743 = tpu.vector_load %arg9[%get3A_741, %get3A_742] {strides = array<i32>} : memref<128x128xi32, #tpu.memory_space<vmem>>, vector<16xi32>,
        %bitcast3A_744 = vector.bitcast %get3A_743 : vector<16xi32> to vector<32xbf16>
        %sub3A_745 = arith.subf %pack3A_648, %bitcast3A_744 : vector<32xbf16>
        %abs3A_746 = math.absf %sub3A_745 : vector<32xbf16>
        %unpack3A_747 = tpu.unpack_subelements %abs3A_746, 0 {pack_format = #tpu.pack_format<interleaved>} : vector<32xbf16> -> vector<16xf32>
        %unpack3A_748 = tpu.unpack_subelements %abs3A_746, 1 {pack_format = #tpu.pack_format<interleaved>} : vector<32xbf16> -> vector<16xf32>
        %add3A_749 = arith.addf %add3A_740, %unpack3A_747 : vector<16xf32>
        %add3A_750 = arith.addf %add3A_749, %unpack3A_748 : vector<16xf32>
        %reduce_sum3A_751 = arith.constant true
        %reduce_sum3A_752 = vector.broadcast %reduce_sum3A_751 : i1 to vector<16xi1>
        %reduce_sum3A_753 = tpu.scan <sum>, %add3A_750 masked %reduce_sum3A_752 : vector<16xf32>, vector<16xi1> -> vector<16xf32>
        %reduce_sum3A_754 = vector.extract %reduce_sum3A_753[15] : f32 from vector<16xf32>
        %min3A_755 = arith.minimumf %min3A_728, %reduce_sum3A_754 : f32
        %mul3A_756 = arith.constant 1.562500e-02 : f32
        %mul3A_757 = arith.mulf %min3A_755, %mul3A_756 : f32
        %broadcast_in_dim3A_758 = vector.broadcast %mul3A_757 : f32 to vector<16xf32>
        %select_n3A_759 = arith.select %eq3A_14, %broadcast_in_dim3A_758, %select_n3A_630 : vector<16xi1>, vector<16xf32>
        %mul3A_760 = arith.constant 16 : i32
        %mul3A_761 = arith.muli %scan3A_122, %mul3A_760 : i32
        %add3A_762 = arith.constant 5 : i32
        %add3A_763 = arith.addi %mul3A_761, %add3A_762 : i32
        %get3A_764 = arith.index_cast %add3A_763 : i32 to index
        %get3A_765 = arith.constant 0 : index
        %get3A_766 = tpu.vector_load %arg11[%get3A_764, %get3A_765] {strides = array<i32>} : memref<128x64xf32, #tpu.memory_space<vmem>>, vector<16xf32>,
        %get3A_767 = arith.index_cast %add3A_763 : i32 to index
        %get3A_768 = arith.constant 16 : index
        %get3A_769 = tpu.vector_load %arg11[%get3A_767, %get3A_768] {strides = array<i32>} : memref<128x64xf32, #tpu.memory_space<vmem>>, vector<16xf32>,
        %get3A_770 = arith.index_cast %add3A_763 : i32 to index
        %get3A_771 = arith.constant 32 : index
        %get3A_772 = tpu.vector_load %arg11[%get3A_770, %get3A_771] {strides = array<i32>} : memref<128x64xf32, #tpu.memory_space<vmem>>, vector<16xf32>,
        %get3A_773 = arith.index_cast %add3A_763 : i32 to index
        %get3A_774 = arith.constant 48 : index
        %get3A_775 = tpu.vector_load %arg11[%get3A_773, %get3A_774] {strides = array<i32>} : memref<128x64xf32, #tpu.memory_space<vmem>>, vector<16xf32>,
        %pack3A_776 = tpu.pack_subelements %get3A_766, %get3A_769 {pack_format = #tpu.pack_format<interleaved>, positions = array<i32: 0, 1>} : vector<16xf32>, vector<16xf32> -> vector<32xbf16>
        %pack3A_777 = tpu.pack_subelements %get3A_772, %get3A_775 {pack_format = #tpu.pack_format<interleaved>, positions = array<i32: 0, 1>} : vector<16xf32>, vector<16xf32> -> vector<32xbf16>
        %broadcast_in_dim3A_778 = arith.constant 0.000000e+00 : f32
        %broadcast_in_dim3A_779 = vector.broadcast %broadcast_in_dim3A_778 : f32 to vector<16xf32>
        %get3A_780 = arith.index_cast %add3A_763 : i32 to index
        %get3A_781 = arith.constant 0 : index
        %get3A_782 = tpu.vector_load %arg9[%get3A_780, %get3A_781] {strides = array<i32>} : memref<128x128xi32, #tpu.memory_space<vmem>>, vector<16xi32>,
        %bitcast3A_783 = vector.bitcast %get3A_782 : vector<16xi32> to vector<32xbf16>
        %sub3A_784 = arith.subf %pack3A_776, %bitcast3A_783 : vector<32xbf16>
        %abs3A_785 = math.absf %sub3A_784 : vector<32xbf16>
        %unpack3A_786 = tpu.unpack_subelements %abs3A_785, 0 {pack_format = #tpu.pack_format<interleaved>} : vector<32xbf16> -> vector<16xf32>
        %unpack3A_787 = tpu.unpack_subelements %abs3A_785, 1 {pack_format = #tpu.pack_format<interleaved>} : vector<32xbf16> -> vector<16xf32>
        %add3A_788 = arith.addf %broadcast_in_dim3A_779, %unpack3A_786 : vector<16xf32>
        %add3A_789 = arith.addf %add3A_788, %unpack3A_787 : vector<16xf32>
        %get3A_790 = arith.index_cast %add3A_763 : i32 to index
        %get3A_791 = arith.constant 16 : index
        %get3A_792 = tpu.vector_load %arg9[%get3A_790, %get3A_791] {strides = array<i32>} : memref<128x128xi32, #tpu.memory_space<vmem>>, vector<16xi32>,
        %bitcast3A_793 = vector.bitcast %get3A_792 : vector<16xi32> to vector<32xbf16>
        %sub3A_794 = arith.subf %pack3A_777, %bitcast3A_793 : vector<32xbf16>
        %abs3A_795 = math.absf %sub3A_794 : vector<32xbf16>
        %unpack3A_796 = tpu.unpack_subelements %abs3A_795, 0 {pack_format = #tpu.pack_format<interleaved>} : vector<32xbf16> -> vector<16xf32>
        %unpack3A_797 = tpu.unpack_subelements %abs3A_795, 1 {pack_format = #tpu.pack_format<interleaved>} : vector<32xbf16> -> vector<16xf32>
        %add3A_798 = arith.addf %add3A_789, %unpack3A_796 : vector<16xf32>
        %add3A_799 = arith.addf %add3A_798, %unpack3A_797 : vector<16xf32>
        %reduce_sum3A_800 = arith.constant true
        %reduce_sum3A_801 = vector.broadcast %reduce_sum3A_800 : i1 to vector<16xi1>
        %reduce_sum3A_802 = tpu.scan <sum>, %add3A_799 masked %reduce_sum3A_801 : vector<16xf32>, vector<16xi1> -> vector<16xf32>
        %reduce_sum3A_803 = vector.extract %reduce_sum3A_802[15] : f32 from vector<16xf32>
        %broadcast_in_dim3A_804 = arith.constant 0.000000e+00 : f32
        %broadcast_in_dim3A_805 = vector.broadcast %broadcast_in_dim3A_804 : f32 to vector<16xf32>
        %get3A_806 = arith.index_cast %add3A_763 : i32 to index
        %get3A_807 = arith.constant 32 : index
        %get3A_808 = tpu.vector_load %arg9[%get3A_806, %get3A_807] {strides = array<i32>} : memref<128x128xi32, #tpu.memory_space<vmem>>, vector<16xi32>,
        %bitcast3A_809 = vector.bitcast %get3A_808 : vector<16xi32> to vector<32xbf16>
        %sub3A_810 = arith.subf %pack3A_776, %bitcast3A_809 : vector<32xbf16>
        %abs3A_811 = math.absf %sub3A_810 : vector<32xbf16>
        %unpack3A_812 = tpu.unpack_subelements %abs3A_811, 0 {pack_format = #tpu.pack_format<interleaved>} : vector<32xbf16> -> vector<16xf32>
        %unpack3A_813 = tpu.unpack_subelements %abs3A_811, 1 {pack_format = #tpu.pack_format<interleaved>} : vector<32xbf16> -> vector<16xf32>
        %add3A_814 = arith.addf %broadcast_in_dim3A_805, %unpack3A_812 : vector<16xf32>
        %add3A_815 = arith.addf %add3A_814, %unpack3A_813 : vector<16xf32>
        %get3A_816 = arith.index_cast %add3A_763 : i32 to index
        %get3A_817 = arith.constant 48 : index
        %get3A_818 = tpu.vector_load %arg9[%get3A_816, %get3A_817] {strides = array<i32>} : memref<128x128xi32, #tpu.memory_space<vmem>>, vector<16xi32>,
        %bitcast3A_819 = vector.bitcast %get3A_818 : vector<16xi32> to vector<32xbf16>
        %sub3A_820 = arith.subf %pack3A_777, %bitcast3A_819 : vector<32xbf16>
        %abs3A_821 = math.absf %sub3A_820 : vector<32xbf16>
        %unpack3A_822 = tpu.unpack_subelements %abs3A_821, 0 {pack_format = #tpu.pack_format<interleaved>} : vector<32xbf16> -> vector<16xf32>
        %unpack3A_823 = tpu.unpack_subelements %abs3A_821, 1 {pack_format = #tpu.pack_format<interleaved>} : vector<32xbf16> -> vector<16xf32>
        %add3A_824 = arith.addf %add3A_815, %unpack3A_822 : vector<16xf32>
        %add3A_825 = arith.addf %add3A_824, %unpack3A_823 : vector<16xf32>
        %reduce_sum3A_826 = arith.constant true
        %reduce_sum3A_827 = vector.broadcast %reduce_sum3A_826 : i1 to vector<16xi1>
        %reduce_sum3A_828 = tpu.scan <sum>, %add3A_825 masked %reduce_sum3A_827 : vector<16xf32>, vector<16xi1> -> vector<16xf32>
        %reduce_sum3A_829 = vector.extract %reduce_sum3A_828[15] : f32 from vector<16xf32>
        %min3A_830 = arith.minimumf %reduce_sum3A_803, %reduce_sum3A_829 : f32
        %broadcast_in_dim3A_831 = arith.constant 0.000000e+00 : f32
        %broadcast_in_dim3A_832 = vector.broadcast %broadcast_in_dim3A_831 : f32 to vector<16xf32>
        %get3A_833 = arith.index_cast %add3A_763 : i32 to index
        %get3A_834 = arith.constant 64 : index
        %get3A_835 = tpu.vector_load %arg9[%get3A_833, %get3A_834] {strides = array<i32>} : memref<128x128xi32, #tpu.memory_space<vmem>>, vector<16xi32>,
        %bitcast3A_836 = vector.bitcast %get3A_835 : vector<16xi32> to vector<32xbf16>
        %sub3A_837 = arith.subf %pack3A_776, %bitcast3A_836 : vector<32xbf16>
        %abs3A_838 = math.absf %sub3A_837 : vector<32xbf16>
        %unpack3A_839 = tpu.unpack_subelements %abs3A_838, 0 {pack_format = #tpu.pack_format<interleaved>} : vector<32xbf16> -> vector<16xf32>
        %unpack3A_840 = tpu.unpack_subelements %abs3A_838, 1 {pack_format = #tpu.pack_format<interleaved>} : vector<32xbf16> -> vector<16xf32>
        %add3A_841 = arith.addf %broadcast_in_dim3A_832, %unpack3A_839 : vector<16xf32>
        %add3A_842 = arith.addf %add3A_841, %unpack3A_840 : vector<16xf32>
        %get3A_843 = arith.index_cast %add3A_763 : i32 to index
        %get3A_844 = arith.constant 80 : index
        %get3A_845 = tpu.vector_load %arg9[%get3A_843, %get3A_844] {strides = array<i32>} : memref<128x128xi32, #tpu.memory_space<vmem>>, vector<16xi32>,
        %bitcast3A_846 = vector.bitcast %get3A_845 : vector<16xi32> to vector<32xbf16>
        %sub3A_847 = arith.subf %pack3A_777, %bitcast3A_846 : vector<32xbf16>
        %abs3A_848 = math.absf %sub3A_847 : vector<32xbf16>
        %unpack3A_849 = tpu.unpack_subelements %abs3A_848, 0 {pack_format = #tpu.pack_format<interleaved>} : vector<32xbf16> -> vector<16xf32>
        %unpack3A_850 = tpu.unpack_subelements %abs3A_848, 1 {pack_format = #tpu.pack_format<interleaved>} : vector<32xbf16> -> vector<16xf32>
        %add3A_851 = arith.addf %add3A_842, %unpack3A_849 : vector<16xf32>
        %add3A_852 = arith.addf %add3A_851, %unpack3A_850 : vector<16xf32>
        %reduce_sum3A_853 = arith.constant true
        %reduce_sum3A_854 = vector.broadcast %reduce_sum3A_853 : i1 to vector<16xi1>
        %reduce_sum3A_855 = tpu.scan <sum>, %add3A_852 masked %reduce_sum3A_854 : vector<16xf32>, vector<16xi1> -> vector<16xf32>
        %reduce_sum3A_856 = vector.extract %reduce_sum3A_855[15] : f32 from vector<16xf32>
        %min3A_857 = arith.minimumf %min3A_830, %reduce_sum3A_856 : f32
        %broadcast_in_dim3A_858 = arith.constant 0.000000e+00 : f32
        %broadcast_in_dim3A_859 = vector.broadcast %broadcast_in_dim3A_858 : f32 to vector<16xf32>
        %get3A_860 = arith.index_cast %add3A_763 : i32 to index
        %get3A_861 = arith.constant 96 : index
        %get3A_862 = tpu.vector_load %arg9[%get3A_860, %get3A_861] {strides = array<i32>} : memref<128x128xi32, #tpu.memory_space<vmem>>, vector<16xi32>,
        %bitcast3A_863 = vector.bitcast %get3A_862 : vector<16xi32> to vector<32xbf16>
        %sub3A_864 = arith.subf %pack3A_776, %bitcast3A_863 : vector<32xbf16>
        %abs3A_865 = math.absf %sub3A_864 : vector<32xbf16>
        %unpack3A_866 = tpu.unpack_subelements %abs3A_865, 0 {pack_format = #tpu.pack_format<interleaved>} : vector<32xbf16> -> vector<16xf32>
        %unpack3A_867 = tpu.unpack_subelements %abs3A_865, 1 {pack_format = #tpu.pack_format<interleaved>} : vector<32xbf16> -> vector<16xf32>
        %add3A_868 = arith.addf %broadcast_in_dim3A_859, %unpack3A_866 : vector<16xf32>
        %add3A_869 = arith.addf %add3A_868, %unpack3A_867 : vector<16xf32>
        %get3A_870 = arith.index_cast %add3A_763 : i32 to index
        %get3A_871 = arith.constant 112 : index
        %get3A_872 = tpu.vector_load %arg9[%get3A_870, %get3A_871] {strides = array<i32>} : memref<128x128xi32, #tpu.memory_space<vmem>>, vector<16xi32>,
        %bitcast3A_873 = vector.bitcast %get3A_872 : vector<16xi32> to vector<32xbf16>
        %sub3A_874 = arith.subf %pack3A_777, %bitcast3A_873 : vector<32xbf16>
        %abs3A_875 = math.absf %sub3A_874 : vector<32xbf16>
        %unpack3A_876 = tpu.unpack_subelements %abs3A_875, 0 {pack_format = #tpu.pack_format<interleaved>} : vector<32xbf16> -> vector<16xf32>
        %unpack3A_877 = tpu.unpack_subelements %abs3A_875, 1 {pack_format = #tpu.pack_format<interleaved>} : vector<32xbf16> -> vector<16xf32>
        %add3A_878 = arith.addf %add3A_869, %unpack3A_876 : vector<16xf32>
        %add3A_879 = arith.addf %add3A_878, %unpack3A_877 : vector<16xf32>
        %reduce_sum3A_880 = arith.constant true
        %reduce_sum3A_881 = vector.broadcast %reduce_sum3A_880 : i1 to vector<16xi1>
        %reduce_sum3A_882 = tpu.scan <sum>, %add3A_879 masked %reduce_sum3A_881 : vector<16xf32>, vector<16xi1> -> vector<16xf32>
        %reduce_sum3A_883 = vector.extract %reduce_sum3A_882[15] : f32 from vector<16xf32>
        %min3A_884 = arith.minimumf %min3A_857, %reduce_sum3A_883 : f32
        %mul3A_885 = arith.constant 1.562500e-02 : f32
        %mul3A_886 = arith.mulf %min3A_884, %mul3A_885 : f32
        %broadcast_in_dim3A_887 = vector.broadcast %mul3A_886 : f32 to vector<16xf32>
        %select_n3A_888 = arith.select %eq3A_17, %broadcast_in_dim3A_887, %select_n3A_759 : vector<16xi1>, vector<16xf32>
        %mul3A_889 = arith.constant 16 : i32
        %mul3A_890 = arith.muli %scan3A_122, %mul3A_889 : i32
        %add3A_891 = arith.constant 6 : i32
        %add3A_892 = arith.addi %mul3A_890, %add3A_891 : i32
        %get3A_893 = arith.index_cast %add3A_892 : i32 to index
        %get3A_894 = arith.constant 0 : index
        %get3A_895 = tpu.vector_load %arg11[%get3A_893, %get3A_894] {strides = array<i32>} : memref<128x64xf32, #tpu.memory_space<vmem>>, vector<16xf32>,
        %get3A_896 = arith.index_cast %add3A_892 : i32 to index
        %get3A_897 = arith.constant 16 : index
        %get3A_898 = tpu.vector_load %arg11[%get3A_896, %get3A_897] {strides = array<i32>} : memref<128x64xf32, #tpu.memory_space<vmem>>, vector<16xf32>,
        %get3A_899 = arith.index_cast %add3A_892 : i32 to index
        %get3A_900 = arith.constant 32 : index
        %get3A_901 = tpu.vector_load %arg11[%get3A_899, %get3A_900] {strides = array<i32>} : memref<128x64xf32, #tpu.memory_space<vmem>>, vector<16xf32>,
        %get3A_902 = arith.index_cast %add3A_892 : i32 to index
        %get3A_903 = arith.constant 48 : index
        %get3A_904 = tpu.vector_load %arg11[%get3A_902, %get3A_903] {strides = array<i32>} : memref<128x64xf32, #tpu.memory_space<vmem>>, vector<16xf32>,
        %pack3A_905 = tpu.pack_subelements %get3A_895, %get3A_898 {pack_format = #tpu.pack_format<interleaved>, positions = array<i32: 0, 1>} : vector<16xf32>, vector<16xf32> -> vector<32xbf16>
        %pack3A_906 = tpu.pack_subelements %get3A_901, %get3A_904 {pack_format = #tpu.pack_format<interleaved>, positions = array<i32: 0, 1>} : vector<16xf32>, vector<16xf32> -> vector<32xbf16>
        %broadcast_in_dim3A_907 = arith.constant 0.000000e+00 : f32
        %broadcast_in_dim3A_908 = vector.broadcast %broadcast_in_dim3A_907 : f32 to vector<16xf32>
        %get3A_909 = arith.index_cast %add3A_892 : i32 to index
        %get3A_910 = arith.constant 0 : index
        %get3A_911 = tpu.vector_load %arg9[%get3A_909, %get3A_910] {strides = array<i32>} : memref<128x128xi32, #tpu.memory_space<vmem>>, vector<16xi32>,
        %bitcast3A_912 = vector.bitcast %get3A_911 : vector<16xi32> to vector<32xbf16>
        %sub3A_913 = arith.subf %pack3A_905, %bitcast3A_912 : vector<32xbf16>
        %abs3A_914 = math.absf %sub3A_913 : vector<32xbf16>
        %unpack3A_915 = tpu.unpack_subelements %abs3A_914, 0 {pack_format = #tpu.pack_format<interleaved>} : vector<32xbf16> -> vector<16xf32>
        %unpack3A_916 = tpu.unpack_subelements %abs3A_914, 1 {pack_format = #tpu.pack_format<interleaved>} : vector<32xbf16> -> vector<16xf32>
        %add3A_917 = arith.addf %broadcast_in_dim3A_908, %unpack3A_915 : vector<16xf32>
        %add3A_918 = arith.addf %add3A_917, %unpack3A_916 : vector<16xf32>
        %get3A_919 = arith.index_cast %add3A_892 : i32 to index
        %get3A_920 = arith.constant 16 : index
        %get3A_921 = tpu.vector_load %arg9[%get3A_919, %get3A_920] {strides = array<i32>} : memref<128x128xi32, #tpu.memory_space<vmem>>, vector<16xi32>,
        %bitcast3A_922 = vector.bitcast %get3A_921 : vector<16xi32> to vector<32xbf16>
        %sub3A_923 = arith.subf %pack3A_906, %bitcast3A_922 : vector<32xbf16>
        %abs3A_924 = math.absf %sub3A_923 : vector<32xbf16>
        %unpack3A_925 = tpu.unpack_subelements %abs3A_924, 0 {pack_format = #tpu.pack_format<interleaved>} : vector<32xbf16> -> vector<16xf32>
        %unpack3A_926 = tpu.unpack_subelements %abs3A_924, 1 {pack_format = #tpu.pack_format<interleaved>} : vector<32xbf16> -> vector<16xf32>
        %add3A_927 = arith.addf %add3A_918, %unpack3A_925 : vector<16xf32>
        %add3A_928 = arith.addf %add3A_927, %unpack3A_926 : vector<16xf32>
        %reduce_sum3A_929 = arith.constant true
        %reduce_sum3A_930 = vector.broadcast %reduce_sum3A_929 : i1 to vector<16xi1>
        %reduce_sum3A_931 = tpu.scan <sum>, %add3A_928 masked %reduce_sum3A_930 : vector<16xf32>, vector<16xi1> -> vector<16xf32>
        %reduce_sum3A_932 = vector.extract %reduce_sum3A_931[15] : f32 from vector<16xf32>
        %broadcast_in_dim3A_933 = arith.constant 0.000000e+00 : f32
        %broadcast_in_dim3A_934 = vector.broadcast %broadcast_in_dim3A_933 : f32 to vector<16xf32>
        %get3A_935 = arith.index_cast %add3A_892 : i32 to index
        %get3A_936 = arith.constant 32 : index
        %get3A_937 = tpu.vector_load %arg9[%get3A_935, %get3A_936] {strides = array<i32>} : memref<128x128xi32, #tpu.memory_space<vmem>>, vector<16xi32>,
        %bitcast3A_938 = vector.bitcast %get3A_937 : vector<16xi32> to vector<32xbf16>
        %sub3A_939 = arith.subf %pack3A_905, %bitcast3A_938 : vector<32xbf16>
        %abs3A_940 = math.absf %sub3A_939 : vector<32xbf16>
        %unpack3A_941 = tpu.unpack_subelements %abs3A_940, 0 {pack_format = #tpu.pack_format<interleaved>} : vector<32xbf16> -> vector<16xf32>
        %unpack3A_942 = tpu.unpack_subelements %abs3A_940, 1 {pack_format = #tpu.pack_format<interleaved>} : vector<32xbf16> -> vector<16xf32>
        %add3A_943 = arith.addf %broadcast_in_dim3A_934, %unpack3A_941 : vector<16xf32>
        %add3A_944 = arith.addf %add3A_943, %unpack3A_942 : vector<16xf32>
        %get3A_945 = arith.index_cast %add3A_892 : i32 to index
        %get3A_946 = arith.constant 48 : index
        %get3A_947 = tpu.vector_load %arg9[%get3A_945, %get3A_946] {strides = array<i32>} : memref<128x128xi32, #tpu.memory_space<vmem>>, vector<16xi32>,
        %bitcast3A_948 = vector.bitcast %get3A_947 : vector<16xi32> to vector<32xbf16>
        %sub3A_949 = arith.subf %pack3A_906, %bitcast3A_948 : vector<32xbf16>
        %abs3A_950 = math.absf %sub3A_949 : vector<32xbf16>
        %unpack3A_951 = tpu.unpack_subelements %abs3A_950, 0 {pack_format = #tpu.pack_format<interleaved>} : vector<32xbf16> -> vector<16xf32>
        %unpack3A_952 = tpu.unpack_subelements %abs3A_950, 1 {pack_format = #tpu.pack_format<interleaved>} : vector<32xbf16> -> vector<16xf32>
        %add3A_953 = arith.addf %add3A_944, %unpack3A_951 : vector<16xf32>
        %add3A_954 = arith.addf %add3A_953, %unpack3A_952 : vector<16xf32>
        %reduce_sum3A_955 = arith.constant true
        %reduce_sum3A_956 = vector.broadcast %reduce_sum3A_955 : i1 to vector<16xi1>
        %reduce_sum3A_957 = tpu.scan <sum>, %add3A_954 masked %reduce_sum3A_956 : vector<16xf32>, vector<16xi1> -> vector<16xf32>
        %reduce_sum3A_958 = vector.extract %reduce_sum3A_957[15] : f32 from vector<16xf32>
        %min3A_959 = arith.minimumf %reduce_sum3A_932, %reduce_sum3A_958 : f32
        %broadcast_in_dim3A_960 = arith.constant 0.000000e+00 : f32
        %broadcast_in_dim3A_961 = vector.broadcast %broadcast_in_dim3A_960 : f32 to vector<16xf32>
        %get3A_962 = arith.index_cast %add3A_892 : i32 to index
        %get3A_963 = arith.constant 64 : index
        %get3A_964 = tpu.vector_load %arg9[%get3A_962, %get3A_963] {strides = array<i32>} : memref<128x128xi32, #tpu.memory_space<vmem>>, vector<16xi32>,
        %bitcast3A_965 = vector.bitcast %get3A_964 : vector<16xi32> to vector<32xbf16>
        %sub3A_966 = arith.subf %pack3A_905, %bitcast3A_965 : vector<32xbf16>
        %abs3A_967 = math.absf %sub3A_966 : vector<32xbf16>
        %unpack3A_968 = tpu.unpack_subelements %abs3A_967, 0 {pack_format = #tpu.pack_format<interleaved>} : vector<32xbf16> -> vector<16xf32>
        %unpack3A_969 = tpu.unpack_subelements %abs3A_967, 1 {pack_format = #tpu.pack_format<interleaved>} : vector<32xbf16> -> vector<16xf32>
        %add3A_970 = arith.addf %broadcast_in_dim3A_961, %unpack3A_968 : vector<16xf32>
        %add3A_971 = arith.addf %add3A_970, %unpack3A_969 : vector<16xf32>
        %get3A_972 = arith.index_cast %add3A_892 : i32 to index
        %get3A_973 = arith.constant 80 : index
        %get3A_974 = tpu.vector_load %arg9[%get3A_972, %get3A_973] {strides = array<i32>} : memref<128x128xi32, #tpu.memory_space<vmem>>, vector<16xi32>,
        %bitcast3A_975 = vector.bitcast %get3A_974 : vector<16xi32> to vector<32xbf16>
        %sub3A_976 = arith.subf %pack3A_906, %bitcast3A_975 : vector<32xbf16>
        %abs3A_977 = math.absf %sub3A_976 : vector<32xbf16>
        %unpack3A_978 = tpu.unpack_subelements %abs3A_977, 0 {pack_format = #tpu.pack_format<interleaved>} : vector<32xbf16> -> vector<16xf32>
        %unpack3A_979 = tpu.unpack_subelements %abs3A_977, 1 {pack_format = #tpu.pack_format<interleaved>} : vector<32xbf16> -> vector<16xf32>
        %add3A_980 = arith.addf %add3A_971, %unpack3A_978 : vector<16xf32>
        %add3A_981 = arith.addf %add3A_980, %unpack3A_979 : vector<16xf32>
        %reduce_sum3A_982 = arith.constant true
        %reduce_sum3A_983 = vector.broadcast %reduce_sum3A_982 : i1 to vector<16xi1>
        %reduce_sum3A_984 = tpu.scan <sum>, %add3A_981 masked %reduce_sum3A_983 : vector<16xf32>, vector<16xi1> -> vector<16xf32>
        %reduce_sum3A_985 = vector.extract %reduce_sum3A_984[15] : f32 from vector<16xf32>
        %min3A_986 = arith.minimumf %min3A_959, %reduce_sum3A_985 : f32
        %broadcast_in_dim3A_987 = arith.constant 0.000000e+00 : f32
        %broadcast_in_dim3A_988 = vector.broadcast %broadcast_in_dim3A_987 : f32 to vector<16xf32>
        %get3A_989 = arith.index_cast %add3A_892 : i32 to index
        %get3A_990 = arith.constant 96 : index
        %get3A_991 = tpu.vector_load %arg9[%get3A_989, %get3A_990] {strides = array<i32>} : memref<128x128xi32, #tpu.memory_space<vmem>>, vector<16xi32>,
        %bitcast3A_992 = vector.bitcast %get3A_991 : vector<16xi32> to vector<32xbf16>
        %sub3A_993 = arith.subf %pack3A_905, %bitcast3A_992 : vector<32xbf16>
        %abs3A_994 = math.absf %sub3A_993 : vector<32xbf16>
        %unpack3A_995 = tpu.unpack_subelements %abs3A_994, 0 {pack_format = #tpu.pack_format<interleaved>} : vector<32xbf16> -> vector<16xf32>
        %unpack3A_996 = tpu.unpack_subelements %abs3A_994, 1 {pack_format = #tpu.pack_format<interleaved>} : vector<32xbf16> -> vector<16xf32>
        %add3A_997 = arith.addf %broadcast_in_dim3A_988, %unpack3A_995 : vector<16xf32>
        %add3A_998 = arith.addf %add3A_997, %unpack3A_996 : vector<16xf32>
        %get3A_999 = arith.index_cast %add3A_892 : i32 to index
        %get3A_1000 = arith.constant 112 : index
        %get3A_1001 = tpu.vector_load %arg9[%get3A_999, %get3A_1000] {strides = array<i32>} : memref<128x128xi32, #tpu.memory_space<vmem>>, vector<16xi32>,
        %bitcast3A_1002 = vector.bitcast %get3A_1001 : vector<16xi32> to vector<32xbf16>
        %sub3A_1003 = arith.subf %pack3A_906, %bitcast3A_1002 : vector<32xbf16>
        %abs3A_1004 = math.absf %sub3A_1003 : vector<32xbf16>
        %unpack3A_1005 = tpu.unpack_subelements %abs3A_1004, 0 {pack_format = #tpu.pack_format<interleaved>} : vector<32xbf16> -> vector<16xf32>
        %unpack3A_1006 = tpu.unpack_subelements %abs3A_1004, 1 {pack_format = #tpu.pack_format<interleaved>} : vector<32xbf16> -> vector<16xf32>
        %add3A_1007 = arith.addf %add3A_998, %unpack3A_1005 : vector<16xf32>
        %add3A_1008 = arith.addf %add3A_1007, %unpack3A_1006 : vector<16xf32>
        %reduce_sum3A_1009 = arith.constant true
        %reduce_sum3A_1010 = vector.broadcast %reduce_sum3A_1009 : i1 to vector<16xi1>
        %reduce_sum3A_1011 = tpu.scan <sum>, %add3A_1008 masked %reduce_sum3A_1010 : vector<16xf32>, vector<16xi1> -> vector<16xf32>
        %reduce_sum3A_1012 = vector.extract %reduce_sum3A_1011[15] : f32 from vector<16xf32>
        %min3A_1013 = arith.minimumf %min3A_986, %reduce_sum3A_1012 : f32
        %mul3A_1014 = arith.constant 1.562500e-02 : f32
        %mul3A_1015 = arith.mulf %min3A_1013, %mul3A_1014 : f32
        %broadcast_in_dim3A_1016 = vector.broadcast %mul3A_1015 : f32 to vector<16xf32>
        %select_n3A_1017 = arith.select %eq3A_20, %broadcast_in_dim3A_1016, %select_n3A_888 : vector<16xi1>, vector<16xf32>
        %mul3A_1018 = arith.constant 16 : i32
        %mul3A_1019 = arith.muli %scan3A_122, %mul3A_1018 : i32
        %add3A_1020 = arith.constant 7 : i32
        %add3A_1021 = arith.addi %mul3A_1019, %add3A_1020 : i32
        %get3A_1022 = arith.index_cast %add3A_1021 : i32 to index
        %get3A_1023 = arith.constant 0 : index
        %get3A_1024 = tpu.vector_load %arg11[%get3A_1022, %get3A_1023] {strides = array<i32>} : memref<128x64xf32, #tpu.memory_space<vmem>>, vector<16xf32>,
        %get3A_1025 = arith.index_cast %add3A_1021 : i32 to index
        %get3A_1026 = arith.constant 16 : index
        %get3A_1027 = tpu.vector_load %arg11[%get3A_1025, %get3A_1026] {strides = array<i32>} : memref<128x64xf32, #tpu.memory_space<vmem>>, vector<16xf32>,
        %get3A_1028 = arith.index_cast %add3A_1021 : i32 to index
        %get3A_1029 = arith.constant 32 : index
        %get3A_1030 = tpu.vector_load %arg11[%get3A_1028, %get3A_1029] {strides = array<i32>} : memref<128x64xf32, #tpu.memory_space<vmem>>, vector<16xf32>,
        %get3A_1031 = arith.index_cast %add3A_1021 : i32 to index
        %get3A_1032 = arith.constant 48 : index
        %get3A_1033 = tpu.vector_load %arg11[%get3A_1031, %get3A_1032] {strides = array<i32>} : memref<128x64xf32, #tpu.memory_space<vmem>>, vector<16xf32>,
        %pack3A_1034 = tpu.pack_subelements %get3A_1024, %get3A_1027 {pack_format = #tpu.pack_format<interleaved>, positions = array<i32: 0, 1>} : vector<16xf32>, vector<16xf32> -> vector<32xbf16>
        %pack3A_1035 = tpu.pack_subelements %get3A_1030, %get3A_1033 {pack_format = #tpu.pack_format<interleaved>, positions = array<i32: 0, 1>} : vector<16xf32>, vector<16xf32> -> vector<32xbf16>
        %broadcast_in_dim3A_1036 = arith.constant 0.000000e+00 : f32
        %broadcast_in_dim3A_1037 = vector.broadcast %broadcast_in_dim3A_1036 : f32 to vector<16xf32>
        %get3A_1038 = arith.index_cast %add3A_1021 : i32 to index
        %get3A_1039 = arith.constant 0 : index
        %get3A_1040 = tpu.vector_load %arg9[%get3A_1038, %get3A_1039] {strides = array<i32>} : memref<128x128xi32, #tpu.memory_space<vmem>>, vector<16xi32>,
        %bitcast3A_1041 = vector.bitcast %get3A_1040 : vector<16xi32> to vector<32xbf16>
        %sub3A_1042 = arith.subf %pack3A_1034, %bitcast3A_1041 : vector<32xbf16>
        %abs3A_1043 = math.absf %sub3A_1042 : vector<32xbf16>
        %unpack3A_1044 = tpu.unpack_subelements %abs3A_1043, 0 {pack_format = #tpu.pack_format<interleaved>} : vector<32xbf16> -> vector<16xf32>
        %unpack3A_1045 = tpu.unpack_subelements %abs3A_1043, 1 {pack_format = #tpu.pack_format<interleaved>} : vector<32xbf16> -> vector<16xf32>
        %add3A_1046 = arith.addf %broadcast_in_dim3A_1037, %unpack3A_1044 : vector<16xf32>
        %add3A_1047 = arith.addf %add3A_1046, %unpack3A_1045 : vector<16xf32>
        %get3A_1048 = arith.index_cast %add3A_1021 : i32 to index
        %get3A_1049 = arith.constant 16 : index
        %get3A_1050 = tpu.vector_load %arg9[%get3A_1048, %get3A_1049] {strides = array<i32>} : memref<128x128xi32, #tpu.memory_space<vmem>>, vector<16xi32>,
        %bitcast3A_1051 = vector.bitcast %get3A_1050 : vector<16xi32> to vector<32xbf16>
        %sub3A_1052 = arith.subf %pack3A_1035, %bitcast3A_1051 : vector<32xbf16>
        %abs3A_1053 = math.absf %sub3A_1052 : vector<32xbf16>
        %unpack3A_1054 = tpu.unpack_subelements %abs3A_1053, 0 {pack_format = #tpu.pack_format<interleaved>} : vector<32xbf16> -> vector<16xf32>
        %unpack3A_1055 = tpu.unpack_subelements %abs3A_1053, 1 {pack_format = #tpu.pack_format<interleaved>} : vector<32xbf16> -> vector<16xf32>
        %add3A_1056 = arith.addf %add3A_1047, %unpack3A_1054 : vector<16xf32>
        %add3A_1057 = arith.addf %add3A_1056, %unpack3A_1055 : vector<16xf32>
        %reduce_sum3A_1058 = arith.constant true
        %reduce_sum3A_1059 = vector.broadcast %reduce_sum3A_1058 : i1 to vector<16xi1>
        %reduce_sum3A_1060 = tpu.scan <sum>, %add3A_1057 masked %reduce_sum3A_1059 : vector<16xf32>, vector<16xi1> -> vector<16xf32>
        %reduce_sum3A_1061 = vector.extract %reduce_sum3A_1060[15] : f32 from vector<16xf32>
        %broadcast_in_dim3A_1062 = arith.constant 0.000000e+00 : f32
        %broadcast_in_dim3A_1063 = vector.broadcast %broadcast_in_dim3A_1062 : f32 to vector<16xf32>
        %get3A_1064 = arith.index_cast %add3A_1021 : i32 to index
        %get3A_1065 = arith.constant 32 : index
        %get3A_1066 = tpu.vector_load %arg9[%get3A_1064, %get3A_1065] {strides = array<i32>} : memref<128x128xi32, #tpu.memory_space<vmem>>, vector<16xi32>,
        %bitcast3A_1067 = vector.bitcast %get3A_1066 : vector<16xi32> to vector<32xbf16>
        %sub3A_1068 = arith.subf %pack3A_1034, %bitcast3A_1067 : vector<32xbf16>
        %abs3A_1069 = math.absf %sub3A_1068 : vector<32xbf16>
        %unpack3A_1070 = tpu.unpack_subelements %abs3A_1069, 0 {pack_format = #tpu.pack_format<interleaved>} : vector<32xbf16> -> vector<16xf32>
        %unpack3A_1071 = tpu.unpack_subelements %abs3A_1069, 1 {pack_format = #tpu.pack_format<interleaved>} : vector<32xbf16> -> vector<16xf32>
        %add3A_1072 = arith.addf %broadcast_in_dim3A_1063, %unpack3A_1070 : vector<16xf32>
        %add3A_1073 = arith.addf %add3A_1072, %unpack3A_1071 : vector<16xf32>
        %get3A_1074 = arith.index_cast %add3A_1021 : i32 to index
        %get3A_1075 = arith.constant 48 : index
        %get3A_1076 = tpu.vector_load %arg9[%get3A_1074, %get3A_1075] {strides = array<i32>} : memref<128x128xi32, #tpu.memory_space<vmem>>, vector<16xi32>,
        %bitcast3A_1077 = vector.bitcast %get3A_1076 : vector<16xi32> to vector<32xbf16>
        %sub3A_1078 = arith.subf %pack3A_1035, %bitcast3A_1077 : vector<32xbf16>
        %abs3A_1079 = math.absf %sub3A_1078 : vector<32xbf16>
        %unpack3A_1080 = tpu.unpack_subelements %abs3A_1079, 0 {pack_format = #tpu.pack_format<interleaved>} : vector<32xbf16> -> vector<16xf32>
        %unpack3A_1081 = tpu.unpack_subelements %abs3A_1079, 1 {pack_format = #tpu.pack_format<interleaved>} : vector<32xbf16> -> vector<16xf32>
        %add3A_1082 = arith.addf %add3A_1073, %unpack3A_1080 : vector<16xf32>
        %add3A_1083 = arith.addf %add3A_1082, %unpack3A_1081 : vector<16xf32>
        %reduce_sum3A_1084 = arith.constant true
        %reduce_sum3A_1085 = vector.broadcast %reduce_sum3A_1084 : i1 to vector<16xi1>
        %reduce_sum3A_1086 = tpu.scan <sum>, %add3A_1083 masked %reduce_sum3A_1085 : vector<16xf32>, vector<16xi1> -> vector<16xf32>
        %reduce_sum3A_1087 = vector.extract %reduce_sum3A_1086[15] : f32 from vector<16xf32>
        %min3A_1088 = arith.minimumf %reduce_sum3A_1061, %reduce_sum3A_1087 : f32
        %broadcast_in_dim3A_1089 = arith.constant 0.000000e+00 : f32
        %broadcast_in_dim3A_1090 = vector.broadcast %broadcast_in_dim3A_1089 : f32 to vector<16xf32>
        %get3A_1091 = arith.index_cast %add3A_1021 : i32 to index
        %get3A_1092 = arith.constant 64 : index
        %get3A_1093 = tpu.vector_load %arg9[%get3A_1091, %get3A_1092] {strides = array<i32>} : memref<128x128xi32, #tpu.memory_space<vmem>>, vector<16xi32>,
        %bitcast3A_1094 = vector.bitcast %get3A_1093 : vector<16xi32> to vector<32xbf16>
        %sub3A_1095 = arith.subf %pack3A_1034, %bitcast3A_1094 : vector<32xbf16>
        %abs3A_1096 = math.absf %sub3A_1095 : vector<32xbf16>
        %unpack3A_1097 = tpu.unpack_subelements %abs3A_1096, 0 {pack_format = #tpu.pack_format<interleaved>} : vector<32xbf16> -> vector<16xf32>
        %unpack3A_1098 = tpu.unpack_subelements %abs3A_1096, 1 {pack_format = #tpu.pack_format<interleaved>} : vector<32xbf16> -> vector<16xf32>
        %add3A_1099 = arith.addf %broadcast_in_dim3A_1090, %unpack3A_1097 : vector<16xf32>
        %add3A_1100 = arith.addf %add3A_1099, %unpack3A_1098 : vector<16xf32>
        %get3A_1101 = arith.index_cast %add3A_1021 : i32 to index
        %get3A_1102 = arith.constant 80 : index
        %get3A_1103 = tpu.vector_load %arg9[%get3A_1101, %get3A_1102] {strides = array<i32>} : memref<128x128xi32, #tpu.memory_space<vmem>>, vector<16xi32>,
        %bitcast3A_1104 = vector.bitcast %get3A_1103 : vector<16xi32> to vector<32xbf16>
        %sub3A_1105 = arith.subf %pack3A_1035, %bitcast3A_1104 : vector<32xbf16>
        %abs3A_1106 = math.absf %sub3A_1105 : vector<32xbf16>
        %unpack3A_1107 = tpu.unpack_subelements %abs3A_1106, 0 {pack_format = #tpu.pack_format<interleaved>} : vector<32xbf16> -> vector<16xf32>
        %unpack3A_1108 = tpu.unpack_subelements %abs3A_1106, 1 {pack_format = #tpu.pack_format<interleaved>} : vector<32xbf16> -> vector<16xf32>
        %add3A_1109 = arith.addf %add3A_1100, %unpack3A_1107 : vector<16xf32>
        %add3A_1110 = arith.addf %add3A_1109, %unpack3A_1108 : vector<16xf32>
        %reduce_sum3A_1111 = arith.constant true
        %reduce_sum3A_1112 = vector.broadcast %reduce_sum3A_1111 : i1 to vector<16xi1>
        %reduce_sum3A_1113 = tpu.scan <sum>, %add3A_1110 masked %reduce_sum3A_1112 : vector<16xf32>, vector<16xi1> -> vector<16xf32>
        %reduce_sum3A_1114 = vector.extract %reduce_sum3A_1113[15] : f32 from vector<16xf32>
        %min3A_1115 = arith.minimumf %min3A_1088, %reduce_sum3A_1114 : f32
        %broadcast_in_dim3A_1116 = arith.constant 0.000000e+00 : f32
        %broadcast_in_dim3A_1117 = vector.broadcast %broadcast_in_dim3A_1116 : f32 to vector<16xf32>
        %get3A_1118 = arith.index_cast %add3A_1021 : i32 to index
        %get3A_1119 = arith.constant 96 : index
        %get3A_1120 = tpu.vector_load %arg9[%get3A_1118, %get3A_1119] {strides = array<i32>} : memref<128x128xi32, #tpu.memory_space<vmem>>, vector<16xi32>,
        %bitcast3A_1121 = vector.bitcast %get3A_1120 : vector<16xi32> to vector<32xbf16>
        %sub3A_1122 = arith.subf %pack3A_1034, %bitcast3A_1121 : vector<32xbf16>
        %abs3A_1123 = math.absf %sub3A_1122 : vector<32xbf16>
        %unpack3A_1124 = tpu.unpack_subelements %abs3A_1123, 0 {pack_format = #tpu.pack_format<interleaved>} : vector<32xbf16> -> vector<16xf32>
        %unpack3A_1125 = tpu.unpack_subelements %abs3A_1123, 1 {pack_format = #tpu.pack_format<interleaved>} : vector<32xbf16> -> vector<16xf32>
        %add3A_1126 = arith.addf %broadcast_in_dim3A_1117, %unpack3A_1124 : vector<16xf32>
        %add3A_1127 = arith.addf %add3A_1126, %unpack3A_1125 : vector<16xf32>
        %get3A_1128 = arith.index_cast %add3A_1021 : i32 to index
        %get3A_1129 = arith.constant 112 : index
        %get3A_1130 = tpu.vector_load %arg9[%get3A_1128, %get3A_1129] {strides = array<i32>} : memref<128x128xi32, #tpu.memory_space<vmem>>, vector<16xi32>,
        %bitcast3A_1131 = vector.bitcast %get3A_1130 : vector<16xi32> to vector<32xbf16>
        %sub3A_1132 = arith.subf %pack3A_1035, %bitcast3A_1131 : vector<32xbf16>
        %abs3A_1133 = math.absf %sub3A_1132 : vector<32xbf16>
        %unpack3A_1134 = tpu.unpack_subelements %abs3A_1133, 0 {pack_format = #tpu.pack_format<interleaved>} : vector<32xbf16> -> vector<16xf32>
        %unpack3A_1135 = tpu.unpack_subelements %abs3A_1133, 1 {pack_format = #tpu.pack_format<interleaved>} : vector<32xbf16> -> vector<16xf32>
        %add3A_1136 = arith.addf %add3A_1127, %unpack3A_1134 : vector<16xf32>
        %add3A_1137 = arith.addf %add3A_1136, %unpack3A_1135 : vector<16xf32>
        %reduce_sum3A_1138 = arith.constant true
        %reduce_sum3A_1139 = vector.broadcast %reduce_sum3A_1138 : i1 to vector<16xi1>
        %reduce_sum3A_1140 = tpu.scan <sum>, %add3A_1137 masked %reduce_sum3A_1139 : vector<16xf32>, vector<16xi1> -> vector<16xf32>
        %reduce_sum3A_1141 = vector.extract %reduce_sum3A_1140[15] : f32 from vector<16xf32>
        %min3A_1142 = arith.minimumf %min3A_1115, %reduce_sum3A_1141 : f32
        %mul3A_1143 = arith.constant 1.562500e-02 : f32
        %mul3A_1144 = arith.mulf %min3A_1142, %mul3A_1143 : f32
        %broadcast_in_dim3A_1145 = vector.broadcast %mul3A_1144 : f32 to vector<16xf32>
        %select_n3A_1146 = arith.select %eq3A_23, %broadcast_in_dim3A_1145, %select_n3A_1017 : vector<16xi1>, vector<16xf32>
        %mul3A_1147 = arith.constant 16 : i32
        %mul3A_1148 = arith.muli %scan3A_122, %mul3A_1147 : i32
        %add3A_1149 = arith.constant 8 : i32
        %add3A_1150 = arith.addi %mul3A_1148, %add3A_1149 : i32
        %get3A_1151 = arith.index_cast %add3A_1150 : i32 to index
        %get3A_1152 = arith.constant 0 : index
        %get3A_1153 = tpu.vector_load %arg11[%get3A_1151, %get3A_1152] {strides = array<i32>} : memref<128x64xf32, #tpu.memory_space<vmem>>, vector<16xf32>,
        %get3A_1154 = arith.index_cast %add3A_1150 : i32 to index
        %get3A_1155 = arith.constant 16 : index
        %get3A_1156 = tpu.vector_load %arg11[%get3A_1154, %get3A_1155] {strides = array<i32>} : memref<128x64xf32, #tpu.memory_space<vmem>>, vector<16xf32>,
        %get3A_1157 = arith.index_cast %add3A_1150 : i32 to index
        %get3A_1158 = arith.constant 32 : index
        %get3A_1159 = tpu.vector_load %arg11[%get3A_1157, %get3A_1158] {strides = array<i32>} : memref<128x64xf32, #tpu.memory_space<vmem>>, vector<16xf32>,
        %get3A_1160 = arith.index_cast %add3A_1150 : i32 to index
        %get3A_1161 = arith.constant 48 : index
        %get3A_1162 = tpu.vector_load %arg11[%get3A_1160, %get3A_1161] {strides = array<i32>} : memref<128x64xf32, #tpu.memory_space<vmem>>, vector<16xf32>,
        %pack3A_1163 = tpu.pack_subelements %get3A_1153, %get3A_1156 {pack_format = #tpu.pack_format<interleaved>, positions = array<i32: 0, 1>} : vector<16xf32>, vector<16xf32> -> vector<32xbf16>
        %pack3A_1164 = tpu.pack_subelements %get3A_1159, %get3A_1162 {pack_format = #tpu.pack_format<interleaved>, positions = array<i32: 0, 1>} : vector<16xf32>, vector<16xf32> -> vector<32xbf16>
        %broadcast_in_dim3A_1165 = arith.constant 0.000000e+00 : f32
        %broadcast_in_dim3A_1166 = vector.broadcast %broadcast_in_dim3A_1165 : f32 to vector<16xf32>
        %get3A_1167 = arith.index_cast %add3A_1150 : i32 to index
        %get3A_1168 = arith.constant 0 : index
        %get3A_1169 = tpu.vector_load %arg9[%get3A_1167, %get3A_1168] {strides = array<i32>} : memref<128x128xi32, #tpu.memory_space<vmem>>, vector<16xi32>,
        %bitcast3A_1170 = vector.bitcast %get3A_1169 : vector<16xi32> to vector<32xbf16>
        %sub3A_1171 = arith.subf %pack3A_1163, %bitcast3A_1170 : vector<32xbf16>
        %abs3A_1172 = math.absf %sub3A_1171 : vector<32xbf16>
        %unpack3A_1173 = tpu.unpack_subelements %abs3A_1172, 0 {pack_format = #tpu.pack_format<interleaved>} : vector<32xbf16> -> vector<16xf32>
        %unpack3A_1174 = tpu.unpack_subelements %abs3A_1172, 1 {pack_format = #tpu.pack_format<interleaved>} : vector<32xbf16> -> vector<16xf32>
        %add3A_1175 = arith.addf %broadcast_in_dim3A_1166, %unpack3A_1173 : vector<16xf32>
        %add3A_1176 = arith.addf %add3A_1175, %unpack3A_1174 : vector<16xf32>
        %get3A_1177 = arith.index_cast %add3A_1150 : i32 to index
        %get3A_1178 = arith.constant 16 : index
        %get3A_1179 = tpu.vector_load %arg9[%get3A_1177, %get3A_1178] {strides = array<i32>} : memref<128x128xi32, #tpu.memory_space<vmem>>, vector<16xi32>,
        %bitcast3A_1180 = vector.bitcast %get3A_1179 : vector<16xi32> to vector<32xbf16>
        %sub3A_1181 = arith.subf %pack3A_1164, %bitcast3A_1180 : vector<32xbf16>
        %abs3A_1182 = math.absf %sub3A_1181 : vector<32xbf16>
        %unpack3A_1183 = tpu.unpack_subelements %abs3A_1182, 0 {pack_format = #tpu.pack_format<interleaved>} : vector<32xbf16> -> vector<16xf32>
        %unpack3A_1184 = tpu.unpack_subelements %abs3A_1182, 1 {pack_format = #tpu.pack_format<interleaved>} : vector<32xbf16> -> vector<16xf32>
        %add3A_1185 = arith.addf %add3A_1176, %unpack3A_1183 : vector<16xf32>
        %add3A_1186 = arith.addf %add3A_1185, %unpack3A_1184 : vector<16xf32>
        %reduce_sum3A_1187 = arith.constant true
        %reduce_sum3A_1188 = vector.broadcast %reduce_sum3A_1187 : i1 to vector<16xi1>
        %reduce_sum3A_1189 = tpu.scan <sum>, %add3A_1186 masked %reduce_sum3A_1188 : vector<16xf32>, vector<16xi1> -> vector<16xf32>
        %reduce_sum3A_1190 = vector.extract %reduce_sum3A_1189[15] : f32 from vector<16xf32>
        %broadcast_in_dim3A_1191 = arith.constant 0.000000e+00 : f32
        %broadcast_in_dim3A_1192 = vector.broadcast %broadcast_in_dim3A_1191 : f32 to vector<16xf32>
        %get3A_1193 = arith.index_cast %add3A_1150 : i32 to index
        %get3A_1194 = arith.constant 32 : index
        %get3A_1195 = tpu.vector_load %arg9[%get3A_1193, %get3A_1194] {strides = array<i32>} : memref<128x128xi32, #tpu.memory_space<vmem>>, vector<16xi32>,
        %bitcast3A_1196 = vector.bitcast %get3A_1195 : vector<16xi32> to vector<32xbf16>
        %sub3A_1197 = arith.subf %pack3A_1163, %bitcast3A_1196 : vector<32xbf16>
        %abs3A_1198 = math.absf %sub3A_1197 : vector<32xbf16>
        %unpack3A_1199 = tpu.unpack_subelements %abs3A_1198, 0 {pack_format = #tpu.pack_format<interleaved>} : vector<32xbf16> -> vector<16xf32>
        %unpack3A_1200 = tpu.unpack_subelements %abs3A_1198, 1 {pack_format = #tpu.pack_format<interleaved>} : vector<32xbf16> -> vector<16xf32>
        %add3A_1201 = arith.addf %broadcast_in_dim3A_1192, %unpack3A_1199 : vector<16xf32>
        %add3A_1202 = arith.addf %add3A_1201, %unpack3A_1200 : vector<16xf32>
        %get3A_1203 = arith.index_cast %add3A_1150 : i32 to index
        %get3A_1204 = arith.constant 48 : index
        %get3A_1205 = tpu.vector_load %arg9[%get3A_1203, %get3A_1204] {strides = array<i32>} : memref<128x128xi32, #tpu.memory_space<vmem>>, vector<16xi32>,
        %bitcast3A_1206 = vector.bitcast %get3A_1205 : vector<16xi32> to vector<32xbf16>
        %sub3A_1207 = arith.subf %pack3A_1164, %bitcast3A_1206 : vector<32xbf16>
        %abs3A_1208 = math.absf %sub3A_1207 : vector<32xbf16>
        %unpack3A_1209 = tpu.unpack_subelements %abs3A_1208, 0 {pack_format = #tpu.pack_format<interleaved>} : vector<32xbf16> -> vector<16xf32>
        %unpack3A_1210 = tpu.unpack_subelements %abs3A_1208, 1 {pack_format = #tpu.pack_format<interleaved>} : vector<32xbf16> -> vector<16xf32>
        %add3A_1211 = arith.addf %add3A_1202, %unpack3A_1209 : vector<16xf32>
        %add3A_1212 = arith.addf %add3A_1211, %unpack3A_1210 : vector<16xf32>
        %reduce_sum3A_1213 = arith.constant true
        %reduce_sum3A_1214 = vector.broadcast %reduce_sum3A_1213 : i1 to vector<16xi1>
        %reduce_sum3A_1215 = tpu.scan <sum>, %add3A_1212 masked %reduce_sum3A_1214 : vector<16xf32>, vector<16xi1> -> vector<16xf32>
        %reduce_sum3A_1216 = vector.extract %reduce_sum3A_1215[15] : f32 from vector<16xf32>
        %min3A_1217 = arith.minimumf %reduce_sum3A_1190, %reduce_sum3A_1216 : f32
        %broadcast_in_dim3A_1218 = arith.constant 0.000000e+00 : f32
        %broadcast_in_dim3A_1219 = vector.broadcast %broadcast_in_dim3A_1218 : f32 to vector<16xf32>
        %get3A_1220 = arith.index_cast %add3A_1150 : i32 to index
        %get3A_1221 = arith.constant 64 : index
        %get3A_1222 = tpu.vector_load %arg9[%get3A_1220, %get3A_1221] {strides = array<i32>} : memref<128x128xi32, #tpu.memory_space<vmem>>, vector<16xi32>,
        %bitcast3A_1223 = vector.bitcast %get3A_1222 : vector<16xi32> to vector<32xbf16>
        %sub3A_1224 = arith.subf %pack3A_1163, %bitcast3A_1223 : vector<32xbf16>
        %abs3A_1225 = math.absf %sub3A_1224 : vector<32xbf16>
        %unpack3A_1226 = tpu.unpack_subelements %abs3A_1225, 0 {pack_format = #tpu.pack_format<interleaved>} : vector<32xbf16> -> vector<16xf32>
        %unpack3A_1227 = tpu.unpack_subelements %abs3A_1225, 1 {pack_format = #tpu.pack_format<interleaved>} : vector<32xbf16> -> vector<16xf32>
        %add3A_1228 = arith.addf %broadcast_in_dim3A_1219, %unpack3A_1226 : vector<16xf32>
        %add3A_1229 = arith.addf %add3A_1228, %unpack3A_1227 : vector<16xf32>
        %get3A_1230 = arith.index_cast %add3A_1150 : i32 to index
        %get3A_1231 = arith.constant 80 : index
        %get3A_1232 = tpu.vector_load %arg9[%get3A_1230, %get3A_1231] {strides = array<i32>} : memref<128x128xi32, #tpu.memory_space<vmem>>, vector<16xi32>,
        %bitcast3A_1233 = vector.bitcast %get3A_1232 : vector<16xi32> to vector<32xbf16>
        %sub3A_1234 = arith.subf %pack3A_1164, %bitcast3A_1233 : vector<32xbf16>
        %abs3A_1235 = math.absf %sub3A_1234 : vector<32xbf16>
        %unpack3A_1236 = tpu.unpack_subelements %abs3A_1235, 0 {pack_format = #tpu.pack_format<interleaved>} : vector<32xbf16> -> vector<16xf32>
        %unpack3A_1237 = tpu.unpack_subelements %abs3A_1235, 1 {pack_format = #tpu.pack_format<interleaved>} : vector<32xbf16> -> vector<16xf32>
        %add3A_1238 = arith.addf %add3A_1229, %unpack3A_1236 : vector<16xf32>
        %add3A_1239 = arith.addf %add3A_1238, %unpack3A_1237 : vector<16xf32>
        %reduce_sum3A_1240 = arith.constant true
        %reduce_sum3A_1241 = vector.broadcast %reduce_sum3A_1240 : i1 to vector<16xi1>
        %reduce_sum3A_1242 = tpu.scan <sum>, %add3A_1239 masked %reduce_sum3A_1241 : vector<16xf32>, vector<16xi1> -> vector<16xf32>
        %reduce_sum3A_1243 = vector.extract %reduce_sum3A_1242[15] : f32 from vector<16xf32>
        %min3A_1244 = arith.minimumf %min3A_1217, %reduce_sum3A_1243 : f32
        %broadcast_in_dim3A_1245 = arith.constant 0.000000e+00 : f32
        %broadcast_in_dim3A_1246 = vector.broadcast %broadcast_in_dim3A_1245 : f32 to vector<16xf32>
        %get3A_1247 = arith.index_cast %add3A_1150 : i32 to index
        %get3A_1248 = arith.constant 96 : index
        %get3A_1249 = tpu.vector_load %arg9[%get3A_1247, %get3A_1248] {strides = array<i32>} : memref<128x128xi32, #tpu.memory_space<vmem>>, vector<16xi32>,
        %bitcast3A_1250 = vector.bitcast %get3A_1249 : vector<16xi32> to vector<32xbf16>
        %sub3A_1251 = arith.subf %pack3A_1163, %bitcast3A_1250 : vector<32xbf16>
        %abs3A_1252 = math.absf %sub3A_1251 : vector<32xbf16>
        %unpack3A_1253 = tpu.unpack_subelements %abs3A_1252, 0 {pack_format = #tpu.pack_format<interleaved>} : vector<32xbf16> -> vector<16xf32>
        %unpack3A_1254 = tpu.unpack_subelements %abs3A_1252, 1 {pack_format = #tpu.pack_format<interleaved>} : vector<32xbf16> -> vector<16xf32>
        %add3A_1255 = arith.addf %broadcast_in_dim3A_1246, %unpack3A_1253 : vector<16xf32>
        %add3A_1256 = arith.addf %add3A_1255, %unpack3A_1254 : vector<16xf32>
        %get3A_1257 = arith.index_cast %add3A_1150 : i32 to index
        %get3A_1258 = arith.constant 112 : index
        %get3A_1259 = tpu.vector_load %arg9[%get3A_1257, %get3A_1258] {strides = array<i32>} : memref<128x128xi32, #tpu.memory_space<vmem>>, vector<16xi32>,
        %bitcast3A_1260 = vector.bitcast %get3A_1259 : vector<16xi32> to vector<32xbf16>
        %sub3A_1261 = arith.subf %pack3A_1164, %bitcast3A_1260 : vector<32xbf16>
        %abs3A_1262 = math.absf %sub3A_1261 : vector<32xbf16>
        %unpack3A_1263 = tpu.unpack_subelements %abs3A_1262, 0 {pack_format = #tpu.pack_format<interleaved>} : vector<32xbf16> -> vector<16xf32>
        %unpack3A_1264 = tpu.unpack_subelements %abs3A_1262, 1 {pack_format = #tpu.pack_format<interleaved>} : vector<32xbf16> -> vector<16xf32>
        %add3A_1265 = arith.addf %add3A_1256, %unpack3A_1263 : vector<16xf32>
        %add3A_1266 = arith.addf %add3A_1265, %unpack3A_1264 : vector<16xf32>
        %reduce_sum3A_1267 = arith.constant true
        %reduce_sum3A_1268 = vector.broadcast %reduce_sum3A_1267 : i1 to vector<16xi1>
        %reduce_sum3A_1269 = tpu.scan <sum>, %add3A_1266 masked %reduce_sum3A_1268 : vector<16xf32>, vector<16xi1> -> vector<16xf32>
        %reduce_sum3A_1270 = vector.extract %reduce_sum3A_1269[15] : f32 from vector<16xf32>
        %min3A_1271 = arith.minimumf %min3A_1244, %reduce_sum3A_1270 : f32
        %mul3A_1272 = arith.constant 1.562500e-02 : f32
        %mul3A_1273 = arith.mulf %min3A_1271, %mul3A_1272 : f32
        %broadcast_in_dim3A_1274 = vector.broadcast %mul3A_1273 : f32 to vector<16xf32>
        %select_n3A_1275 = arith.select %eq3A_26, %broadcast_in_dim3A_1274, %select_n3A_1146 : vector<16xi1>, vector<16xf32>
        %mul3A_1276 = arith.constant 16 : i32
        %mul3A_1277 = arith.muli %scan3A_122, %mul3A_1276 : i32
        %add3A_1278 = arith.constant 9 : i32
        %add3A_1279 = arith.addi %mul3A_1277, %add3A_1278 : i32
        %get3A_1280 = arith.index_cast %add3A_1279 : i32 to index
        %get3A_1281 = arith.constant 0 : index
        %get3A_1282 = tpu.vector_load %arg11[%get3A_1280, %get3A_1281] {strides = array<i32>} : memref<128x64xf32, #tpu.memory_space<vmem>>, vector<16xf32>,
        %get3A_1283 = arith.index_cast %add3A_1279 : i32 to index
        %get3A_1284 = arith.constant 16 : index
        %get3A_1285 = tpu.vector_load %arg11[%get3A_1283, %get3A_1284] {strides = array<i32>} : memref<128x64xf32, #tpu.memory_space<vmem>>, vector<16xf32>,
        %get3A_1286 = arith.index_cast %add3A_1279 : i32 to index
        %get3A_1287 = arith.constant 32 : index
        %get3A_1288 = tpu.vector_load %arg11[%get3A_1286, %get3A_1287] {strides = array<i32>} : memref<128x64xf32, #tpu.memory_space<vmem>>, vector<16xf32>,
        %get3A_1289 = arith.index_cast %add3A_1279 : i32 to index
        %get3A_1290 = arith.constant 48 : index
        %get3A_1291 = tpu.vector_load %arg11[%get3A_1289, %get3A_1290] {strides = array<i32>} : memref<128x64xf32, #tpu.memory_space<vmem>>, vector<16xf32>,
        %pack3A_1292 = tpu.pack_subelements %get3A_1282, %get3A_1285 {pack_format = #tpu.pack_format<interleaved>, positions = array<i32: 0, 1>} : vector<16xf32>, vector<16xf32> -> vector<32xbf16>
        %pack3A_1293 = tpu.pack_subelements %get3A_1288, %get3A_1291 {pack_format = #tpu.pack_format<interleaved>, positions = array<i32: 0, 1>} : vector<16xf32>, vector<16xf32> -> vector<32xbf16>
        %broadcast_in_dim3A_1294 = arith.constant 0.000000e+00 : f32
        %broadcast_in_dim3A_1295 = vector.broadcast %broadcast_in_dim3A_1294 : f32 to vector<16xf32>
        %get3A_1296 = arith.index_cast %add3A_1279 : i32 to index
        %get3A_1297 = arith.constant 0 : index
        %get3A_1298 = tpu.vector_load %arg9[%get3A_1296, %get3A_1297] {strides = array<i32>} : memref<128x128xi32, #tpu.memory_space<vmem>>, vector<16xi32>,
        %bitcast3A_1299 = vector.bitcast %get3A_1298 : vector<16xi32> to vector<32xbf16>
        %sub3A_1300 = arith.subf %pack3A_1292, %bitcast3A_1299 : vector<32xbf16>
        %abs3A_1301 = math.absf %sub3A_1300 : vector<32xbf16>
        %unpack3A_1302 = tpu.unpack_subelements %abs3A_1301, 0 {pack_format = #tpu.pack_format<interleaved>} : vector<32xbf16> -> vector<16xf32>
        %unpack3A_1303 = tpu.unpack_subelements %abs3A_1301, 1 {pack_format = #tpu.pack_format<interleaved>} : vector<32xbf16> -> vector<16xf32>
        %add3A_1304 = arith.addf %broadcast_in_dim3A_1295, %unpack3A_1302 : vector<16xf32>
        %add3A_1305 = arith.addf %add3A_1304, %unpack3A_1303 : vector<16xf32>
        %get3A_1306 = arith.index_cast %add3A_1279 : i32 to index
        %get3A_1307 = arith.constant 16 : index
        %get3A_1308 = tpu.vector_load %arg9[%get3A_1306, %get3A_1307] {strides = array<i32>} : memref<128x128xi32, #tpu.memory_space<vmem>>, vector<16xi32>,
        %bitcast3A_1309 = vector.bitcast %get3A_1308 : vector<16xi32> to vector<32xbf16>
        %sub3A_1310 = arith.subf %pack3A_1293, %bitcast3A_1309 : vector<32xbf16>
        %abs3A_1311 = math.absf %sub3A_1310 : vector<32xbf16>
        %unpack3A_1312 = tpu.unpack_subelements %abs3A_1311, 0 {pack_format = #tpu.pack_format<interleaved>} : vector<32xbf16> -> vector<16xf32>
        %unpack3A_1313 = tpu.unpack_subelements %abs3A_1311, 1 {pack_format = #tpu.pack_format<interleaved>} : vector<32xbf16> -> vector<16xf32>
        %add3A_1314 = arith.addf %add3A_1305, %unpack3A_1312 : vector<16xf32>
        %add3A_1315 = arith.addf %add3A_1314, %unpack3A_1313 : vector<16xf32>
        %reduce_sum3A_1316 = arith.constant true
        %reduce_sum3A_1317 = vector.broadcast %reduce_sum3A_1316 : i1 to vector<16xi1>
        %reduce_sum3A_1318 = tpu.scan <sum>, %add3A_1315 masked %reduce_sum3A_1317 : vector<16xf32>, vector<16xi1> -> vector<16xf32>
        %reduce_sum3A_1319 = vector.extract %reduce_sum3A_1318[15] : f32 from vector<16xf32>
        %broadcast_in_dim3A_1320 = arith.constant 0.000000e+00 : f32
        %broadcast_in_dim3A_1321 = vector.broadcast %broadcast_in_dim3A_1320 : f32 to vector<16xf32>
        %get3A_1322 = arith.index_cast %add3A_1279 : i32 to index
        %get3A_1323 = arith.constant 32 : index
        %get3A_1324 = tpu.vector_load %arg9[%get3A_1322, %get3A_1323] {strides = array<i32>} : memref<128x128xi32, #tpu.memory_space<vmem>>, vector<16xi32>,
        %bitcast3A_1325 = vector.bitcast %get3A_1324 : vector<16xi32> to vector<32xbf16>
        %sub3A_1326 = arith.subf %pack3A_1292, %bitcast3A_1325 : vector<32xbf16>
        %abs3A_1327 = math.absf %sub3A_1326 : vector<32xbf16>
        %unpack3A_1328 = tpu.unpack_subelements %abs3A_1327, 0 {pack_format = #tpu.pack_format<interleaved>} : vector<32xbf16> -> vector<16xf32>
        %unpack3A_1329 = tpu.unpack_subelements %abs3A_1327, 1 {pack_format = #tpu.pack_format<interleaved>} : vector<32xbf16> -> vector<16xf32>
        %add3A_1330 = arith.addf %broadcast_in_dim3A_1321, %unpack3A_1328 : vector<16xf32>
        %add3A_1331 = arith.addf %add3A_1330, %unpack3A_1329 : vector<16xf32>
        %get3A_1332 = arith.index_cast %add3A_1279 : i32 to index
        %get3A_1333 = arith.constant 48 : index
        %get3A_1334 = tpu.vector_load %arg9[%get3A_1332, %get3A_1333] {strides = array<i32>} : memref<128x128xi32, #tpu.memory_space<vmem>>, vector<16xi32>,
        %bitcast3A_1335 = vector.bitcast %get3A_1334 : vector<16xi32> to vector<32xbf16>
        %sub3A_1336 = arith.subf %pack3A_1293, %bitcast3A_1335 : vector<32xbf16>
        %abs3A_1337 = math.absf %sub3A_1336 : vector<32xbf16>
        %unpack3A_1338 = tpu.unpack_subelements %abs3A_1337, 0 {pack_format = #tpu.pack_format<interleaved>} : vector<32xbf16> -> vector<16xf32>
        %unpack3A_1339 = tpu.unpack_subelements %abs3A_1337, 1 {pack_format = #tpu.pack_format<interleaved>} : vector<32xbf16> -> vector<16xf32>
        %add3A_1340 = arith.addf %add3A_1331, %unpack3A_1338 : vector<16xf32>
        %add3A_1341 = arith.addf %add3A_1340, %unpack3A_1339 : vector<16xf32>
        %reduce_sum3A_1342 = arith.constant true
        %reduce_sum3A_1343 = vector.broadcast %reduce_sum3A_1342 : i1 to vector<16xi1>
        %reduce_sum3A_1344 = tpu.scan <sum>, %add3A_1341 masked %reduce_sum3A_1343 : vector<16xf32>, vector<16xi1> -> vector<16xf32>
        %reduce_sum3A_1345 = vector.extract %reduce_sum3A_1344[15] : f32 from vector<16xf32>
        %min3A_1346 = arith.minimumf %reduce_sum3A_1319, %reduce_sum3A_1345 : f32
        %broadcast_in_dim3A_1347 = arith.constant 0.000000e+00 : f32
        %broadcast_in_dim3A_1348 = vector.broadcast %broadcast_in_dim3A_1347 : f32 to vector<16xf32>
        %get3A_1349 = arith.index_cast %add3A_1279 : i32 to index
        %get3A_1350 = arith.constant 64 : index
        %get3A_1351 = tpu.vector_load %arg9[%get3A_1349, %get3A_1350] {strides = array<i32>} : memref<128x128xi32, #tpu.memory_space<vmem>>, vector<16xi32>,
        %bitcast3A_1352 = vector.bitcast %get3A_1351 : vector<16xi32> to vector<32xbf16>
        %sub3A_1353 = arith.subf %pack3A_1292, %bitcast3A_1352 : vector<32xbf16>
        %abs3A_1354 = math.absf %sub3A_1353 : vector<32xbf16>
        %unpack3A_1355 = tpu.unpack_subelements %abs3A_1354, 0 {pack_format = #tpu.pack_format<interleaved>} : vector<32xbf16> -> vector<16xf32>
        %unpack3A_1356 = tpu.unpack_subelements %abs3A_1354, 1 {pack_format = #tpu.pack_format<interleaved>} : vector<32xbf16> -> vector<16xf32>
        %add3A_1357 = arith.addf %broadcast_in_dim3A_1348, %unpack3A_1355 : vector<16xf32>
        %add3A_1358 = arith.addf %add3A_1357, %unpack3A_1356 : vector<16xf32>
        %get3A_1359 = arith.index_cast %add3A_1279 : i32 to index
        %get3A_1360 = arith.constant 80 : index
        %get3A_1361 = tpu.vector_load %arg9[%get3A_1359, %get3A_1360] {strides = array<i32>} : memref<128x128xi32, #tpu.memory_space<vmem>>, vector<16xi32>,
        %bitcast3A_1362 = vector.bitcast %get3A_1361 : vector<16xi32> to vector<32xbf16>
        %sub3A_1363 = arith.subf %pack3A_1293, %bitcast3A_1362 : vector<32xbf16>
        %abs3A_1364 = math.absf %sub3A_1363 : vector<32xbf16>
        %unpack3A_1365 = tpu.unpack_subelements %abs3A_1364, 0 {pack_format = #tpu.pack_format<interleaved>} : vector<32xbf16> -> vector<16xf32>
        %unpack3A_1366 = tpu.unpack_subelements %abs3A_1364, 1 {pack_format = #tpu.pack_format<interleaved>} : vector<32xbf16> -> vector<16xf32>
        %add3A_1367 = arith.addf %add3A_1358, %unpack3A_1365 : vector<16xf32>
        %add3A_1368 = arith.addf %add3A_1367, %unpack3A_1366 : vector<16xf32>
        %reduce_sum3A_1369 = arith.constant true
        %reduce_sum3A_1370 = vector.broadcast %reduce_sum3A_1369 : i1 to vector<16xi1>
        %reduce_sum3A_1371 = tpu.scan <sum>, %add3A_1368 masked %reduce_sum3A_1370 : vector<16xf32>, vector<16xi1> -> vector<16xf32>
        %reduce_sum3A_1372 = vector.extract %reduce_sum3A_1371[15] : f32 from vector<16xf32>
        %min3A_1373 = arith.minimumf %min3A_1346, %reduce_sum3A_1372 : f32
        %broadcast_in_dim3A_1374 = arith.constant 0.000000e+00 : f32
        %broadcast_in_dim3A_1375 = vector.broadcast %broadcast_in_dim3A_1374 : f32 to vector<16xf32>
        %get3A_1376 = arith.index_cast %add3A_1279 : i32 to index
        %get3A_1377 = arith.constant 96 : index
        %get3A_1378 = tpu.vector_load %arg9[%get3A_1376, %get3A_1377] {strides = array<i32>} : memref<128x128xi32, #tpu.memory_space<vmem>>, vector<16xi32>,
        %bitcast3A_1379 = vector.bitcast %get3A_1378 : vector<16xi32> to vector<32xbf16>
        %sub3A_1380 = arith.subf %pack3A_1292, %bitcast3A_1379 : vector<32xbf16>
        %abs3A_1381 = math.absf %sub3A_1380 : vector<32xbf16>
        %unpack3A_1382 = tpu.unpack_subelements %abs3A_1381, 0 {pack_format = #tpu.pack_format<interleaved>} : vector<32xbf16> -> vector<16xf32>
        %unpack3A_1383 = tpu.unpack_subelements %abs3A_1381, 1 {pack_format = #tpu.pack_format<interleaved>} : vector<32xbf16> -> vector<16xf32>
        %add3A_1384 = arith.addf %broadcast_in_dim3A_1375, %unpack3A_1382 : vector<16xf32>
        %add3A_1385 = arith.addf %add3A_1384, %unpack3A_1383 : vector<16xf32>
        %get3A_1386 = arith.index_cast %add3A_1279 : i32 to index
        %get3A_1387 = arith.constant 112 : index
        %get3A_1388 = tpu.vector_load %arg9[%get3A_1386, %get3A_1387] {strides = array<i32>} : memref<128x128xi32, #tpu.memory_space<vmem>>, vector<16xi32>,
        %bitcast3A_1389 = vector.bitcast %get3A_1388 : vector<16xi32> to vector<32xbf16>
        %sub3A_1390 = arith.subf %pack3A_1293, %bitcast3A_1389 : vector<32xbf16>
        %abs3A_1391 = math.absf %sub3A_1390 : vector<32xbf16>
        %unpack3A_1392 = tpu.unpack_subelements %abs3A_1391, 0 {pack_format = #tpu.pack_format<interleaved>} : vector<32xbf16> -> vector<16xf32>
        %unpack3A_1393 = tpu.unpack_subelements %abs3A_1391, 1 {pack_format = #tpu.pack_format<interleaved>} : vector<32xbf16> -> vector<16xf32>
        %add3A_1394 = arith.addf %add3A_1385, %unpack3A_1392 : vector<16xf32>
        %add3A_1395 = arith.addf %add3A_1394, %unpack3A_1393 : vector<16xf32>
        %reduce_sum3A_1396 = arith.constant true
        %reduce_sum3A_1397 = vector.broadcast %reduce_sum3A_1396 : i1 to vector<16xi1>
        %reduce_sum3A_1398 = tpu.scan <sum>, %add3A_1395 masked %reduce_sum3A_1397 : vector<16xf32>, vector<16xi1> -> vector<16xf32>
        %reduce_sum3A_1399 = vector.extract %reduce_sum3A_1398[15] : f32 from vector<16xf32>
        %min3A_1400 = arith.minimumf %min3A_1373, %reduce_sum3A_1399 : f32
        %mul3A_1401 = arith.constant 1.562500e-02 : f32
        %mul3A_1402 = arith.mulf %min3A_1400, %mul3A_1401 : f32
        %broadcast_in_dim3A_1403 = vector.broadcast %mul3A_1402 : f32 to vector<16xf32>
        %select_n3A_1404 = arith.select %eq3A_29, %broadcast_in_dim3A_1403, %select_n3A_1275 : vector<16xi1>, vector<16xf32>
        %mul3A_1405 = arith.constant 16 : i32
        %mul3A_1406 = arith.muli %scan3A_122, %mul3A_1405 : i32
        %add3A_1407 = arith.constant 10 : i32
        %add3A_1408 = arith.addi %mul3A_1406, %add3A_1407 : i32
        %get3A_1409 = arith.index_cast %add3A_1408 : i32 to index
        %get3A_1410 = arith.constant 0 : index
        %get3A_1411 = tpu.vector_load %arg11[%get3A_1409, %get3A_1410] {strides = array<i32>} : memref<128x64xf32, #tpu.memory_space<vmem>>, vector<16xf32>,
        %get3A_1412 = arith.index_cast %add3A_1408 : i32 to index
        %get3A_1413 = arith.constant 16 : index
        %get3A_1414 = tpu.vector_load %arg11[%get3A_1412, %get3A_1413] {strides = array<i32>} : memref<128x64xf32, #tpu.memory_space<vmem>>, vector<16xf32>,
        %get3A_1415 = arith.index_cast %add3A_1408 : i32 to index
        %get3A_1416 = arith.constant 32 : index
        %get3A_1417 = tpu.vector_load %arg11[%get3A_1415, %get3A_1416] {strides = array<i32>} : memref<128x64xf32, #tpu.memory_space<vmem>>, vector<16xf32>,
        %get3A_1418 = arith.index_cast %add3A_1408 : i32 to index
        %get3A_1419 = arith.constant 48 : index
        %get3A_1420 = tpu.vector_load %arg11[%get3A_1418, %get3A_1419] {strides = array<i32>} : memref<128x64xf32, #tpu.memory_space<vmem>>, vector<16xf32>,
        %pack3A_1421 = tpu.pack_subelements %get3A_1411, %get3A_1414 {pack_format = #tpu.pack_format<interleaved>, positions = array<i32: 0, 1>} : vector<16xf32>, vector<16xf32> -> vector<32xbf16>
        %pack3A_1422 = tpu.pack_subelements %get3A_1417, %get3A_1420 {pack_format = #tpu.pack_format<interleaved>, positions = array<i32: 0, 1>} : vector<16xf32>, vector<16xf32> -> vector<32xbf16>
        %broadcast_in_dim3A_1423 = arith.constant 0.000000e+00 : f32
        %broadcast_in_dim3A_1424 = vector.broadcast %broadcast_in_dim3A_1423 : f32 to vector<16xf32>
        %get3A_1425 = arith.index_cast %add3A_1408 : i32 to index
        %get3A_1426 = arith.constant 0 : index
        %get3A_1427 = tpu.vector_load %arg9[%get3A_1425, %get3A_1426] {strides = array<i32>} : memref<128x128xi32, #tpu.memory_space<vmem>>, vector<16xi32>,
        %bitcast3A_1428 = vector.bitcast %get3A_1427 : vector<16xi32> to vector<32xbf16>
        %sub3A_1429 = arith.subf %pack3A_1421, %bitcast3A_1428 : vector<32xbf16>
        %abs3A_1430 = math.absf %sub3A_1429 : vector<32xbf16>
        %unpack3A_1431 = tpu.unpack_subelements %abs3A_1430, 0 {pack_format = #tpu.pack_format<interleaved>} : vector<32xbf16> -> vector<16xf32>
        %unpack3A_1432 = tpu.unpack_subelements %abs3A_1430, 1 {pack_format = #tpu.pack_format<interleaved>} : vector<32xbf16> -> vector<16xf32>
        %add3A_1433 = arith.addf %broadcast_in_dim3A_1424, %unpack3A_1431 : vector<16xf32>
        %add3A_1434 = arith.addf %add3A_1433, %unpack3A_1432 : vector<16xf32>
        %get3A_1435 = arith.index_cast %add3A_1408 : i32 to index
        %get3A_1436 = arith.constant 16 : index
        %get3A_1437 = tpu.vector_load %arg9[%get3A_1435, %get3A_1436] {strides = array<i32>} : memref<128x128xi32, #tpu.memory_space<vmem>>, vector<16xi32>,
        %bitcast3A_1438 = vector.bitcast %get3A_1437 : vector<16xi32> to vector<32xbf16>
        %sub3A_1439 = arith.subf %pack3A_1422, %bitcast3A_1438 : vector<32xbf16>
        %abs3A_1440 = math.absf %sub3A_1439 : vector<32xbf16>
        %unpack3A_1441 = tpu.unpack_subelements %abs3A_1440, 0 {pack_format = #tpu.pack_format<interleaved>} : vector<32xbf16> -> vector<16xf32>
        %unpack3A_1442 = tpu.unpack_subelements %abs3A_1440, 1 {pack_format = #tpu.pack_format<interleaved>} : vector<32xbf16> -> vector<16xf32>
        %add3A_1443 = arith.addf %add3A_1434, %unpack3A_1441 : vector<16xf32>
        %add3A_1444 = arith.addf %add3A_1443, %unpack3A_1442 : vector<16xf32>
        %reduce_sum3A_1445 = arith.constant true
        %reduce_sum3A_1446 = vector.broadcast %reduce_sum3A_1445 : i1 to vector<16xi1>
        %reduce_sum3A_1447 = tpu.scan <sum>, %add3A_1444 masked %reduce_sum3A_1446 : vector<16xf32>, vector<16xi1> -> vector<16xf32>
        %reduce_sum3A_1448 = vector.extract %reduce_sum3A_1447[15] : f32 from vector<16xf32>
        %broadcast_in_dim3A_1449 = arith.constant 0.000000e+00 : f32
        %broadcast_in_dim3A_1450 = vector.broadcast %broadcast_in_dim3A_1449 : f32 to vector<16xf32>
        %get3A_1451 = arith.index_cast %add3A_1408 : i32 to index
        %get3A_1452 = arith.constant 32 : index
        %get3A_1453 = tpu.vector_load %arg9[%get3A_1451, %get3A_1452] {strides = array<i32>} : memref<128x128xi32, #tpu.memory_space<vmem>>, vector<16xi32>,
        %bitcast3A_1454 = vector.bitcast %get3A_1453 : vector<16xi32> to vector<32xbf16>
        %sub3A_1455 = arith.subf %pack3A_1421, %bitcast3A_1454 : vector<32xbf16>
        %abs3A_1456 = math.absf %sub3A_1455 : vector<32xbf16>
        %unpack3A_1457 = tpu.unpack_subelements %abs3A_1456, 0 {pack_format = #tpu.pack_format<interleaved>} : vector<32xbf16> -> vector<16xf32>
        %unpack3A_1458 = tpu.unpack_subelements %abs3A_1456, 1 {pack_format = #tpu.pack_format<interleaved>} : vector<32xbf16> -> vector<16xf32>
        %add3A_1459 = arith.addf %broadcast_in_dim3A_1450, %unpack3A_1457 : vector<16xf32>
        %add3A_1460 = arith.addf %add3A_1459, %unpack3A_1458 : vector<16xf32>
        %get3A_1461 = arith.index_cast %add3A_1408 : i32 to index
        %get3A_1462 = arith.constant 48 : index
        %get3A_1463 = tpu.vector_load %arg9[%get3A_1461, %get3A_1462] {strides = array<i32>} : memref<128x128xi32, #tpu.memory_space<vmem>>, vector<16xi32>,
        %bitcast3A_1464 = vector.bitcast %get3A_1463 : vector<16xi32> to vector<32xbf16>
        %sub3A_1465 = arith.subf %pack3A_1422, %bitcast3A_1464 : vector<32xbf16>
        %abs3A_1466 = math.absf %sub3A_1465 : vector<32xbf16>
        %unpack3A_1467 = tpu.unpack_subelements %abs3A_1466, 0 {pack_format = #tpu.pack_format<interleaved>} : vector<32xbf16> -> vector<16xf32>
        %unpack3A_1468 = tpu.unpack_subelements %abs3A_1466, 1 {pack_format = #tpu.pack_format<interleaved>} : vector<32xbf16> -> vector<16xf32>
        %add3A_1469 = arith.addf %add3A_1460, %unpack3A_1467 : vector<16xf32>
        %add3A_1470 = arith.addf %add3A_1469, %unpack3A_1468 : vector<16xf32>
        %reduce_sum3A_1471 = arith.constant true
        %reduce_sum3A_1472 = vector.broadcast %reduce_sum3A_1471 : i1 to vector<16xi1>
        %reduce_sum3A_1473 = tpu.scan <sum>, %add3A_1470 masked %reduce_sum3A_1472 : vector<16xf32>, vector<16xi1> -> vector<16xf32>
        %reduce_sum3A_1474 = vector.extract %reduce_sum3A_1473[15] : f32 from vector<16xf32>
        %min3A_1475 = arith.minimumf %reduce_sum3A_1448, %reduce_sum3A_1474 : f32
        %broadcast_in_dim3A_1476 = arith.constant 0.000000e+00 : f32
        %broadcast_in_dim3A_1477 = vector.broadcast %broadcast_in_dim3A_1476 : f32 to vector<16xf32>
        %get3A_1478 = arith.index_cast %add3A_1408 : i32 to index
        %get3A_1479 = arith.constant 64 : index
        %get3A_1480 = tpu.vector_load %arg9[%get3A_1478, %get3A_1479] {strides = array<i32>} : memref<128x128xi32, #tpu.memory_space<vmem>>, vector<16xi32>,
        %bitcast3A_1481 = vector.bitcast %get3A_1480 : vector<16xi32> to vector<32xbf16>
        %sub3A_1482 = arith.subf %pack3A_1421, %bitcast3A_1481 : vector<32xbf16>
        %abs3A_1483 = math.absf %sub3A_1482 : vector<32xbf16>
        %unpack3A_1484 = tpu.unpack_subelements %abs3A_1483, 0 {pack_format = #tpu.pack_format<interleaved>} : vector<32xbf16> -> vector<16xf32>
        %unpack3A_1485 = tpu.unpack_subelements %abs3A_1483, 1 {pack_format = #tpu.pack_format<interleaved>} : vector<32xbf16> -> vector<16xf32>
        %add3A_1486 = arith.addf %broadcast_in_dim3A_1477, %unpack3A_1484 : vector<16xf32>
        %add3A_1487 = arith.addf %add3A_1486, %unpack3A_1485 : vector<16xf32>
        %get3A_1488 = arith.index_cast %add3A_1408 : i32 to index
        %get3A_1489 = arith.constant 80 : index
        %get3A_1490 = tpu.vector_load %arg9[%get3A_1488, %get3A_1489] {strides = array<i32>} : memref<128x128xi32, #tpu.memory_space<vmem>>, vector<16xi32>,
        %bitcast3A_1491 = vector.bitcast %get3A_1490 : vector<16xi32> to vector<32xbf16>
        %sub3A_1492 = arith.subf %pack3A_1422, %bitcast3A_1491 : vector<32xbf16>
        %abs3A_1493 = math.absf %sub3A_1492 : vector<32xbf16>
        %unpack3A_1494 = tpu.unpack_subelements %abs3A_1493, 0 {pack_format = #tpu.pack_format<interleaved>} : vector<32xbf16> -> vector<16xf32>
        %unpack3A_1495 = tpu.unpack_subelements %abs3A_1493, 1 {pack_format = #tpu.pack_format<interleaved>} : vector<32xbf16> -> vector<16xf32>
        %add3A_1496 = arith.addf %add3A_1487, %unpack3A_1494 : vector<16xf32>
        %add3A_1497 = arith.addf %add3A_1496, %unpack3A_1495 : vector<16xf32>
        %reduce_sum3A_1498 = arith.constant true
        %reduce_sum3A_1499 = vector.broadcast %reduce_sum3A_1498 : i1 to vector<16xi1>
        %reduce_sum3A_1500 = tpu.scan <sum>, %add3A_1497 masked %reduce_sum3A_1499 : vector<16xf32>, vector<16xi1> -> vector<16xf32>
        %reduce_sum3A_1501 = vector.extract %reduce_sum3A_1500[15] : f32 from vector<16xf32>
        %min3A_1502 = arith.minimumf %min3A_1475, %reduce_sum3A_1501 : f32
        %broadcast_in_dim3A_1503 = arith.constant 0.000000e+00 : f32
        %broadcast_in_dim3A_1504 = vector.broadcast %broadcast_in_dim3A_1503 : f32 to vector<16xf32>
        %get3A_1505 = arith.index_cast %add3A_1408 : i32 to index
        %get3A_1506 = arith.constant 96 : index
        %get3A_1507 = tpu.vector_load %arg9[%get3A_1505, %get3A_1506] {strides = array<i32>} : memref<128x128xi32, #tpu.memory_space<vmem>>, vector<16xi32>,
        %bitcast3A_1508 = vector.bitcast %get3A_1507 : vector<16xi32> to vector<32xbf16>
        %sub3A_1509 = arith.subf %pack3A_1421, %bitcast3A_1508 : vector<32xbf16>
        %abs3A_1510 = math.absf %sub3A_1509 : vector<32xbf16>
        %unpack3A_1511 = tpu.unpack_subelements %abs3A_1510, 0 {pack_format = #tpu.pack_format<interleaved>} : vector<32xbf16> -> vector<16xf32>
        %unpack3A_1512 = tpu.unpack_subelements %abs3A_1510, 1 {pack_format = #tpu.pack_format<interleaved>} : vector<32xbf16> -> vector<16xf32>
        %add3A_1513 = arith.addf %broadcast_in_dim3A_1504, %unpack3A_1511 : vector<16xf32>
        %add3A_1514 = arith.addf %add3A_1513, %unpack3A_1512 : vector<16xf32>
        %get3A_1515 = arith.index_cast %add3A_1408 : i32 to index
        %get3A_1516 = arith.constant 112 : index
        %get3A_1517 = tpu.vector_load %arg9[%get3A_1515, %get3A_1516] {strides = array<i32>} : memref<128x128xi32, #tpu.memory_space<vmem>>, vector<16xi32>,
        %bitcast3A_1518 = vector.bitcast %get3A_1517 : vector<16xi32> to vector<32xbf16>
        %sub3A_1519 = arith.subf %pack3A_1422, %bitcast3A_1518 : vector<32xbf16>
        %abs3A_1520 = math.absf %sub3A_1519 : vector<32xbf16>
        %unpack3A_1521 = tpu.unpack_subelements %abs3A_1520, 0 {pack_format = #tpu.pack_format<interleaved>} : vector<32xbf16> -> vector<16xf32>
        %unpack3A_1522 = tpu.unpack_subelements %abs3A_1520, 1 {pack_format = #tpu.pack_format<interleaved>} : vector<32xbf16> -> vector<16xf32>
        %add3A_1523 = arith.addf %add3A_1514, %unpack3A_1521 : vector<16xf32>
        %add3A_1524 = arith.addf %add3A_1523, %unpack3A_1522 : vector<16xf32>
        %reduce_sum3A_1525 = arith.constant true
        %reduce_sum3A_1526 = vector.broadcast %reduce_sum3A_1525 : i1 to vector<16xi1>
        %reduce_sum3A_1527 = tpu.scan <sum>, %add3A_1524 masked %reduce_sum3A_1526 : vector<16xf32>, vector<16xi1> -> vector<16xf32>
        %reduce_sum3A_1528 = vector.extract %reduce_sum3A_1527[15] : f32 from vector<16xf32>
        %min3A_1529 = arith.minimumf %min3A_1502, %reduce_sum3A_1528 : f32
        %mul3A_1530 = arith.constant 1.562500e-02 : f32
        %mul3A_1531 = arith.mulf %min3A_1529, %mul3A_1530 : f32
        %broadcast_in_dim3A_1532 = vector.broadcast %mul3A_1531 : f32 to vector<16xf32>
        %select_n3A_1533 = arith.select %eq3A_32, %broadcast_in_dim3A_1532, %select_n3A_1404 : vector<16xi1>, vector<16xf32>
        %mul3A_1534 = arith.constant 16 : i32
        %mul3A_1535 = arith.muli %scan3A_122, %mul3A_1534 : i32
        %add3A_1536 = arith.constant 11 : i32
        %add3A_1537 = arith.addi %mul3A_1535, %add3A_1536 : i32
        %get3A_1538 = arith.index_cast %add3A_1537 : i32 to index
        %get3A_1539 = arith.constant 0 : index
        %get3A_1540 = tpu.vector_load %arg11[%get3A_1538, %get3A_1539] {strides = array<i32>} : memref<128x64xf32, #tpu.memory_space<vmem>>, vector<16xf32>,
        %get3A_1541 = arith.index_cast %add3A_1537 : i32 to index
        %get3A_1542 = arith.constant 16 : index
        %get3A_1543 = tpu.vector_load %arg11[%get3A_1541, %get3A_1542] {strides = array<i32>} : memref<128x64xf32, #tpu.memory_space<vmem>>, vector<16xf32>,
        %get3A_1544 = arith.index_cast %add3A_1537 : i32 to index
        %get3A_1545 = arith.constant 32 : index
        %get3A_1546 = tpu.vector_load %arg11[%get3A_1544, %get3A_1545] {strides = array<i32>} : memref<128x64xf32, #tpu.memory_space<vmem>>, vector<16xf32>,
        %get3A_1547 = arith.index_cast %add3A_1537 : i32 to index
        %get3A_1548 = arith.constant 48 : index
        %get3A_1549 = tpu.vector_load %arg11[%get3A_1547, %get3A_1548] {strides = array<i32>} : memref<128x64xf32, #tpu.memory_space<vmem>>, vector<16xf32>,
        %pack3A_1550 = tpu.pack_subelements %get3A_1540, %get3A_1543 {pack_format = #tpu.pack_format<interleaved>, positions = array<i32: 0, 1>} : vector<16xf32>, vector<16xf32> -> vector<32xbf16>
        %pack3A_1551 = tpu.pack_subelements %get3A_1546, %get3A_1549 {pack_format = #tpu.pack_format<interleaved>, positions = array<i32: 0, 1>} : vector<16xf32>, vector<16xf32> -> vector<32xbf16>
        %broadcast_in_dim3A_1552 = arith.constant 0.000000e+00 : f32
        %broadcast_in_dim3A_1553 = vector.broadcast %broadcast_in_dim3A_1552 : f32 to vector<16xf32>
        %get3A_1554 = arith.index_cast %add3A_1537 : i32 to index
        %get3A_1555 = arith.constant 0 : index
        %get3A_1556 = tpu.vector_load %arg9[%get3A_1554, %get3A_1555] {strides = array<i32>} : memref<128x128xi32, #tpu.memory_space<vmem>>, vector<16xi32>,
        %bitcast3A_1557 = vector.bitcast %get3A_1556 : vector<16xi32> to vector<32xbf16>
        %sub3A_1558 = arith.subf %pack3A_1550, %bitcast3A_1557 : vector<32xbf16>
        %abs3A_1559 = math.absf %sub3A_1558 : vector<32xbf16>
        %unpack3A_1560 = tpu.unpack_subelements %abs3A_1559, 0 {pack_format = #tpu.pack_format<interleaved>} : vector<32xbf16> -> vector<16xf32>
        %unpack3A_1561 = tpu.unpack_subelements %abs3A_1559, 1 {pack_format = #tpu.pack_format<interleaved>} : vector<32xbf16> -> vector<16xf32>
        %add3A_1562 = arith.addf %broadcast_in_dim3A_1553, %unpack3A_1560 : vector<16xf32>
        %add3A_1563 = arith.addf %add3A_1562, %unpack3A_1561 : vector<16xf32>
        %get3A_1564 = arith.index_cast %add3A_1537 : i32 to index
        %get3A_1565 = arith.constant 16 : index
        %get3A_1566 = tpu.vector_load %arg9[%get3A_1564, %get3A_1565] {strides = array<i32>} : memref<128x128xi32, #tpu.memory_space<vmem>>, vector<16xi32>,
        %bitcast3A_1567 = vector.bitcast %get3A_1566 : vector<16xi32> to vector<32xbf16>
        %sub3A_1568 = arith.subf %pack3A_1551, %bitcast3A_1567 : vector<32xbf16>
        %abs3A_1569 = math.absf %sub3A_1568 : vector<32xbf16>
        %unpack3A_1570 = tpu.unpack_subelements %abs3A_1569, 0 {pack_format = #tpu.pack_format<interleaved>} : vector<32xbf16> -> vector<16xf32>
        %unpack3A_1571 = tpu.unpack_subelements %abs3A_1569, 1 {pack_format = #tpu.pack_format<interleaved>} : vector<32xbf16> -> vector<16xf32>
        %add3A_1572 = arith.addf %add3A_1563, %unpack3A_1570 : vector<16xf32>
        %add3A_1573 = arith.addf %add3A_1572, %unpack3A_1571 : vector<16xf32>
        %reduce_sum3A_1574 = arith.constant true
        %reduce_sum3A_1575 = vector.broadcast %reduce_sum3A_1574 : i1 to vector<16xi1>
        %reduce_sum3A_1576 = tpu.scan <sum>, %add3A_1573 masked %reduce_sum3A_1575 : vector<16xf32>, vector<16xi1> -> vector<16xf32>
        %reduce_sum3A_1577 = vector.extract %reduce_sum3A_1576[15] : f32 from vector<16xf32>
        %broadcast_in_dim3A_1578 = arith.constant 0.000000e+00 : f32
        %broadcast_in_dim3A_1579 = vector.broadcast %broadcast_in_dim3A_1578 : f32 to vector<16xf32>
        %get3A_1580 = arith.index_cast %add3A_1537 : i32 to index
        %get3A_1581 = arith.constant 32 : index
        %get3A_1582 = tpu.vector_load %arg9[%get3A_1580, %get3A_1581] {strides = array<i32>} : memref<128x128xi32, #tpu.memory_space<vmem>>, vector<16xi32>,
        %bitcast3A_1583 = vector.bitcast %get3A_1582 : vector<16xi32> to vector<32xbf16>
        %sub3A_1584 = arith.subf %pack3A_1550, %bitcast3A_1583 : vector<32xbf16>
        %abs3A_1585 = math.absf %sub3A_1584 : vector<32xbf16>
        %unpack3A_1586 = tpu.unpack_subelements %abs3A_1585, 0 {pack_format = #tpu.pack_format<interleaved>} : vector<32xbf16> -> vector<16xf32>
        %unpack3A_1587 = tpu.unpack_subelements %abs3A_1585, 1 {pack_format = #tpu.pack_format<interleaved>} : vector<32xbf16> -> vector<16xf32>
        %add3A_1588 = arith.addf %broadcast_in_dim3A_1579, %unpack3A_1586 : vector<16xf32>
        %add3A_1589 = arith.addf %add3A_1588, %unpack3A_1587 : vector<16xf32>
        %get3A_1590 = arith.index_cast %add3A_1537 : i32 to index
        %get3A_1591 = arith.constant 48 : index
        %get3A_1592 = tpu.vector_load %arg9[%get3A_1590, %get3A_1591] {strides = array<i32>} : memref<128x128xi32, #tpu.memory_space<vmem>>, vector<16xi32>,
        %bitcast3A_1593 = vector.bitcast %get3A_1592 : vector<16xi32> to vector<32xbf16>
        %sub3A_1594 = arith.subf %pack3A_1551, %bitcast3A_1593 : vector<32xbf16>
        %abs3A_1595 = math.absf %sub3A_1594 : vector<32xbf16>
        %unpack3A_1596 = tpu.unpack_subelements %abs3A_1595, 0 {pack_format = #tpu.pack_format<interleaved>} : vector<32xbf16> -> vector<16xf32>
        %unpack3A_1597 = tpu.unpack_subelements %abs3A_1595, 1 {pack_format = #tpu.pack_format<interleaved>} : vector<32xbf16> -> vector<16xf32>
        %add3A_1598 = arith.addf %add3A_1589, %unpack3A_1596 : vector<16xf32>
        %add3A_1599 = arith.addf %add3A_1598, %unpack3A_1597 : vector<16xf32>
        %reduce_sum3A_1600 = arith.constant true
        %reduce_sum3A_1601 = vector.broadcast %reduce_sum3A_1600 : i1 to vector<16xi1>
        %reduce_sum3A_1602 = tpu.scan <sum>, %add3A_1599 masked %reduce_sum3A_1601 : vector<16xf32>, vector<16xi1> -> vector<16xf32>
        %reduce_sum3A_1603 = vector.extract %reduce_sum3A_1602[15] : f32 from vector<16xf32>
        %min3A_1604 = arith.minimumf %reduce_sum3A_1577, %reduce_sum3A_1603 : f32
        %broadcast_in_dim3A_1605 = arith.constant 0.000000e+00 : f32
        %broadcast_in_dim3A_1606 = vector.broadcast %broadcast_in_dim3A_1605 : f32 to vector<16xf32>
        %get3A_1607 = arith.index_cast %add3A_1537 : i32 to index
        %get3A_1608 = arith.constant 64 : index
        %get3A_1609 = tpu.vector_load %arg9[%get3A_1607, %get3A_1608] {strides = array<i32>} : memref<128x128xi32, #tpu.memory_space<vmem>>, vector<16xi32>,
        %bitcast3A_1610 = vector.bitcast %get3A_1609 : vector<16xi32> to vector<32xbf16>
        %sub3A_1611 = arith.subf %pack3A_1550, %bitcast3A_1610 : vector<32xbf16>
        %abs3A_1612 = math.absf %sub3A_1611 : vector<32xbf16>
        %unpack3A_1613 = tpu.unpack_subelements %abs3A_1612, 0 {pack_format = #tpu.pack_format<interleaved>} : vector<32xbf16> -> vector<16xf32>
        %unpack3A_1614 = tpu.unpack_subelements %abs3A_1612, 1 {pack_format = #tpu.pack_format<interleaved>} : vector<32xbf16> -> vector<16xf32>
        %add3A_1615 = arith.addf %broadcast_in_dim3A_1606, %unpack3A_1613 : vector<16xf32>
        %add3A_1616 = arith.addf %add3A_1615, %unpack3A_1614 : vector<16xf32>
        %get3A_1617 = arith.index_cast %add3A_1537 : i32 to index
        %get3A_1618 = arith.constant 80 : index
        %get3A_1619 = tpu.vector_load %arg9[%get3A_1617, %get3A_1618] {strides = array<i32>} : memref<128x128xi32, #tpu.memory_space<vmem>>, vector<16xi32>,
        %bitcast3A_1620 = vector.bitcast %get3A_1619 : vector<16xi32> to vector<32xbf16>
        %sub3A_1621 = arith.subf %pack3A_1551, %bitcast3A_1620 : vector<32xbf16>
        %abs3A_1622 = math.absf %sub3A_1621 : vector<32xbf16>
        %unpack3A_1623 = tpu.unpack_subelements %abs3A_1622, 0 {pack_format = #tpu.pack_format<interleaved>} : vector<32xbf16> -> vector<16xf32>
        %unpack3A_1624 = tpu.unpack_subelements %abs3A_1622, 1 {pack_format = #tpu.pack_format<interleaved>} : vector<32xbf16> -> vector<16xf32>
        %add3A_1625 = arith.addf %add3A_1616, %unpack3A_1623 : vector<16xf32>
        %add3A_1626 = arith.addf %add3A_1625, %unpack3A_1624 : vector<16xf32>
        %reduce_sum3A_1627 = arith.constant true
        %reduce_sum3A_1628 = vector.broadcast %reduce_sum3A_1627 : i1 to vector<16xi1>
        %reduce_sum3A_1629 = tpu.scan <sum>, %add3A_1626 masked %reduce_sum3A_1628 : vector<16xf32>, vector<16xi1> -> vector<16xf32>
        %reduce_sum3A_1630 = vector.extract %reduce_sum3A_1629[15] : f32 from vector<16xf32>
        %min3A_1631 = arith.minimumf %min3A_1604, %reduce_sum3A_1630 : f32
        %broadcast_in_dim3A_1632 = arith.constant 0.000000e+00 : f32
        %broadcast_in_dim3A_1633 = vector.broadcast %broadcast_in_dim3A_1632 : f32 to vector<16xf32>
        %get3A_1634 = arith.index_cast %add3A_1537 : i32 to index
        %get3A_1635 = arith.constant 96 : index
        %get3A_1636 = tpu.vector_load %arg9[%get3A_1634, %get3A_1635] {strides = array<i32>} : memref<128x128xi32, #tpu.memory_space<vmem>>, vector<16xi32>,
        %bitcast3A_1637 = vector.bitcast %get3A_1636 : vector<16xi32> to vector<32xbf16>
        %sub3A_1638 = arith.subf %pack3A_1550, %bitcast3A_1637 : vector<32xbf16>
        %abs3A_1639 = math.absf %sub3A_1638 : vector<32xbf16>
        %unpack3A_1640 = tpu.unpack_subelements %abs3A_1639, 0 {pack_format = #tpu.pack_format<interleaved>} : vector<32xbf16> -> vector<16xf32>
        %unpack3A_1641 = tpu.unpack_subelements %abs3A_1639, 1 {pack_format = #tpu.pack_format<interleaved>} : vector<32xbf16> -> vector<16xf32>
        %add3A_1642 = arith.addf %broadcast_in_dim3A_1633, %unpack3A_1640 : vector<16xf32>
        %add3A_1643 = arith.addf %add3A_1642, %unpack3A_1641 : vector<16xf32>
        %get3A_1644 = arith.index_cast %add3A_1537 : i32 to index
        %get3A_1645 = arith.constant 112 : index
        %get3A_1646 = tpu.vector_load %arg9[%get3A_1644, %get3A_1645] {strides = array<i32>} : memref<128x128xi32, #tpu.memory_space<vmem>>, vector<16xi32>,
        %bitcast3A_1647 = vector.bitcast %get3A_1646 : vector<16xi32> to vector<32xbf16>
        %sub3A_1648 = arith.subf %pack3A_1551, %bitcast3A_1647 : vector<32xbf16>
        %abs3A_1649 = math.absf %sub3A_1648 : vector<32xbf16>
        %unpack3A_1650 = tpu.unpack_subelements %abs3A_1649, 0 {pack_format = #tpu.pack_format<interleaved>} : vector<32xbf16> -> vector<16xf32>
        %unpack3A_1651 = tpu.unpack_subelements %abs3A_1649, 1 {pack_format = #tpu.pack_format<interleaved>} : vector<32xbf16> -> vector<16xf32>
        %add3A_1652 = arith.addf %add3A_1643, %unpack3A_1650 : vector<16xf32>
        %add3A_1653 = arith.addf %add3A_1652, %unpack3A_1651 : vector<16xf32>
        %reduce_sum3A_1654 = arith.constant true
        %reduce_sum3A_1655 = vector.broadcast %reduce_sum3A_1654 : i1 to vector<16xi1>
        %reduce_sum3A_1656 = tpu.scan <sum>, %add3A_1653 masked %reduce_sum3A_1655 : vector<16xf32>, vector<16xi1> -> vector<16xf32>
        %reduce_sum3A_1657 = vector.extract %reduce_sum3A_1656[15] : f32 from vector<16xf32>
        %min3A_1658 = arith.minimumf %min3A_1631, %reduce_sum3A_1657 : f32
        %mul3A_1659 = arith.constant 1.562500e-02 : f32
        %mul3A_1660 = arith.mulf %min3A_1658, %mul3A_1659 : f32
        %broadcast_in_dim3A_1661 = vector.broadcast %mul3A_1660 : f32 to vector<16xf32>
        %select_n3A_1662 = arith.select %eq3A_35, %broadcast_in_dim3A_1661, %select_n3A_1533 : vector<16xi1>, vector<16xf32>
        %mul3A_1663 = arith.constant 16 : i32
        %mul3A_1664 = arith.muli %scan3A_122, %mul3A_1663 : i32
        %add3A_1665 = arith.constant 12 : i32
        %add3A_1666 = arith.addi %mul3A_1664, %add3A_1665 : i32
        %get3A_1667 = arith.index_cast %add3A_1666 : i32 to index
        %get3A_1668 = arith.constant 0 : index
        %get3A_1669 = tpu.vector_load %arg11[%get3A_1667, %get3A_1668] {strides = array<i32>} : memref<128x64xf32, #tpu.memory_space<vmem>>, vector<16xf32>,
        %get3A_1670 = arith.index_cast %add3A_1666 : i32 to index
        %get3A_1671 = arith.constant 16 : index
        %get3A_1672 = tpu.vector_load %arg11[%get3A_1670, %get3A_1671] {strides = array<i32>} : memref<128x64xf32, #tpu.memory_space<vmem>>, vector<16xf32>,
        %get3A_1673 = arith.index_cast %add3A_1666 : i32 to index
        %get3A_1674 = arith.constant 32 : index
        %get3A_1675 = tpu.vector_load %arg11[%get3A_1673, %get3A_1674] {strides = array<i32>} : memref<128x64xf32, #tpu.memory_space<vmem>>, vector<16xf32>,
        %get3A_1676 = arith.index_cast %add3A_1666 : i32 to index
        %get3A_1677 = arith.constant 48 : index
        %get3A_1678 = tpu.vector_load %arg11[%get3A_1676, %get3A_1677] {strides = array<i32>} : memref<128x64xf32, #tpu.memory_space<vmem>>, vector<16xf32>,
        %pack3A_1679 = tpu.pack_subelements %get3A_1669, %get3A_1672 {pack_format = #tpu.pack_format<interleaved>, positions = array<i32: 0, 1>} : vector<16xf32>, vector<16xf32> -> vector<32xbf16>
        %pack3A_1680 = tpu.pack_subelements %get3A_1675, %get3A_1678 {pack_format = #tpu.pack_format<interleaved>, positions = array<i32: 0, 1>} : vector<16xf32>, vector<16xf32> -> vector<32xbf16>
        %broadcast_in_dim3A_1681 = arith.constant 0.000000e+00 : f32
        %broadcast_in_dim3A_1682 = vector.broadcast %broadcast_in_dim3A_1681 : f32 to vector<16xf32>
        %get3A_1683 = arith.index_cast %add3A_1666 : i32 to index
        %get3A_1684 = arith.constant 0 : index
        %get3A_1685 = tpu.vector_load %arg9[%get3A_1683, %get3A_1684] {strides = array<i32>} : memref<128x128xi32, #tpu.memory_space<vmem>>, vector<16xi32>,
        %bitcast3A_1686 = vector.bitcast %get3A_1685 : vector<16xi32> to vector<32xbf16>
        %sub3A_1687 = arith.subf %pack3A_1679, %bitcast3A_1686 : vector<32xbf16>
        %abs3A_1688 = math.absf %sub3A_1687 : vector<32xbf16>
        %unpack3A_1689 = tpu.unpack_subelements %abs3A_1688, 0 {pack_format = #tpu.pack_format<interleaved>} : vector<32xbf16> -> vector<16xf32>
        %unpack3A_1690 = tpu.unpack_subelements %abs3A_1688, 1 {pack_format = #tpu.pack_format<interleaved>} : vector<32xbf16> -> vector<16xf32>
        %add3A_1691 = arith.addf %broadcast_in_dim3A_1682, %unpack3A_1689 : vector<16xf32>
        %add3A_1692 = arith.addf %add3A_1691, %unpack3A_1690 : vector<16xf32>
        %get3A_1693 = arith.index_cast %add3A_1666 : i32 to index
        %get3A_1694 = arith.constant 16 : index
        %get3A_1695 = tpu.vector_load %arg9[%get3A_1693, %get3A_1694] {strides = array<i32>} : memref<128x128xi32, #tpu.memory_space<vmem>>, vector<16xi32>,
        %bitcast3A_1696 = vector.bitcast %get3A_1695 : vector<16xi32> to vector<32xbf16>
        %sub3A_1697 = arith.subf %pack3A_1680, %bitcast3A_1696 : vector<32xbf16>
        %abs3A_1698 = math.absf %sub3A_1697 : vector<32xbf16>
        %unpack3A_1699 = tpu.unpack_subelements %abs3A_1698, 0 {pack_format = #tpu.pack_format<interleaved>} : vector<32xbf16> -> vector<16xf32>
        %unpack3A_1700 = tpu.unpack_subelements %abs3A_1698, 1 {pack_format = #tpu.pack_format<interleaved>} : vector<32xbf16> -> vector<16xf32>
        %add3A_1701 = arith.addf %add3A_1692, %unpack3A_1699 : vector<16xf32>
        %add3A_1702 = arith.addf %add3A_1701, %unpack3A_1700 : vector<16xf32>
        %reduce_sum3A_1703 = arith.constant true
        %reduce_sum3A_1704 = vector.broadcast %reduce_sum3A_1703 : i1 to vector<16xi1>
        %reduce_sum3A_1705 = tpu.scan <sum>, %add3A_1702 masked %reduce_sum3A_1704 : vector<16xf32>, vector<16xi1> -> vector<16xf32>
        %reduce_sum3A_1706 = vector.extract %reduce_sum3A_1705[15] : f32 from vector<16xf32>
        %broadcast_in_dim3A_1707 = arith.constant 0.000000e+00 : f32
        %broadcast_in_dim3A_1708 = vector.broadcast %broadcast_in_dim3A_1707 : f32 to vector<16xf32>
        %get3A_1709 = arith.index_cast %add3A_1666 : i32 to index
        %get3A_1710 = arith.constant 32 : index
        %get3A_1711 = tpu.vector_load %arg9[%get3A_1709, %get3A_1710] {strides = array<i32>} : memref<128x128xi32, #tpu.memory_space<vmem>>, vector<16xi32>,
        %bitcast3A_1712 = vector.bitcast %get3A_1711 : vector<16xi32> to vector<32xbf16>
        %sub3A_1713 = arith.subf %pack3A_1679, %bitcast3A_1712 : vector<32xbf16>
        %abs3A_1714 = math.absf %sub3A_1713 : vector<32xbf16>
        %unpack3A_1715 = tpu.unpack_subelements %abs3A_1714, 0 {pack_format = #tpu.pack_format<interleaved>} : vector<32xbf16> -> vector<16xf32>
        %unpack3A_1716 = tpu.unpack_subelements %abs3A_1714, 1 {pack_format = #tpu.pack_format<interleaved>} : vector<32xbf16> -> vector<16xf32>
        %add3A_1717 = arith.addf %broadcast_in_dim3A_1708, %unpack3A_1715 : vector<16xf32>
        %add3A_1718 = arith.addf %add3A_1717, %unpack3A_1716 : vector<16xf32>
        %get3A_1719 = arith.index_cast %add3A_1666 : i32 to index
        %get3A_1720 = arith.constant 48 : index
        %get3A_1721 = tpu.vector_load %arg9[%get3A_1719, %get3A_1720] {strides = array<i32>} : memref<128x128xi32, #tpu.memory_space<vmem>>, vector<16xi32>,
        %bitcast3A_1722 = vector.bitcast %get3A_1721 : vector<16xi32> to vector<32xbf16>
        %sub3A_1723 = arith.subf %pack3A_1680, %bitcast3A_1722 : vector<32xbf16>
        %abs3A_1724 = math.absf %sub3A_1723 : vector<32xbf16>
        %unpack3A_1725 = tpu.unpack_subelements %abs3A_1724, 0 {pack_format = #tpu.pack_format<interleaved>} : vector<32xbf16> -> vector<16xf32>
        %unpack3A_1726 = tpu.unpack_subelements %abs3A_1724, 1 {pack_format = #tpu.pack_format<interleaved>} : vector<32xbf16> -> vector<16xf32>
        %add3A_1727 = arith.addf %add3A_1718, %unpack3A_1725 : vector<16xf32>
        %add3A_1728 = arith.addf %add3A_1727, %unpack3A_1726 : vector<16xf32>
        %reduce_sum3A_1729 = arith.constant true
        %reduce_sum3A_1730 = vector.broadcast %reduce_sum3A_1729 : i1 to vector<16xi1>
        %reduce_sum3A_1731 = tpu.scan <sum>, %add3A_1728 masked %reduce_sum3A_1730 : vector<16xf32>, vector<16xi1> -> vector<16xf32>
        %reduce_sum3A_1732 = vector.extract %reduce_sum3A_1731[15] : f32 from vector<16xf32>
        %min3A_1733 = arith.minimumf %reduce_sum3A_1706, %reduce_sum3A_1732 : f32
        %broadcast_in_dim3A_1734 = arith.constant 0.000000e+00 : f32
        %broadcast_in_dim3A_1735 = vector.broadcast %broadcast_in_dim3A_1734 : f32 to vector<16xf32>
        %get3A_1736 = arith.index_cast %add3A_1666 : i32 to index
        %get3A_1737 = arith.constant 64 : index
        %get3A_1738 = tpu.vector_load %arg9[%get3A_1736, %get3A_1737] {strides = array<i32>} : memref<128x128xi32, #tpu.memory_space<vmem>>, vector<16xi32>,
        %bitcast3A_1739 = vector.bitcast %get3A_1738 : vector<16xi32> to vector<32xbf16>
        %sub3A_1740 = arith.subf %pack3A_1679, %bitcast3A_1739 : vector<32xbf16>
        %abs3A_1741 = math.absf %sub3A_1740 : vector<32xbf16>
        %unpack3A_1742 = tpu.unpack_subelements %abs3A_1741, 0 {pack_format = #tpu.pack_format<interleaved>} : vector<32xbf16> -> vector<16xf32>
        %unpack3A_1743 = tpu.unpack_subelements %abs3A_1741, 1 {pack_format = #tpu.pack_format<interleaved>} : vector<32xbf16> -> vector<16xf32>
        %add3A_1744 = arith.addf %broadcast_in_dim3A_1735, %unpack3A_1742 : vector<16xf32>
        %add3A_1745 = arith.addf %add3A_1744, %unpack3A_1743 : vector<16xf32>
        %get3A_1746 = arith.index_cast %add3A_1666 : i32 to index
        %get3A_1747 = arith.constant 80 : index
        %get3A_1748 = tpu.vector_load %arg9[%get3A_1746, %get3A_1747] {strides = array<i32>} : memref<128x128xi32, #tpu.memory_space<vmem>>, vector<16xi32>,
        %bitcast3A_1749 = vector.bitcast %get3A_1748 : vector<16xi32> to vector<32xbf16>
        %sub3A_1750 = arith.subf %pack3A_1680, %bitcast3A_1749 : vector<32xbf16>
        %abs3A_1751 = math.absf %sub3A_1750 : vector<32xbf16>
        %unpack3A_1752 = tpu.unpack_subelements %abs3A_1751, 0 {pack_format = #tpu.pack_format<interleaved>} : vector<32xbf16> -> vector<16xf32>
        %unpack3A_1753 = tpu.unpack_subelements %abs3A_1751, 1 {pack_format = #tpu.pack_format<interleaved>} : vector<32xbf16> -> vector<16xf32>
        %add3A_1754 = arith.addf %add3A_1745, %unpack3A_1752 : vector<16xf32>
        %add3A_1755 = arith.addf %add3A_1754, %unpack3A_1753 : vector<16xf32>
        %reduce_sum3A_1756 = arith.constant true
        %reduce_sum3A_1757 = vector.broadcast %reduce_sum3A_1756 : i1 to vector<16xi1>
        %reduce_sum3A_1758 = tpu.scan <sum>, %add3A_1755 masked %reduce_sum3A_1757 : vector<16xf32>, vector<16xi1> -> vector<16xf32>
        %reduce_sum3A_1759 = vector.extract %reduce_sum3A_1758[15] : f32 from vector<16xf32>
        %min3A_1760 = arith.minimumf %min3A_1733, %reduce_sum3A_1759 : f32
        %broadcast_in_dim3A_1761 = arith.constant 0.000000e+00 : f32
        %broadcast_in_dim3A_1762 = vector.broadcast %broadcast_in_dim3A_1761 : f32 to vector<16xf32>
        %get3A_1763 = arith.index_cast %add3A_1666 : i32 to index
        %get3A_1764 = arith.constant 96 : index
        %get3A_1765 = tpu.vector_load %arg9[%get3A_1763, %get3A_1764] {strides = array<i32>} : memref<128x128xi32, #tpu.memory_space<vmem>>, vector<16xi32>,
        %bitcast3A_1766 = vector.bitcast %get3A_1765 : vector<16xi32> to vector<32xbf16>
        %sub3A_1767 = arith.subf %pack3A_1679, %bitcast3A_1766 : vector<32xbf16>
        %abs3A_1768 = math.absf %sub3A_1767 : vector<32xbf16>
        %unpack3A_1769 = tpu.unpack_subelements %abs3A_1768, 0 {pack_format = #tpu.pack_format<interleaved>} : vector<32xbf16> -> vector<16xf32>
        %unpack3A_1770 = tpu.unpack_subelements %abs3A_1768, 1 {pack_format = #tpu.pack_format<interleaved>} : vector<32xbf16> -> vector<16xf32>
        %add3A_1771 = arith.addf %broadcast_in_dim3A_1762, %unpack3A_1769 : vector<16xf32>
        %add3A_1772 = arith.addf %add3A_1771, %unpack3A_1770 : vector<16xf32>
        %get3A_1773 = arith.index_cast %add3A_1666 : i32 to index
        %get3A_1774 = arith.constant 112 : index
        %get3A_1775 = tpu.vector_load %arg9[%get3A_1773, %get3A_1774] {strides = array<i32>} : memref<128x128xi32, #tpu.memory_space<vmem>>, vector<16xi32>,
        %bitcast3A_1776 = vector.bitcast %get3A_1775 : vector<16xi32> to vector<32xbf16>
        %sub3A_1777 = arith.subf %pack3A_1680, %bitcast3A_1776 : vector<32xbf16>
        %abs3A_1778 = math.absf %sub3A_1777 : vector<32xbf16>
        %unpack3A_1779 = tpu.unpack_subelements %abs3A_1778, 0 {pack_format = #tpu.pack_format<interleaved>} : vector<32xbf16> -> vector<16xf32>
        %unpack3A_1780 = tpu.unpack_subelements %abs3A_1778, 1 {pack_format = #tpu.pack_format<interleaved>} : vector<32xbf16> -> vector<16xf32>
        %add3A_1781 = arith.addf %add3A_1772, %unpack3A_1779 : vector<16xf32>
        %add3A_1782 = arith.addf %add3A_1781, %unpack3A_1780 : vector<16xf32>
        %reduce_sum3A_1783 = arith.constant true
        %reduce_sum3A_1784 = vector.broadcast %reduce_sum3A_1783 : i1 to vector<16xi1>
        %reduce_sum3A_1785 = tpu.scan <sum>, %add3A_1782 masked %reduce_sum3A_1784 : vector<16xf32>, vector<16xi1> -> vector<16xf32>
        %reduce_sum3A_1786 = vector.extract %reduce_sum3A_1785[15] : f32 from vector<16xf32>
        %min3A_1787 = arith.minimumf %min3A_1760, %reduce_sum3A_1786 : f32
        %mul3A_1788 = arith.constant 1.562500e-02 : f32
        %mul3A_1789 = arith.mulf %min3A_1787, %mul3A_1788 : f32
        %broadcast_in_dim3A_1790 = vector.broadcast %mul3A_1789 : f32 to vector<16xf32>
        %select_n3A_1791 = arith.select %eq3A_38, %broadcast_in_dim3A_1790, %select_n3A_1662 : vector<16xi1>, vector<16xf32>
        %mul3A_1792 = arith.constant 16 : i32
        %mul3A_1793 = arith.muli %scan3A_122, %mul3A_1792 : i32
        %add3A_1794 = arith.constant 13 : i32
        %add3A_1795 = arith.addi %mul3A_1793, %add3A_1794 : i32
        %get3A_1796 = arith.index_cast %add3A_1795 : i32 to index
        %get3A_1797 = arith.constant 0 : index
        %get3A_1798 = tpu.vector_load %arg11[%get3A_1796, %get3A_1797] {strides = array<i32>} : memref<128x64xf32, #tpu.memory_space<vmem>>, vector<16xf32>,
        %get3A_1799 = arith.index_cast %add3A_1795 : i32 to index
        %get3A_1800 = arith.constant 16 : index
        %get3A_1801 = tpu.vector_load %arg11[%get3A_1799, %get3A_1800] {strides = array<i32>} : memref<128x64xf32, #tpu.memory_space<vmem>>, vector<16xf32>,
        %get3A_1802 = arith.index_cast %add3A_1795 : i32 to index
        %get3A_1803 = arith.constant 32 : index
        %get3A_1804 = tpu.vector_load %arg11[%get3A_1802, %get3A_1803] {strides = array<i32>} : memref<128x64xf32, #tpu.memory_space<vmem>>, vector<16xf32>,
        %get3A_1805 = arith.index_cast %add3A_1795 : i32 to index
        %get3A_1806 = arith.constant 48 : index
        %get3A_1807 = tpu.vector_load %arg11[%get3A_1805, %get3A_1806] {strides = array<i32>} : memref<128x64xf32, #tpu.memory_space<vmem>>, vector<16xf32>,
        %pack3A_1808 = tpu.pack_subelements %get3A_1798, %get3A_1801 {pack_format = #tpu.pack_format<interleaved>, positions = array<i32: 0, 1>} : vector<16xf32>, vector<16xf32> -> vector<32xbf16>
        %pack3A_1809 = tpu.pack_subelements %get3A_1804, %get3A_1807 {pack_format = #tpu.pack_format<interleaved>, positions = array<i32: 0, 1>} : vector<16xf32>, vector<16xf32> -> vector<32xbf16>
        %broadcast_in_dim3A_1810 = arith.constant 0.000000e+00 : f32
        %broadcast_in_dim3A_1811 = vector.broadcast %broadcast_in_dim3A_1810 : f32 to vector<16xf32>
        %get3A_1812 = arith.index_cast %add3A_1795 : i32 to index
        %get3A_1813 = arith.constant 0 : index
        %get3A_1814 = tpu.vector_load %arg9[%get3A_1812, %get3A_1813] {strides = array<i32>} : memref<128x128xi32, #tpu.memory_space<vmem>>, vector<16xi32>,
        %bitcast3A_1815 = vector.bitcast %get3A_1814 : vector<16xi32> to vector<32xbf16>
        %sub3A_1816 = arith.subf %pack3A_1808, %bitcast3A_1815 : vector<32xbf16>
        %abs3A_1817 = math.absf %sub3A_1816 : vector<32xbf16>
        %unpack3A_1818 = tpu.unpack_subelements %abs3A_1817, 0 {pack_format = #tpu.pack_format<interleaved>} : vector<32xbf16> -> vector<16xf32>
        %unpack3A_1819 = tpu.unpack_subelements %abs3A_1817, 1 {pack_format = #tpu.pack_format<interleaved>} : vector<32xbf16> -> vector<16xf32>
        %add3A_1820 = arith.addf %broadcast_in_dim3A_1811, %unpack3A_1818 : vector<16xf32>
        %add3A_1821 = arith.addf %add3A_1820, %unpack3A_1819 : vector<16xf32>
        %get3A_1822 = arith.index_cast %add3A_1795 : i32 to index
        %get3A_1823 = arith.constant 16 : index
        %get3A_1824 = tpu.vector_load %arg9[%get3A_1822, %get3A_1823] {strides = array<i32>} : memref<128x128xi32, #tpu.memory_space<vmem>>, vector<16xi32>,
        %bitcast3A_1825 = vector.bitcast %get3A_1824 : vector<16xi32> to vector<32xbf16>
        %sub3A_1826 = arith.subf %pack3A_1809, %bitcast3A_1825 : vector<32xbf16>
        %abs3A_1827 = math.absf %sub3A_1826 : vector<32xbf16>
        %unpack3A_1828 = tpu.unpack_subelements %abs3A_1827, 0 {pack_format = #tpu.pack_format<interleaved>} : vector<32xbf16> -> vector<16xf32>
        %unpack3A_1829 = tpu.unpack_subelements %abs3A_1827, 1 {pack_format = #tpu.pack_format<interleaved>} : vector<32xbf16> -> vector<16xf32>
        %add3A_1830 = arith.addf %add3A_1821, %unpack3A_1828 : vector<16xf32>
        %add3A_1831 = arith.addf %add3A_1830, %unpack3A_1829 : vector<16xf32>
        %reduce_sum3A_1832 = arith.constant true
        %reduce_sum3A_1833 = vector.broadcast %reduce_sum3A_1832 : i1 to vector<16xi1>
        %reduce_sum3A_1834 = tpu.scan <sum>, %add3A_1831 masked %reduce_sum3A_1833 : vector<16xf32>, vector<16xi1> -> vector<16xf32>
        %reduce_sum3A_1835 = vector.extract %reduce_sum3A_1834[15] : f32 from vector<16xf32>
        %broadcast_in_dim3A_1836 = arith.constant 0.000000e+00 : f32
        %broadcast_in_dim3A_1837 = vector.broadcast %broadcast_in_dim3A_1836 : f32 to vector<16xf32>
        %get3A_1838 = arith.index_cast %add3A_1795 : i32 to index
        %get3A_1839 = arith.constant 32 : index
        %get3A_1840 = tpu.vector_load %arg9[%get3A_1838, %get3A_1839] {strides = array<i32>} : memref<128x128xi32, #tpu.memory_space<vmem>>, vector<16xi32>,
        %bitcast3A_1841 = vector.bitcast %get3A_1840 : vector<16xi32> to vector<32xbf16>
        %sub3A_1842 = arith.subf %pack3A_1808, %bitcast3A_1841 : vector<32xbf16>
        %abs3A_1843 = math.absf %sub3A_1842 : vector<32xbf16>
        %unpack3A_1844 = tpu.unpack_subelements %abs3A_1843, 0 {pack_format = #tpu.pack_format<interleaved>} : vector<32xbf16> -> vector<16xf32>
        %unpack3A_1845 = tpu.unpack_subelements %abs3A_1843, 1 {pack_format = #tpu.pack_format<interleaved>} : vector<32xbf16> -> vector<16xf32>
        %add3A_1846 = arith.addf %broadcast_in_dim3A_1837, %unpack3A_1844 : vector<16xf32>
        %add3A_1847 = arith.addf %add3A_1846, %unpack3A_1845 : vector<16xf32>
        %get3A_1848 = arith.index_cast %add3A_1795 : i32 to index
        %get3A_1849 = arith.constant 48 : index
        %get3A_1850 = tpu.vector_load %arg9[%get3A_1848, %get3A_1849] {strides = array<i32>} : memref<128x128xi32, #tpu.memory_space<vmem>>, vector<16xi32>,
        %bitcast3A_1851 = vector.bitcast %get3A_1850 : vector<16xi32> to vector<32xbf16>
        %sub3A_1852 = arith.subf %pack3A_1809, %bitcast3A_1851 : vector<32xbf16>
        %abs3A_1853 = math.absf %sub3A_1852 : vector<32xbf16>
        %unpack3A_1854 = tpu.unpack_subelements %abs3A_1853, 0 {pack_format = #tpu.pack_format<interleaved>} : vector<32xbf16> -> vector<16xf32>
        %unpack3A_1855 = tpu.unpack_subelements %abs3A_1853, 1 {pack_format = #tpu.pack_format<interleaved>} : vector<32xbf16> -> vector<16xf32>
        %add3A_1856 = arith.addf %add3A_1847, %unpack3A_1854 : vector<16xf32>
        %add3A_1857 = arith.addf %add3A_1856, %unpack3A_1855 : vector<16xf32>
        %reduce_sum3A_1858 = arith.constant true
        %reduce_sum3A_1859 = vector.broadcast %reduce_sum3A_1858 : i1 to vector<16xi1>
        %reduce_sum3A_1860 = tpu.scan <sum>, %add3A_1857 masked %reduce_sum3A_1859 : vector<16xf32>, vector<16xi1> -> vector<16xf32>
        %reduce_sum3A_1861 = vector.extract %reduce_sum3A_1860[15] : f32 from vector<16xf32>
        %min3A_1862 = arith.minimumf %reduce_sum3A_1835, %reduce_sum3A_1861 : f32
        %broadcast_in_dim3A_1863 = arith.constant 0.000000e+00 : f32
        %broadcast_in_dim3A_1864 = vector.broadcast %broadcast_in_dim3A_1863 : f32 to vector<16xf32>
        %get3A_1865 = arith.index_cast %add3A_1795 : i32 to index
        %get3A_1866 = arith.constant 64 : index
        %get3A_1867 = tpu.vector_load %arg9[%get3A_1865, %get3A_1866] {strides = array<i32>} : memref<128x128xi32, #tpu.memory_space<vmem>>, vector<16xi32>,
        %bitcast3A_1868 = vector.bitcast %get3A_1867 : vector<16xi32> to vector<32xbf16>
        %sub3A_1869 = arith.subf %pack3A_1808, %bitcast3A_1868 : vector<32xbf16>
        %abs3A_1870 = math.absf %sub3A_1869 : vector<32xbf16>
        %unpack3A_1871 = tpu.unpack_subelements %abs3A_1870, 0 {pack_format = #tpu.pack_format<interleaved>} : vector<32xbf16> -> vector<16xf32>
        %unpack3A_1872 = tpu.unpack_subelements %abs3A_1870, 1 {pack_format = #tpu.pack_format<interleaved>} : vector<32xbf16> -> vector<16xf32>
        %add3A_1873 = arith.addf %broadcast_in_dim3A_1864, %unpack3A_1871 : vector<16xf32>
        %add3A_1874 = arith.addf %add3A_1873, %unpack3A_1872 : vector<16xf32>
        %get3A_1875 = arith.index_cast %add3A_1795 : i32 to index
        %get3A_1876 = arith.constant 80 : index
        %get3A_1877 = tpu.vector_load %arg9[%get3A_1875, %get3A_1876] {strides = array<i32>} : memref<128x128xi32, #tpu.memory_space<vmem>>, vector<16xi32>,
        %bitcast3A_1878 = vector.bitcast %get3A_1877 : vector<16xi32> to vector<32xbf16>
        %sub3A_1879 = arith.subf %pack3A_1809, %bitcast3A_1878 : vector<32xbf16>
        %abs3A_1880 = math.absf %sub3A_1879 : vector<32xbf16>
        %unpack3A_1881 = tpu.unpack_subelements %abs3A_1880, 0 {pack_format = #tpu.pack_format<interleaved>} : vector<32xbf16> -> vector<16xf32>
        %unpack3A_1882 = tpu.unpack_subelements %abs3A_1880, 1 {pack_format = #tpu.pack_format<interleaved>} : vector<32xbf16> -> vector<16xf32>
        %add3A_1883 = arith.addf %add3A_1874, %unpack3A_1881 : vector<16xf32>
        %add3A_1884 = arith.addf %add3A_1883, %unpack3A_1882 : vector<16xf32>
        %reduce_sum3A_1885 = arith.constant true
        %reduce_sum3A_1886 = vector.broadcast %reduce_sum3A_1885 : i1 to vector<16xi1>
        %reduce_sum3A_1887 = tpu.scan <sum>, %add3A_1884 masked %reduce_sum3A_1886 : vector<16xf32>, vector<16xi1> -> vector<16xf32>
        %reduce_sum3A_1888 = vector.extract %reduce_sum3A_1887[15] : f32 from vector<16xf32>
        %min3A_1889 = arith.minimumf %min3A_1862, %reduce_sum3A_1888 : f32
        %broadcast_in_dim3A_1890 = arith.constant 0.000000e+00 : f32
        %broadcast_in_dim3A_1891 = vector.broadcast %broadcast_in_dim3A_1890 : f32 to vector<16xf32>
        %get3A_1892 = arith.index_cast %add3A_1795 : i32 to index
        %get3A_1893 = arith.constant 96 : index
        %get3A_1894 = tpu.vector_load %arg9[%get3A_1892, %get3A_1893] {strides = array<i32>} : memref<128x128xi32, #tpu.memory_space<vmem>>, vector<16xi32>,
        %bitcast3A_1895 = vector.bitcast %get3A_1894 : vector<16xi32> to vector<32xbf16>
        %sub3A_1896 = arith.subf %pack3A_1808, %bitcast3A_1895 : vector<32xbf16>
        %abs3A_1897 = math.absf %sub3A_1896 : vector<32xbf16>
        %unpack3A_1898 = tpu.unpack_subelements %abs3A_1897, 0 {pack_format = #tpu.pack_format<interleaved>} : vector<32xbf16> -> vector<16xf32>
        %unpack3A_1899 = tpu.unpack_subelements %abs3A_1897, 1 {pack_format = #tpu.pack_format<interleaved>} : vector<32xbf16> -> vector<16xf32>
        %add3A_1900 = arith.addf %broadcast_in_dim3A_1891, %unpack3A_1898 : vector<16xf32>
        %add3A_1901 = arith.addf %add3A_1900, %unpack3A_1899 : vector<16xf32>
        %get3A_1902 = arith.index_cast %add3A_1795 : i32 to index
        %get3A_1903 = arith.constant 112 : index
        %get3A_1904 = tpu.vector_load %arg9[%get3A_1902, %get3A_1903] {strides = array<i32>} : memref<128x128xi32, #tpu.memory_space<vmem>>, vector<16xi32>,
        %bitcast3A_1905 = vector.bitcast %get3A_1904 : vector<16xi32> to vector<32xbf16>
        %sub3A_1906 = arith.subf %pack3A_1809, %bitcast3A_1905 : vector<32xbf16>
        %abs3A_1907 = math.absf %sub3A_1906 : vector<32xbf16>
        %unpack3A_1908 = tpu.unpack_subelements %abs3A_1907, 0 {pack_format = #tpu.pack_format<interleaved>} : vector<32xbf16> -> vector<16xf32>
        %unpack3A_1909 = tpu.unpack_subelements %abs3A_1907, 1 {pack_format = #tpu.pack_format<interleaved>} : vector<32xbf16> -> vector<16xf32>
        %add3A_1910 = arith.addf %add3A_1901, %unpack3A_1908 : vector<16xf32>
        %add3A_1911 = arith.addf %add3A_1910, %unpack3A_1909 : vector<16xf32>
        %reduce_sum3A_1912 = arith.constant true
        %reduce_sum3A_1913 = vector.broadcast %reduce_sum3A_1912 : i1 to vector<16xi1>
        %reduce_sum3A_1914 = tpu.scan <sum>, %add3A_1911 masked %reduce_sum3A_1913 : vector<16xf32>, vector<16xi1> -> vector<16xf32>
        %reduce_sum3A_1915 = vector.extract %reduce_sum3A_1914[15] : f32 from vector<16xf32>
        %min3A_1916 = arith.minimumf %min3A_1889, %reduce_sum3A_1915 : f32
        %mul3A_1917 = arith.constant 1.562500e-02 : f32
        %mul3A_1918 = arith.mulf %min3A_1916, %mul3A_1917 : f32
        %broadcast_in_dim3A_1919 = vector.broadcast %mul3A_1918 : f32 to vector<16xf32>
        %select_n3A_1920 = arith.select %eq3A_41, %broadcast_in_dim3A_1919, %select_n3A_1791 : vector<16xi1>, vector<16xf32>
        %mul3A_1921 = arith.constant 16 : i32
        %mul3A_1922 = arith.muli %scan3A_122, %mul3A_1921 : i32
        %add3A_1923 = arith.constant 14 : i32
        %add3A_1924 = arith.addi %mul3A_1922, %add3A_1923 : i32
        %get3A_1925 = arith.index_cast %add3A_1924 : i32 to index
        %get3A_1926 = arith.constant 0 : index
        %get3A_1927 = tpu.vector_load %arg11[%get3A_1925, %get3A_1926] {strides = array<i32>} : memref<128x64xf32, #tpu.memory_space<vmem>>, vector<16xf32>,
        %get3A_1928 = arith.index_cast %add3A_1924 : i32 to index
        %get3A_1929 = arith.constant 16 : index
        %get3A_1930 = tpu.vector_load %arg11[%get3A_1928, %get3A_1929] {strides = array<i32>} : memref<128x64xf32, #tpu.memory_space<vmem>>, vector<16xf32>,
        %get3A_1931 = arith.index_cast %add3A_1924 : i32 to index
        %get3A_1932 = arith.constant 32 : index
        %get3A_1933 = tpu.vector_load %arg11[%get3A_1931, %get3A_1932] {strides = array<i32>} : memref<128x64xf32, #tpu.memory_space<vmem>>, vector<16xf32>,
        %get3A_1934 = arith.index_cast %add3A_1924 : i32 to index
        %get3A_1935 = arith.constant 48 : index
        %get3A_1936 = tpu.vector_load %arg11[%get3A_1934, %get3A_1935] {strides = array<i32>} : memref<128x64xf32, #tpu.memory_space<vmem>>, vector<16xf32>,
        %pack3A_1937 = tpu.pack_subelements %get3A_1927, %get3A_1930 {pack_format = #tpu.pack_format<interleaved>, positions = array<i32: 0, 1>} : vector<16xf32>, vector<16xf32> -> vector<32xbf16>
        %pack3A_1938 = tpu.pack_subelements %get3A_1933, %get3A_1936 {pack_format = #tpu.pack_format<interleaved>, positions = array<i32: 0, 1>} : vector<16xf32>, vector<16xf32> -> vector<32xbf16>
        %broadcast_in_dim3A_1939 = arith.constant 0.000000e+00 : f32
        %broadcast_in_dim3A_1940 = vector.broadcast %broadcast_in_dim3A_1939 : f32 to vector<16xf32>
        %get3A_1941 = arith.index_cast %add3A_1924 : i32 to index
        %get3A_1942 = arith.constant 0 : index
        %get3A_1943 = tpu.vector_load %arg9[%get3A_1941, %get3A_1942] {strides = array<i32>} : memref<128x128xi32, #tpu.memory_space<vmem>>, vector<16xi32>,
        %bitcast3A_1944 = vector.bitcast %get3A_1943 : vector<16xi32> to vector<32xbf16>
        %sub3A_1945 = arith.subf %pack3A_1937, %bitcast3A_1944 : vector<32xbf16>
        %abs3A_1946 = math.absf %sub3A_1945 : vector<32xbf16>
        %unpack3A_1947 = tpu.unpack_subelements %abs3A_1946, 0 {pack_format = #tpu.pack_format<interleaved>} : vector<32xbf16> -> vector<16xf32>
        %unpack3A_1948 = tpu.unpack_subelements %abs3A_1946, 1 {pack_format = #tpu.pack_format<interleaved>} : vector<32xbf16> -> vector<16xf32>
        %add3A_1949 = arith.addf %broadcast_in_dim3A_1940, %unpack3A_1947 : vector<16xf32>
        %add3A_1950 = arith.addf %add3A_1949, %unpack3A_1948 : vector<16xf32>
        %get3A_1951 = arith.index_cast %add3A_1924 : i32 to index
        %get3A_1952 = arith.constant 16 : index
        %get3A_1953 = tpu.vector_load %arg9[%get3A_1951, %get3A_1952] {strides = array<i32>} : memref<128x128xi32, #tpu.memory_space<vmem>>, vector<16xi32>,
        %bitcast3A_1954 = vector.bitcast %get3A_1953 : vector<16xi32> to vector<32xbf16>
        %sub3A_1955 = arith.subf %pack3A_1938, %bitcast3A_1954 : vector<32xbf16>
        %abs3A_1956 = math.absf %sub3A_1955 : vector<32xbf16>
        %unpack3A_1957 = tpu.unpack_subelements %abs3A_1956, 0 {pack_format = #tpu.pack_format<interleaved>} : vector<32xbf16> -> vector<16xf32>
        %unpack3A_1958 = tpu.unpack_subelements %abs3A_1956, 1 {pack_format = #tpu.pack_format<interleaved>} : vector<32xbf16> -> vector<16xf32>
        %add3A_1959 = arith.addf %add3A_1950, %unpack3A_1957 : vector<16xf32>
        %add3A_1960 = arith.addf %add3A_1959, %unpack3A_1958 : vector<16xf32>
        %reduce_sum3A_1961 = arith.constant true
        %reduce_sum3A_1962 = vector.broadcast %reduce_sum3A_1961 : i1 to vector<16xi1>
        %reduce_sum3A_1963 = tpu.scan <sum>, %add3A_1960 masked %reduce_sum3A_1962 : vector<16xf32>, vector<16xi1> -> vector<16xf32>
        %reduce_sum3A_1964 = vector.extract %reduce_sum3A_1963[15] : f32 from vector<16xf32>
        %broadcast_in_dim3A_1965 = arith.constant 0.000000e+00 : f32
        %broadcast_in_dim3A_1966 = vector.broadcast %broadcast_in_dim3A_1965 : f32 to vector<16xf32>
        %get3A_1967 = arith.index_cast %add3A_1924 : i32 to index
        %get3A_1968 = arith.constant 32 : index
        %get3A_1969 = tpu.vector_load %arg9[%get3A_1967, %get3A_1968] {strides = array<i32>} : memref<128x128xi32, #tpu.memory_space<vmem>>, vector<16xi32>,
        %bitcast3A_1970 = vector.bitcast %get3A_1969 : vector<16xi32> to vector<32xbf16>
        %sub3A_1971 = arith.subf %pack3A_1937, %bitcast3A_1970 : vector<32xbf16>
        %abs3A_1972 = math.absf %sub3A_1971 : vector<32xbf16>
        %unpack3A_1973 = tpu.unpack_subelements %abs3A_1972, 0 {pack_format = #tpu.pack_format<interleaved>} : vector<32xbf16> -> vector<16xf32>
        %unpack3A_1974 = tpu.unpack_subelements %abs3A_1972, 1 {pack_format = #tpu.pack_format<interleaved>} : vector<32xbf16> -> vector<16xf32>
        %add3A_1975 = arith.addf %broadcast_in_dim3A_1966, %unpack3A_1973 : vector<16xf32>
        %add3A_1976 = arith.addf %add3A_1975, %unpack3A_1974 : vector<16xf32>
        %get3A_1977 = arith.index_cast %add3A_1924 : i32 to index
        %get3A_1978 = arith.constant 48 : index
        %get3A_1979 = tpu.vector_load %arg9[%get3A_1977, %get3A_1978] {strides = array<i32>} : memref<128x128xi32, #tpu.memory_space<vmem>>, vector<16xi32>,
        %bitcast3A_1980 = vector.bitcast %get3A_1979 : vector<16xi32> to vector<32xbf16>
        %sub3A_1981 = arith.subf %pack3A_1938, %bitcast3A_1980 : vector<32xbf16>
        %abs3A_1982 = math.absf %sub3A_1981 : vector<32xbf16>
        %unpack3A_1983 = tpu.unpack_subelements %abs3A_1982, 0 {pack_format = #tpu.pack_format<interleaved>} : vector<32xbf16> -> vector<16xf32>
        %unpack3A_1984 = tpu.unpack_subelements %abs3A_1982, 1 {pack_format = #tpu.pack_format<interleaved>} : vector<32xbf16> -> vector<16xf32>
        %add3A_1985 = arith.addf %add3A_1976, %unpack3A_1983 : vector<16xf32>
        %add3A_1986 = arith.addf %add3A_1985, %unpack3A_1984 : vector<16xf32>
        %reduce_sum3A_1987 = arith.constant true
        %reduce_sum3A_1988 = vector.broadcast %reduce_sum3A_1987 : i1 to vector<16xi1>
        %reduce_sum3A_1989 = tpu.scan <sum>, %add3A_1986 masked %reduce_sum3A_1988 : vector<16xf32>, vector<16xi1> -> vector<16xf32>
        %reduce_sum3A_1990 = vector.extract %reduce_sum3A_1989[15] : f32 from vector<16xf32>
        %min3A_1991 = arith.minimumf %reduce_sum3A_1964, %reduce_sum3A_1990 : f32
        %broadcast_in_dim3A_1992 = arith.constant 0.000000e+00 : f32
        %broadcast_in_dim3A_1993 = vector.broadcast %broadcast_in_dim3A_1992 : f32 to vector<16xf32>
        %get3A_1994 = arith.index_cast %add3A_1924 : i32 to index
        %get3A_1995 = arith.constant 64 : index
        %get3A_1996 = tpu.vector_load %arg9[%get3A_1994, %get3A_1995] {strides = array<i32>} : memref<128x128xi32, #tpu.memory_space<vmem>>, vector<16xi32>,
        %bitcast3A_1997 = vector.bitcast %get3A_1996 : vector<16xi32> to vector<32xbf16>
        %sub3A_1998 = arith.subf %pack3A_1937, %bitcast3A_1997 : vector<32xbf16>
        %abs3A_1999 = math.absf %sub3A_1998 : vector<32xbf16>
        %unpack3A_2000 = tpu.unpack_subelements %abs3A_1999, 0 {pack_format = #tpu.pack_format<interleaved>} : vector<32xbf16> -> vector<16xf32>
        %unpack3A_2001 = tpu.unpack_subelements %abs3A_1999, 1 {pack_format = #tpu.pack_format<interleaved>} : vector<32xbf16> -> vector<16xf32>
        %add3A_2002 = arith.addf %broadcast_in_dim3A_1993, %unpack3A_2000 : vector<16xf32>
        %add3A_2003 = arith.addf %add3A_2002, %unpack3A_2001 : vector<16xf32>
        %get3A_2004 = arith.index_cast %add3A_1924 : i32 to index
        %get3A_2005 = arith.constant 80 : index
        %get3A_2006 = tpu.vector_load %arg9[%get3A_2004, %get3A_2005] {strides = array<i32>} : memref<128x128xi32, #tpu.memory_space<vmem>>, vector<16xi32>,
        %bitcast3A_2007 = vector.bitcast %get3A_2006 : vector<16xi32> to vector<32xbf16>
        %sub3A_2008 = arith.subf %pack3A_1938, %bitcast3A_2007 : vector<32xbf16>
        %abs3A_2009 = math.absf %sub3A_2008 : vector<32xbf16>
        %unpack3A_2010 = tpu.unpack_subelements %abs3A_2009, 0 {pack_format = #tpu.pack_format<interleaved>} : vector<32xbf16> -> vector<16xf32>
        %unpack3A_2011 = tpu.unpack_subelements %abs3A_2009, 1 {pack_format = #tpu.pack_format<interleaved>} : vector<32xbf16> -> vector<16xf32>
        %add3A_2012 = arith.addf %add3A_2003, %unpack3A_2010 : vector<16xf32>
        %add3A_2013 = arith.addf %add3A_2012, %unpack3A_2011 : vector<16xf32>
        %reduce_sum3A_2014 = arith.constant true
        %reduce_sum3A_2015 = vector.broadcast %reduce_sum3A_2014 : i1 to vector<16xi1>
        %reduce_sum3A_2016 = tpu.scan <sum>, %add3A_2013 masked %reduce_sum3A_2015 : vector<16xf32>, vector<16xi1> -> vector<16xf32>
        %reduce_sum3A_2017 = vector.extract %reduce_sum3A_2016[15] : f32 from vector<16xf32>
        %min3A_2018 = arith.minimumf %min3A_1991, %reduce_sum3A_2017 : f32
        %broadcast_in_dim3A_2019 = arith.constant 0.000000e+00 : f32
        %broadcast_in_dim3A_2020 = vector.broadcast %broadcast_in_dim3A_2019 : f32 to vector<16xf32>
        %get3A_2021 = arith.index_cast %add3A_1924 : i32 to index
        %get3A_2022 = arith.constant 96 : index
        %get3A_2023 = tpu.vector_load %arg9[%get3A_2021, %get3A_2022] {strides = array<i32>} : memref<128x128xi32, #tpu.memory_space<vmem>>, vector<16xi32>,
        %bitcast3A_2024 = vector.bitcast %get3A_2023 : vector<16xi32> to vector<32xbf16>
        %sub3A_2025 = arith.subf %pack3A_1937, %bitcast3A_2024 : vector<32xbf16>
        %abs3A_2026 = math.absf %sub3A_2025 : vector<32xbf16>
        %unpack3A_2027 = tpu.unpack_subelements %abs3A_2026, 0 {pack_format = #tpu.pack_format<interleaved>} : vector<32xbf16> -> vector<16xf32>
        %unpack3A_2028 = tpu.unpack_subelements %abs3A_2026, 1 {pack_format = #tpu.pack_format<interleaved>} : vector<32xbf16> -> vector<16xf32>
        %add3A_2029 = arith.addf %broadcast_in_dim3A_2020, %unpack3A_2027 : vector<16xf32>
        %add3A_2030 = arith.addf %add3A_2029, %unpack3A_2028 : vector<16xf32>
        %get3A_2031 = arith.index_cast %add3A_1924 : i32 to index
        %get3A_2032 = arith.constant 112 : index
        %get3A_2033 = tpu.vector_load %arg9[%get3A_2031, %get3A_2032] {strides = array<i32>} : memref<128x128xi32, #tpu.memory_space<vmem>>, vector<16xi32>,
        %bitcast3A_2034 = vector.bitcast %get3A_2033 : vector<16xi32> to vector<32xbf16>
        %sub3A_2035 = arith.subf %pack3A_1938, %bitcast3A_2034 : vector<32xbf16>
        %abs3A_2036 = math.absf %sub3A_2035 : vector<32xbf16>
        %unpack3A_2037 = tpu.unpack_subelements %abs3A_2036, 0 {pack_format = #tpu.pack_format<interleaved>} : vector<32xbf16> -> vector<16xf32>
        %unpack3A_2038 = tpu.unpack_subelements %abs3A_2036, 1 {pack_format = #tpu.pack_format<interleaved>} : vector<32xbf16> -> vector<16xf32>
        %add3A_2039 = arith.addf %add3A_2030, %unpack3A_2037 : vector<16xf32>
        %add3A_2040 = arith.addf %add3A_2039, %unpack3A_2038 : vector<16xf32>
        %reduce_sum3A_2041 = arith.constant true
        %reduce_sum3A_2042 = vector.broadcast %reduce_sum3A_2041 : i1 to vector<16xi1>
        %reduce_sum3A_2043 = tpu.scan <sum>, %add3A_2040 masked %reduce_sum3A_2042 : vector<16xf32>, vector<16xi1> -> vector<16xf32>
        %reduce_sum3A_2044 = vector.extract %reduce_sum3A_2043[15] : f32 from vector<16xf32>
        %min3A_2045 = arith.minimumf %min3A_2018, %reduce_sum3A_2044 : f32
        %mul3A_2046 = arith.constant 1.562500e-02 : f32
        %mul3A_2047 = arith.mulf %min3A_2045, %mul3A_2046 : f32
        %broadcast_in_dim3A_2048 = vector.broadcast %mul3A_2047 : f32 to vector<16xf32>
        %select_n3A_2049 = arith.select %eq3A_44, %broadcast_in_dim3A_2048, %select_n3A_1920 : vector<16xi1>, vector<16xf32>
        %mul3A_2050 = arith.constant 16 : i32
        %mul3A_2051 = arith.muli %scan3A_122, %mul3A_2050 : i32
        %add3A_2052 = arith.constant 15 : i32
        %add3A_2053 = arith.addi %mul3A_2051, %add3A_2052 : i32
        %get3A_2054 = arith.index_cast %add3A_2053 : i32 to index
        %get3A_2055 = arith.constant 0 : index
        %get3A_2056 = tpu.vector_load %arg11[%get3A_2054, %get3A_2055] {strides = array<i32>} : memref<128x64xf32, #tpu.memory_space<vmem>>, vector<16xf32>,
        %get3A_2057 = arith.index_cast %add3A_2053 : i32 to index
        %get3A_2058 = arith.constant 16 : index
        %get3A_2059 = tpu.vector_load %arg11[%get3A_2057, %get3A_2058] {strides = array<i32>} : memref<128x64xf32, #tpu.memory_space<vmem>>, vector<16xf32>,
        %get3A_2060 = arith.index_cast %add3A_2053 : i32 to index
        %get3A_2061 = arith.constant 32 : index
        %get3A_2062 = tpu.vector_load %arg11[%get3A_2060, %get3A_2061] {strides = array<i32>} : memref<128x64xf32, #tpu.memory_space<vmem>>, vector<16xf32>,
        %get3A_2063 = arith.index_cast %add3A_2053 : i32 to index
        %get3A_2064 = arith.constant 48 : index
        %get3A_2065 = tpu.vector_load %arg11[%get3A_2063, %get3A_2064] {strides = array<i32>} : memref<128x64xf32, #tpu.memory_space<vmem>>, vector<16xf32>,
        %pack3A_2066 = tpu.pack_subelements %get3A_2056, %get3A_2059 {pack_format = #tpu.pack_format<interleaved>, positions = array<i32: 0, 1>} : vector<16xf32>, vector<16xf32> -> vector<32xbf16>
        %pack3A_2067 = tpu.pack_subelements %get3A_2062, %get3A_2065 {pack_format = #tpu.pack_format<interleaved>, positions = array<i32: 0, 1>} : vector<16xf32>, vector<16xf32> -> vector<32xbf16>
        %broadcast_in_dim3A_2068 = arith.constant 0.000000e+00 : f32
        %broadcast_in_dim3A_2069 = vector.broadcast %broadcast_in_dim3A_2068 : f32 to vector<16xf32>
        %get3A_2070 = arith.index_cast %add3A_2053 : i32 to index
        %get3A_2071 = arith.constant 0 : index
        %get3A_2072 = tpu.vector_load %arg9[%get3A_2070, %get3A_2071] {strides = array<i32>} : memref<128x128xi32, #tpu.memory_space<vmem>>, vector<16xi32>,
        %bitcast3A_2073 = vector.bitcast %get3A_2072 : vector<16xi32> to vector<32xbf16>
        %sub3A_2074 = arith.subf %pack3A_2066, %bitcast3A_2073 : vector<32xbf16>
        %abs3A_2075 = math.absf %sub3A_2074 : vector<32xbf16>
        %unpack3A_2076 = tpu.unpack_subelements %abs3A_2075, 0 {pack_format = #tpu.pack_format<interleaved>} : vector<32xbf16> -> vector<16xf32>
        %unpack3A_2077 = tpu.unpack_subelements %abs3A_2075, 1 {pack_format = #tpu.pack_format<interleaved>} : vector<32xbf16> -> vector<16xf32>
        %add3A_2078 = arith.addf %broadcast_in_dim3A_2069, %unpack3A_2076 : vector<16xf32>
        %add3A_2079 = arith.addf %add3A_2078, %unpack3A_2077 : vector<16xf32>
        %get3A_2080 = arith.index_cast %add3A_2053 : i32 to index
        %get3A_2081 = arith.constant 16 : index
        %get3A_2082 = tpu.vector_load %arg9[%get3A_2080, %get3A_2081] {strides = array<i32>} : memref<128x128xi32, #tpu.memory_space<vmem>>, vector<16xi32>,
        %bitcast3A_2083 = vector.bitcast %get3A_2082 : vector<16xi32> to vector<32xbf16>
        %sub3A_2084 = arith.subf %pack3A_2067, %bitcast3A_2083 : vector<32xbf16>
        %abs3A_2085 = math.absf %sub3A_2084 : vector<32xbf16>
        %unpack3A_2086 = tpu.unpack_subelements %abs3A_2085, 0 {pack_format = #tpu.pack_format<interleaved>} : vector<32xbf16> -> vector<16xf32>
        %unpack3A_2087 = tpu.unpack_subelements %abs3A_2085, 1 {pack_format = #tpu.pack_format<interleaved>} : vector<32xbf16> -> vector<16xf32>
        %add3A_2088 = arith.addf %add3A_2079, %unpack3A_2086 : vector<16xf32>
        %add3A_2089 = arith.addf %add3A_2088, %unpack3A_2087 : vector<16xf32>
        %reduce_sum3A_2090 = arith.constant true
        %reduce_sum3A_2091 = vector.broadcast %reduce_sum3A_2090 : i1 to vector<16xi1>
        %reduce_sum3A_2092 = tpu.scan <sum>, %add3A_2089 masked %reduce_sum3A_2091 : vector<16xf32>, vector<16xi1> -> vector<16xf32>
        %reduce_sum3A_2093 = vector.extract %reduce_sum3A_2092[15] : f32 from vector<16xf32>
        %broadcast_in_dim3A_2094 = arith.constant 0.000000e+00 : f32
        %broadcast_in_dim3A_2095 = vector.broadcast %broadcast_in_dim3A_2094 : f32 to vector<16xf32>
        %get3A_2096 = arith.index_cast %add3A_2053 : i32 to index
        %get3A_2097 = arith.constant 32 : index
        %get3A_2098 = tpu.vector_load %arg9[%get3A_2096, %get3A_2097] {strides = array<i32>} : memref<128x128xi32, #tpu.memory_space<vmem>>, vector<16xi32>,
        %bitcast3A_2099 = vector.bitcast %get3A_2098 : vector<16xi32> to vector<32xbf16>
        %sub3A_2100 = arith.subf %pack3A_2066, %bitcast3A_2099 : vector<32xbf16>
        %abs3A_2101 = math.absf %sub3A_2100 : vector<32xbf16>
        %unpack3A_2102 = tpu.unpack_subelements %abs3A_2101, 0 {pack_format = #tpu.pack_format<interleaved>} : vector<32xbf16> -> vector<16xf32>
        %unpack3A_2103 = tpu.unpack_subelements %abs3A_2101, 1 {pack_format = #tpu.pack_format<interleaved>} : vector<32xbf16> -> vector<16xf32>
        %add3A_2104 = arith.addf %broadcast_in_dim3A_2095, %unpack3A_2102 : vector<16xf32>
        %add3A_2105 = arith.addf %add3A_2104, %unpack3A_2103 : vector<16xf32>
        %get3A_2106 = arith.index_cast %add3A_2053 : i32 to index
        %get3A_2107 = arith.constant 48 : index
        %get3A_2108 = tpu.vector_load %arg9[%get3A_2106, %get3A_2107] {strides = array<i32>} : memref<128x128xi32, #tpu.memory_space<vmem>>, vector<16xi32>,
        %bitcast3A_2109 = vector.bitcast %get3A_2108 : vector<16xi32> to vector<32xbf16>
        %sub3A_2110 = arith.subf %pack3A_2067, %bitcast3A_2109 : vector<32xbf16>
        %abs3A_2111 = math.absf %sub3A_2110 : vector<32xbf16>
        %unpack3A_2112 = tpu.unpack_subelements %abs3A_2111, 0 {pack_format = #tpu.pack_format<interleaved>} : vector<32xbf16> -> vector<16xf32>
        %unpack3A_2113 = tpu.unpack_subelements %abs3A_2111, 1 {pack_format = #tpu.pack_format<interleaved>} : vector<32xbf16> -> vector<16xf32>
        %add3A_2114 = arith.addf %add3A_2105, %unpack3A_2112 : vector<16xf32>
        %add3A_2115 = arith.addf %add3A_2114, %unpack3A_2113 : vector<16xf32>
        %reduce_sum3A_2116 = arith.constant true
        %reduce_sum3A_2117 = vector.broadcast %reduce_sum3A_2116 : i1 to vector<16xi1>
        %reduce_sum3A_2118 = tpu.scan <sum>, %add3A_2115 masked %reduce_sum3A_2117 : vector<16xf32>, vector<16xi1> -> vector<16xf32>
        %reduce_sum3A_2119 = vector.extract %reduce_sum3A_2118[15] : f32 from vector<16xf32>
        %min3A_2120 = arith.minimumf %reduce_sum3A_2093, %reduce_sum3A_2119 : f32
        %broadcast_in_dim3A_2121 = arith.constant 0.000000e+00 : f32
        %broadcast_in_dim3A_2122 = vector.broadcast %broadcast_in_dim3A_2121 : f32 to vector<16xf32>
        %get3A_2123 = arith.index_cast %add3A_2053 : i32 to index
        %get3A_2124 = arith.constant 64 : index
        %get3A_2125 = tpu.vector_load %arg9[%get3A_2123, %get3A_2124] {strides = array<i32>} : memref<128x128xi32, #tpu.memory_space<vmem>>, vector<16xi32>,
        %bitcast3A_2126 = vector.bitcast %get3A_2125 : vector<16xi32> to vector<32xbf16>
        %sub3A_2127 = arith.subf %pack3A_2066, %bitcast3A_2126 : vector<32xbf16>
        %abs3A_2128 = math.absf %sub3A_2127 : vector<32xbf16>
        %unpack3A_2129 = tpu.unpack_subelements %abs3A_2128, 0 {pack_format = #tpu.pack_format<interleaved>} : vector<32xbf16> -> vector<16xf32>
        %unpack3A_2130 = tpu.unpack_subelements %abs3A_2128, 1 {pack_format = #tpu.pack_format<interleaved>} : vector<32xbf16> -> vector<16xf32>
        %add3A_2131 = arith.addf %broadcast_in_dim3A_2122, %unpack3A_2129 : vector<16xf32>
        %add3A_2132 = arith.addf %add3A_2131, %unpack3A_2130 : vector<16xf32>
        %get3A_2133 = arith.index_cast %add3A_2053 : i32 to index
        %get3A_2134 = arith.constant 80 : index
        %get3A_2135 = tpu.vector_load %arg9[%get3A_2133, %get3A_2134] {strides = array<i32>} : memref<128x128xi32, #tpu.memory_space<vmem>>, vector<16xi32>,
        %bitcast3A_2136 = vector.bitcast %get3A_2135 : vector<16xi32> to vector<32xbf16>
        %sub3A_2137 = arith.subf %pack3A_2067, %bitcast3A_2136 : vector<32xbf16>
        %abs3A_2138 = math.absf %sub3A_2137 : vector<32xbf16>
        %unpack3A_2139 = tpu.unpack_subelements %abs3A_2138, 0 {pack_format = #tpu.pack_format<interleaved>} : vector<32xbf16> -> vector<16xf32>
        %unpack3A_2140 = tpu.unpack_subelements %abs3A_2138, 1 {pack_format = #tpu.pack_format<interleaved>} : vector<32xbf16> -> vector<16xf32>
        %add3A_2141 = arith.addf %add3A_2132, %unpack3A_2139 : vector<16xf32>
        %add3A_2142 = arith.addf %add3A_2141, %unpack3A_2140 : vector<16xf32>
        %reduce_sum3A_2143 = arith.constant true
        %reduce_sum3A_2144 = vector.broadcast %reduce_sum3A_2143 : i1 to vector<16xi1>
        %reduce_sum3A_2145 = tpu.scan <sum>, %add3A_2142 masked %reduce_sum3A_2144 : vector<16xf32>, vector<16xi1> -> vector<16xf32>
        %reduce_sum3A_2146 = vector.extract %reduce_sum3A_2145[15] : f32 from vector<16xf32>
        %min3A_2147 = arith.minimumf %min3A_2120, %reduce_sum3A_2146 : f32
        %broadcast_in_dim3A_2148 = arith.constant 0.000000e+00 : f32
        %broadcast_in_dim3A_2149 = vector.broadcast %broadcast_in_dim3A_2148 : f32 to vector<16xf32>
        %get3A_2150 = arith.index_cast %add3A_2053 : i32 to index
        %get3A_2151 = arith.constant 96 : index
        %get3A_2152 = tpu.vector_load %arg9[%get3A_2150, %get3A_2151] {strides = array<i32>} : memref<128x128xi32, #tpu.memory_space<vmem>>, vector<16xi32>,
        %bitcast3A_2153 = vector.bitcast %get3A_2152 : vector<16xi32> to vector<32xbf16>
        %sub3A_2154 = arith.subf %pack3A_2066, %bitcast3A_2153 : vector<32xbf16>
        %abs3A_2155 = math.absf %sub3A_2154 : vector<32xbf16>
        %unpack3A_2156 = tpu.unpack_subelements %abs3A_2155, 0 {pack_format = #tpu.pack_format<interleaved>} : vector<32xbf16> -> vector<16xf32>
        %unpack3A_2157 = tpu.unpack_subelements %abs3A_2155, 1 {pack_format = #tpu.pack_format<interleaved>} : vector<32xbf16> -> vector<16xf32>
        %add3A_2158 = arith.addf %broadcast_in_dim3A_2149, %unpack3A_2156 : vector<16xf32>
        %add3A_2159 = arith.addf %add3A_2158, %unpack3A_2157 : vector<16xf32>
        %get3A_2160 = arith.index_cast %add3A_2053 : i32 to index
        %get3A_2161 = arith.constant 112 : index
        %get3A_2162 = tpu.vector_load %arg9[%get3A_2160, %get3A_2161] {strides = array<i32>} : memref<128x128xi32, #tpu.memory_space<vmem>>, vector<16xi32>,
        %bitcast3A_2163 = vector.bitcast %get3A_2162 : vector<16xi32> to vector<32xbf16>
        %sub3A_2164 = arith.subf %pack3A_2067, %bitcast3A_2163 : vector<32xbf16>
        %abs3A_2165 = math.absf %sub3A_2164 : vector<32xbf16>
        %unpack3A_2166 = tpu.unpack_subelements %abs3A_2165, 0 {pack_format = #tpu.pack_format<interleaved>} : vector<32xbf16> -> vector<16xf32>
        %unpack3A_2167 = tpu.unpack_subelements %abs3A_2165, 1 {pack_format = #tpu.pack_format<interleaved>} : vector<32xbf16> -> vector<16xf32>
        %add3A_2168 = arith.addf %add3A_2159, %unpack3A_2166 : vector<16xf32>
        %add3A_2169 = arith.addf %add3A_2168, %unpack3A_2167 : vector<16xf32>
        %reduce_sum3A_2170 = arith.constant true
        %reduce_sum3A_2171 = vector.broadcast %reduce_sum3A_2170 : i1 to vector<16xi1>
        %reduce_sum3A_2172 = tpu.scan <sum>, %add3A_2169 masked %reduce_sum3A_2171 : vector<16xf32>, vector<16xi1> -> vector<16xf32>
        %reduce_sum3A_2173 = vector.extract %reduce_sum3A_2172[15] : f32 from vector<16xf32>
        %min3A_2174 = arith.minimumf %min3A_2147, %reduce_sum3A_2173 : f32
        %mul3A_2175 = arith.constant 1.562500e-02 : f32
        %mul3A_2176 = arith.mulf %min3A_2174, %mul3A_2175 : f32
        %broadcast_in_dim3A_2177 = vector.broadcast %mul3A_2176 : f32 to vector<16xf32>
        %select_n3A_2178 = arith.select %eq3A_47, %broadcast_in_dim3A_2177, %select_n3A_2049 : vector<16xi1>, vector<16xf32>
        %mul3A_2179 = arith.constant 16 : i32
        %mul3A_2180 = arith.muli %scan3A_122, %mul3A_2179 : i32
        %swap3A = arith.index_cast %mul3A_2180 : i32 to index
        %swap3A_2181 = tpu.vector_load %arg12[%swap3A] {strides = array<i32>} : memref<128xf32, #tpu.memory_space<vmem>>, vector<16xf32>,
        tpu.vector_store %arg12[%swap3A], %select_n3A_2178 {strides = array<i32>} : memref<128xf32, #tpu.memory_space<vmem>>, vector<16xf32>,
      }
      %scan3A_121 = arith.constant 8 : i32
      "tpu.region"() ({
        %run_scoped3A = tpu.sem_alloc : memref<!tpu.dma_semaphore, #tpu.memory_space<semaphore_mem>>
        %dma_start3A_122 = tpu.memref_slice %arg5[%add3A_115] : memref<131072xf32, #tpu.memory_space<hbm>> -> memref<128xf32, #tpu.memory_space<hbm>>
        %dma_start3A_123 = tpu.memref_slice %arg5[%add3A_115] : memref<131072xf32, #tpu.memory_space<hbm>> -> memref<128xf32, #tpu.memory_space<hbm>>
        tpu.enqueue_dma source(%arg12 : memref<128xf32, #tpu.memory_space<vmem>>) target(%dma_start3A_123 : memref<128xf32, #tpu.memory_space<hbm>>) target_semaphore(%run_scoped3A : memref<!tpu.dma_semaphore, #tpu.memory_space<semaphore_mem>>)
        %dma_wait3A_124 = tpu.memref_slice %arg5[%add3A_115] : memref<131072xf32, #tpu.memory_space<hbm>> -> memref<128xf32, #tpu.memory_space<hbm>>
        %dma_wait3A_125 = tpu.memref_slice %arg5[%add3A_115] : memref<131072xf32, #tpu.memory_space<hbm>> -> memref<128xf32, #tpu.memory_space<hbm>>
        tpu.wait_dma2 semaphore(%run_scoped3A : memref<!tpu.dma_semaphore, #tpu.memory_space<semaphore_mem>>) src(%arg12 : memref<128xf32, #tpu.memory_space<vmem>>) dst(%dma_wait3A_125 : memref<128xf32, #tpu.memory_space<hbm>>)
        tpu.yield
      }) : () -> ()
    }
    %scan3A_62 = arith.constant 16 : i32
    return
  }
}

</mosaic_0001>

<sc_bundles>
// kernel: kernel.3.cloned.1.call-start
scs
__scs_entry_jumppad:
0x0: {  	(pc) =	sbr.rel $0x88, $3  }
0x1: {  	(tag) =	ssettag $0x0;
	lr =	simm.s32 $0x1  }
0x2: {  	[smem:$0x3F9E] =	sst lr;
	_ =	strace $0xD0000000  }
0x3: {  	_ = 	snop  }
0x4: {  	_ = 	snop  }
0x5: {  	_ = 	snop  }
0x6: {  	_ = 	snop  }
0x7: {  	_ = 	snop  }
__scs_overlays_trampoline_lowered:
0x8: {  	[smem:$0x3FAD] =	sst s0  }
0x9: {  	[smem:$0x3FAE] =	sst s1  }
0xa: {  	[smem:$0x3FAF] =	sst s2  }
0xb: {  	[smem:$0x3FB0] =	sst s3  }
0xc: {  	[smem:$0x3FB1] =	sst s4  }
0xd: {  	[smem:$0x3FB2] =	sst s5  }
0xe: {  	[smem:$0x3FB3] =	sst s6  }
0xf: {  	[smem:$0x3FB4] =	sst s7  }
0x10: {  	[smem:$0x3FB5] =	sst s8  }
0x11: {  	[smem:$0x3FB6] =	sst s9;
	s0 =	simm.s32 @!p0 $0x0  }
0x12: {  	s1 =	sld [smem:$0x3F9C];
	s0 =	simm.s32 @p0 $0x1  }
0x13: {  	[smem:$0x3FB7] =	sst s0;
	s0 =	simm.s32 @!p1 $0x0  }
0x14: {  	s2 =	sld [smem:$0x3F9B];
	s0 =	simm.s32 @p1 $0x1  }
0x15: {  	[smem:$0x3FB8] =	sst s0;
	s0 =	simm.s32 @!p2 $0x0  }
0x16: {  	s3 =	sld [smem:$0x3FDB];
	s0 =	simm.s32 @p2 $0x1  }
0x17: {  	s4 =	simm.s32 $0x1BF5;
	[smem:$0x3FBA] =	sst s0  }
0x18: {  	s0 =	sld [smem:$0x3F9D];
	_ =	swait.ge [sflag:s4], $0x0  }
0x19: {  	s7 =	sld [smem:$0x3F9E]  }
0x1a: {  	s8 =	sadd.s32 $0xFFFFE003, lr  }
0x1b: {  	s9 =	sadd.s32 $0xFFFFFEF7, lr;
	s5 =	simm.s32 $0xFFFFFFFF;
	p2 =	slt.u32 s8, $0xFFFFF086  }
0x1c: {  	p1 =	slt.u32 s9, $0xF7A;
	s5 =	simm.s32 @!p2 $0x0  }
0x1d: {  	s5 =	simm.s32 @p1 $0x1;
	p0 =	seq.s32 s7, s2  }
0x1e: {  	s7 =	smul.u32 @!p0 $0xF7A, s2;
	p2 =	seq.s32 @!p0 s5, $0x0  }
0x1f: {  	s9 =	smul.u32 $0xF7A, s1;
	s8 =	simm.s32 @!p0 $0x1BF5;
	p2 =	por !p2, p0  }
0x20: {  	[sflag:s8] =	ssyncset.s32 @!p0 $0xFFFFF086;
	s6 =	sadd.s32 @!p0 s3, s7;
	s7 =	simm.s32 @!p0 $0x108  }
0x21: {  	s3 =	sadd.s32 s3, s9;
	s6 =	sadd.s32 @!p0 $0x88, s6;
	s7 =	simm.s32 @p2 $0x1082  }
0x22: {  	[simem:s7], [sflag:s8] =	dma.local @!p0 [hbm:s6], $0xF7A  }
0x23: {  	s9 =	sor.u32 $0xD0000000, s2;
	s6 =	simm.s32 $0x108;
	_ =	swait.ge @!p0 [sflag:s8], $0x0  }
0x24: {  	s3 =	sadd.s32 $0x88, s3;
	s6 =	simm.s32 @!p1 $0x1082;
	[sflag:s4] =	ssyncset.s32 $0xFFFFF086  }
0x25: {  	[simem:s6], [sflag:s4] =	dma.local [hbm:s3], $0xF7A  }
0x26: {  	[smem:$0x3F9E] =	sst s1;
	(tag) =	ssettag s2;
	_ =	strace s9  }
0x27: {  	s1 =	sld [smem:$0x3FAE]  }
0x28: {  	s2 =	sld [smem:$0x3FAF]  }
0x29: {  	s4 =	sld [smem:$0x3FB1]  }
0x2a: {  	p0 =	seq.s32 s5, $0x0;
	s5 =	sld [smem:$0x3FB2]  }
0x2b: {  	s6 =	sld [smem:$0x3FB3]  }
0x2c: {  	s7 =	sld [smem:$0x3FB4]  }
0x2d: {  	s3 =	simm.s32 $0x108;
	s8 =	sld [smem:$0x3FB5]  }
0x2e: {  	s3 =	simm.s32 @!p0 $0x1082;
	s9 =	sld [smem:$0x3FB6]  }
0x2f: {  	lr =	sadd.s32 s0, s3;
	s0 =	sld [smem:$0x3FAD]  }
0x30: {  	s3 =	sld [smem:$0x3FB0]  }
0x31: {  	[smem:$0x3FB9] =	sst s10  }
0x32: {  	s10 =	sld [smem:$0x3FB7];
	_ =	sdelay $0x3  }
0x33: {  	p0 =	seq.s32 s10, $0x1;
	s10 =	sld [smem:$0x3FB9];
	_ =	sdelay $0x3  }
0x34: {  	[smem:$0x3FB9] =	sst s10  }
0x35: {  	s10 =	sld [smem:$0x3FB8];
	_ =	sdelay $0x3  }
0x36: {  	p1 =	seq.s32 s10, $0x1;
	s10 =	sld [smem:$0x3FB9];
	_ =	sdelay $0x3  }
0x37: {  	[smem:$0x3FB9] =	sst s10  }
0x38: {  	s10 =	sld [smem:$0x3FBA]  }
0x39: {  	_ = 	snop;
	(pc) =	sbr.ind lr, $3  }
0x3a: {  	_ = 	snop  }
0x3b: {  	_ = 	snop  }
0x3c: {  	p2 =	seq.s32 s10, $0x1;
	s10 =	sld [smem:$0x3FB9]  }
0x3d: {  	_ =	shalt  }
0x3e: {  	_ =	shalt  }
0x3f: {  	_ =	shalt  }
0x40: {  	_ =	shalt  }
0x41: {  	_ =	shalt  }
0x42: {  	_ =	shalt  }
0x43: {  	_ =	shalt  }
0x44: {  	_ =	shalt  }
0x45: {  	_ =	shalt  }
0x46: {  	_ =	shalt  }
0x47: {  	_ =	shalt  }
0x48: {  	_ =	shalt  }
0x49: {  	_ =	shalt  }
0x4a: {  	_ =	shalt  }
0x4b: {  	_ =	shalt  }
0x4c: {  	_ =	shalt  }
0x4d: {  	_ =	shalt  }
0x4e: {  	_ =	shalt  }
0x4f: {  	_ =	shalt  }
0x50: {  	_ =	shalt  }
0x51: {  	_ =	shalt  }
0x52: {  	_ =	shalt  }
0x53: {  	_ =	shalt  }
0x54: {  	_ =	shalt  }
0x55: {  	_ =	shalt  }
0x56: {  	_ =	shalt  }
0x57: {  	_ =	shalt  }
0x58: {  	_ =	shalt  }
0x59: {  	_ =	shalt  }
0x5a: {  	_ =	shalt  }
0x5b: {  	_ =	shalt  }
0x5c: {  	_ =	shalt  }
0x5d: {  	_ =	shalt  }
0x5e: {  	_ =	shalt  }
0x5f: {  	_ =	shalt  }
0x60: {  	_ =	shalt  }
0x61: {  	_ =	shalt  }
0x62: {  	_ =	shalt  }
0x63: {  	_ =	shalt  }
0x64: {  	_ =	shalt  }
0x65: {  	_ =	shalt  }
0x66: {  	_ =	shalt  }
0x67: {  	_ =	shalt  }
0x68: {  	_ =	shalt  }
0x69: {  	_ =	shalt  }
0x6a: {  	_ =	shalt  }
0x6b: {  	_ =	shalt  }
0x6c: {  	_ =	shalt  }
0x6d: {  	_ =	shalt  }
0x6e: {  	_ =	shalt  }
0x6f: {  	_ =	shalt  }
0x70: {  	_ =	shalt  }
0x71: {  	_ =	shalt  }
0x72: {  	_ =	shalt  }
0x73: {  	_ =	shalt  }
0x74: {  	_ =	shalt  }
0x75: {  	_ =	shalt  }
0x76: {  	_ =	shalt  }
0x77: {  	_ =	shalt  }
0x78: {  	_ =	shalt  }
0x79: {  	_ =	shalt  }
0x7a: {  	_ =	shalt  }
0x7b: {  	_ =	shalt  }
0x7c: {  	_ =	shalt  }
0x7d: {  	_ =	shalt  }
0x7e: {  	_ =	shalt  }
0x7f: {  	_ =	shalt  }
0x80: {  	_ =	shalt  }
0x81: {  	_ =	shalt  }
0x82: {  	_ =	shalt  }
0x83: {  	_ =	shalt  }
0x84: {  	_ =	shalt  }
0x85: {  	_ =	shalt  }
0x86: {  	_ =	shalt  }
0x87: {  	_ =	shalt  }
.Lfunc_end0:
.L_simem_size_0:
called_computation_lowered:
.L_overlay_start_0:
0x88: {  	s2 =	sld [smem:$0x3FD9]  }
0x89: {  	s3 =	sld [smem:$0x3FFE];
	_ =	sdelay $0x1  }
0x8a: {  	s1 =	srdreg.scid  }
0x8b: {  	s0 =	sand.u32 $0x1, s1  }
0x8c: {  	s17 =	sshll.u32 s0, $0xA;
	s2 =	sadd.s32 s3, s2  }
0x8d: {  	s2 =	sadd.s32 s2, s17  }
0x8e: {  	[smem:$0x3FC5] =	sst s2  }
0x8f: {  	_ = 	snop  }
0x90: {  	s2 =	sld [smem:$0x3FC8]  }
0x91: {  	s18 =	sld [smem:$0x3FD0];
	(tm) =	ssettm $0x1  }
0x92: {  	s4 =	sld [smem:$0x3FFB];
	_ =	sdelay $0x3  }
0x93: {  	_ =	strace s4  }
0x94: {  	s4 =	sld [smem:$0x3FFC];
	_ =	sdelay $0x3  }
0x95: {  	_ =	strace s4  }
0x96: {  	s4 =	sld [smem:$0x3FFD];
	_ =	sdelay $0x3  }
0x97: {  	_ =	strace s4  }
0x98: {  	_ =	strace $0x8FFFFFFF  }
0x99: {  	s19 =	sld [smem:$0x3FDB];
	_ =	sdelay $0x1  }
0x9a: {  	s5 =	simm.s32 $_scs_section_size  }
0x9b: {  	s6 =	simm.s32 $_size__tile_overlayer_lowered;
	s7 =	simm.s32 $_tile_overlayer_lowered  }
0x9c: {  	s22 =	simm.s32 $0x1BFF;
	s21 =	sshll.u32 s7, $0x1;
	s4 =	sadd.s32 s5, s19  }
0x9d: {  	s8 =	simm.s32 $0x0;
	s20 =	sshll.u32 s6, $0x1;
	s6 =	sadd.s32 s21, s4  }
0x9e: {  	[timem:s8], [sflag:s22] =	dma.local [hbm:s6], s20  }
0x9f: {  	_ =	swait.ge [sflag:s22], s20  }
0xa0: {  	s5 =	ssub.s32 $0x0, s20;
	[sflag:s22] =	ssyncset.done $0x0  }
0xa1: {  	[sflag:s22] =	ssyncadd.s32 s5;
	_ =	sdelay $0x1  }
0xa2: {  	s23 =	simm.s32 $0x1B8B  }
0xa3: {  	_ =	swait.ge [sflag:s23], $0x1  }
0xa4: {  	[sflag:s23] =	ssyncset.done $0x0  }
0xa5: {  	s25 =	simm.s32 $0x1B8E;
	s24 =	sld [smem:$0x3FFE];
	[sflag:s23] =	ssyncadd.s32 $0xFFFFFFFF  }
0xa6: {  	s26 =	simm.s32 $execute0_lowered;
	[smem:$0x3FD2] =	sst s25  }
0xa7: {  	s6 =	sshll.u32 s26, $0x1;
	_ =	strace $0x80000046;
	[dreg:$0x1] =	wrdreg $0xFFFFFFFF  }
0xa8: {  	s28 =	simm.s32 $_size_execute0_lowered;
	s4 =	sadd.s32 s4, s6;
	[dreg:$0x0] =	wrdreg $0x0  }
0xa9: {  	s6 =	sshll.u32 s28, $0x1;
	[dreg:$0x2] =	wrdreg s4  }
0xaa: {  	[dreg:$0x3] =	wrdreg s6  }
0xab: {  	[dreg:$0x4] =	wrdreg $0xC0  }
0xac: {  	_ =	task [dreg:s8], $0x5FFFF  }
0xad: {  	[dreg:$0x1] =	wrdreg $0xFFFFFFFF  }
0xae: {  	[dreg:$0x0] =	wrdreg $0x60  }
0xaf: {  	[dreg:$0x2] =	wrdreg s24  }
0xb0: {  	[dreg:$0x3] =	wrdreg s2  }
0xb1: {  	[dreg:$0x4] =	wrdreg s18  }
0xb2: {  	[dreg:$0x5] =	wrdreg $0x9  }
0xb3: {  	_ =	task.clear_ibuf [dreg:s8], $0x6FFFF;
	_ =	strace $0x90000046  }
0xb4: {  	s29 =	simm.s32 $0x9;
	_ =	strace $0x80000048  }
0xb5: {  	_ =	swait.ge [sflag:s29], $0x1  }
0xb6: {  	[sflag:s29] =	ssyncadd.s32 $0xFFFFFFFF  }
0xb7: {  	_ =	strace $0x90000048  }
0xb8: {  	_ =	sfence  }
0xb9: {  	s30 =	sld [smem:$0x0];
	_ =	sdelay $0x2  }
0xba: {  	s31 =	sshll.u32 s1, $0xD;
	s1 =	sshrl.u32 s1, $0x2  }
0xbb: {  	s3 =	sand.u32 $0x4000, s31;
	s1 =	sadd.s32 s1, s30  }
0xbc: {  	s0 =	sor.u32 s3, s0;
	s1 =	sshll.u32 s1, $0x11  }
0xbd: {  	s0 =	sor.u32 s1, s0  }
0xbe: {  	s0 =	sadd.s32 $0x8F2B, s0  }
0xbf: {  	[sflag:s0] =	ssyncadd.remote.s32 $0x1  }
0xc0: {  	_ =	sfence.sel $0xFFFF  }
0xc1: {  	[dreg:$0x0] =	wrdreg $0xFFFFFFFF;
	(pc) =	sbr.abs _section_cstart, $3  }
0xc2: {  	[dreg:$0x1] =	wrdreg $0xFFFFFFFF  }
0xc3: {  	_ =	task.clear_ibuf [dreg:s8], $0x2FFFF;
	_ =	strace $0x9FFFFFFF  }
0xc4: {  	(tm) =	ssettm $0x7FFFFFFF  }
0xc5: {  	_ =	shalt  }
tec
execute0_lowered:
.L_overlay_start_1:
0x0: {  	(tag) =	ssettag $0x1  }
0x1: {  	s0 =	rddreg [dreg:$0x0]  }
0x2: {  	s4 =	rddreg [dreg:$0x1];
	s1 =	simm.s32 $0x0;
	s25 =	srdreg.scid  }
0x3: {  	s2 =	stileid.u32;
	[smem:$0x7FF] =	sst s1;
	s1 =	sand.u32 $0x1, s25  }
0x4: {  	s5 =	sadd.s32 $0x20200, s0;
	s2 =	sshll.u32 s2, $0xD;
	s0 =	sadd.s32 $0x200, s0  }
0x5: {  	_ =	strace $0x80000047;
	s3 =	sshll.u32 s1, $0xC;
	[dreg:$0x5] =	wrdreg s0  }
0x6: {  	s26 =	ssub.s32 $0x2, s1;
	[dreg:$0x4] =	wrdreg s5;
	s6 =	sor.u32 s3, s2  }
0x7: {  	s1 =	sshrl.u32 s26, $0x1;
	s30 =	sor.u32 $0x80, s6;
	[dreg:$0x6] =	wrdreg s6  }
0x8: {  	vm0 =	vcmask $0x300;
	vm1 =	vcmask $0x704;
	vm2 =	vcmask $0xB08;
	s2 =	sshrl.u32 s6, $0x3;
	s31 =	sor.u32 $0x100, s6;
	[dreg:$0x9] =	wrdreg s30  }
0x9: {  	vm3 =	vcmask $0xF0C;
	vm4 =	vcmask $0x1310;
	vm5 =	vcmask $0x1714;
	s3 =	sshll.u32 s6, $0x4;
	s28 =	sadd.s32 s4, s2;
	[dreg:$0xa] =	wrdreg s31  }
0xa: {  	vm6 =	vcmask $0x1B18;
	vm7 =	vcmask $0x1F1C;
	vm8 =	vcmask $0x2320;
	s0 =	ssub.s32 s26, s1;
	s29 =	sadd.s32 s5, s3;
	[dreg:$0x7] =	wrdreg s28  }
0xb: {  	vm9 =	vcmask $0x2724;
	vm10 =	vcmask $0x2B28;
	vm11 =	vcmask $0x2F2C;
	s0 =	smax.u32 s0, $0x1;
	[dreg:$0x8] =	wrdreg s29  }
0xc: {  	vm12 =	vcmask $0x3330;
	vm13 =	vcmask $0x3734;
	vm14 =	vcmask $0x3B38;
	s1 =	simm.s32 $0x0;
	s2 =	simm.s32 $0x5;
	[dreg:$0xb] =	wrdreg s0  }
.LBB2_1:
0xd: {  	[dreg:$0xc] =	wrdreg s1  }
0xe: {  	s0 =	simm.s32 $0x0;
	s28 =	rddreg [dreg:$0x7]  }
0xf: {  	[tilespmem:s0], [sflag:$0x5] =	stream.linear.gather [hbm4b:s28+s0], $0x80, $0x38;
	[tilespmem:$0x10180] =	vst v63  }
0x10: {  	_ =	swait.ge [sflag:s2], $0x80  }
0x11: {  	s3 =	simm.s32 $0x80;
	[sflag:s2] =	ssyncset.done $0x0  }
0x12: {  	s4 =	simm.s32 $0x100;
	s29 =	rddreg [dreg:$0x5];
	[sflag:s2] =	ssyncadd.s32 $0xFFFFFF80  }
0x13: {  	[tilespmem:s4], [sflag:$0x1] =	stream.indirect.gather [hbm4b:s29+s3], $0x80, s0, s3, $0xb8;
	[tilespmem:$0x10180] =	vst v63  }
0x14: {  	s31 =	simm.s32 $0x8100;
	s30 =	rddreg [dreg:$0x8]  }
0x15: {  	[tilespmem:s31], [sflag:$0x3] =	stream.linear.gather [hbm4b:s30+s0], $0x4000, $0x38;
	[tilespmem:$0x10180] =	vst v63  }
0x16: {  	s0 =	simm.s32 $0x0  }
.LBB2_2:
0x17: {  	[dreg:$0xd] =	wrdreg s0  }
0x18: {  	s1 =	sshll.u32 s0, $0x8;
	s22 =	rddreg [dreg:$0x9]  }
0x19: {  	s23 =	rddreg [dreg:$0x1];
	s0 =	sadd.s32 s22, s1  }
0x1a: {  	s4 =	simm.s32 $0x0;
	[dreg:$0xf] =	wrdreg s1;
	s3 =	sshrl.u32 s0, $0x3  }
0x1b: {  	s24 =	simm.s32 $0x80;
	[dreg:$0xe] =	wrdreg s3;
	s1 =	sadd.s32 s23, s3  }
0x1c: {  	[tilespmem:s24], [sflag:$0x5] =	stream.linear.gather [hbm4b:s1+s4], $0x80, $0x38;
	[tilespmem:$0x10180] =	vst v63  }
0x1d: {  	_ =	swait.ge [sflag:s2], $0x80  }
0x1e: {  	s26 =	simm.s32 $0x4100;
	[sflag:s2] =	ssyncset.done $0x0;
	s25 =	rddreg [dreg:$0x5]  }
0x1f: {  	s0 =	sshll.u32 s0, $0x4;
	s28 =	rddreg [dreg:$0x4];
	[sflag:s2] =	ssyncadd.s32 $0xFFFFFF80  }
0x20: {  	[tilespmem:s26], [sflag:$0x2] =	stream.indirect.gather [hbm4b:s25+s24], $0x80, s24, s24, $0xb8;
	[tilespmem:$0x10180] =	vst v63  }
0x21: {  	s29 =	simm.s32 $0xC100;
	s30 =	simm.s32 $0x1;
	s0 =	sadd.s32 s28, s0  }
0x22: {  	[tilespmem:s29], [sflag:$0x4] =	stream.linear.gather [hbm4b:s0+s4], $0x4000, $0x38;
	[tilespmem:$0x10180] =	vst v63  }
0x23: {  	_ =	swait.ge [sflag:s30], $0x4000  }
0x24: {  	[sflag:s30] =	ssyncset.done $0x0  }
0x25: {  	s31 =	simm.s32 $0x3;
	[sflag:s30] =	ssyncadd.s32 $0xFFFFC000  }
0x26: {  	_ =	swait.ge [sflag:s31], $0x4000  }
0x27: {  	[sflag:s31] =	ssyncset.done $0x0  }
0x28: {  	s0 =	simm.s32 $0x10100;
	[sflag:s31] =	ssyncadd.s32 $0xFFFFC000  }
.LBB2_3:
0x29: {  	s31 =	sshra.s32 s4, $0x2  }
0x2a: {  	v0 =	vld [tilespmem:s31+$0x8100]  }
0x2b: {  	v1 =	vld [tilespmem:s31+$0x8110]  }
0x2c: {  	v2 =	vld [tilespmem:s31+$0x100]  }
0x2d: {  	v3 =	vld [tilespmem:s31+$0x8120]  }
0x2e: {  	v4 =	vld [tilespmem:s31+$0x8130]  }
0x2f: {  	v17 =	vld [tilespmem:s31+$0x110]  }
0x30: {  	v5 =	vld [tilespmem:s31+$0x120]  }
0x31: {  	v6 =	vld [tilespmem:s31+$0x140]  }
0x32: {  	v7 =	vld [tilespmem:s31+$0x130]  }
0x33: {  	v8 =	vld [tilespmem:s31+$0x150]  }
0x34: {  	v9 =	vld [tilespmem:s31+$0x160]  }
0x35: {  	v26 =	vld [tilespmem:s31+$0x170]  }
0x36: {  	v28 =	vld [tilespmem:s31+$0x81A0]  }
0x37: {  	v30 =	vld [tilespmem:s31+$0x81B0]  }
0x38: {  	v14 =	vld [tilespmem:s31+$0x8200]  }
0x39: {  	v15 =	vld [tilespmem:s31+$0x8210]  }
0x3a: {  	v16 =	vld [tilespmem:s31+$0x1F0];
	v0 =	vpack.i.f32.bf16 v1, v0  }
0x3b: {  	v3 =	vpack.i.f32.bf16 v4, v3;
	v2 =	vsub.bf16 v0, v2  }
0x3c: {  	v23 =	vld [tilespmem:s31+$0x8180];
	v1 =	vsub.bf16 v3, v17;
	v5 =	vsub.bf16 v0, v5  }
0x3d: {  	v10 =	vld [tilespmem:s31+$0x8190];
	v6 =	vsub.bf16 v0, v6;
	v7 =	vsub.bf16 v3, v7  }
0x3e: {  	v32 =	vld [tilespmem:s31+$0x190];
	v34 =	vpack.i.f32.bf16 v30, v28;
	v8 =	vsub.bf16 v3, v8;
	v0 =	vsub.bf16 v0, v9  }
0x3f: {  	v51 =	vpack.i.f32.bf16 v15, v14;
	v3 =	vsub.bf16 v3, v26;
	v56 =	vsub.bf16 v34, v16  }
0x40: {  	v12 =	vld [tilespmem:s31+$0x180];
	v2 =	vand.u32 $0x7FFF7FFF, v2;
	v1 =	vand.u32 $0x7FFF7FFF, v1;
	v5 =	vand.u32 $0x7FFF7FFF, v5  }
0x41: {  	v13 =	vld [tilespmem:s31+$0x1A0];
	v22 =	vand.u32 $0x7FFF7FFF, v6;
	v24 =	vand.u32 $0x7FFF7FFF, v7;
	v27 =	vand.u32 $0x7FFF7FFF, v8  }
0x42: {  	v36 =	vld [tilespmem:s31+$0x1C0];
	v0 =	vand.u32 $0x7FFF7FFF, v0;
	v6 =	vpack.i.f32.bf16 v10, v23;
	v3 =	vand.u32 $0x7FFF7FFF, v3  }
0x43: {  	v43 =	vld [tilespmem:s31+$0x1E0];
	v10 =	vsub.bf16 v34, v32;
	v18 =	vunpack.i.l.bf16.f32 v2;
	v2 =	vunpack.i.u.bf16.f32 v2  }
0x44: {  	v19 =	vunpack.i.l.bf16.f32 v1;
	v20 =	vunpack.i.l.bf16.f32 v5;
	v1 =	vunpack.i.u.bf16.f32 v1  }
0x45: {  	v41 =	vld [tilespmem:s31+$0x1D0];
	v21 =	vunpack.i.u.bf16.f32 v5;
	v25 =	vunpack.i.l.bf16.f32 v22;
	v11 =	vunpack.i.l.bf16.f32 v24  }
0x46: {  	v38 =	vld [tilespmem:s31+$0x1B0];
	v5 =	vunpack.i.u.bf16.f32 v22;
	v29 =	vunpack.i.l.bf16.f32 v27;
	v31 =	vunpack.i.l.bf16.f32 v0  }
0x47: {  	v12 =	vsub.bf16 v6, v12;
	v0 =	vunpack.i.u.bf16.f32 v0;
	v39 =	vsub.bf16 v6, v13  }
0x48: {  	v37 =	vunpack.i.l.bf16.f32 v3;
	v9 =	vsub.bf16 v6, v36;
	v6 =	vsub.bf16 v6, v43  }
0x49: {  	v3 =	vunpack.i.u.bf16.f32 v3;
	v4 =	vadd.f32 $0.0e+00, v18;
	v7 =	vadd.f32 $0.0e+00, v25  }
0x4a: {  	v40 =	vand.u32 $0x7FFF7FFF, v10;
	v10 =	vsub.bf16 v34, v41;
	v33 =	vand.u32 $0x7FFF7FFF, v12  }
0x4b: {  	v42 =	vunpack.i.l.bf16.f32 v40;
	v12 =	vsub.bf16 v34, v38;
	v9 =	vand.u32 $0x7FFF7FFF, v9  }
0x4c: {  	v49 =	vld [tilespmem:s31+$0x8230];
	v6 =	vand.u32 $0x7FFF7FFF, v6;
	v2 =	vadd.f32 v4, v2;
	v4 =	vadd.f32 $0.0e+00, v20  }
0x4d: {  	v18 =	vld [tilespmem:s31+$0x8220];
	v5 =	vadd.f32 v7, v5;
	v7 =	vunpack.i.u.bf16.f32 v27;
	v35 =	vunpack.i.l.bf16.f32 v33  }
0x4e: {  	v52 =	vld [tilespmem:s31+$0x210];
	v48 =	vunpack.i.l.bf16.f32 v9;
	v9 =	vunpack.i.u.bf16.f32 v9;
	v2 =	vadd.f32 v19, v2  }
0x4f: {  	v25 =	vld [tilespmem:s31+$0x250];
	v10 =	vand.u32 $0x7FFF7FFF, v10;
	v54 =	vunpack.i.l.bf16.f32 v6;
	v8 =	vadd.f32 $0.0e+00, v35  }
0x50: {  	v59 =	vunpack.i.u.bf16.f32 v6;
	v1 =	vadd.f32 v2, v1;
	v2 =	vadd.f32 v4, v21  }
0x51: {  	v46 =	vld [tilespmem:s31+$0x200];
	v47 =	vand.u32 $0x7FFF7FFF, v12;
	v12 =	vadd.f32 $0.0e+00, v48;
	v53 =	vunpack.i.l.bf16.f32 v10  }
0x52: {  	v55 =	vadd.f32 $0.0e+00, v54;
	v57 =	vpack.i.f32.bf16 v49, v18;
	v2 =	vadd.f32 v11, v2  }
0x53: {  	v50 =	vadd.f32 v12, v9;
	v4 =	vunpack.i.u.bf16.f32 v24;
	v12 =	vsub.bf16 v57, v52  }
0x54: {  	v10 =	vunpack.i.u.bf16.f32 v10;
	v6 =	vsub.bf16 v57, v25;
	v2 =	vadd.f32 v2, v4  }
0x55: {  	v11 =	vand.u32 $0x7FFF7FFF, v39;
	v4 =	vadd.f32 v29, v5;
	v5 =	vadd.f32 $0.0e+00, v31  }
0x56: {  	(xrf2) =	vadd.scan.msk.f32 $0xffff, v1;
	v44 =	vunpack.i.l.bf16.f32 v11;
	v45 =	vunpack.i.u.bf16.f32 v11;
	v11 =	vsub.bf16 v51, v46  }
0x57: {  	v17 =	vunpack.i.u.bf16.f32 v47;
	v1 =	vand.u32 $0x7FFF7FFF, v56;
	v0 =	vadd.f32 v5, v0  }
0x58: {  	v27 =	vld [tilespmem:s31+$0x270];
	v63 =	vand.u32 $0x7FFF7FFF, v12;
	v38 =	vand.u32 $0x7FFF7FFF, v6;
	v11 =	vand.u32 $0x7FFF7FFF, v11  }
0x59: {  	v4 =	vadd.f32 v4, v7;
	v5 =	vunpack.i.u.bf16.f32 v33;
	v0 =	vadd.f32 v37, v0  }
0x5a: {  	v58 =	vunpack.i.l.bf16.f32 v11;
	(xrf2) =	vadd.scan.msk.f32 $0xffff, v2;
	v2 =	vadd.f32 v55, v59;
	v5 =	vadd.f32 v8, v5  }
0x5b: {  	v23 =	vld [tilespmem:s31+$0x260];
	v62 =	vunpack.i.l.bf16.f32 v1;
	v60 =	vadd.f32 $0.0e+00, v58;
	v0 =	vadd.f32 v0, v3  }
0x5c: {  	v61 =	vunpack.i.u.bf16.f32 v11;
	(xrf2) =	vadd.scan.msk.f32 $0xffff, v4;
	v3 =	vadd.f32 v42, v5;
	v5 =	vadd.f32 $0.0e+00, v44  }
0x5d: {  	v7 =	vsub.bf16 v57, v27;
	v8 =	vunpack.i.u.bf16.f32 v40;
	v40 =	vld [tilespmem:s31+$0x82B0];
	v4 =	vadd.f32 v60, v61  }
0x5e: {  	v11 =	vunpack.i.l.bf16.f32 v63;
	v37 =	vld [tilespmem:s31+$0x82A0];
	v3 =	vadd.f32 v3, v8;
	v5 =	vadd.f32 v5, v45;
	(xrf2) =	vadd.scan.msk.f32 $0xffff, v0  }
0x5f: {  	v43 =	vld [tilespmem:s31+$0x290];
	v8 =	vunpack.i.l.bf16.f32 v47;
	v0 =	vadd.f32 v62, v2;
	v2 =	vadd.f32 v11, v4  }
0x60: {  	v19 =	vld [tilespmem:s31+$0x240];
	v1 =	vunpack.i.u.bf16.f32 v1;
	v14, _, _ =	vpop (xrf2);
	v4 =	vsub.bf16 v51, v23;
	v5 =	vadd.f32 v8, v5  }
0x61: {  	v13 =	vld [tilespmem:s31+$0x220];
	v12 =	vunpack.i.u.bf16.f32 v63;
	(v2sf) =	vpush v14, $0xF;
	v8 =	vadd.f32 v53, v50  }
0x62: {  	v30 =	vld [tilespmem:s31+$0x8280];
	v42 =	vunpack.i.l.bf16.f32 v38;
	v0 =	vadd.f32 v0, v1;
	v5 =	vadd.f32 v5, v17  }
0x63: {  	(xrf2) =	vadd.scan.msk.f32 $0xffff, v3;
	v36 =	vand.u32 $0x7FFF7FFF, v4;
	v4 =	vpack.i.f32.bf16 v40, v37;
	v3 =	vadd.f32 v8, v10;
	v17 =	vld [tilespmem:s31+$0x230]  }
0x64: {  	v32 =	vld [tilespmem:s31+$0x8290];
	v1 =	vadd.f32 v2, v12;
	v39 =	vunpack.i.l.bf16.f32 v36;
	v11 =	vsub.bf16 v4, v43;
	(xrf2) =	vadd.scan.msk.f32 $0xffff, v5  }
0x65: {  	v41 =	vld [tilespmem:s31+$0x2A0];
	v44 =	vand.u32 $0x7FFF7FFF, v7;
	v15, _, _ =	vpop (xrf2);
	v6 =	vadd.f32 $0.0e+00, v39;
	(xrf2) =	vadd.scan.msk.f32 $0xffff, v3;
	v3 =	vsub.bf16 v51, v19  }
0x66: {  	v34 =	vld [tilespmem:s31+$0x280];
	v7 =	vunpack.i.l.bf16.f32 v44;
	(v2sf) =	vpush v15, $0xF;
	v16, _, _ =	vpop (xrf2);
	(xrf2) =	vadd.scan.msk.f32 $0xffff, v0;
	v0 =	vsub.bf16 v51, v13  }
0x67: {  	v45 =	vld [tilespmem:s31+$0x2C0];
	v50 =	vand.u32 $0x7FFF7FFF, v11;
	(v2sf) =	vpush v16, $0xF;
	v3 =	vand.u32 $0x7FFF7FFF, v3  }
0x68: {  	v53 =	vld [tilespmem:s31+$0x2E0];
	v2 =	vsub.bf16 v57, v17;
	v18, _, _ =	vpop (xrf2);
	v0 =	vand.u32 $0x7FFF7FFF, v0;
	v33 =	vunpack.i.l.bf16.f32 v3  }
0x69: {  	v35 =	vunpack.i.u.bf16.f32 v3;
	v3 =	vunpack.i.u.bf16.f32 v36;
	(v2sf) =	vpush v18, $0xF  }
0x6a: {  	v47 =	vld [tilespmem:s31+$0x2B0];
	v22 =	vunpack.i.l.bf16.f32 v0;
	v29 =	vand.u32 $0x7FFF7FFF, v2;
	v5 =	vadd.f32 $0.0e+00, v33  }
0x6b: {  	(xrf2) =	vadd.scan.msk.f32 $0xffff, v1;
	v2 =	vpack.i.f32.bf16 v32, v30;
	v3 =	vadd.f32 v6, v3;
	v1 =	vadd.f32 $0.0e+00, v22  }
0x6c: {  	v49 =	vld [tilespmem:s31+$0x2D0];
	v52 =	vunpack.i.u.bf16.f32 v50;
	v9 =	vsub.bf16 v2, v34;
	v8 =	vsub.bf16 v2, v41  }
0x6d: {  	v54 =	vld [tilespmem:s31+$0x2F0];
	v0 =	vunpack.i.u.bf16.f32 v0;
	v20, _, _ =	vpop (xrf2);
	v10 =	vsub.bf16 v2, v45;
	v2 =	vsub.bf16 v2, v53  }
0x6e: {  	v6 =	vunpack.i.u.bf16.f32 v44;
	(v2sf) =	vpush v20, $0xF;
	v3 =	vadd.f32 v7, v3  }
0x6f: {  	v31 =	vunpack.i.l.bf16.f32 v29;
	v7 =	vsub.bf16 v4, v47;
	v0 =	vadd.f32 v1, v0  }
0x70: {  	v1 =	vunpack.i.u.bf16.f32 v29;
	v9 =	vand.u32 $0x7FFF7FFF, v9;
	v48 =	vand.u32 $0x7FFF7FFF, v8  }
0x71: {  	v10 =	vand.u32 $0x7FFF7FFF, v10;
	v8 =	vsub.bf16 v4, v49;
	v2 =	vand.u32 $0x7FFF7FFF, v2  }
0x72: {  	v4 =	vsub.bf16 v4, v54;
	v46 =	vunpack.i.l.bf16.f32 v9;
	v9 =	vunpack.i.u.bf16.f32 v9  }
0x73: {  	v56 =	vld [tilespmem:s31+$0x8300];
	v3 =	vadd.f32 v3, v6;
	v51 =	vunpack.i.l.bf16.f32 v48;
	v6 =	vunpack.i.u.bf16.f32 v48  }
0x74: {  	v58 =	vld [tilespmem:s31+$0x8310];
	v7 =	vand.u32 $0x7FFF7FFF, v7;
	v55 =	vunpack.i.l.bf16.f32 v10;
	v59 =	vunpack.i.u.bf16.f32 v10  }
0x75: {  	v20 =	vunpack.i.l.bf16.f32 v2;
	v2 =	vunpack.i.u.bf16.f32 v2;
	v0 =	vadd.f32 v31, v0  }
0x76: {  	v60 =	vld [tilespmem:s31+$0x300];
	v21, _, _ =	vpop (xrf2);
	v11 =	vadd.f32 $0.0e+00, v51;
	v57 =	vunpack.i.l.bf16.f32 v7;
	v8 =	vand.u32 $0x7FFF7FFF, v8  }
0x77: {  	v32 =	vld [tilespmem:s31+$0x360];
	v7 =	vunpack.i.u.bf16.f32 v7;
	v12 =	vadd.f32 $0.0e+00, v20;
	(v2sf) =	vpush v21, $0xF;
	v24, _, _ =	vpop (xrf2)  }
0x78: {  	v4 =	vand.u32 $0x7FFF7FFF, v4;
	v62 =	vunpack.i.l.bf16.f32 v8;
	(v2sf) =	vpush v24, $0xF  }
0x79: {  	v63 =	vld [tilespmem:s31+$0x8330];
	v21 =	vpack.i.f32.bf16 v58, v56;
	v0 =	vadd.f32 v0, v1;
	v1 =	vadd.f32 v5, v35  }
0x7a: {  	v61 =	vld [tilespmem:s31+$0x8320];
	v8 =	vunpack.i.u.bf16.f32 v8;
	v6 =	vadd.f32 v11, v6;
	v11 =	vadd.f32 $0.0e+00, v55  }
0x7b: {  	v22 =	vld [tilespmem:s31+$0x310];
	v23 =	vunpack.i.u.bf16.f32 v4;
	v26, _, _ =	vpop (xrf2);
	v10 =	vsub.bf16 v21, v60;
	v2 =	vadd.f32 v12, v2  }
0x7c: {  	v20 =	vld [tilespmem:s31+$0x83B0];
	v4 =	vunpack.i.l.bf16.f32 v4;
	v14 =	vsub.bf16 v21, v32;
	(v2sf) =	vpush v26, $0xF;
	v28, _, _ =	vpop (xrf2)  }
0x7d: {  	v5 =	vunpack.i.u.bf16.f32 v38;
	v26 =	vld [tilespmem:s31+$0x340];
	(v2sf) =	vpush v28, $0xF;
	v1 =	vadd.f32 v42, v1  }
0x7e: {  	v6 =	vadd.f32 v57, v6;
	v10 =	vand.u32 $0x7FFF7FFF, v10;
	v2 =	vadd.f32 v4, v2;
	v42 =	vld [tilespmem:s31+$0x83A0]  }
0x7f: {  	v58 =	vld [tilespmem:s31+$0x3D0];
	v25 =	vunpack.i.l.bf16.f32 v10;
	v1 =	vadd.f32 v1, v5;
	v5 =	vadd.f32 $0.0e+00, v46  }
0x80: {  	v24 =	vld [tilespmem:s31+$0x330];
	v14 =	vand.u32 $0x7FFF7FFF, v14;
	v27 =	vunpack.i.u.bf16.f32 v10;
	v13 =	vadd.f32 $0.0e+00, v25  }
0x81: {  	v45 =	vunpack.i.u.bf16.f32 v14;
	v6 =	vadd.f32 v6, v7;
	v5 =	vadd.f32 v5, v9  }
0x82: {  	v19 =	vld [tilespmem:s31+$0x320];
	v2 =	vadd.f32 v2, v23;
	v9 =	vunpack.i.l.bf16.f32 v50;
	v4 =	vadd.f32 v13, v27  }
0x83: {  	v30 =	vld [tilespmem:s31+$0x350];
	(xrf2) =	vadd.scan.msk.f32 $0xffff, v0;
	v33 =	vsub.bf16 v21, v26;
	v51 =	vpack.i.f32.bf16 v20, v42;
	v5 =	vadd.f32 v9, v5  }
0x84: {  	v34 =	vld [tilespmem:s31+$0x370];
	v9 =	vadd.f32 v11, v59;
	v11 =	vpack.i.f32.bf16 v63, v61;
	v17 =	vsub.bf16 v51, v58  }
0x85: {  	v37 =	vand.u32 $0x7FFF7FFF, v33;
	v15 =	vsub.bf16 v11, v22;
	v12 =	vsub.bf16 v11, v24  }
0x86: {  	v39 =	vunpack.i.l.bf16.f32 v37;
	v5 =	vadd.f32 v5, v52;
	v18 =	vadd.f32 v62, v9  }
0x87: {  	v40 =	vld [tilespmem:s31+$0x380];
	(xrf2) =	vadd.scan.msk.f32 $0xffff, v1;
	v9 =	vsub.bf16 v21, v19;
	v41 =	vadd.f32 $0.0e+00, v39;
	v19 =	vunpack.i.l.bf16.f32 v14  }
0x88: {  	v36 =	vld [tilespmem:s31+$0x8380];
	v21 =	vand.u32 $0x7FFF7FFF, v17;
	v28 =	vand.u32 $0x7FFF7FFF, v15;
	v15 =	vsub.bf16 v11, v30  }
0x89: {  	v44 =	vld [tilespmem:s31+$0x390];
	(xrf2) =	vadd.scan.msk.f32 $0xffff, v3;
	v12 =	vand.u32 $0x7FFF7FFF, v12;
	v19 =	vadd.f32 $0.0e+00, v19;
	v11 =	vsub.bf16 v11, v34  }
0x8a: {  	v38 =	vld [tilespmem:s31+$0x8390];
	v7 =	vadd.f32 v18, v8;
	v9 =	vand.u32 $0x7FFF7FFF, v9;
	v31 =	vunpack.i.l.bf16.f32 v28  }
0x8b: {  	v47 =	vld [tilespmem:s31+$0x3A0];
	v10 =	vunpack.i.u.bf16.f32 v28;
	v35 =	vunpack.i.l.bf16.f32 v12;
	v12 =	vunpack.i.u.bf16.f32 v12  }
0x8c: {  	v48 =	vld [tilespmem:s31+$0x3C0];
	v29 =	vunpack.i.l.bf16.f32 v9;
	v4 =	vadd.f32 v31, v4;
	v9 =	vunpack.i.u.bf16.f32 v9  }
0x8d: {  	v22, _, _ =	vpop (xrf2);
	v15 =	vand.u32 $0x7FFF7FFF, v15;
	v11 =	vand.u32 $0x7FFF7FFF, v11;
	v13 =	vadd.f32 $0.0e+00, v29  }
0x8e: {  	(v2sf) =	vpush v22, $0xF;
	v43 =	vunpack.i.l.bf16.f32 v15;
	v15 =	vunpack.i.u.bf16.f32 v15  }
0x8f: {  	v4 =	vadd.f32 v4, v10;
	v10 =	vpack.i.f32.bf16 v38, v36;
	v9 =	vadd.f32 v13, v9  }
0x90: {  	(xrf2) =	vadd.scan.msk.f32 $0xffff, v5;
	v49 =	vunpack.i.l.bf16.f32 v11;
	v46 =	vsub.bf16 v10, v40;
	v13 =	vsub.bf16 v51, v44  }
0x91: {  	(xrf2) =	vadd.scan.msk.f32 $0xffff, v6;
	v53 =	vunpack.i.u.bf16.f32 v11;
	v57 =	vsub.bf16 v10, v47;
	v60 =	vsub.bf16 v10, v48;
	v26, _, _ =	vpop (xrf2)  }
0x92: {  	(xrf2) =	vadd.scan.msk.f32 $0xffff, v7;
	(v2sf) =	vpush v26, $0xF;
	v8 =	vadd.f32 v35, v9;
	v9 =	vunpack.i.u.bf16.f32 v37  }
0x93: {  	(xrf2) =	vadd.scan.msk.f32 $0xffff, v2;
	v27, _, _ =	vpop (xrf2);
	v14 =	vand.u32 $0x7FFF7FFF, v46;
	v59 =	vand.u32 $0x7FFF7FFF, v13;
	v3 =	vand.u32 $0x7FFF7FFF, v57  }
0x94: {  	v55 =	vld [tilespmem:s31+$0x3B0];
	v63 =	vand.u32 $0x7FFF7FFF, v60;
	(v2sf) =	vpush v27, $0xF;
	v9 =	vadd.f32 v41, v9  }
0x95: {  	v39 =	vld [tilespmem:s31+$0x8410];
	v52 =	vunpack.i.l.bf16.f32 v14;
	v62 =	vunpack.i.l.bf16.f32 v3;
	v8 =	vadd.f32 v8, v12  }
0x96: {  	v31 =	vld [tilespmem:s31+$0x3E0];
	(xrf2) =	vadd.scan.msk.f32 $0xffff, v4;
	v11 =	vunpack.i.l.bf16.f32 v63;
	v12 =	vadd.f32 v19, v45;
	v54 =	vadd.f32 $0.0e+00, v52  }
0x97: {  	v47 =	vld [tilespmem:s31+$0x420];
	v56 =	vunpack.i.u.bf16.f32 v14;
	v13 =	vadd.f32 $0.0e+00, v62;
	v16 =	vadd.f32 $0.0e+00, v11  }
0x98: {  	v48 =	vld [tilespmem:s31+$0x410];
	v3 =	vunpack.i.u.bf16.f32 v3;
	v9 =	vadd.f32 v43, v9;
	v50 =	vadd.f32 v49, v12  }
0x99: {  	v19 =	vunpack.i.u.bf16.f32 v63;
	v45 =	vld [tilespmem:s31+$0x8430];
	v1 =	vadd.f32 v54, v56;
	v2 =	vadd.f32 v13, v3  }
0x9a: {  	v25 =	vunpack.i.l.bf16.f32 v21;
	v43 =	vld [tilespmem:s31+$0x8420];
	v4 =	vadd.f32 v16, v19;
	v30, _, _ =	vpop (xrf2);
	v9 =	vadd.f32 v9, v15  }
0x9b: {  	v5 =	vunpack.i.l.bf16.f32 v59;
	v62 =	vld [tilespmem:s31+$0x450];
	v15 =	vsub.bf16 v51, v55;
	(v2sf) =	vpush v30, $0xF;
	v32, _, _ =	vpop (xrf2)  }
0x9c: {  	v37 =	vld [tilespmem:s31+$0x8400];
	v61 =	vunpack.i.u.bf16.f32 v59;
	v1 =	vadd.f32 v5, v1;
	(v2sf) =	vpush v32, $0xF;
	v33, _, _ =	vpop (xrf2)  }
0x9d: {  	v63 =	vld [tilespmem:s31+$0x470];
	v0 =	vadd.f32 v50, v53;
	v18 =	vand.u32 $0x7FFF7FFF, v15;
	(v2sf) =	vpush v33, $0xF;
	v34, _, _ =	vpop (xrf2)  }
0x9e: {  	v53 =	vld [tilespmem:s31+$0x430];
	v20 =	vunpack.i.l.bf16.f32 v18;
	v23 =	vadd.f32 v1, v61;
	(v2sf) =	vpush v34, $0xF  }
0x9f: {  	v41 =	vld [tilespmem:s31+$0x400];
	v6 =	vpack.i.f32.bf16 v45, v43;
	v24 =	vadd.f32 v20, v2;
	v2 =	vadd.f32 v25, v4  }
0xa0: {  	(xrf2) =	vadd.scan.msk.f32 $0xffff, v8;
	v56 =	vld [tilespmem:s31+$0x440];
	v3 =	vunpack.i.u.bf16.f32 v18;
	v36, _, _ =	vpop (xrf2);
	v4 =	vsub.bf16 v6, v48;
	v11 =	vsub.bf16 v6, v62  }
0xa1: {  	v29 =	vunpack.i.u.bf16.f32 v21;
	v60 =	vld [tilespmem:s31+$0x460];
	(v2sf) =	vpush v36, $0xF;
	v28 =	vadd.f32 v24, v3  }
0xa2: {  	(xrf2) =	vadd.scan.msk.f32 $0xffff, v9;
	v1 =	vadd.f32 v2, v29;
	v2 =	vsub.bf16 v10, v31;
	v3 =	vpack.i.f32.bf16 v39, v37  }
0xa3: {  	v35 =	vld [tilespmem:s31+$0x3F0];
	(xrf2) =	vadd.scan.msk.f32 $0xffff, v0;
	v4 =	vand.u32 $0x7FFF7FFF, v4;
	v5 =	vsub.bf16 v6, v53;
	v6 =	vsub.bf16 v6, v63  }
0xa4: {  	(xrf2) =	vadd.scan.msk.f32 $0xffff, v23;
	v23 =	vand.u32 $0x7FFF7FFF, v11;
	v50 =	vsub.bf16 v3, v41;
	v55 =	vsub.bf16 v3, v47  }
0xa5: {  	v61 =	vunpack.i.l.bf16.f32 v4;
	v9 =	vsub.bf16 v3, v56;
	v4 =	vunpack.i.u.bf16.f32 v4  }
0xa6: {  	v3 =	vsub.bf16 v3, v60;
	v27 =	vunpack.i.l.bf16.f32 v23;
	v2 =	vand.u32 $0x7FFF7FFF, v2  }
0xa7: {  	(xrf2) =	vadd.scan.msk.f32 $0xffff, v28;
	v5 =	vand.u32 $0x7FFF7FFF, v5;
	v6 =	vand.u32 $0x7FFF7FFF, v6;
	v44 =	vunpack.i.l.bf16.f32 v2  }
0xa8: {  	v22 =	vld [tilespmem:s31+$0x84A0];
	(xrf2) =	vadd.scan.msk.f32 $0xffff, v1;
	v1 =	vsub.bf16 v51, v35;
	v2 =	vunpack.i.u.bf16.f32 v2;
	v58 =	vand.u32 $0x7FFF7FFF, v55  }
0xa9: {  	v25 =	vld [tilespmem:s31+$0x84B0];
	v17 =	vunpack.i.l.bf16.f32 v5;
	v9 =	vand.u32 $0x7FFF7FFF, v9;
	v5 =	vunpack.i.u.bf16.f32 v5  }
0xaa: {  	v32 =	vld [tilespmem:s31+$0x4B0];
	v38, _, _ =	vpop (xrf2);
	v3 =	vand.u32 $0x7FFF7FFF, v3;
	v29 =	vunpack.i.l.bf16.f32 v6;
	v6 =	vunpack.i.u.bf16.f32 v6  }
0xab: {  	v28 =	vld [tilespmem:s31+$0x490];
	(v2sf) =	vpush v38, $0xF;
	v0 =	vadd.f32 $0.0e+00, v44;
	v59 =	vunpack.i.l.bf16.f32 v58  }
0xac: {  	v26 =	vld [tilespmem:s31+$0x4A0];
	v19 =	vunpack.i.l.bf16.f32 v9;
	v21 =	vunpack.i.u.bf16.f32 v9;
	v24 =	vunpack.i.l.bf16.f32 v3  }
0xad: {  	v16 =	vld [tilespmem:s31+$0x8480];
	v3 =	vunpack.i.u.bf16.f32 v3;
	v1 =	vand.u32 $0x7FFF7FFF, v1;
	v11 =	vadd.f32 $0.0e+00, v24  }
0xae: {  	v30 =	vld [tilespmem:s31+$0x4C0];
	v9 =	vpack.i.f32.bf16 v25, v22;
	v40, _, _ =	vpop (xrf2);
	v0 =	vadd.f32 v0, v2;
	v52 =	vunpack.i.l.bf16.f32 v1  }
0xaf: {  	v18 =	vld [tilespmem:s31+$0x8490];
	v2 =	vand.u32 $0x7FFF7FFF, v50;
	(v2sf) =	vpush v40, $0xF;
	v3 =	vadd.f32 v11, v3  }
0xb0: {  	v20 =	vld [tilespmem:s31+$0x480];
	v54 =	vunpack.i.l.bf16.f32 v2;
	v13 =	vsub.bf16 v9, v28;
	v11 =	vsub.bf16 v9, v32  }
0xb1: {  	v47 =	vld [tilespmem:s31+$0x8520];
	v1 =	vunpack.i.u.bf16.f32 v1;
	v42, _, _ =	vpop (xrf2);
	v0 =	vadd.f32 v52, v0;
	v7 =	vadd.f32 $0.0e+00, v54  }
0xb2: {  	v38 =	vld [tilespmem:s31+$0x4E0];
	v57 =	vunpack.i.u.bf16.f32 v2;
	(v2sf) =	vpush v42, $0xF;
	v3 =	vadd.f32 v29, v3  }
0xb3: {  	v50 =	vld [tilespmem:s31+$0x8530];
	v2 =	vunpack.i.u.bf16.f32 v58;
	v46, _, _ =	vpop (xrf2);
	v0 =	vadd.f32 v0, v1;
	v1 =	vadd.f32 v7, v57  }
0xb4: {  	[dreg:$0x12] =	wrdreg s0;
	s0 =	spop (v2sf);
	v52 =	vld [tilespmem:s31+$0x510];
	v35 =	vand.u32 $0x7FFF7FFF, v13;
	(v2sf) =	vpush v46, $0xF;
	v7 =	vadd.f32 $0.0e+00, v59  }
0xb5: {  	v43 =	vld [tilespmem:s31+$0x8510];
	v11 =	vand.u32 $0x7FFF7FFF, v11;
	v3 =	vadd.f32 v3, v6;
	v49, _, _ =	vpop (xrf2);
	v1 =	vadd.f32 v61, v1  }
0xb6: {  	s1 =	spop (v2sf);
	v41 =	vld [tilespmem:s31+$0x8500];
	v2 =	vadd.f32 v7, v2;
	v7 =	vpack.i.f32.bf16 v18, v16;
	(v2sf) =	vpush v49, $0xF  }
0xb7: {  	v62 =	vld [tilespmem:s31+$0x560];
	v37 =	vunpack.i.u.bf16.f32 v35;
	v8 =	vsub.bf16 v7, v20;
	v10 =	vsub.bf16 v7, v26  }
0xb8: {  	v56 =	vld [tilespmem:s31+$0x540];
	v57 =	vpack.i.f32.bf16 v50, v47;
	v51, _, _ =	vpop (xrf2);
	v12 =	vsub.bf16 v7, v30;
	v7 =	vsub.bf16 v7, v38  }
0xb9: {  	s2 =	spop (v2sf);
	v42 =	vunpack.i.l.bf16.f32 v11;
	v15 =	vsub.bf16 v57, v52;
	(v2sf) =	vpush v51, $0xF  }
0xba: {  	v11 =	vunpack.i.u.bf16.f32 v11;
	v1 =	vadd.f32 v1, v4;
	v2 =	vadd.f32 v17, v2  }
0xbb: {  	v4 =	vadd.f32 $0.0e+00, v19;
	v51 =	vpack.i.f32.bf16 v43, v41;
	v8 =	vand.u32 $0x7FFF7FFF, v8  }
0xbc: {  	v45 =	vld [tilespmem:s31+$0x500];
	v33 =	vand.u32 $0x7FFF7FFF, v10;
	v10 =	vunpack.i.l.bf16.f32 v35;
	v12 =	vand.u32 $0x7FFF7FFF, v12  }
0xbd: {  	v7 =	vand.u32 $0x7FFF7FFF, v7;
	v19 =	vsub.bf16 v51, v56;
	v16 =	vsub.bf16 v51, v62  }
0xbe: {  	v61 =	vld [tilespmem:s31+$0x550];
	v15 =	vand.u32 $0x7FFF7FFF, v15;
	v2 =	vadd.f32 v2, v5;
	v4 =	vadd.f32 v4, v21  }
0xbf: {  	v5 =	vunpack.i.u.bf16.f32 v23;
	v31 =	vunpack.i.l.bf16.f32 v8;
	v8 =	vunpack.i.u.bf16.f32 v8  }
0xc0: {  	(xrf2) =	vadd.scan.msk.f32 $0xffff, v0;
	v36 =	vunpack.i.l.bf16.f32 v33;
	v6 =	vunpack.i.u.bf16.f32 v33;
	v40 =	vunpack.i.l.bf16.f32 v12  }
0xc1: {  	v44 =	vunpack.i.u.bf16.f32 v12;
	v49 =	vunpack.i.l.bf16.f32 v7;
	v12 =	vsub.bf16 v51, v45  }
0xc2: {  	v7 =	vunpack.i.u.bf16.f32 v7;
	v63 =	vunpack.i.l.bf16.f32 v15;
	v15 =	vunpack.i.u.bf16.f32 v15  }
0xc3: {  	v34 =	vld [tilespmem:s31+$0x4D0];
	v13 =	vadd.f32 $0.0e+00, v36;
	v19 =	vand.u32 $0x7FFF7FFF, v19;
	v33 =	vsub.bf16 v57, v61  }
0xc4: {  	v39 =	vld [tilespmem:s31+$0x4F0];
	v36 =	vand.u32 $0x7FFF7FFF, v16;
	v4 =	vadd.f32 v27, v4;
	v12 =	vand.u32 $0x7FFF7FFF, v12  }
0xc5: {  	v28 =	vunpack.i.l.bf16.f32 v19;
	v32 =	vunpack.i.u.bf16.f32 v19;
	v6 =	vadd.f32 v13, v6  }
0xc6: {  	v48 =	vld [tilespmem:s31+$0x520];
	v55 =	vunpack.i.l.bf16.f32 v12;
	v4 =	vadd.f32 v4, v5;
	v5 =	vadd.f32 $0.0e+00, v31  }
0xc7: {  	(xrf2) =	vadd.scan.msk.f32 $0xffff, v1;
	v13 =	vadd.f32 $0.0e+00, v40;
	v12 =	vunpack.i.u.bf16.f32 v12;
	v58 =	vadd.f32 $0.0e+00, v55  }
0xc8: {  	v38 =	vand.u32 $0x7FFF7FFF, v33;
	v6 =	vadd.f32 v42, v6;
	v5 =	vadd.f32 v5, v8  }
0xc9: {  	v41 =	vunpack.i.u.bf16.f32 v38;
	v8 =	vsub.bf16 v9, v34;
	v9 =	vsub.bf16 v9, v39  }
0xca: {  	v24 =	vld [tilespmem:s31+$0x8580];
	(xrf2) =	vadd.scan.msk.f32 $0xffff, v2;
	v2 =	vunpack.i.l.bf16.f32 v38;
	v59 =	vadd.f32 v58, v12;
	v55, _, _ =	vpop (xrf2);
	v6 =	vadd.f32 v6, v11  }
0xcb: {  	s3 =	spop (v2sf);
	v54 =	vld [tilespmem:s31+$0x530];
	v42 =	vunpack.i.u.bf16.f32 v36;
	v11 =	vsub.bf16 v51, v48;
	(v2sf) =	vpush v55, $0xF  }
0xcc: {  	v30 =	vld [tilespmem:s31+$0x85A0];
	v39 =	vunpack.i.l.bf16.f32 v36;
	v5 =	vadd.f32 v10, v5;
	v10 =	vadd.f32 v13, v44  }
0xcd: {  	v34 =	vld [tilespmem:s31+$0x85B0];
	v8 =	vand.u32 $0x7FFF7FFF, v8;
	v13 =	vadd.f32 $0.0e+00, v49;
	v9 =	vand.u32 $0x7FFF7FFF, v9  }
0xce: {  	v29 =	vld [tilespmem:s31+$0x570];
	v46 =	vunpack.i.l.bf16.f32 v8;
	v8 =	vunpack.i.u.bf16.f32 v8;
	v53 =	vunpack.i.u.bf16.f32 v9  }
0xcf: {  	v26 =	vld [tilespmem:s31+$0x8590];
	(xrf2) =	vadd.scan.msk.f32 $0xffff, v4;
	v9 =	vunpack.i.l.bf16.f32 v9;
	v11 =	vand.u32 $0x7FFF7FFF, v11;
	v5 =	vadd.f32 v5, v37  }
0xd0: {  	v21 =	vld [tilespmem:s31+$0x580];
	(xrf2) =	vadd.scan.msk.f32 $0xffff, v3;
	v10 =	vadd.f32 v46, v10;
	v7 =	vadd.f32 v13, v7;
	v60 =	vunpack.i.l.bf16.f32 v11  }
0xd1: {  	v13 =	vsub.bf16 v57, v54;
	v11 =	vunpack.i.u.bf16.f32 v11;
	v58, _, _ =	vpop (xrf2);
	v12 =	vadd.f32 $0.0e+00, v60  }
0xd2: {  	s5 =	spop (v2sf);
	v44 =	vpack.i.f32.bf16 v34, v30;
	(v2sf) =	vpush v58, $0xF;
	v8 =	vadd.f32 v10, v8  }
0xd3: {  	v37 =	vld [tilespmem:s31+$0x590];
	v7 =	vadd.f32 v9, v7;
	v10 =	vadd.f32 v63, v59;
	v25 =	vand.u32 $0x7FFF7FFF, v13  }
0xd4: {  	v13 =	vpack.i.f32.bf16 v26, v24;
	v9 =	vsub.bf16 v57, v29;
	v11 =	vadd.f32 v12, v11  }
0xd5: {  	v27 =	vunpack.i.l.bf16.f32 v25;
	v40 =	vsub.bf16 v13, v21;
	v7 =	vadd.f32 v7, v53  }
0xd6: {  	(xrf2) =	vadd.scan.msk.f32 $0xffff, v5;
	v12 =	vunpack.i.u.bf16.f32 v25;
	v60, _, _ =	vpop (xrf2);
	v10 =	vadd.f32 v10, v15;
	v15 =	vadd.f32 $0.0e+00, v28  }
0xd7: {  	s8 =	spop (v2sf);
	v17 =	vld [tilespmem:s31+$0x5D0];
	v46 =	vand.u32 $0x7FFF7FFF, v9;
	(v2sf) =	vpush v60, $0xF;
	v11 =	vadd.f32 v27, v11  }
0xd8: {  	(xrf2) =	vadd.scan.msk.f32 $0xffff, v6;
	v43 =	vand.u32 $0x7FFF7FFF, v40;
	v48 =	vsub.bf16 v44, v37;
	v27 =	vld [tilespmem:s31+$0x5F0];
	v35 =	vadd.f32 v15, v32  }
0xd9: {  	v19 =	vld [tilespmem:s31+$0x5E0];
	(xrf2) =	vadd.scan.msk.f32 $0xffff, v8;
	v45 =	vunpack.i.l.bf16.f32 v43;
	v62, _, _ =	vpop (xrf2);
	v31 =	vadd.f32 v11, v12;
	v12 =	vadd.f32 $0.0e+00, v39  }
0xda: {  	s9 =	spop (v2sf);
	v6 =	vld [tilespmem:s31+$0x5A0];
	v49 =	vunpack.i.l.bf16.f32 v46;
	v47 =	vadd.f32 $0.0e+00, v45;
	(v2sf) =	vpush v62, $0xF;
	v63, _, _ =	vpop (xrf2)  }
0xdb: {  	s6 =	spop (v2sf);
	v34 =	vld [tilespmem:s31+$0x620];
	v50 =	vunpack.i.u.bf16.f32 v43;
	(xrf2) =	vadd.scan.msk.f32 $0xffff, v7;
	v1 =	vadd.f32 v2, v35;
	(v2sf) =	vpush v63, $0xF  }
0xdc: {  	v52 =	vand.u32 $0x7FFF7FFF, v48;
	(xrf2) =	vadd.scan.msk.f32 $0xffff, v10;
	v10 =	vld [tilespmem:s31+$0x5C0];
	v3 =	vadd.f32 v12, v42;
	v51 =	vadd.f32 v47, v50  }
0xdd: {  	v24 =	vld [tilespmem:s31+$0x8610];
	v54 =	vunpack.i.l.bf16.f32 v52;
	v1 =	vadd.f32 v1, v41;
	v5 =	vsub.bf16 v44, v27  }
0xde: {  	v53 =	vunpack.i.u.bf16.f32 v46;
	(xrf2) =	vadd.scan.msk.f32 $0xffff, v31;
	v12 =	vld [tilespmem:s31+$0x5B0];
	v2 =	vadd.f32 v49, v3;
	v57 =	vadd.f32 v54, v51  }
0xdf: {  	v21 =	vld [tilespmem:s31+$0x8600];
	v59 =	vunpack.i.u.bf16.f32 v52;
	(xrf2) =	vadd.scan.msk.f32 $0xffff, v1;
	v1 =	vsub.bf16 v13, v6;
	v6 =	vsub.bf16 v13, v19  }
0xe0: {  	v26 =	vld [tilespmem:s31+$0x600];
	v4, _, _ =	vpop (xrf2);
	v56 =	vadd.f32 v2, v53;
	v61 =	vadd.f32 v57, v59  }
0xe1: {  	s7 =	spop (v2sf);
	v29 =	vld [tilespmem:s31+$0x8620];
	v5 =	vand.u32 $0x7FFF7FFF, v5;
	(v2sf) =	vpush v4, $0xF;
	v2 =	vsub.bf16 v13, v10  }
0xe2: {  	s13 =	spop (v2sf);
	v31 =	vld [tilespmem:s31+$0x8630];
	v7, _, _ =	vpop (xrf2);
	v4 =	vsub.bf16 v44, v17;
	v38 =	vunpack.i.l.bf16.f32 v5;
	v5 =	vunpack.i.u.bf16.f32 v5  }
0xe3: {  	s12 =	spop (v2sf);
	(v2sf) =	vpush v7, $0xF;
	v8, _, _ =	vpop (xrf2);
	v1 =	vand.u32 $0x7FFF7FFF, v1;
	v3 =	vsub.bf16 v44, v12  }
0xe4: {  	v33 =	vld [tilespmem:s31+$0x610];
	v6 =	vand.u32 $0x7FFF7FFF, v6;
	v7 =	vpack.i.f32.bf16 v24, v21;
	(v2sf) =	vpush v8, $0xF  }
0xe5: {  	v37 =	vld [tilespmem:s31+$0x640];
	v18 =	vunpack.i.l.bf16.f32 v1;
	v1 =	vunpack.i.u.bf16.f32 v1;
	v2 =	vand.u32 $0x7FFF7FFF, v2  }
0xe6: {  	v46 =	vld [tilespmem:s31+$0x660];
	v28 =	vand.u32 $0x7FFF7FFF, v4;
	v32 =	vunpack.i.l.bf16.f32 v6;
	v10 =	vsub.bf16 v7, v26  }
0xe7: {  	v6 =	vunpack.i.u.bf16.f32 v6;
	v4 =	vpack.i.f32.bf16 v31, v29;
	v40 =	vsub.bf16 v7, v34  }
0xe8: {  	v55 =	vld [tilespmem:s31+$0x670];
	v0 =	vadd.f32 $0.0e+00, v18;
	v22 =	vand.u32 $0x7FFF7FFF, v3;
	v23 =	vunpack.i.l.bf16.f32 v2  }
0xe9: {  	v39 =	vld [tilespmem:s31+$0x630];
	v9, _, _ =	vpop (xrf2);
	v2 =	vunpack.i.u.bf16.f32 v2;
	v30 =	vunpack.i.l.bf16.f32 v28;
	v8 =	vsub.bf16 v4, v33  }
0xea: {  	s10 =	spop (v2sf);
	v52 =	vld [tilespmem:s31+$0x8690];
	(v2sf) =	vpush v9, $0xF;
	v25 =	vunpack.i.l.bf16.f32 v22;
	v3 =	vadd.f32 $0.0e+00, v23  }
0xeb: {  	v44 =	vld [tilespmem:s31+$0x650];
	v11, _, _ =	vpop (xrf2);
	v35 =	vand.u32 $0x7FFF7FFF, v10;
	v9 =	vsub.bf16 v7, v37;
	v7 =	vsub.bf16 v7, v46  }
0xec: {  	s11 =	spop (v2sf);
	v49 =	vld [tilespmem:s31+$0x8680];
	v43 =	vand.u32 $0x7FFF7FFF, v40;
	(v2sf) =	vpush v11, $0xF;
	v0 =	vadd.f32 v0, v1  }
0xed: {  	v58 =	vld [tilespmem:s31+$0x86B0];
	v1 =	vunpack.i.u.bf16.f32 v22;
	v36 =	vunpack.i.l.bf16.f32 v35;
	v41 =	vand.u32 $0x7FFF7FFF, v8  }
0xee: {  	v60 =	vld [tilespmem:s31+$0x690];
	v45 =	vunpack.i.l.bf16.f32 v43;
	v11 =	vsub.bf16 v4, v39;
	v47 =	vunpack.i.u.bf16.f32 v43  }
0xef: {  	(xrf2) =	vadd.scan.msk.f32 $0xffff, v56;
	v56 =	vld [tilespmem:s31+$0x86A0];
	v2 =	vadd.f32 v3, v2;
	v3 =	vunpack.i.u.bf16.f32 v28;
	v42 =	vunpack.i.l.bf16.f32 v41  }
0xf0: {  	(xrf2) =	vadd.scan.msk.f32 $0xffff, v61;
	v61 =	vld [tilespmem:s31+$0x6A0];
	v14, _, _ =	vpop (xrf2);
	v48 =	vand.u32 $0x7FFF7FFF, v9;
	v10 =	vsub.bf16 v4, v44;
	v7 =	vand.u32 $0x7FFF7FFF, v7  }
0xf1: {  	s15 =	spop (v2sf);
	v27 =	vld [tilespmem:s31+$0x6D0];
	v9 =	vpack.i.f32.bf16 v52, v49;
	v4 =	vsub.bf16 v4, v55;
	(v2sf) =	vpush v14, $0xF  }
0xf2: {  	v0 =	vadd.f32 v25, v0;
	v50 =	vand.u32 $0x7FFF7FFF, v11;
	v51 =	vunpack.i.l.bf16.f32 v48  }
0xf3: {  	v8 =	vunpack.i.u.bf16.f32 v48;
	v59 =	vunpack.i.l.bf16.f32 v7;
	v7 =	vunpack.i.u.bf16.f32 v7  }
0xf4: {  	v54 =	vld [tilespmem:s31+$0x680];
	v63 =	vpack.i.f32.bf16 v58, v56;
	v53 =	vunpack.i.l.bf16.f32 v50;
	v11 =	vadd.f32 $0.0e+00, v51  }
0xf5: {  	v31 =	vld [tilespmem:s31+$0x8700];
	v10 =	vand.u32 $0x7FFF7FFF, v10;
	v13 =	vsub.bf16 v63, v60;
	v23 =	vsub.bf16 v9, v61  }
0xf6: {  	v34 =	vld [tilespmem:s31+$0x8710];
	v4 =	vand.u32 $0x7FFF7FFF, v4;
	v14 =	vsub.bf16 v63, v27;
	v0 =	vadd.f32 v0, v1  }
0xf7: {  	v15, _, _ =	vpop (xrf2);
	v1 =	vadd.f32 v30, v2;
	v2 =	vadd.f32 $0.0e+00, v32;
	v57 =	vunpack.i.l.bf16.f32 v10  }
0xf8: {  	s16 =	spop (v2sf);
	v10 =	vunpack.i.u.bf16.f32 v10;
	v21 =	vunpack.i.l.bf16.f32 v4;
	(v2sf) =	vpush v15, $0xF  }
0xf9: {  	v4 =	vunpack.i.u.bf16.f32 v4;
	v8 =	vadd.f32 v11, v8;
	v15 =	vsub.bf16 v9, v54  }
0xfa: {  	v24 =	vand.u32 $0x7FFF7FFF, v13;
	v26 =	vand.u32 $0x7FFF7FFF, v23;
	v14 =	vand.u32 $0x7FFF7FFF, v14  }
0xfb: {  	v22 =	vld [tilespmem:s31+$0x6B0];
	v13 =	vpack.i.f32.bf16 v34, v31;
	v1 =	vadd.f32 v1, v3;
	v2 =	vadd.f32 v2, v6  }
0xfc: {  	v6 =	vadd.f32 $0.0e+00, v36;
	v3 =	vunpack.i.u.bf16.f32 v35;
	v25 =	vunpack.i.l.bf16.f32 v24;
	v16, _, _ =	vpop (xrf2)  }
0xfd: {  	s14 =	spop (v2sf);
	v28 =	vunpack.i.l.bf16.f32 v26;
	v36 =	vld [tilespmem:s31+$0x700];
	(v2sf) =	vpush v16, $0xF;
	v20, _, _ =	vpop (xrf2);
	v2 =	vadd.f32 v38, v2  }
0xfe: {  	s17 =	spop (v2sf);
	v40 =	vld [tilespmem:s31+$0x720];
	v30 =	vunpack.i.u.bf16.f32 v26;
	v3 =	vadd.f32 v6, v3;
	(v2sf) =	vpush v20, $0xF  }
0xff: {  	v39 =	vunpack.i.l.bf16.f32 v14;
	v20 =	vld [tilespmem:s31+$0x6C0];
	v2 =	vadd.f32 v2, v5;
	v5 =	vadd.f32 $0.0e+00, v45  }
0x100: {  	v29 =	vld [tilespmem:s31+$0x6E0];
	v44 =	vunpack.i.u.bf16.f32 v14;
	v62 =	vand.u32 $0x7FFF7FFF, v15;
	v15 =	vsub.bf16 v63, v22  }
0x101: {  	v19 =	vunpack.i.l.bf16.f32 v62;
	v38 =	vld [tilespmem:s31+$0x8720];
	v3 =	vadd.f32 v42, v3;
	v5 =	vadd.f32 v5, v47  }
0x102: {  	v6 =	vunpack.i.u.bf16.f32 v41;
	v11 =	vadd.f32 $0.0e+00, v19;
	v42 =	vld [tilespmem:s31+$0x8730];
	v17 =	vsub.bf16 v13, v36  }
0x103: {  	v32 =	vand.u32 $0x7FFF7FFF, v15;
	v3 =	vadd.f32 v3, v6;
	v5 =	vadd.f32 v53, v5  }
0x104: {  	v43 =	vld [tilespmem:s31+$0x710];
	v6 =	vunpack.i.u.bf16.f32 v50;
	v50 =	vsub.bf16 v13, v40;
	v12 =	vsub.bf16 v9, v20  }
0x105: {  	v35 =	vunpack.i.l.bf16.f32 v32;
	v47 =	vld [tilespmem:s31+$0x730];
	v9 =	vsub.bf16 v9, v29;
	v5 =	vadd.f32 v5, v6  }
0x106: {  	v46 =	vand.u32 $0x7FFF7FFF, v17;
	v6 =	vadd.f32 v57, v8;
	v8 =	vadd.f32 $0.0e+00, v59  }
0x107: {  	v49 =	vunpack.i.l.bf16.f32 v46;
	v53 =	vunpack.i.u.bf16.f32 v46;
	v52 =	vpack.i.f32.bf16 v42, v38  }
0x108: {  	v12 =	vand.u32 $0x7FFF7FFF, v12;
	v9 =	vand.u32 $0x7FFF7FFF, v9;
	v7 =	vadd.f32 v8, v7  }
0x109: {  	v37 =	vld [tilespmem:s31+$0x6F0];
	v54 =	vsub.bf16 v52, v43;
	v33 =	vunpack.i.l.bf16.f32 v12;
	v12 =	vunpack.i.u.bf16.f32 v12  }
0x10a: {  	v57 =	vsub.bf16 v52, v47;
	v8 =	vunpack.i.u.bf16.f32 v62;
	v7 =	vadd.f32 v21, v7  }
0x10b: {  	v27 =	vld [tilespmem:s31+$0x8780];
	(xrf2) =	vadd.scan.msk.f32 $0xffff, v0;
	v41 =	vunpack.i.l.bf16.f32 v9;
	v6 =	vadd.f32 v6, v10;
	v8 =	vadd.f32 v11, v8  }
0x10c: {  	(xrf2) =	vadd.scan.msk.f32 $0xffff, v1;
	v29 =	vld [tilespmem:s31+$0x8790];
	v9 =	vunpack.i.u.bf16.f32 v9;
	v15 =	vadd.f32 $0.0e+00, v33;
	v4 =	vadd.f32 v7, v4  }
0x10d: {  	v31 =	vld [tilespmem:s31+$0x780];
	(xrf2) =	vadd.scan.msk.f32 $0xffff, v2;
	v56 =	vand.u32 $0x7FFF7FFF, v54;
	v7 =	vadd.f32 v25, v8;
	v8 =	vadd.f32 $0.0e+00, v28  }
0x10e: {  	(xrf2) =	vadd.scan.msk.f32 $0xffff, v3;
	v10 =	vsub.bf16 v63, v37;
	v11 =	vunpack.i.u.bf16.f32 v24;
	v58 =	vunpack.i.l.bf16.f32 v56;
	v25 =	vld [tilespmem:s31+$0x760]  }
0x10f: {  	(xrf2) =	vadd.scan.msk.f32 $0xffff, v5;
	v61 =	vand.u32 $0x7FFF7FFF, v57;
	v62 =	vunpack.i.u.bf16.f32 v56;
	v8 =	vadd.f32 v8, v30  }
0x110: {  	v12 =	vadd.f32 v15, v12;
	v48 =	vand.u32 $0x7FFF7FFF, v10;
	(xrf2) =	vadd.scan.msk.f32 $0xffff, v6;
	v7 =	vadd.f32 v7, v11  }
0x111: {  	v10 =	vadd.f32 $0.0e+00, v49;
	(xrf2) =	vadd.scan.msk.f32 $0xffff, v4;
	v4 =	vpack.i.f32.bf16 v29, v27;
	v8 =	vadd.f32 v35, v8  }
0x112: {  	v63 =	vunpack.i.l.bf16.f32 v61;
	v11 =	vunpack.i.u.bf16.f32 v32;
	(xrf2) =	vadd.scan.msk.f32 $0xffff, v7;
	v7 =	vsub.bf16 v4, v31  }
0x113: {  	v33 =	vld [tilespmem:s31+$0x770];
	v16 =	vunpack.i.u.bf16.f32 v61;
	v3 =	vsub.bf16 v13, v25;
	v8 =	vadd.f32 v8, v11  }
0x114: {  	v51 =	vunpack.i.u.bf16.f32 v48;
	v11 =	vadd.f32 v39, v12;
	v12 =	vadd.f32 $0.0e+00, v41  }
0x115: {  	v38 =	vld [tilespmem:s31+$0x87B0];
	v2 =	vunpack.i.l.bf16.f32 v48;
	v5 =	vadd.f32 v10, v53;
	v7 =	vand.u32 $0x7FFF7FFF, v7  }
0x116: {  	v35 =	vld [tilespmem:s31+$0x87A0];
	v3 =	vand.u32 $0x7FFF7FFF, v3;
	v0 =	vadd.f32 v11, v44;
	v45 =	vadd.f32 v12, v9  }
0x117: {  	v21 =	vld [tilespmem:s31+$0x750];
	v12 =	vand.u32 $0x7FFF7FFF, v50;
	v41 =	vunpack.i.u.bf16.f32 v3;
	v3 =	vunpack.i.l.bf16.f32 v3  }
0x118: {  	[dreg:$0x10] =	wrdreg s4;
	s4 =	spop (v2sf);
	v39 =	vld [tilespmem:s31+$0x790];
	(xrf2) =	vadd.scan.msk.f32 $0xffff, v8;
	v9, _, _ =	vpop (xrf2);
	v8 =	vsub.bf16 v52, v33;
	v44 =	vunpack.i.l.bf16.f32 v7;
	v7 =	vunpack.i.u.bf16.f32 v7  }
0x119: {  	s30 =	spop (v2sf);
	v55 =	vunpack.i.l.bf16.f32 v12;
	(v2sf) =	vpush v9, $0xF;
	v3 =	vadd.f32 $0.0e+00, v3  }
0x11a: {  	v42 =	vld [tilespmem:s31+$0x7A0];
	v59 =	vunpack.i.u.bf16.f32 v12;
	v15, _, _ =	vpop (xrf2);
	v6 =	vadd.f32 $0.0e+00, v55;
	v1 =	vadd.f32 v2, v45  }
0x11b: {  	s18 =	spop (v2sf);
	v43 =	vpack.i.f32.bf16 v38, v35;
	v2 =	vadd.f32 v58, v5;
	(v2sf) =	vpush v15, $0xF;
	v17, _, _ =	vpop (xrf2)  }
0x11c: {  	v12 =	vld [tilespmem:s31+$0x740];
	(xrf2) =	vadd.scan.msk.f32 $0xffff, v0;
	v0 =	vsub.bf16 v52, v21;
	v8 =	vand.u32 $0x7FFF7FFF, v8;
	(v2sf) =	vpush v17, $0xF  }
0x11d: {  	v5 =	vsub.bf16 v43, v39;
	v46 =	vunpack.i.l.bf16.f32 v8;
	v60 =	vadd.f32 v6, v59  }
0x11e: {  	s23 =	spop (v2sf);
	v45 =	vld [tilespmem:s31+$0x7C0];
	v19, _, _ =	vpop (xrf2);
	v8 =	vunpack.i.u.bf16.f32 v8;
	v1 =	vadd.f32 v1, v51;
	v10 =	vadd.f32 v2, v62  }
0x11f: {  	s24 =	spop (v2sf);
	v50 =	vld [tilespmem:s31+$0x7E0];
	(v2sf) =	vpush v19, $0xF;
	v20, _, _ =	vpop (xrf2);
	v0 =	vand.u32 $0x7FFF7FFF, v0;
	v6 =	vsub.bf16 v4, v42  }
0x120: {  	s25 =	spop (v2sf);
	v56 =	vld [tilespmem:s31+$0x8800];
	(v2sf) =	vpush v20, $0xF;
	v37 =	vunpack.i.l.bf16.f32 v0;
	v0 =	vunpack.i.u.bf16.f32 v0  }
0x121: {  	v49 =	vld [tilespmem:s31+$0x7D0];
	v22, _, _ =	vpop (xrf2);
	v5 =	vand.u32 $0x7FFF7FFF, v5;
	v11 =	vadd.f32 v63, v60;
	v23 =	vsub.bf16 v13, v12  }
0x122: {  	v61 =	vld [tilespmem:s31+$0x8820];
	(xrf2) =	vadd.scan.msk.f32 $0xffff, v1;
	(v2sf) =	vpush v22, $0xF;
	v24, _, _ =	vpop (xrf2);
	v48 =	vunpack.i.l.bf16.f32 v5;
	v6 =	vand.u32 $0x7FFF7FFF, v6  }
0x123: {  	s26 =	spop (v2sf);
	v58 =	vld [tilespmem:s31+$0x8810];
	v51 =	vunpack.i.u.bf16.f32 v5;
	(xrf2) =	vadd.scan.msk.f32 $0xffff, v10;
	(v2sf) =	vpush v24, $0xF;
	v10 =	vsub.bf16 v4, v45  }
0x124: {  	v59 =	vld [tilespmem:s31+$0x800];
	v26, _, _ =	vpop (xrf2);
	v52 =	vunpack.i.l.bf16.f32 v6;
	v6 =	vunpack.i.u.bf16.f32 v6;
	v4 =	vsub.bf16 v4, v50  }
0x125: {  	s28 =	spop (v2sf);
	v63 =	vld [tilespmem:s31+$0x8830];
	v18 =	vadd.f32 v11, v16;
	v2 =	vand.u32 $0x7FFF7FFF, v23;
	(v2sf) =	vpush v26, $0xF  }
0x126: {  	v22 =	vld [tilespmem:s31+$0x820];
	v53 =	vadd.f32 $0.0e+00, v52;
	v11 =	vsub.bf16 v43, v49;
	v28 =	vunpack.i.l.bf16.f32 v2  }
0x127: {  	v24 =	vld [tilespmem:s31+$0x810];
	v2 =	vunpack.i.u.bf16.f32 v2;
	v54 =	vand.u32 $0x7FFF7FFF, v10;
	v4 =	vand.u32 $0x7FFF7FFF, v4  }
0x128: {  	v30, _, _ =	vpop (xrf2);
	v1 =	vadd.f32 $0.0e+00, v28;
	v10 =	vunpack.i.l.bf16.f32 v54;
	v5 =	vunpack.i.u.bf16.f32 v54  }
0x129: {  	s29 =	spop (v2sf);
	v21 =	vunpack.i.l.bf16.f32 v4;
	(v2sf) =	vpush v30, $0xF;
	v57 =	vadd.f32 $0.0e+00, v10  }
0x12a: {  	v47 =	vld [tilespmem:s31+$0x7B0];
	v23 =	vadd.f32 $0.0e+00, v21;
	v10 =	vpack.i.f32.bf16 v58, v56;
	v1 =	vadd.f32 v1, v2  }
0x12b: {  	v29 =	vpack.i.f32.bf16 v63, v61;
	v2 =	vadd.f32 $0.0e+00, v44;
	v25 =	vsub.bf16 v10, v59  }
0x12c: {  	v62 =	vand.u32 $0x7FFF7FFF, v11;
	v32, _, _ =	vpop (xrf2);
	v31 =	vsub.bf16 v10, v22;
	v13 =	vsub.bf16 v29, v24  }
0x12d: {  	s19 =	spop (v2sf);
	v4 =	vunpack.i.u.bf16.f32 v4;
	(v2sf) =	vpush v32, $0xF;
	v5 =	vadd.f32 v57, v5  }
0x12e: {  	v33 =	vld [tilespmem:s31+$0x840];
	v20 =	vunpack.i.l.bf16.f32 v62;
	v4 =	vadd.f32 v23, v4;
	v1 =	vadd.f32 v37, v1  }
0x12f: {  	v42 =	vld [tilespmem:s31+$0x8880];
	(xrf2) =	vadd.scan.msk.f32 $0xffff, v18;
	v2 =	vadd.f32 v2, v7;
	v7 =	vsub.bf16 v43, v47;
	v27 =	vand.u32 $0x7FFF7FFF, v25  }
0x130: {  	v44 =	vld [tilespmem:s31+$0x8890];
	v12 =	vand.u32 $0x7FFF7FFF, v31;
	v5 =	vadd.f32 v20, v5;
	v30 =	vunpack.i.l.bf16.f32 v27  }
0x131: {  	v22 =	vld [tilespmem:s31+$0x8E0];
	v35 =	vunpack.i.l.bf16.f32 v12;
	v0 =	vadd.f32 v1, v0;
	v1 =	vadd.f32 v3, v41  }
0x132: {  	v37 =	vld [tilespmem:s31+$0x860];
	v39 =	vunpack.i.u.bf16.f32 v12;
	v34, _, _ =	vpop (xrf2);
	v3 =	vadd.f32 v48, v2;
	v11 =	vadd.f32 $0.0e+00, v30  }
0x133: {  	s20 =	spop (v2sf);
	v7 =	vand.u32 $0x7FFF7FFF, v7;
	v41 =	vsub.bf16 v10, v33;
	(v2sf) =	vpush v34, $0xF  }
0x134: {  	v55 =	vld [tilespmem:s31+$0x7F0];
	v60 =	vunpack.i.u.bf16.f32 v7;
	v7 =	vunpack.i.l.bf16.f32 v7;
	v34 =	vand.u32 $0x7FFF7FFF, v13  }
0x135: {  	v36, _, _ =	vpop (xrf2);
	v13 =	vadd.f32 $0.0e+00, v35;
	v15 =	vpack.i.f32.bf16 v44, v42;
	v1 =	vadd.f32 v46, v1  }
0x136: {  	s21 =	spop (v2sf);
	v48 =	vld [tilespmem:s31+$0x870];
	(v2sf) =	vpush v36, $0xF;
	v36 =	vunpack.i.l.bf16.f32 v34;
	v33 =	vsub.bf16 v15, v22  }
0x137: {  	v28 =	vld [tilespmem:s31+$0x830];
	v45 =	vand.u32 $0x7FFF7FFF, v41;
	v10 =	vsub.bf16 v10, v37;
	v2 =	vadd.f32 v1, v8  }
0x138: {  	v47 =	vunpack.i.l.bf16.f32 v45;
	v1 =	vadd.f32 v3, v51;
	v3 =	vadd.f32 v53, v6  }
0x139: {  	v50 =	vld [tilespmem:s31+$0x88A0];
	v40, _, _ =	vpop (xrf2);
	v6 =	vunpack.i.u.bf16.f32 v62;
	v8 =	vsub.bf16 v43, v55;
	v49 =	vadd.f32 $0.0e+00, v47  }
0x13a: {  	s22 =	spop (v2sf);
	v63 =	vld [tilespmem:s31+$0x8B0];
	(v2sf) =	vpush v40, $0xF;
	v5 =	vadd.f32 v5, v6;
	v10 =	vand.u32 $0x7FFF7FFF, v10  }
0x13b: {  	v46 =	vld [tilespmem:s31+$0x880];
	v9 =	vsub.bf16 v29, v48;
	v3 =	vadd.f32 v7, v3;
	v26 =	vand.u32 $0x7FFF7FFF, v8  }
0x13c: {  	(xrf2) =	vadd.scan.msk.f32 $0xffff, v0;
	v51 =	vld [tilespmem:s31+$0x88B0];
	v7 =	vunpack.i.u.bf16.f32 v27;
	v8 =	vsub.bf16 v29, v28;
	v52 =	vunpack.i.l.bf16.f32 v10  }
0x13d: {  	v55 =	vld [tilespmem:s31+$0x8A0];
	v10 =	vunpack.i.u.bf16.f32 v10;
	(xrf2) =	vadd.scan.msk.f32 $0xffff, v2;
	v2 =	vand.u32 $0x7FFF7FFF, v33;
	v32 =	vunpack.i.u.bf16.f32 v26  }
0x13e: {  	[dreg:$0x14] =	wrdreg s18;
	v40 =	vld [tilespmem:s31+$0x850];
	v6 =	vunpack.i.l.bf16.f32 v26;
	v7 =	vadd.f32 v11, v7;
	v11 =	vunpack.i.u.bf16.f32 v34  }
0x13f: {  	[dreg:$0x16] =	wrdreg s23;
	v53 =	vld [tilespmem:s31+$0x890];
	v9 =	vand.u32 $0x7FFF7FFF, v9;
	v41 =	vunpack.i.l.bf16.f32 v2;
	v2 =	vunpack.i.u.bf16.f32 v2  }
0x140: {  	[dreg:$0x18] =	wrdreg s24;
	v25 =	vld [tilespmem:s31+$0x8D0];
	v3 =	vadd.f32 v3, v60;
	v4 =	vadd.f32 v6, v4;
	v8 =	vand.u32 $0x7FFF7FFF, v8  }
0x141: {  	[dreg:$0x1a] =	wrdreg s25;
	v59 =	vunpack.i.l.bf16.f32 v9;
	v38 =	vadd.f32 v36, v7;
	v7 =	vadd.f32 v13, v39  }
0x142: {  	[dreg:$0x1c] =	wrdreg s26;
	v28 =	vld [tilespmem:s31+$0x8F0];
	v9 =	vunpack.i.u.bf16.f32 v9;
	v13 =	vsub.bf16 v15, v46;
	v62 =	vsub.bf16 v15, v55  }
0x143: {  	s1 =	smin.f32 s0, s1;
	[dreg:$0x1e] =	wrdreg s28;
	v57 =	vpack.i.f32.bf16 v51, v50;
	v4 =	vadd.f32 v4, v32;
	v12 =	vsub.bf16 v29, v40  }
0x144: {  	s1 =	smin.f32 s1, s2;
	[smem:$0x7EF] =	sst s29;
	v43 =	vunpack.i.l.bf16.f32 v8;
	v16 =	vsub.bf16 v57, v53;
	v30 =	vsub.bf16 v57, v63  }
0x145: {  	s7 =	smin.f32 s7, s13;
	[smem:$0x7F0] =	sst s19;
	v8 =	vunpack.i.u.bf16.f32 v8;
	v36 =	vsub.bf16 v57, v25;
	v6 =	vadd.f32 v38, v11  }
0x146: {  	s19 =	smin.f32 s11, s15;
	s15 =	rddreg [dreg:$0x16];
	v7 =	vadd.f32 v43, v7;
	v11 =	vunpack.i.u.bf16.f32 v45;
	v56 =	vand.u32 $0x7FFF7FFF, v13  }
0x147: {  	s7 =	smin.f32 s7, s12;
	[smem:$0x7F1] =	sst s20;
	v60 =	vld [tilespmem:s31+$0x8C0];
	v24 =	vand.u32 $0x7FFF7FFF, v62;
	v42 =	vsub.bf16 v57, v28;
	v12 =	vand.u32 $0x7FFF7FFF, v12  }
0x148: {  	s19 =	smin.f32 s19, s16;
	s16 =	rddreg [dreg:$0x18];
	v58 =	vunpack.i.l.bf16.f32 v56;
	v61 =	vand.u32 $0x7FFF7FFF, v16;
	v16 =	vunpack.i.l.bf16.f32 v24  }
0x149: {  	s19 =	smin.f32 s19, s14;
	s14 =	rddreg [dreg:$0x14];
	v29 =	vunpack.i.u.bf16.f32 v24;
	v35 =	vand.u32 $0x7FFF7FFF, v30;
	v7 =	vadd.f32 v7, v8  }
0x14a: {  	[smem:$0x7F2] =	sst s21;
	s31 =	spop (v2sf);
	v40 =	vand.u32 $0x7FFF7FFF, v36;
	v8 =	vadd.f32 v49, v11;
	v11 =	vadd.f32 $0.0e+00, v52  }
0x14b: {  	[smem:$0x7F3] =	sst s22;
	s23 =	spop (v2sf);
	v54 =	vunpack.i.l.bf16.f32 v12;
	v14 =	vadd.f32 $0.0e+00, v58;
	v12 =	vunpack.i.u.bf16.f32 v12  }
0x14c: {  	s0 =	smin.f32 s15, s16;
	[smem:$0x7F4] =	sst s23;
	v21 =	vunpack.i.l.bf16.f32 v61;
	v19 =	vsub.bf16 v15, v60;
	v10 =	vadd.f32 v11, v10  }
0x14d: {  	s24 =	spop (v2sf);
	s23 =	smin.f32 s17, s4;
	v27 =	vadd.f32 $0.0e+00, v16;
	v37 =	vunpack.i.l.bf16.f32 v35;
	v8 =	vadd.f32 v54, v8  }
0x14e: {  	(xrf2) =	vadd.scan.msk.f32 $0xffff, v1;
	[smem:$0x7F5] =	sst s24;
	s25 =	spop (v2sf);
	v11 =	vunpack.i.u.bf16.f32 v56;
	v31 =	vand.u32 $0x7FFF7FFF, v19;
	v10 =	vadd.f32 v59, v10  }
0x14f: {  	(xrf2) =	vadd.scan.msk.f32 $0xffff, v3;
	s23 =	smin.f32 s23, s30;
	s30 =	rddreg [dreg:$0x1a];
	v32 =	vadd.f32 v27, v29;
	v11 =	vadd.f32 v14, v11;
	v34 =	vunpack.i.l.bf16.f32 v31  }
0x150: {  	s19 =	smul.f32 $1.562500000e-02, s19;
	(xrf2) =	vadd.scan.msk.f32 $0xffff, v5;
	[smem:$0x7F6] =	sst s25;
	v43 =	vunpack.i.l.bf16.f32 v40;
	v9 =	vadd.f32 v10, v9;
	v10 =	vadd.f32 $0.0e+00, v34  }
0x151: {  	(xrf2) =	vadd.scan.msk.f32 $0xffff, v4;
	s26 =	spop (v2sf);
	s23 =	smin.f32 s23, s14;
	v38 =	vunpack.i.u.bf16.f32 v31;
	v8 =	vadd.f32 v8, v12;
	v23 =	vadd.f32 v21, v11  }
0x152: {  	s0 =	smin.f32 s0, s30;
	s30 =	sld [smem:$0x7F3];
	(xrf2) =	vadd.scan.msk.f32 $0xffff, v6;
	v14 =	vunpack.i.u.bf16.f32 v61;
	v11 =	vadd.f32 $0.0e+00, v41;
	v39 =	vadd.f32 v10, v38  }
0x153: {  	v3 =	vunpack.i.u.bf16.f32 v35;
	[smem:$0x7F7] =	sst s26;
	s28 =	spop (v2sf);
	(xrf2) =	vadd.scan.msk.f32 $0xffff, v7;
	v1 =	vadd.f32 v37, v32;
	v26 =	vadd.f32 v23, v14  }
0x154: {  	v44 =	vand.u32 $0x7FFF7FFF, v42;
	[smem:$0x7F8] =	sst s28;
	s29 =	spop (v2sf);
	(xrf2) =	vadd.scan.msk.f32 $0xffff, v8;
	v2 =	vadd.f32 v11, v2;
	v4 =	vadd.f32 v43, v39  }
0x155: {  	v45 =	vunpack.i.u.bf16.f32 v40;
	v6 =	vunpack.i.l.bf16.f32 v44;
	s28 =	smin.f32 s1, s3;
	s3 =	smin.f32 s5, s8;
	v1 =	vadd.f32 v1, v3;
	(xrf2) =	vadd.scan.msk.f32 $0xffff, v9  }
0x156: {  	v46, _, _ =	vpop (xrf2);
	[smem:$0x7F9] =	sst s29;
	s2 =	spop (v2sf);
	(xrf2) =	vadd.scan.msk.f32 $0xffff, v26;
	v2 =	vadd.f32 v6, v2;
	v47 =	vadd.f32 v4, v45  }
0x157: {  	(v2sf) =	vpush v46, $0xF;
	v49 =	vunpack.i.u.bf16.f32 v44;
	s1 =	smin.f32 s3, s9;
	s3 =	rddreg [dreg:$0x1e];
	v48, _, _ =	vpop (xrf2);
	(xrf2) =	vadd.scan.msk.f32 $0xffff, v1  }
0x158: {  	s29 =	smin.f32 s7, s10;
	s7 =	sld [smem:$0x7F1];
	(v2sf) =	vpush v48, $0xF;
	v50, _, _ =	vpop (xrf2);
	v51 =	vadd.f32 v2, v49;
	(xrf2) =	vadd.scan.msk.f32 $0xffff, v47  }
0x159: {  	[smem:$0x7FA] =	sst s2;
	s5 =	spop (v2sf);
	(v2sf) =	vpush v50, $0xF;
	v52, _, _ =	vpop (xrf2)  }
0x15a: {  	s18 =	smin.f32 s1, s6;
	s2 =	rddreg [dreg:$0x1c];
	(v2sf) =	vpush v52, $0xF;
	v53, _, _ =	vpop (xrf2);
	(xrf2) =	vadd.scan.msk.f32 $0xffff, v51  }
0x15b: {  	s6 =	sld [smem:$0x7F0];
	s8 =	spop (v2sf);
	v54, _, _ =	vpop (xrf2);
	(v2sf) =	vpush v53, $0xF  }
0x15c: {  	s1 =	sld [smem:$0x7F5];
	s9 =	spop (v2sf);
	v55, _, _ =	vpop (xrf2);
	(v2sf) =	vpush v54, $0xF  }
0x15d: {  	s29 =	smul.f32 $1.562500000e-02, s29;
	s26 =	spop (v2sf);
	(v2sf) =	vpush v55, $0xF;
	v56, _, _ =	vpop (xrf2)  }
0x15e: {  	[smem:$0x7FB] =	sst s5;
	s25 =	spop (v2sf);
	(v2sf) =	vpush v56, $0xF;
	v57, _, _ =	vpop (xrf2)  }
0x15f: {  	s4 =	smin.f32 s0, s2;
	s24 =	spop (v2sf);
	(v2sf) =	vpush v57, $0xF;
	v58, _, _ =	vpop (xrf2)  }
0x160: {  	s5 =	sld [smem:$0x7EF];
	s21 =	spop (v2sf);
	v59, _, _ =	vpop (xrf2);
	(v2sf) =	vpush v58, $0xF  }
0x161: {  	s18 =	smul.f32 $1.562500000e-02, s18;
	s20 =	spop (v2sf);
	v60, _, _ =	vpop (xrf2);
	(v2sf) =	vpush v59, $0xF  }
0x162: {  	[smem:$0x7FC] =	sst s8;
	s22 =	spop (v2sf);
	(v2sf) =	vpush v60, $0xF;
	v61, _, _ =	vpop (xrf2)  }
0x163: {  	s8 =	sld [smem:$0x7F2];
	s17 =	spop (v2sf);
	(v2sf) =	vpush v61, $0xF  }
0x164: {  	[smem:$0x7FD] =	sst s9;
	s13 =	spop (v2sf);
	v62, _, _ =	vpop (xrf2)  }
0x165: {  	s0 =	smin.f32 s3, s5;
	s9 =	spop (v2sf);
	(v2sf) =	vpush v62, $0xF  }
0x166: {  	s0 =	smin.f32 s0, s6;
	s12 =	spop (v2sf)  }
0x167: {  	s3 =	smin.f32 s0, s7;
	s15 =	spop (v2sf)  }
0x168: {  	s0 =	smin.f32 s8, s30;
	s16 =	spop (v2sf)  }
0x169: {  	s0 =	smin.f32 s0, s31;
	s10 =	spop (v2sf)  }
0x16a: {  	s31 =	sld [smem:$0x7F4];
	s11 =	spop (v2sf)  }
0x16b: {  	s7 =	sld [smem:$0x7F6];
	s14 =	spop (v2sf)  }
0x16c: {  	s30 =	sld [smem:$0x7F7];
	s8 =	spop (v2sf)  }
0x16d: {  	s2 =	smin.f32 s0, s31;
	s5 =	spop (v2sf)  }
0x16e: {  	s31 =	sld [smem:$0x7F8];
	s6 =	spop (v2sf)  }
0x16f: {  	s0 =	smin.f32 s1, s7;
	s7 =	spop (v2sf)  }
0x170: {  	s0 =	smin.f32 s0, s30;
	s1 =	spop (v2sf)  }
0x171: {  	s0 =	smin.f32 s0, s31;
	s30 =	spop (v2sf)  }
0x172: {  	s1 =	smin.f32 s1, s30;
	s30 =	spop (v2sf)  }
0x173: {  	s31 =	smul.f32 $1.562500000e-02, s28;
	s1 =	smin.f32 s1, s30  }
0x174: {  	s28 =	spop (v2sf);
	s30 =	sld [smem:$0x7F9]  }
0x175: {  	s1 =	smin.f32 s1, s28;
	s28 =	sld [smem:$0x7FA]  }
0x176: {  	s4 =	smul.f32 $1.562500000e-02, s4  }
0x177: {  	s3 =	smul.f32 $1.562500000e-02, s3  }
0x178: {  	s30 =	smin.f32 s30, s28;
	s28 =	sld [smem:$0x7FB]  }
0x179: {  	s20 =	smin.f32 s21, s20;
	s1 =	smul.f32 $1.562500000e-02, s1  }
0x17a: {  	s20 =	smin.f32 s20, s22;
	s2 =	smul.f32 $1.562500000e-02, s2  }
0x17b: {  	v63 =	vmov s1;
	s30 =	smin.f32 s30, s28;
	s28 =	sld [smem:$0x7FC]  }
0x17c: {  	s9 =	smin.f32 s13, s9;
	s0 =	smul.f32 $1.562500000e-02, s0;
	v0 =	vsel vm0, s31, v63  }
0x17d: {  	s9 =	smin.f32 s9, s12;
	s1 =	smul.f32 $1.562500000e-02, s23;
	v0 =	vsel vm1, s18, v0  }
0x17e: {  	v0 =	vsel vm2, s29, v0;
	s30 =	smin.f32 s30, s28;
	s28 =	sld [smem:$0x7FD]  }
0x17f: {  	s9 =	smin.f32 s9, s15;
	s5 =	smin.f32 s8, s5;
	v0 =	vsel vm3, s19, v0  }
0x180: {  	v0 =	vsel vm4, s1, v0;
	s21 =	smul.f32 $1.562500000e-02, s30;
	s30 =	rddreg [dreg:$0x10]  }
0x181: {  	v0 =	vsel vm5, s4, v0;
	s23 =	smin.f32 s28, s26;
	s26 =	smin.f32 s16, s10  }
0x182: {  	v0 =	vsel vm6, s3, v0;
	s23 =	smin.f32 s23, s25;
	s25 =	smul.f32 $1.562500000e-02, s9  }
0x183: {  	v0 =	vsel vm7, s2, v0;
	s28 =	smin.f32 s26, s11;
	s31 =	smin.f32 s23, s24  }
0x184: {  	v0 =	vsel vm8, s0, v0;
	s23 =	smin.f32 s20, s17;
	s22 =	smul.f32 $1.562500000e-02, s31  }
0x185: {  	v0 =	vsel vm9, s21, v0;
	s0 =	smin.f32 s28, s14;
	s24 =	smul.f32 $1.562500000e-02, s23  }
0x186: {  	s29 =	smin.f32 s5, s6;
	p0 =	sne.s32 s30, $0xE000;
	s0 =	smul.f32 $1.562500000e-02, s0;
	v0 =	vsel vm10, s22, v0  }
.Ltmp0:
0x187: {  	s1 =	smin.f32 s29, s7;
	v0 =	vsel vm11, s24, v0;
	(pc) =	sbr.rel @p0 .LBB2_3-.Ltmp0, $4  }
0x188: {  	s1 =	smul.f32 $1.562500000e-02, s1;
	v0 =	vsel vm12, s25, v0  }
0x189: {  	v0 =	vsel vm13, s0, v0  }
0x18a: {  	s31 =	rddreg [dreg:$0x12];
	v0 =	vsel vm14, s1, v0  }
0x18b: {  	s4 =	sadd.s32 $0x2000, s30;
	s0 =	sadd.s32 $0x10, s31;
	[tilespmem:s31+$0x0] =	vst v0  }
0x18c: {  	s0 =	rddreg [dreg:$0x6]  }
0x18d: {  	s3 =	rddreg [dreg:$0xf]  }
0x18e: {  	s0 =	sor.u32 s0, s3  }
0x18f: {  	s1 =	rddreg [dreg:$0x2];
	s26 =	simm.s32 $0x0;
	s0 =	sshrl.u32 s0, $0x3  }
0x190: {  	s2 =	simm.s32 $0x10100;
	s29 =	simm.s32 $0x5;
	s0 =	sadd.s32 s1, s0  }
0x191: {  	[hbm4b:s0+s26] =	stream.linear.scatter [tilespmem:s2], [sflag:$0x5], $0x80, $0x38;
	[tilespmem:$0x10180] =	vst v63  }
0x192: {  	s28 =	rddreg [dreg:$0xd];
	_ =	swait.ge [sflag:s29], $0x80  }
0x193: {  	p0 =	seq.s32 s28, $0xF;
	s0 =	rddreg [dreg:$0xa];
	[sflag:s29] =	ssyncset.done $0x0  }
0x194: {  	s0 =	sadd.s32 @!p0 s3, s0;
	[sflag:s29] =	ssyncadd.s32 $0xFFFFFF80  }
0x195: {  	s1 =	sshrl.u32 @!p0 s0, $0x3;
	s2 =	rddreg [dreg:$0x1]  }
0x196: {  	s1 =	sadd.s32 @!p0 s2, s1;
	s2 =	simm.s32 @!p0 $0x0  }
0x197: {  	[tilespmem:s2], [sflag:$0x5] =	stream.linear.gather @!p0 [hbm4b:s1+s2], $0x80, $0x38;
	[tilespmem:$0x10180] =	vst v63  }
0x198: {  	s1 =	simm.s32 @!p0 $0x5  }
0x199: {  	_ =	swait.ge @!p0 [sflag:s1], $0x80  }
0x19a: {  	s3 =	simm.s32 @!p0 $0x100;
	[sflag:s1] =	ssyncset.done @!p0 $0x0  }
0x19b: {  	s4 =	rddreg [dreg:$0x5];
	[sflag:s1] =	ssyncadd.s32 @!p0 $0xFFFFFF80;
	s1 =	simm.s32 @!p0 $0x80  }
0x19c: {  	[tilespmem:s3], [sflag:$0x1] =	stream.indirect.gather @!p0 [hbm4b:s4+s1], $0x80, s2, s1, $0xb8;
	[tilespmem:$0x10180] =	vst v63  }
0x19d: {  	s0 =	sshll.u32 @!p0 s0, $0x4;
	s1 =	rddreg [dreg:$0x4]  }
0x19e: {  	s30 =	simm.s32 $0x2;
	s0 =	sadd.s32 @!p0 s1, s0;
	s1 =	simm.s32 @!p0 $0x8100  }
0x19f: {  	[tilespmem:s1], [sflag:$0x3] =	stream.linear.gather @!p0 [hbm4b:s0+s2], $0x4000, $0x38;
	[tilespmem:$0x10180] =	vst v63  }
0x1a0: {  	_ =	swait.ge [sflag:s30], $0x4000  }
0x1a1: {  	[sflag:s30] =	ssyncset.done $0x0  }
0x1a2: {  	s31 =	simm.s32 $0x4;
	[sflag:s30] =	ssyncadd.s32 $0xFFFFC000  }
0x1a3: {  	_ =	swait.ge [sflag:s31], $0x4000  }
0x1a4: {  	[sflag:s31] =	ssyncset.done $0x0  }
0x1a5: {  	s0 =	simm.s32 $0x0;
	s1 =	simm.s32 $0x10100;
	[sflag:s31] =	ssyncadd.s32 $0xFFFFC000  }
.LBB2_5:
0x1a6: {  	s30 =	sshra.s32 s0, $0x2  }
0x1a7: {  	v0 =	vld [tilespmem:s30+$0xC100]  }
0x1a8: {  	v1 =	vld [tilespmem:s30+$0xC110]  }
0x1a9: {  	v2 =	vld [tilespmem:s30+$0x4100]  }
0x1aa: {  	v3 =	vld [tilespmem:s30+$0xC120]  }
0x1ab: {  	v4 =	vld [tilespmem:s30+$0xC130]  }
0x1ac: {  	v17 =	vld [tilespmem:s30+$0x4110]  }
0x1ad: {  	v5 =	vld [tilespmem:s30+$0x4120]  }
0x1ae: {  	v6 =	vld [tilespmem:s30+$0x4140]  }
0x1af: {  	v7 =	vld [tilespmem:s30+$0x4130]  }
0x1b0: {  	v8 =	vld [tilespmem:s30+$0x4150]  }
0x1b1: {  	v9 =	vld [tilespmem:s30+$0x4160]  }
0x1b2: {  	v26 =	vld [tilespmem:s30+$0x4170]  }
0x1b3: {  	v28 =	vld [tilespmem:s30+$0xC1A0]  }
0x1b4: {  	v30 =	vld [tilespmem:s30+$0xC1B0]  }
0x1b5: {  	v14 =	vld [tilespmem:s30+$0xC200]  }
0x1b6: {  	v15 =	vld [tilespmem:s30+$0xC210]  }
0x1b7: {  	v16 =	vld [tilespmem:s30+$0x41F0];
	v0 =	vpack.i.f32.bf16 v1, v0  }
0x1b8: {  	v3 =	vpack.i.f32.bf16 v4, v3;
	v2 =	vsub.bf16 v0, v2  }
0x1b9: {  	v23 =	vld [tilespmem:s30+$0xC180];
	v1 =	vsub.bf16 v3, v17;
	v5 =	vsub.bf16 v0, v5  }
0x1ba: {  	v10 =	vld [tilespmem:s30+$0xC190];
	v6 =	vsub.bf16 v0, v6;
	v7 =	vsub.bf16 v3, v7  }
0x1bb: {  	v32 =	vld [tilespmem:s30+$0x4190];
	v34 =	vpack.i.f32.bf16 v30, v28;
	v8 =	vsub.bf16 v3, v8;
	v0 =	vsub.bf16 v0, v9  }
0x1bc: {  	v51 =	vpack.i.f32.bf16 v15, v14;
	v3 =	vsub.bf16 v3, v26;
	v56 =	vsub.bf16 v34, v16  }
0x1bd: {  	v12 =	vld [tilespmem:s30+$0x4180];
	v2 =	vand.u32 $0x7FFF7FFF, v2;
	v1 =	vand.u32 $0x7FFF7FFF, v1;
	v5 =	vand.u32 $0x7FFF7FFF, v5  }
0x1be: {  	v13 =	vld [tilespmem:s30+$0x41A0];
	v22 =	vand.u32 $0x7FFF7FFF, v6;
	v24 =	vand.u32 $0x7FFF7FFF, v7;
	v27 =	vand.u32 $0x7FFF7FFF, v8  }
0x1bf: {  	v36 =	vld [tilespmem:s30+$0x41C0];
	v0 =	vand.u32 $0x7FFF7FFF, v0;
	v6 =	vpack.i.f32.bf16 v10, v23;
	v3 =	vand.u32 $0x7FFF7FFF, v3  }
0x1c0: {  	v43 =	vld [tilespmem:s30+$0x41E0];
	v10 =	vsub.bf16 v34, v32;
	v18 =	vunpack.i.l.bf16.f32 v2;
	v2 =	vunpack.i.u.bf16.f32 v2  }
0x1c1: {  	v19 =	vunpack.i.l.bf16.f32 v1;
	v20 =	vunpack.i.l.bf16.f32 v5;
	v1 =	vunpack.i.u.bf16.f32 v1  }
0x1c2: {  	v41 =	vld [tilespmem:s30+$0x41D0];
	v21 =	vunpack.i.u.bf16.f32 v5;
	v25 =	vunpack.i.l.bf16.f32 v22;
	v11 =	vunpack.i.l.bf16.f32 v24  }
0x1c3: {  	v38 =	vld [tilespmem:s30+$0x41B0];
	v5 =	vunpack.i.u.bf16.f32 v22;
	v29 =	vunpack.i.l.bf16.f32 v27;
	v31 =	vunpack.i.l.bf16.f32 v0  }
0x1c4: {  	v12 =	vsub.bf16 v6, v12;
	v0 =	vunpack.i.u.bf16.f32 v0;
	v39 =	vsub.bf16 v6, v13  }
0x1c5: {  	v37 =	vunpack.i.l.bf16.f32 v3;
	v9 =	vsub.bf16 v6, v36;
	v6 =	vsub.bf16 v6, v43  }
0x1c6: {  	v3 =	vunpack.i.u.bf16.f32 v3;
	v4 =	vadd.f32 $0.0e+00, v18;
	v7 =	vadd.f32 $0.0e+00, v25  }
0x1c7: {  	v40 =	vand.u32 $0x7FFF7FFF, v10;
	v10 =	vsub.bf16 v34, v41;
	v33 =	vand.u32 $0x7FFF7FFF, v12  }
0x1c8: {  	v42 =	vunpack.i.l.bf16.f32 v40;
	v12 =	vsub.bf16 v34, v38;
	v9 =	vand.u32 $0x7FFF7FFF, v9  }
0x1c9: {  	v49 =	vld [tilespmem:s30+$0xC230];
	v6 =	vand.u32 $0x7FFF7FFF, v6;
	v2 =	vadd.f32 v4, v2;
	v4 =	vadd.f32 $0.0e+00, v20  }
0x1ca: {  	v18 =	vld [tilespmem:s30+$0xC220];
	v5 =	vadd.f32 v7, v5;
	v7 =	vunpack.i.u.bf16.f32 v27;
	v35 =	vunpack.i.l.bf16.f32 v33  }
0x1cb: {  	v52 =	vld [tilespmem:s30+$0x4210];
	v48 =	vunpack.i.l.bf16.f32 v9;
	v9 =	vunpack.i.u.bf16.f32 v9;
	v2 =	vadd.f32 v19, v2  }
0x1cc: {  	v25 =	vld [tilespmem:s30+$0x4250];
	v10 =	vand.u32 $0x7FFF7FFF, v10;
	v54 =	vunpack.i.l.bf16.f32 v6;
	v8 =	vadd.f32 $0.0e+00, v35  }
0x1cd: {  	v59 =	vunpack.i.u.bf16.f32 v6;
	v1 =	vadd.f32 v2, v1;
	v2 =	vadd.f32 v4, v21  }
0x1ce: {  	v46 =	vld [tilespmem:s30+$0x4200];
	v47 =	vand.u32 $0x7FFF7FFF, v12;
	v12 =	vadd.f32 $0.0e+00, v48;
	v53 =	vunpack.i.l.bf16.f32 v10  }
0x1cf: {  	v55 =	vadd.f32 $0.0e+00, v54;
	v57 =	vpack.i.f32.bf16 v49, v18;
	v2 =	vadd.f32 v11, v2  }
0x1d0: {  	v50 =	vadd.f32 v12, v9;
	v4 =	vunpack.i.u.bf16.f32 v24;
	v12 =	vsub.bf16 v57, v52  }
0x1d1: {  	v10 =	vunpack.i.u.bf16.f32 v10;
	v6 =	vsub.bf16 v57, v25;
	v2 =	vadd.f32 v2, v4  }
0x1d2: {  	v11 =	vand.u32 $0x7FFF7FFF, v39;
	v4 =	vadd.f32 v29, v5;
	v5 =	vadd.f32 $0.0e+00, v31  }
0x1d3: {  	(xrf2) =	vadd.scan.msk.f32 $0xffff, v1;
	v44 =	vunpack.i.l.bf16.f32 v11;
	v45 =	vunpack.i.u.bf16.f32 v11;
	v11 =	vsub.bf16 v51, v46  }
0x1d4: {  	v17 =	vunpack.i.u.bf16.f32 v47;
	v1 =	vand.u32 $0x7FFF7FFF, v56;
	v0 =	vadd.f32 v5, v0  }
0x1d5: {  	v27 =	vld [tilespmem:s30+$0x4270];
	v63 =	vand.u32 $0x7FFF7FFF, v12;
	v38 =	vand.u32 $0x7FFF7FFF, v6;
	v11 =	vand.u32 $0x7FFF7FFF, v11  }
0x1d6: {  	v4 =	vadd.f32 v4, v7;
	v5 =	vunpack.i.u.bf16.f32 v33;
	v0 =	vadd.f32 v37, v0  }
0x1d7: {  	v58 =	vunpack.i.l.bf16.f32 v11;
	(xrf2) =	vadd.scan.msk.f32 $0xffff, v2;
	v2 =	vadd.f32 v55, v59;
	v5 =	vadd.f32 v8, v5  }
0x1d8: {  	v23 =	vld [tilespmem:s30+$0x4260];
	v62 =	vunpack.i.l.bf16.f32 v1;
	v60 =	vadd.f32 $0.0e+00, v58;
	v0 =	vadd.f32 v0, v3  }
0x1d9: {  	v61 =	vunpack.i.u.bf16.f32 v11;
	(xrf2) =	vadd.scan.msk.f32 $0xffff, v4;
	v3 =	vadd.f32 v42, v5;
	v5 =	vadd.f32 $0.0e+00, v44  }
0x1da: {  	v7 =	vsub.bf16 v57, v27;
	v8 =	vunpack.i.u.bf16.f32 v40;
	v40 =	vld [tilespmem:s30+$0xC2B0];
	v4 =	vadd.f32 v60, v61  }
0x1db: {  	v11 =	vunpack.i.l.bf16.f32 v63;
	v37 =	vld [tilespmem:s30+$0xC2A0];
	v3 =	vadd.f32 v3, v8;
	v5 =	vadd.f32 v5, v45;
	(xrf2) =	vadd.scan.msk.f32 $0xffff, v0  }
0x1dc: {  	v43 =	vld [tilespmem:s30+$0x4290];
	v8 =	vunpack.i.l.bf16.f32 v47;
	v0 =	vadd.f32 v62, v2;
	v2 =	vadd.f32 v11, v4  }
0x1dd: {  	v19 =	vld [tilespmem:s30+$0x4240];
	v1 =	vunpack.i.u.bf16.f32 v1;
	v14, _, _ =	vpop (xrf2);
	v4 =	vsub.bf16 v51, v23;
	v5 =	vadd.f32 v8, v5  }
0x1de: {  	v13 =	vld [tilespmem:s30+$0x4220];
	v12 =	vunpack.i.u.bf16.f32 v63;
	(v2sf) =	vpush v14, $0xF;
	v8 =	vadd.f32 v53, v50  }
0x1df: {  	v30 =	vld [tilespmem:s30+$0xC280];
	v42 =	vunpack.i.l.bf16.f32 v38;
	v0 =	vadd.f32 v0, v1;
	v5 =	vadd.f32 v5, v17  }
0x1e0: {  	(xrf2) =	vadd.scan.msk.f32 $0xffff, v3;
	v36 =	vand.u32 $0x7FFF7FFF, v4;
	v4 =	vpack.i.f32.bf16 v40, v37;
	v3 =	vadd.f32 v8, v10;
	v17 =	vld [tilespmem:s30+$0x4230]  }
0x1e1: {  	v32 =	vld [tilespmem:s30+$0xC290];
	v1 =	vadd.f32 v2, v12;
	v39 =	vunpack.i.l.bf16.f32 v36;
	v11 =	vsub.bf16 v4, v43;
	(xrf2) =	vadd.scan.msk.f32 $0xffff, v5  }
0x1e2: {  	v41 =	vld [tilespmem:s30+$0x42A0];
	v44 =	vand.u32 $0x7FFF7FFF, v7;
	v15, _, _ =	vpop (xrf2);
	v6 =	vadd.f32 $0.0e+00, v39;
	(xrf2) =	vadd.scan.msk.f32 $0xffff, v3;
	v3 =	vsub.bf16 v51, v19  }
0x1e3: {  	v34 =	vld [tilespmem:s30+$0x4280];
	v7 =	vunpack.i.l.bf16.f32 v44;
	(v2sf) =	vpush v15, $0xF;
	v16, _, _ =	vpop (xrf2);
	(xrf2) =	vadd.scan.msk.f32 $0xffff, v0;
	v0 =	vsub.bf16 v51, v13  }
0x1e4: {  	v45 =	vld [tilespmem:s30+$0x42C0];
	v50 =	vand.u32 $0x7FFF7FFF, v11;
	(v2sf) =	vpush v16, $0xF;
	v3 =	vand.u32 $0x7FFF7FFF, v3  }
0x1e5: {  	v53 =	vld [tilespmem:s30+$0x42E0];
	v2 =	vsub.bf16 v57, v17;
	v18, _, _ =	vpop (xrf2);
	v0 =	vand.u32 $0x7FFF7FFF, v0;
	v33 =	vunpack.i.l.bf16.f32 v3  }
0x1e6: {  	v35 =	vunpack.i.u.bf16.f32 v3;
	v3 =	vunpack.i.u.bf16.f32 v36;
	(v2sf) =	vpush v18, $0xF  }
0x1e7: {  	v47 =	vld [tilespmem:s30+$0x42B0];
	v22 =	vunpack.i.l.bf16.f32 v0;
	v29 =	vand.u32 $0x7FFF7FFF, v2;
	v5 =	vadd.f32 $0.0e+00, v33  }
0x1e8: {  	(xrf2) =	vadd.scan.msk.f32 $0xffff, v1;
	v2 =	vpack.i.f32.bf16 v32, v30;
	v3 =	vadd.f32 v6, v3;
	v1 =	vadd.f32 $0.0e+00, v22  }
0x1e9: {  	v49 =	vld [tilespmem:s30+$0x42D0];
	v52 =	vunpack.i.u.bf16.f32 v50;
	v9 =	vsub.bf16 v2, v34;
	v8 =	vsub.bf16 v2, v41  }
0x1ea: {  	v54 =	vld [tilespmem:s30+$0x42F0];
	v0 =	vunpack.i.u.bf16.f32 v0;
	v20, _, _ =	vpop (xrf2);
	v10 =	vsub.bf16 v2, v45;
	v2 =	vsub.bf16 v2, v53  }
0x1eb: {  	v6 =	vunpack.i.u.bf16.f32 v44;
	(v2sf) =	vpush v20, $0xF;
	v3 =	vadd.f32 v7, v3  }
0x1ec: {  	v31 =	vunpack.i.l.bf16.f32 v29;
	v7 =	vsub.bf16 v4, v47;
	v0 =	vadd.f32 v1, v0  }
0x1ed: {  	v1 =	vunpack.i.u.bf16.f32 v29;
	v9 =	vand.u32 $0x7FFF7FFF, v9;
	v48 =	vand.u32 $0x7FFF7FFF, v8  }
0x1ee: {  	v10 =	vand.u32 $0x7FFF7FFF, v10;
	v8 =	vsub.bf16 v4, v49;
	v2 =	vand.u32 $0x7FFF7FFF, v2  }
0x1ef: {  	v4 =	vsub.bf16 v4, v54;
	v46 =	vunpack.i.l.bf16.f32 v9;
	v9 =	vunpack.i.u.bf16.f32 v9  }
0x1f0: {  	v56 =	vld [tilespmem:s30+$0xC300];
	v3 =	vadd.f32 v3, v6;
	v51 =	vunpack.i.l.bf16.f32 v48;
	v6 =	vunpack.i.u.bf16.f32 v48  }
0x1f1: {  	v58 =	vld [tilespmem:s30+$0xC310];
	v7 =	vand.u32 $0x7FFF7FFF, v7;
	v55 =	vunpack.i.l.bf16.f32 v10;
	v59 =	vunpack.i.u.bf16.f32 v10  }
0x1f2: {  	v20 =	vunpack.i.l.bf16.f32 v2;
	v2 =	vunpack.i.u.bf16.f32 v2;
	v0 =	vadd.f32 v31, v0  }
0x1f3: {  	v60 =	vld [tilespmem:s30+$0x4300];
	v21, _, _ =	vpop (xrf2);
	v11 =	vadd.f32 $0.0e+00, v51;
	v57 =	vunpack.i.l.bf16.f32 v7;
	v8 =	vand.u32 $0x7FFF7FFF, v8  }
0x1f4: {  	v32 =	vld [tilespmem:s30+$0x4360];
	v7 =	vunpack.i.u.bf16.f32 v7;
	v12 =	vadd.f32 $0.0e+00, v20;
	(v2sf) =	vpush v21, $0xF;
	v24, _, _ =	vpop (xrf2)  }
0x1f5: {  	v4 =	vand.u32 $0x7FFF7FFF, v4;
	v62 =	vunpack.i.l.bf16.f32 v8;
	(v2sf) =	vpush v24, $0xF  }
0x1f6: {  	v63 =	vld [tilespmem:s30+$0xC330];
	v21 =	vpack.i.f32.bf16 v58, v56;
	v0 =	vadd.f32 v0, v1;
	v1 =	vadd.f32 v5, v35  }
0x1f7: {  	v61 =	vld [tilespmem:s30+$0xC320];
	v8 =	vunpack.i.u.bf16.f32 v8;
	v6 =	vadd.f32 v11, v6;
	v11 =	vadd.f32 $0.0e+00, v55  }
0x1f8: {  	v22 =	vld [tilespmem:s30+$0x4310];
	v23 =	vunpack.i.u.bf16.f32 v4;
	v26, _, _ =	vpop (xrf2);
	v10 =	vsub.bf16 v21, v60;
	v2 =	vadd.f32 v12, v2  }
0x1f9: {  	v20 =	vld [tilespmem:s30+$0xC3B0];
	v4 =	vunpack.i.l.bf16.f32 v4;
	v14 =	vsub.bf16 v21, v32;
	(v2sf) =	vpush v26, $0xF;
	v28, _, _ =	vpop (xrf2)  }
0x1fa: {  	v5 =	vunpack.i.u.bf16.f32 v38;
	v26 =	vld [tilespmem:s30+$0x4340];
	(v2sf) =	vpush v28, $0xF;
	v1 =	vadd.f32 v42, v1  }
0x1fb: {  	v6 =	vadd.f32 v57, v6;
	v10 =	vand.u32 $0x7FFF7FFF, v10;
	v2 =	vadd.f32 v4, v2;
	v42 =	vld [tilespmem:s30+$0xC3A0]  }
0x1fc: {  	v58 =	vld [tilespmem:s30+$0x43D0];
	v25 =	vunpack.i.l.bf16.f32 v10;
	v1 =	vadd.f32 v1, v5;
	v5 =	vadd.f32 $0.0e+00, v46  }
0x1fd: {  	v24 =	vld [tilespmem:s30+$0x4330];
	v14 =	vand.u32 $0x7FFF7FFF, v14;
	v27 =	vunpack.i.u.bf16.f32 v10;
	v13 =	vadd.f32 $0.0e+00, v25  }
0x1fe: {  	v45 =	vunpack.i.u.bf16.f32 v14;
	v6 =	vadd.f32 v6, v7;
	v5 =	vadd.f32 v5, v9  }
0x1ff: {  	v19 =	vld [tilespmem:s30+$0x4320];
	v2 =	vadd.f32 v2, v23;
	v9 =	vunpack.i.l.bf16.f32 v50;
	v4 =	vadd.f32 v13, v27  }
0x200: {  	v30 =	vld [tilespmem:s30+$0x4350];
	(xrf2) =	vadd.scan.msk.f32 $0xffff, v0;
	v33 =	vsub.bf16 v21, v26;
	v51 =	vpack.i.f32.bf16 v20, v42;
	v5 =	vadd.f32 v9, v5  }
0x201: {  	v34 =	vld [tilespmem:s30+$0x4370];
	v9 =	vadd.f32 v11, v59;
	v11 =	vpack.i.f32.bf16 v63, v61;
	v17 =	vsub.bf16 v51, v58  }
0x202: {  	v37 =	vand.u32 $0x7FFF7FFF, v33;
	v15 =	vsub.bf16 v11, v22;
	v12 =	vsub.bf16 v11, v24  }
0x203: {  	v39 =	vunpack.i.l.bf16.f32 v37;
	v5 =	vadd.f32 v5, v52;
	v18 =	vadd.f32 v62, v9  }
0x204: {  	v40 =	vld [tilespmem:s30+$0x4380];
	(xrf2) =	vadd.scan.msk.f32 $0xffff, v1;
	v9 =	vsub.bf16 v21, v19;
	v41 =	vadd.f32 $0.0e+00, v39;
	v19 =	vunpack.i.l.bf16.f32 v14  }
0x205: {  	v36 =	vld [tilespmem:s30+$0xC380];
	v21 =	vand.u32 $0x7FFF7FFF, v17;
	v28 =	vand.u32 $0x7FFF7FFF, v15;
	v15 =	vsub.bf16 v11, v30  }
0x206: {  	v44 =	vld [tilespmem:s30+$0x4390];
	(xrf2) =	vadd.scan.msk.f32 $0xffff, v3;
	v12 =	vand.u32 $0x7FFF7FFF, v12;
	v19 =	vadd.f32 $0.0e+00, v19;
	v11 =	vsub.bf16 v11, v34  }
0x207: {  	v38 =	vld [tilespmem:s30+$0xC390];
	v7 =	vadd.f32 v18, v8;
	v9 =	vand.u32 $0x7FFF7FFF, v9;
	v31 =	vunpack.i.l.bf16.f32 v28  }
0x208: {  	v47 =	vld [tilespmem:s30+$0x43A0];
	v10 =	vunpack.i.u.bf16.f32 v28;
	v35 =	vunpack.i.l.bf16.f32 v12;
	v12 =	vunpack.i.u.bf16.f32 v12  }
0x209: {  	v48 =	vld [tilespmem:s30+$0x43C0];
	v29 =	vunpack.i.l.bf16.f32 v9;
	v4 =	vadd.f32 v31, v4;
	v9 =	vunpack.i.u.bf16.f32 v9  }
0x20a: {  	v22, _, _ =	vpop (xrf2);
	v15 =	vand.u32 $0x7FFF7FFF, v15;
	v11 =	vand.u32 $0x7FFF7FFF, v11;
	v13 =	vadd.f32 $0.0e+00, v29  }
0x20b: {  	(v2sf) =	vpush v22, $0xF;
	v43 =	vunpack.i.l.bf16.f32 v15;
	v15 =	vunpack.i.u.bf16.f32 v15  }
0x20c: {  	v4 =	vadd.f32 v4, v10;
	v10 =	vpack.i.f32.bf16 v38, v36;
	v9 =	vadd.f32 v13, v9  }
0x20d: {  	(xrf2) =	vadd.scan.msk.f32 $0xffff, v5;
	v49 =	vunpack.i.l.bf16.f32 v11;
	v46 =	vsub.bf16 v10, v40;
	v13 =	vsub.bf16 v51, v44  }
0x20e: {  	(xrf2) =	vadd.scan.msk.f32 $0xffff, v6;
	v53 =	vunpack.i.u.bf16.f32 v11;
	v57 =	vsub.bf16 v10, v47;
	v60 =	vsub.bf16 v10, v48;
	v26, _, _ =	vpop (xrf2)  }
0x20f: {  	(xrf2) =	vadd.scan.msk.f32 $0xffff, v7;
	(v2sf) =	vpush v26, $0xF;
	v8 =	vadd.f32 v35, v9;
	v9 =	vunpack.i.u.bf16.f32 v37  }
0x210: {  	(xrf2) =	vadd.scan.msk.f32 $0xffff, v2;
	v27, _, _ =	vpop (xrf2);
	v14 =	vand.u32 $0x7FFF7FFF, v46;
	v59 =	vand.u32 $0x7FFF7FFF, v13;
	v3 =	vand.u32 $0x7FFF7FFF, v57  }
0x211: {  	v55 =	vld [tilespmem:s30+$0x43B0];
	v63 =	vand.u32 $0x7FFF7FFF, v60;
	(v2sf) =	vpush v27, $0xF;
	v9 =	vadd.f32 v41, v9  }
0x212: {  	v39 =	vld [tilespmem:s30+$0xC410];
	v52 =	vunpack.i.l.bf16.f32 v14;
	v62 =	vunpack.i.l.bf16.f32 v3;
	v8 =	vadd.f32 v8, v12  }
0x213: {  	v31 =	vld [tilespmem:s30+$0x43E0];
	(xrf2) =	vadd.scan.msk.f32 $0xffff, v4;
	v11 =	vunpack.i.l.bf16.f32 v63;
	v12 =	vadd.f32 v19, v45;
	v54 =	vadd.f32 $0.0e+00, v52  }
0x214: {  	v47 =	vld [tilespmem:s30+$0x4420];
	v56 =	vunpack.i.u.bf16.f32 v14;
	v13 =	vadd.f32 $0.0e+00, v62;
	v16 =	vadd.f32 $0.0e+00, v11  }
0x215: {  	v48 =	vld [tilespmem:s30+$0x4410];
	v3 =	vunpack.i.u.bf16.f32 v3;
	v9 =	vadd.f32 v43, v9;
	v50 =	vadd.f32 v49, v12  }
0x216: {  	v19 =	vunpack.i.u.bf16.f32 v63;
	v45 =	vld [tilespmem:s30+$0xC430];
	v1 =	vadd.f32 v54, v56;
	v2 =	vadd.f32 v13, v3  }
0x217: {  	v25 =	vunpack.i.l.bf16.f32 v21;
	v43 =	vld [tilespmem:s30+$0xC420];
	v4 =	vadd.f32 v16, v19;
	v30, _, _ =	vpop (xrf2);
	v9 =	vadd.f32 v9, v15  }
0x218: {  	v5 =	vunpack.i.l.bf16.f32 v59;
	v62 =	vld [tilespmem:s30+$0x4450];
	v15 =	vsub.bf16 v51, v55;
	(v2sf) =	vpush v30, $0xF;
	v32, _, _ =	vpop (xrf2)  }
0x219: {  	v37 =	vld [tilespmem:s30+$0xC400];
	v61 =	vunpack.i.u.bf16.f32 v59;
	v1 =	vadd.f32 v5, v1;
	(v2sf) =	vpush v32, $0xF;
	v33, _, _ =	vpop (xrf2)  }
0x21a: {  	v63 =	vld [tilespmem:s30+$0x4470];
	v0 =	vadd.f32 v50, v53;
	v18 =	vand.u32 $0x7FFF7FFF, v15;
	(v2sf) =	vpush v33, $0xF;
	v34, _, _ =	vpop (xrf2)  }
0x21b: {  	v53 =	vld [tilespmem:s30+$0x4430];
	v20 =	vunpack.i.l.bf16.f32 v18;
	v23 =	vadd.f32 v1, v61;
	(v2sf) =	vpush v34, $0xF  }
0x21c: {  	v41 =	vld [tilespmem:s30+$0x4400];
	v6 =	vpack.i.f32.bf16 v45, v43;
	v24 =	vadd.f32 v20, v2;
	v2 =	vadd.f32 v25, v4  }
0x21d: {  	(xrf2) =	vadd.scan.msk.f32 $0xffff, v8;
	v56 =	vld [tilespmem:s30+$0x4440];
	v3 =	vunpack.i.u.bf16.f32 v18;
	v36, _, _ =	vpop (xrf2);
	v4 =	vsub.bf16 v6, v48;
	v11 =	vsub.bf16 v6, v62  }
0x21e: {  	v29 =	vunpack.i.u.bf16.f32 v21;
	v60 =	vld [tilespmem:s30+$0x4460];
	(v2sf) =	vpush v36, $0xF;
	v28 =	vadd.f32 v24, v3  }
0x21f: {  	(xrf2) =	vadd.scan.msk.f32 $0xffff, v9;
	v1 =	vadd.f32 v2, v29;
	v2 =	vsub.bf16 v10, v31;
	v3 =	vpack.i.f32.bf16 v39, v37  }
0x220: {  	v35 =	vld [tilespmem:s30+$0x43F0];
	(xrf2) =	vadd.scan.msk.f32 $0xffff, v0;
	v4 =	vand.u32 $0x7FFF7FFF, v4;
	v5 =	vsub.bf16 v6, v53;
	v6 =	vsub.bf16 v6, v63  }
0x221: {  	(xrf2) =	vadd.scan.msk.f32 $0xffff, v23;
	v23 =	vand.u32 $0x7FFF7FFF, v11;
	v50 =	vsub.bf16 v3, v41;
	v55 =	vsub.bf16 v3, v47  }
0x222: {  	v61 =	vunpack.i.l.bf16.f32 v4;
	v9 =	vsub.bf16 v3, v56;
	v4 =	vunpack.i.u.bf16.f32 v4  }
0x223: {  	v3 =	vsub.bf16 v3, v60;
	v27 =	vunpack.i.l.bf16.f32 v23;
	v2 =	vand.u32 $0x7FFF7FFF, v2  }
0x224: {  	(xrf2) =	vadd.scan.msk.f32 $0xffff, v28;
	v5 =	vand.u32 $0x7FFF7FFF, v5;
	v6 =	vand.u32 $0x7FFF7FFF, v6;
	v44 =	vunpack.i.l.bf16.f32 v2  }
0x225: {  	v22 =	vld [tilespmem:s30+$0xC4A0];
	(xrf2) =	vadd.scan.msk.f32 $0xffff, v1;
	v1 =	vsub.bf16 v51, v35;
	v2 =	vunpack.i.u.bf16.f32 v2;
	v58 =	vand.u32 $0x7FFF7FFF, v55  }
0x226: {  	v25 =	vld [tilespmem:s30+$0xC4B0];
	v17 =	vunpack.i.l.bf16.f32 v5;
	v9 =	vand.u32 $0x7FFF7FFF, v9;
	v5 =	vunpack.i.u.bf16.f32 v5  }
0x227: {  	v32 =	vld [tilespmem:s30+$0x44B0];
	v38, _, _ =	vpop (xrf2);
	v3 =	vand.u32 $0x7FFF7FFF, v3;
	v29 =	vunpack.i.l.bf16.f32 v6;
	v6 =	vunpack.i.u.bf16.f32 v6  }
0x228: {  	v28 =	vld [tilespmem:s30+$0x4490];
	(v2sf) =	vpush v38, $0xF;
	v0 =	vadd.f32 $0.0e+00, v44;
	v59 =	vunpack.i.l.bf16.f32 v58  }
0x229: {  	v26 =	vld [tilespmem:s30+$0x44A0];
	v19 =	vunpack.i.l.bf16.f32 v9;
	v21 =	vunpack.i.u.bf16.f32 v9;
	v24 =	vunpack.i.l.bf16.f32 v3  }
0x22a: {  	v16 =	vld [tilespmem:s30+$0xC480];
	v3 =	vunpack.i.u.bf16.f32 v3;
	v1 =	vand.u32 $0x7FFF7FFF, v1;
	v11 =	vadd.f32 $0.0e+00, v24  }
0x22b: {  	v30 =	vld [tilespmem:s30+$0x44C0];
	v9 =	vpack.i.f32.bf16 v25, v22;
	v40, _, _ =	vpop (xrf2);
	v0 =	vadd.f32 v0, v2;
	v52 =	vunpack.i.l.bf16.f32 v1  }
0x22c: {  	v18 =	vld [tilespmem:s30+$0xC490];
	v2 =	vand.u32 $0x7FFF7FFF, v50;
	(v2sf) =	vpush v40, $0xF;
	v3 =	vadd.f32 v11, v3  }
0x22d: {  	v20 =	vld [tilespmem:s30+$0x4480];
	v54 =	vunpack.i.l.bf16.f32 v2;
	v13 =	vsub.bf16 v9, v28;
	v11 =	vsub.bf16 v9, v32  }
0x22e: {  	v47 =	vld [tilespmem:s30+$0xC520];
	v1 =	vunpack.i.u.bf16.f32 v1;
	v42, _, _ =	vpop (xrf2);
	v0 =	vadd.f32 v52, v0;
	v7 =	vadd.f32 $0.0e+00, v54  }
0x22f: {  	v38 =	vld [tilespmem:s30+$0x44E0];
	v57 =	vunpack.i.u.bf16.f32 v2;
	(v2sf) =	vpush v42, $0xF;
	v3 =	vadd.f32 v29, v3  }
0x230: {  	v50 =	vld [tilespmem:s30+$0xC530];
	v2 =	vunpack.i.u.bf16.f32 v58;
	v46, _, _ =	vpop (xrf2);
	v0 =	vadd.f32 v0, v1;
	v1 =	vadd.f32 v7, v57  }
0x231: {  	[dreg:$0x11] =	wrdreg s0;
	s0 =	spop (v2sf);
	v52 =	vld [tilespmem:s30+$0x4510];
	v35 =	vand.u32 $0x7FFF7FFF, v13;
	(v2sf) =	vpush v46, $0xF;
	v7 =	vadd.f32 $0.0e+00, v59  }
0x232: {  	v43 =	vld [tilespmem:s30+$0xC510];
	v11 =	vand.u32 $0x7FFF7FFF, v11;
	v3 =	vadd.f32 v3, v6;
	v49, _, _ =	vpop (xrf2);
	v1 =	vadd.f32 v61, v1  }
0x233: {  	[dreg:$0x13] =	wrdreg s1;
	s1 =	spop (v2sf);
	v41 =	vld [tilespmem:s30+$0xC500];
	v2 =	vadd.f32 v7, v2;
	v7 =	vpack.i.f32.bf16 v18, v16;
	(v2sf) =	vpush v49, $0xF  }
0x234: {  	v62 =	vld [tilespmem:s30+$0x4560];
	v37 =	vunpack.i.u.bf16.f32 v35;
	v8 =	vsub.bf16 v7, v20;
	v10 =	vsub.bf16 v7, v26  }
0x235: {  	v56 =	vld [tilespmem:s30+$0x4540];
	v57 =	vpack.i.f32.bf16 v50, v47;
	v51, _, _ =	vpop (xrf2);
	v12 =	vsub.bf16 v7, v30;
	v7 =	vsub.bf16 v7, v38  }
0x236: {  	s2 =	spop (v2sf);
	v42 =	vunpack.i.l.bf16.f32 v11;
	v15 =	vsub.bf16 v57, v52;
	(v2sf) =	vpush v51, $0xF  }
0x237: {  	v11 =	vunpack.i.u.bf16.f32 v11;
	v1 =	vadd.f32 v1, v4;
	v2 =	vadd.f32 v17, v2  }
0x238: {  	v4 =	vadd.f32 $0.0e+00, v19;
	v51 =	vpack.i.f32.bf16 v43, v41;
	v8 =	vand.u32 $0x7FFF7FFF, v8  }
0x239: {  	v45 =	vld [tilespmem:s30+$0x4500];
	v33 =	vand.u32 $0x7FFF7FFF, v10;
	v10 =	vunpack.i.l.bf16.f32 v35;
	v12 =	vand.u32 $0x7FFF7FFF, v12  }
0x23a: {  	v7 =	vand.u32 $0x7FFF7FFF, v7;
	v19 =	vsub.bf16 v51, v56;
	v16 =	vsub.bf16 v51, v62  }
0x23b: {  	v61 =	vld [tilespmem:s30+$0x4550];
	v15 =	vand.u32 $0x7FFF7FFF, v15;
	v2 =	vadd.f32 v2, v5;
	v4 =	vadd.f32 v4, v21  }
0x23c: {  	v5 =	vunpack.i.u.bf16.f32 v23;
	v31 =	vunpack.i.l.bf16.f32 v8;
	v8 =	vunpack.i.u.bf16.f32 v8  }
0x23d: {  	(xrf2) =	vadd.scan.msk.f32 $0xffff, v0;
	v36 =	vunpack.i.l.bf16.f32 v33;
	v6 =	vunpack.i.u.bf16.f32 v33;
	v40 =	vunpack.i.l.bf16.f32 v12  }
0x23e: {  	v44 =	vunpack.i.u.bf16.f32 v12;
	v49 =	vunpack.i.l.bf16.f32 v7;
	v12 =	vsub.bf16 v51, v45  }
0x23f: {  	v7 =	vunpack.i.u.bf16.f32 v7;
	v63 =	vunpack.i.l.bf16.f32 v15;
	v15 =	vunpack.i.u.bf16.f32 v15  }
0x240: {  	v34 =	vld [tilespmem:s30+$0x44D0];
	v13 =	vadd.f32 $0.0e+00, v36;
	v19 =	vand.u32 $0x7FFF7FFF, v19;
	v33 =	vsub.bf16 v57, v61  }
0x241: {  	v39 =	vld [tilespmem:s30+$0x44F0];
	v36 =	vand.u32 $0x7FFF7FFF, v16;
	v4 =	vadd.f32 v27, v4;
	v12 =	vand.u32 $0x7FFF7FFF, v12  }
0x242: {  	v28 =	vunpack.i.l.bf16.f32 v19;
	v32 =	vunpack.i.u.bf16.f32 v19;
	v6 =	vadd.f32 v13, v6  }
0x243: {  	v48 =	vld [tilespmem:s30+$0x4520];
	v55 =	vunpack.i.l.bf16.f32 v12;
	v4 =	vadd.f32 v4, v5;
	v5 =	vadd.f32 $0.0e+00, v31  }
0x244: {  	(xrf2) =	vadd.scan.msk.f32 $0xffff, v1;
	v13 =	vadd.f32 $0.0e+00, v40;
	v12 =	vunpack.i.u.bf16.f32 v12;
	v58 =	vadd.f32 $0.0e+00, v55  }
0x245: {  	v38 =	vand.u32 $0x7FFF7FFF, v33;
	v6 =	vadd.f32 v42, v6;
	v5 =	vadd.f32 v5, v8  }
0x246: {  	v41 =	vunpack.i.u.bf16.f32 v38;
	v8 =	vsub.bf16 v9, v34;
	v9 =	vsub.bf16 v9, v39  }
0x247: {  	v24 =	vld [tilespmem:s30+$0xC580];
	(xrf2) =	vadd.scan.msk.f32 $0xffff, v2;
	v2 =	vunpack.i.l.bf16.f32 v38;
	v59 =	vadd.f32 v58, v12;
	v55, _, _ =	vpop (xrf2);
	v6 =	vadd.f32 v6, v11  }
0x248: {  	s3 =	spop (v2sf);
	v54 =	vld [tilespmem:s30+$0x4530];
	v42 =	vunpack.i.u.bf16.f32 v36;
	v11 =	vsub.bf16 v51, v48;
	(v2sf) =	vpush v55, $0xF  }
0x249: {  	v30 =	vld [tilespmem:s30+$0xC5A0];
	v39 =	vunpack.i.l.bf16.f32 v36;
	v5 =	vadd.f32 v10, v5;
	v10 =	vadd.f32 v13, v44  }
0x24a: {  	v34 =	vld [tilespmem:s30+$0xC5B0];
	v8 =	vand.u32 $0x7FFF7FFF, v8;
	v13 =	vadd.f32 $0.0e+00, v49;
	v9 =	vand.u32 $0x7FFF7FFF, v9  }
0x24b: {  	v29 =	vld [tilespmem:s30+$0x4570];
	v46 =	vunpack.i.l.bf16.f32 v8;
	v8 =	vunpack.i.u.bf16.f32 v8;
	v53 =	vunpack.i.u.bf16.f32 v9  }
0x24c: {  	v26 =	vld [tilespmem:s30+$0xC590];
	(xrf2) =	vadd.scan.msk.f32 $0xffff, v4;
	v9 =	vunpack.i.l.bf16.f32 v9;
	v11 =	vand.u32 $0x7FFF7FFF, v11;
	v5 =	vadd.f32 v5, v37  }
0x24d: {  	v21 =	vld [tilespmem:s30+$0x4580];
	(xrf2) =	vadd.scan.msk.f32 $0xffff, v3;
	v10 =	vadd.f32 v46, v10;
	v7 =	vadd.f32 v13, v7;
	v60 =	vunpack.i.l.bf16.f32 v11  }
0x24e: {  	v13 =	vsub.bf16 v57, v54;
	v11 =	vunpack.i.u.bf16.f32 v11;
	v58, _, _ =	vpop (xrf2);
	v12 =	vadd.f32 $0.0e+00, v60  }
0x24f: {  	s5 =	spop (v2sf);
	v44 =	vpack.i.f32.bf16 v34, v30;
	(v2sf) =	vpush v58, $0xF;
	v8 =	vadd.f32 v10, v8  }
0x250: {  	v37 =	vld [tilespmem:s30+$0x4590];
	v7 =	vadd.f32 v9, v7;
	v10 =	vadd.f32 v63, v59;
	v25 =	vand.u32 $0x7FFF7FFF, v13  }
0x251: {  	v13 =	vpack.i.f32.bf16 v26, v24;
	v9 =	vsub.bf16 v57, v29;
	v11 =	vadd.f32 v12, v11  }
0x252: {  	v27 =	vunpack.i.l.bf16.f32 v25;
	v40 =	vsub.bf16 v13, v21;
	v7 =	vadd.f32 v7, v53  }
0x253: {  	(xrf2) =	vadd.scan.msk.f32 $0xffff, v5;
	v12 =	vunpack.i.u.bf16.f32 v25;
	v60, _, _ =	vpop (xrf2);
	v10 =	vadd.f32 v10, v15;
	v15 =	vadd.f32 $0.0e+00, v28  }
0x254: {  	s8 =	spop (v2sf);
	v17 =	vld [tilespmem:s30+$0x45D0];
	v46 =	vand.u32 $0x7FFF7FFF, v9;
	(v2sf) =	vpush v60, $0xF;
	v11 =	vadd.f32 v27, v11  }
0x255: {  	(xrf2) =	vadd.scan.msk.f32 $0xffff, v6;
	v43 =	vand.u32 $0x7FFF7FFF, v40;
	v48 =	vsub.bf16 v44, v37;
	v27 =	vld [tilespmem:s30+$0x45F0];
	v35 =	vadd.f32 v15, v32  }
0x256: {  	v19 =	vld [tilespmem:s30+$0x45E0];
	(xrf2) =	vadd.scan.msk.f32 $0xffff, v8;
	v45 =	vunpack.i.l.bf16.f32 v43;
	v62, _, _ =	vpop (xrf2);
	v31 =	vadd.f32 v11, v12;
	v12 =	vadd.f32 $0.0e+00, v39  }
0x257: {  	s9 =	spop (v2sf);
	v6 =	vld [tilespmem:s30+$0x45A0];
	v49 =	vunpack.i.l.bf16.f32 v46;
	v47 =	vadd.f32 $0.0e+00, v45;
	(v2sf) =	vpush v62, $0xF;
	v63, _, _ =	vpop (xrf2)  }
0x258: {  	s6 =	spop (v2sf);
	v34 =	vld [tilespmem:s30+$0x4620];
	v50 =	vunpack.i.u.bf16.f32 v43;
	(xrf2) =	vadd.scan.msk.f32 $0xffff, v7;
	v1 =	vadd.f32 v2, v35;
	(v2sf) =	vpush v63, $0xF  }
0x259: {  	v52 =	vand.u32 $0x7FFF7FFF, v48;
	(xrf2) =	vadd.scan.msk.f32 $0xffff, v10;
	v10 =	vld [tilespmem:s30+$0x45C0];
	v3 =	vadd.f32 v12, v42;
	v51 =	vadd.f32 v47, v50  }
0x25a: {  	v24 =	vld [tilespmem:s30+$0xC610];
	v54 =	vunpack.i.l.bf16.f32 v52;
	v1 =	vadd.f32 v1, v41;
	v5 =	vsub.bf16 v44, v27  }
0x25b: {  	v53 =	vunpack.i.u.bf16.f32 v46;
	(xrf2) =	vadd.scan.msk.f32 $0xffff, v31;
	v12 =	vld [tilespmem:s30+$0x45B0];
	v2 =	vadd.f32 v49, v3;
	v57 =	vadd.f32 v54, v51  }
0x25c: {  	v21 =	vld [tilespmem:s30+$0xC600];
	v59 =	vunpack.i.u.bf16.f32 v52;
	(xrf2) =	vadd.scan.msk.f32 $0xffff, v1;
	v1 =	vsub.bf16 v13, v6;
	v6 =	vsub.bf16 v13, v19  }
0x25d: {  	v26 =	vld [tilespmem:s30+$0x4600];
	v4, _, _ =	vpop (xrf2);
	v56 =	vadd.f32 v2, v53;
	v61 =	vadd.f32 v57, v59  }
0x25e: {  	s7 =	spop (v2sf);
	v29 =	vld [tilespmem:s30+$0xC620];
	v5 =	vand.u32 $0x7FFF7FFF, v5;
	(v2sf) =	vpush v4, $0xF;
	v2 =	vsub.bf16 v13, v10  }
0x25f: {  	s13 =	spop (v2sf);
	v31 =	vld [tilespmem:s30+$0xC630];
	v7, _, _ =	vpop (xrf2);
	v4 =	vsub.bf16 v44, v17;
	v38 =	vunpack.i.l.bf16.f32 v5;
	v5 =	vunpack.i.u.bf16.f32 v5  }
0x260: {  	s12 =	spop (v2sf);
	(v2sf) =	vpush v7, $0xF;
	v8, _, _ =	vpop (xrf2);
	v1 =	vand.u32 $0x7FFF7FFF, v1;
	v3 =	vsub.bf16 v44, v12  }
0x261: {  	v33 =	vld [tilespmem:s30+$0x4610];
	v6 =	vand.u32 $0x7FFF7FFF, v6;
	v7 =	vpack.i.f32.bf16 v24, v21;
	(v2sf) =	vpush v8, $0xF  }
0x262: {  	v37 =	vld [tilespmem:s30+$0x4640];
	v18 =	vunpack.i.l.bf16.f32 v1;
	v1 =	vunpack.i.u.bf16.f32 v1;
	v2 =	vand.u32 $0x7FFF7FFF, v2  }
0x263: {  	v46 =	vld [tilespmem:s30+$0x4660];
	v28 =	vand.u32 $0x7FFF7FFF, v4;
	v32 =	vunpack.i.l.bf16.f32 v6;
	v10 =	vsub.bf16 v7, v26  }
0x264: {  	v6 =	vunpack.i.u.bf16.f32 v6;
	v4 =	vpack.i.f32.bf16 v31, v29;
	v40 =	vsub.bf16 v7, v34  }
0x265: {  	v55 =	vld [tilespmem:s30+$0x4670];
	v0 =	vadd.f32 $0.0e+00, v18;
	v22 =	vand.u32 $0x7FFF7FFF, v3;
	v23 =	vunpack.i.l.bf16.f32 v2  }
0x266: {  	v39 =	vld [tilespmem:s30+$0x4630];
	v9, _, _ =	vpop (xrf2);
	v2 =	vunpack.i.u.bf16.f32 v2;
	v30 =	vunpack.i.l.bf16.f32 v28;
	v8 =	vsub.bf16 v4, v33  }
0x267: {  	s10 =	spop (v2sf);
	v52 =	vld [tilespmem:s30+$0xC690];
	(v2sf) =	vpush v9, $0xF;
	v25 =	vunpack.i.l.bf16.f32 v22;
	v3 =	vadd.f32 $0.0e+00, v23  }
0x268: {  	v44 =	vld [tilespmem:s30+$0x4650];
	v11, _, _ =	vpop (xrf2);
	v35 =	vand.u32 $0x7FFF7FFF, v10;
	v9 =	vsub.bf16 v7, v37;
	v7 =	vsub.bf16 v7, v46  }
0x269: {  	s11 =	spop (v2sf);
	v49 =	vld [tilespmem:s30+$0xC680];
	v43 =	vand.u32 $0x7FFF7FFF, v40;
	(v2sf) =	vpush v11, $0xF;
	v0 =	vadd.f32 v0, v1  }
0x26a: {  	v58 =	vld [tilespmem:s30+$0xC6B0];
	v1 =	vunpack.i.u.bf16.f32 v22;
	v36 =	vunpack.i.l.bf16.f32 v35;
	v41 =	vand.u32 $0x7FFF7FFF, v8  }
0x26b: {  	v60 =	vld [tilespmem:s30+$0x4690];
	v45 =	vunpack.i.l.bf16.f32 v43;
	v11 =	vsub.bf16 v4, v39;
	v47 =	vunpack.i.u.bf16.f32 v43  }
0x26c: {  	(xrf2) =	vadd.scan.msk.f32 $0xffff, v56;
	v56 =	vld [tilespmem:s30+$0xC6A0];
	v2 =	vadd.f32 v3, v2;
	v3 =	vunpack.i.u.bf16.f32 v28;
	v42 =	vunpack.i.l.bf16.f32 v41  }
0x26d: {  	(xrf2) =	vadd.scan.msk.f32 $0xffff, v61;
	v61 =	vld [tilespmem:s30+$0x46A0];
	v14, _, _ =	vpop (xrf2);
	v48 =	vand.u32 $0x7FFF7FFF, v9;
	v10 =	vsub.bf16 v4, v44;
	v7 =	vand.u32 $0x7FFF7FFF, v7  }
0x26e: {  	s15 =	spop (v2sf);
	v27 =	vld [tilespmem:s30+$0x46D0];
	v9 =	vpack.i.f32.bf16 v52, v49;
	v4 =	vsub.bf16 v4, v55;
	(v2sf) =	vpush v14, $0xF  }
0x26f: {  	v0 =	vadd.f32 v25, v0;
	v50 =	vand.u32 $0x7FFF7FFF, v11;
	v51 =	vunpack.i.l.bf16.f32 v48  }
0x270: {  	v8 =	vunpack.i.u.bf16.f32 v48;
	v59 =	vunpack.i.l.bf16.f32 v7;
	v7 =	vunpack.i.u.bf16.f32 v7  }
0x271: {  	v54 =	vld [tilespmem:s30+$0x4680];
	v63 =	vpack.i.f32.bf16 v58, v56;
	v53 =	vunpack.i.l.bf16.f32 v50;
	v11 =	vadd.f32 $0.0e+00, v51  }
0x272: {  	v31 =	vld [tilespmem:s30+$0xC700];
	v10 =	vand.u32 $0x7FFF7FFF, v10;
	v13 =	vsub.bf16 v63, v60;
	v23 =	vsub.bf16 v9, v61  }
0x273: {  	v34 =	vld [tilespmem:s30+$0xC710];
	v4 =	vand.u32 $0x7FFF7FFF, v4;
	v14 =	vsub.bf16 v63, v27;
	v0 =	vadd.f32 v0, v1  }
0x274: {  	v15, _, _ =	vpop (xrf2);
	v1 =	vadd.f32 v30, v2;
	v2 =	vadd.f32 $0.0e+00, v32;
	v57 =	vunpack.i.l.bf16.f32 v10  }
0x275: {  	s16 =	spop (v2sf);
	v10 =	vunpack.i.u.bf16.f32 v10;
	v21 =	vunpack.i.l.bf16.f32 v4;
	(v2sf) =	vpush v15, $0xF  }
0x276: {  	v4 =	vunpack.i.u.bf16.f32 v4;
	v8 =	vadd.f32 v11, v8;
	v15 =	vsub.bf16 v9, v54  }
0x277: {  	v24 =	vand.u32 $0x7FFF7FFF, v13;
	v26 =	vand.u32 $0x7FFF7FFF, v23;
	v14 =	vand.u32 $0x7FFF7FFF, v14  }
0x278: {  	v22 =	vld [tilespmem:s30+$0x46B0];
	v13 =	vpack.i.f32.bf16 v34, v31;
	v1 =	vadd.f32 v1, v3;
	v2 =	vadd.f32 v2, v6  }
0x279: {  	v6 =	vadd.f32 $0.0e+00, v36;
	v3 =	vunpack.i.u.bf16.f32 v35;
	v25 =	vunpack.i.l.bf16.f32 v24;
	v16, _, _ =	vpop (xrf2)  }
0x27a: {  	s14 =	spop (v2sf);
	v28 =	vunpack.i.l.bf16.f32 v26;
	v36 =	vld [tilespmem:s30+$0x4700];
	(v2sf) =	vpush v16, $0xF;
	v20, _, _ =	vpop (xrf2);
	v2 =	vadd.f32 v38, v2  }
0x27b: {  	s17 =	spop (v2sf);
	v40 =	vld [tilespmem:s30+$0x4720];
	v30 =	vunpack.i.u.bf16.f32 v26;
	v3 =	vadd.f32 v6, v3;
	(v2sf) =	vpush v20, $0xF  }
0x27c: {  	v39 =	vunpack.i.l.bf16.f32 v14;
	v20 =	vld [tilespmem:s30+$0x46C0];
	v2 =	vadd.f32 v2, v5;
	v5 =	vadd.f32 $0.0e+00, v45  }
0x27d: {  	v29 =	vld [tilespmem:s30+$0x46E0];
	v44 =	vunpack.i.u.bf16.f32 v14;
	v62 =	vand.u32 $0x7FFF7FFF, v15;
	v15 =	vsub.bf16 v63, v22  }
0x27e: {  	v19 =	vunpack.i.l.bf16.f32 v62;
	v38 =	vld [tilespmem:s30+$0xC720];
	v3 =	vadd.f32 v42, v3;
	v5 =	vadd.f32 v5, v47  }
0x27f: {  	v6 =	vunpack.i.u.bf16.f32 v41;
	v11 =	vadd.f32 $0.0e+00, v19;
	v42 =	vld [tilespmem:s30+$0xC730];
	v17 =	vsub.bf16 v13, v36  }
0x280: {  	v32 =	vand.u32 $0x7FFF7FFF, v15;
	v3 =	vadd.f32 v3, v6;
	v5 =	vadd.f32 v53, v5  }
0x281: {  	v43 =	vld [tilespmem:s30+$0x4710];
	v6 =	vunpack.i.u.bf16.f32 v50;
	v50 =	vsub.bf16 v13, v40;
	v12 =	vsub.bf16 v9, v20  }
0x282: {  	v35 =	vunpack.i.l.bf16.f32 v32;
	v47 =	vld [tilespmem:s30+$0x4730];
	v9 =	vsub.bf16 v9, v29;
	v5 =	vadd.f32 v5, v6  }
0x283: {  	v46 =	vand.u32 $0x7FFF7FFF, v17;
	v6 =	vadd.f32 v57, v8;
	v8 =	vadd.f32 $0.0e+00, v59  }
0x284: {  	v49 =	vunpack.i.l.bf16.f32 v46;
	v53 =	vunpack.i.u.bf16.f32 v46;
	v52 =	vpack.i.f32.bf16 v42, v38  }
0x285: {  	v12 =	vand.u32 $0x7FFF7FFF, v12;
	v9 =	vand.u32 $0x7FFF7FFF, v9;
	v7 =	vadd.f32 v8, v7  }
0x286: {  	v37 =	vld [tilespmem:s30+$0x46F0];
	v54 =	vsub.bf16 v52, v43;
	v33 =	vunpack.i.l.bf16.f32 v12;
	v12 =	vunpack.i.u.bf16.f32 v12  }
0x287: {  	v57 =	vsub.bf16 v52, v47;
	v8 =	vunpack.i.u.bf16.f32 v62;
	v7 =	vadd.f32 v21, v7  }
0x288: {  	v27 =	vld [tilespmem:s30+$0xC780];
	(xrf2) =	vadd.scan.msk.f32 $0xffff, v0;
	v41 =	vunpack.i.l.bf16.f32 v9;
	v6 =	vadd.f32 v6, v10;
	v8 =	vadd.f32 v11, v8  }
0x289: {  	(xrf2) =	vadd.scan.msk.f32 $0xffff, v1;
	v29 =	vld [tilespmem:s30+$0xC790];
	v9 =	vunpack.i.u.bf16.f32 v9;
	v15 =	vadd.f32 $0.0e+00, v33;
	v4 =	vadd.f32 v7, v4  }
0x28a: {  	v31 =	vld [tilespmem:s30+$0x4780];
	(xrf2) =	vadd.scan.msk.f32 $0xffff, v2;
	v56 =	vand.u32 $0x7FFF7FFF, v54;
	v7 =	vadd.f32 v25, v8;
	v8 =	vadd.f32 $0.0e+00, v28  }
0x28b: {  	(xrf2) =	vadd.scan.msk.f32 $0xffff, v3;
	v10 =	vsub.bf16 v63, v37;
	v11 =	vunpack.i.u.bf16.f32 v24;
	v58 =	vunpack.i.l.bf16.f32 v56;
	v25 =	vld [tilespmem:s30+$0x4760]  }
0x28c: {  	(xrf2) =	vadd.scan.msk.f32 $0xffff, v5;
	v61 =	vand.u32 $0x7FFF7FFF, v57;
	v62 =	vunpack.i.u.bf16.f32 v56;
	v8 =	vadd.f32 v8, v30  }
0x28d: {  	v12 =	vadd.f32 v15, v12;
	v48 =	vand.u32 $0x7FFF7FFF, v10;
	(xrf2) =	vadd.scan.msk.f32 $0xffff, v6;
	v7 =	vadd.f32 v7, v11  }
0x28e: {  	v10 =	vadd.f32 $0.0e+00, v49;
	(xrf2) =	vadd.scan.msk.f32 $0xffff, v4;
	v4 =	vpack.i.f32.bf16 v29, v27;
	v8 =	vadd.f32 v35, v8  }
0x28f: {  	v63 =	vunpack.i.l.bf16.f32 v61;
	v11 =	vunpack.i.u.bf16.f32 v32;
	(xrf2) =	vadd.scan.msk.f32 $0xffff, v7;
	v7 =	vsub.bf16 v4, v31  }
0x290: {  	v33 =	vld [tilespmem:s30+$0x4770];
	v16 =	vunpack.i.u.bf16.f32 v61;
	v3 =	vsub.bf16 v13, v25;
	v8 =	vadd.f32 v8, v11  }
0x291: {  	v51 =	vunpack.i.u.bf16.f32 v48;
	v11 =	vadd.f32 v39, v12;
	v12 =	vadd.f32 $0.0e+00, v41  }
0x292: {  	v38 =	vld [tilespmem:s30+$0xC7B0];
	v2 =	vunpack.i.l.bf16.f32 v48;
	v5 =	vadd.f32 v10, v53;
	v7 =	vand.u32 $0x7FFF7FFF, v7  }
0x293: {  	v35 =	vld [tilespmem:s30+$0xC7A0];
	v3 =	vand.u32 $0x7FFF7FFF, v3;
	v0 =	vadd.f32 v11, v44;
	v45 =	vadd.f32 v12, v9  }
0x294: {  	v21 =	vld [tilespmem:s30+$0x4750];
	v12 =	vand.u32 $0x7FFF7FFF, v50;
	v41 =	vunpack.i.u.bf16.f32 v3;
	v3 =	vunpack.i.l.bf16.f32 v3  }
0x295: {  	s4 =	spop (v2sf);
	v39 =	vld [tilespmem:s30+$0x4790];
	(xrf2) =	vadd.scan.msk.f32 $0xffff, v8;
	v9, _, _ =	vpop (xrf2);
	v8 =	vsub.bf16 v52, v33;
	v44 =	vunpack.i.l.bf16.f32 v7;
	v7 =	vunpack.i.u.bf16.f32 v7  }
0x296: {  	s31 =	spop (v2sf);
	v55 =	vunpack.i.l.bf16.f32 v12;
	(v2sf) =	vpush v9, $0xF;
	v3 =	vadd.f32 $0.0e+00, v3  }
0x297: {  	v42 =	vld [tilespmem:s30+$0x47A0];
	v59 =	vunpack.i.u.bf16.f32 v12;
	v15, _, _ =	vpop (xrf2);
	v6 =	vadd.f32 $0.0e+00, v55;
	v1 =	vadd.f32 v2, v45  }
0x298: {  	s18 =	spop (v2sf);
	v43 =	vpack.i.f32.bf16 v38, v35;
	v2 =	vadd.f32 v58, v5;
	(v2sf) =	vpush v15, $0xF;
	v17, _, _ =	vpop (xrf2)  }
0x299: {  	v12 =	vld [tilespmem:s30+$0x4740];
	(xrf2) =	vadd.scan.msk.f32 $0xffff, v0;
	v0 =	vsub.bf16 v52, v21;
	v8 =	vand.u32 $0x7FFF7FFF, v8;
	(v2sf) =	vpush v17, $0xF  }
0x29a: {  	v5 =	vsub.bf16 v43, v39;
	v46 =	vunpack.i.l.bf16.f32 v8;
	v60 =	vadd.f32 v6, v59  }
0x29b: {  	s23 =	spop (v2sf);
	v45 =	vld [tilespmem:s30+$0x47C0];
	v19, _, _ =	vpop (xrf2);
	v8 =	vunpack.i.u.bf16.f32 v8;
	v1 =	vadd.f32 v1, v51;
	v10 =	vadd.f32 v2, v62  }
0x29c: {  	s24 =	spop (v2sf);
	v50 =	vld [tilespmem:s30+$0x47E0];
	(v2sf) =	vpush v19, $0xF;
	v20, _, _ =	vpop (xrf2);
	v0 =	vand.u32 $0x7FFF7FFF, v0;
	v6 =	vsub.bf16 v4, v42  }
0x29d: {  	s25 =	spop (v2sf);
	v56 =	vld [tilespmem:s30+$0xC800];
	(v2sf) =	vpush v20, $0xF;
	v37 =	vunpack.i.l.bf16.f32 v0;
	v0 =	vunpack.i.u.bf16.f32 v0  }
0x29e: {  	v49 =	vld [tilespmem:s30+$0x47D0];
	v22, _, _ =	vpop (xrf2);
	v5 =	vand.u32 $0x7FFF7FFF, v5;
	v11 =	vadd.f32 v63, v60;
	v23 =	vsub.bf16 v13, v12  }
0x29f: {  	v61 =	vld [tilespmem:s30+$0xC820];
	(xrf2) =	vadd.scan.msk.f32 $0xffff, v1;
	(v2sf) =	vpush v22, $0xF;
	v24, _, _ =	vpop (xrf2);
	v48 =	vunpack.i.l.bf16.f32 v5;
	v6 =	vand.u32 $0x7FFF7FFF, v6  }
0x2a0: {  	s26 =	spop (v2sf);
	v58 =	vld [tilespmem:s30+$0xC810];
	v51 =	vunpack.i.u.bf16.f32 v5;
	(xrf2) =	vadd.scan.msk.f32 $0xffff, v10;
	(v2sf) =	vpush v24, $0xF;
	v10 =	vsub.bf16 v4, v45  }
0x2a1: {  	v59 =	vld [tilespmem:s30+$0x4800];
	v26, _, _ =	vpop (xrf2);
	v52 =	vunpack.i.l.bf16.f32 v6;
	v6 =	vunpack.i.u.bf16.f32 v6;
	v4 =	vsub.bf16 v4, v50  }
0x2a2: {  	s28 =	spop (v2sf);
	v63 =	vld [tilespmem:s30+$0xC830];
	v18 =	vadd.f32 v11, v16;
	v2 =	vand.u32 $0x7FFF7FFF, v23;
	(v2sf) =	vpush v26, $0xF  }
0x2a3: {  	v22 =	vld [tilespmem:s30+$0x4820];
	v53 =	vadd.f32 $0.0e+00, v52;
	v11 =	vsub.bf16 v43, v49;
	v28 =	vunpack.i.l.bf16.f32 v2  }
0x2a4: {  	v24 =	vld [tilespmem:s30+$0x4810];
	v2 =	vunpack.i.u.bf16.f32 v2;
	v54 =	vand.u32 $0x7FFF7FFF, v10;
	v4 =	vand.u32 $0x7FFF7FFF, v4  }
0x2a5: {  	v30, _, _ =	vpop (xrf2);
	v1 =	vadd.f32 $0.0e+00, v28;
	v10 =	vunpack.i.l.bf16.f32 v54;
	v5 =	vunpack.i.u.bf16.f32 v54  }
0x2a6: {  	s29 =	spop (v2sf);
	v21 =	vunpack.i.l.bf16.f32 v4;
	(v2sf) =	vpush v30, $0xF;
	v57 =	vadd.f32 $0.0e+00, v10  }
0x2a7: {  	v47 =	vld [tilespmem:s30+$0x47B0];
	v23 =	vadd.f32 $0.0e+00, v21;
	v10 =	vpack.i.f32.bf16 v58, v56;
	v1 =	vadd.f32 v1, v2  }
0x2a8: {  	v29 =	vpack.i.f32.bf16 v63, v61;
	v2 =	vadd.f32 $0.0e+00, v44;
	v25 =	vsub.bf16 v10, v59  }
0x2a9: {  	v62 =	vand.u32 $0x7FFF7FFF, v11;
	v32, _, _ =	vpop (xrf2);
	v31 =	vsub.bf16 v10, v22;
	v13 =	vsub.bf16 v29, v24  }
0x2aa: {  	s19 =	spop (v2sf);
	v4 =	vunpack.i.u.bf16.f32 v4;
	(v2sf) =	vpush v32, $0xF;
	v5 =	vadd.f32 v57, v5  }
0x2ab: {  	v33 =	vld [tilespmem:s30+$0x4840];
	v20 =	vunpack.i.l.bf16.f32 v62;
	v4 =	vadd.f32 v23, v4;
	v1 =	vadd.f32 v37, v1  }
0x2ac: {  	v42 =	vld [tilespmem:s30+$0xC880];
	(xrf2) =	vadd.scan.msk.f32 $0xffff, v18;
	v2 =	vadd.f32 v2, v7;
	v7 =	vsub.bf16 v43, v47;
	v27 =	vand.u32 $0x7FFF7FFF, v25  }
0x2ad: {  	v44 =	vld [tilespmem:s30+$0xC890];
	v12 =	vand.u32 $0x7FFF7FFF, v31;
	v5 =	vadd.f32 v20, v5;
	v30 =	vunpack.i.l.bf16.f32 v27  }
0x2ae: {  	v22 =	vld [tilespmem:s30+$0x48E0];
	v35 =	vunpack.i.l.bf16.f32 v12;
	v0 =	vadd.f32 v1, v0;
	v1 =	vadd.f32 v3, v41  }
0x2af: {  	v37 =	vld [tilespmem:s30+$0x4860];
	v39 =	vunpack.i.u.bf16.f32 v12;
	v34, _, _ =	vpop (xrf2);
	v3 =	vadd.f32 v48, v2;
	v11 =	vadd.f32 $0.0e+00, v30  }
0x2b0: {  	s20 =	spop (v2sf);
	v7 =	vand.u32 $0x7FFF7FFF, v7;
	v41 =	vsub.bf16 v10, v33;
	(v2sf) =	vpush v34, $0xF  }
0x2b1: {  	v55 =	vld [tilespmem:s30+$0x47F0];
	v60 =	vunpack.i.u.bf16.f32 v7;
	v7 =	vunpack.i.l.bf16.f32 v7;
	v34 =	vand.u32 $0x7FFF7FFF, v13  }
0x2b2: {  	v36, _, _ =	vpop (xrf2);
	v13 =	vadd.f32 $0.0e+00, v35;
	v15 =	vpack.i.f32.bf16 v44, v42;
	v1 =	vadd.f32 v46, v1  }
0x2b3: {  	s21 =	spop (v2sf);
	v48 =	vld [tilespmem:s30+$0x4870];
	(v2sf) =	vpush v36, $0xF;
	v36 =	vunpack.i.l.bf16.f32 v34;
	v33 =	vsub.bf16 v15, v22  }
0x2b4: {  	v28 =	vld [tilespmem:s30+$0x4830];
	v45 =	vand.u32 $0x7FFF7FFF, v41;
	v10 =	vsub.bf16 v10, v37;
	v2 =	vadd.f32 v1, v8  }
0x2b5: {  	v47 =	vunpack.i.l.bf16.f32 v45;
	v1 =	vadd.f32 v3, v51;
	v3 =	vadd.f32 v53, v6  }
0x2b6: {  	v50 =	vld [tilespmem:s30+$0xC8A0];
	v40, _, _ =	vpop (xrf2);
	v6 =	vunpack.i.u.bf16.f32 v62;
	v8 =	vsub.bf16 v43, v55;
	v49 =	vadd.f32 $0.0e+00, v47  }
0x2b7: {  	s22 =	spop (v2sf);
	v63 =	vld [tilespmem:s30+$0x48B0];
	(v2sf) =	vpush v40, $0xF;
	v5 =	vadd.f32 v5, v6;
	v10 =	vand.u32 $0x7FFF7FFF, v10  }
0x2b8: {  	v46 =	vld [tilespmem:s30+$0x4880];
	v9 =	vsub.bf16 v29, v48;
	v3 =	vadd.f32 v7, v3;
	v26 =	vand.u32 $0x7FFF7FFF, v8  }
0x2b9: {  	(xrf2) =	vadd.scan.msk.f32 $0xffff, v0;
	v51 =	vld [tilespmem:s30+$0xC8B0];
	v7 =	vunpack.i.u.bf16.f32 v27;
	v8 =	vsub.bf16 v29, v28;
	v52 =	vunpack.i.l.bf16.f32 v10  }
0x2ba: {  	v55 =	vld [tilespmem:s30+$0x48A0];
	v10 =	vunpack.i.u.bf16.f32 v10;
	(xrf2) =	vadd.scan.msk.f32 $0xffff, v2;
	v2 =	vand.u32 $0x7FFF7FFF, v33;
	v32 =	vunpack.i.u.bf16.f32 v26  }
0x2bb: {  	s7 =	smin.f32 s7, s13;
	[dreg:$0x15] =	wrdreg s18;
	v40 =	vld [tilespmem:s30+$0x4850];
	v6 =	vunpack.i.l.bf16.f32 v26;
	v7 =	vadd.f32 v11, v7;
	v11 =	vunpack.i.u.bf16.f32 v34  }
0x2bc: {  	s7 =	smin.f32 s7, s12;
	s12 =	rddreg [dreg:$0x15];
	v53 =	vld [tilespmem:s30+$0x4890];
	v9 =	vand.u32 $0x7FFF7FFF, v9;
	v41 =	vunpack.i.l.bf16.f32 v2;
	v2 =	vunpack.i.u.bf16.f32 v2  }
0x2bd: {  	[dreg:$0x17] =	wrdreg s23;
	v25 =	vld [tilespmem:s30+$0x48D0];
	v3 =	vadd.f32 v3, v60;
	v4 =	vadd.f32 v6, v4;
	v8 =	vand.u32 $0x7FFF7FFF, v8  }
0x2be: {  	[dreg:$0x19] =	wrdreg s24;
	v59 =	vunpack.i.l.bf16.f32 v9;
	v38 =	vadd.f32 v36, v7;
	v7 =	vadd.f32 v13, v39  }
0x2bf: {  	[dreg:$0x1b] =	wrdreg s25;
	v28 =	vld [tilespmem:s30+$0x48F0];
	v9 =	vunpack.i.u.bf16.f32 v9;
	v13 =	vsub.bf16 v15, v46;
	v62 =	vsub.bf16 v15, v55  }
0x2c0: {  	[dreg:$0x1d] =	wrdreg s26;
	v57 =	vpack.i.f32.bf16 v51, v50;
	v4 =	vadd.f32 v4, v32;
	v12 =	vsub.bf16 v29, v40  }
0x2c1: {  	[dreg:$0x1f] =	wrdreg s28;
	v43 =	vunpack.i.l.bf16.f32 v8;
	v16 =	vsub.bf16 v57, v53;
	v30 =	vsub.bf16 v57, v63  }
0x2c2: {  	s1 =	smin.f32 s0, s1;
	[smem:$0x7E0] =	sst s29;
	v8 =	vunpack.i.u.bf16.f32 v8;
	v36 =	vsub.bf16 v57, v25;
	v6 =	vadd.f32 v38, v11  }
0x2c3: {  	s1 =	smin.f32 s1, s2;
	[smem:$0x7E1] =	sst s19;
	v7 =	vadd.f32 v43, v7;
	v11 =	vunpack.i.u.bf16.f32 v45;
	v56 =	vand.u32 $0x7FFF7FFF, v13  }
0x2c4: {  	s19 =	smin.f32 s11, s15;
	s15 =	rddreg [dreg:$0x19];
	v60 =	vld [tilespmem:s30+$0x48C0];
	v24 =	vand.u32 $0x7FFF7FFF, v62;
	v42 =	vsub.bf16 v57, v28;
	v12 =	vand.u32 $0x7FFF7FFF, v12  }
0x2c5: {  	[smem:$0x7E2] =	sst s20;
	s19 =	smin.f32 s19, s16;
	v58 =	vunpack.i.l.bf16.f32 v56;
	v61 =	vand.u32 $0x7FFF7FFF, v16;
	v16 =	vunpack.i.l.bf16.f32 v24  }
0x2c6: {  	s19 =	smin.f32 s19, s14;
	s14 =	rddreg [dreg:$0x17];
	v29 =	vunpack.i.u.bf16.f32 v24;
	v35 =	vand.u32 $0x7FFF7FFF, v30;
	v7 =	vadd.f32 v7, v8  }
0x2c7: {  	s16 =	rddreg [dreg:$0x1b];
	s0 =	smin.f32 s14, s15;
	v40 =	vand.u32 $0x7FFF7FFF, v36;
	v8 =	vadd.f32 v49, v11;
	v11 =	vadd.f32 $0.0e+00, v52  }
0x2c8: {  	[smem:$0x7E3] =	sst s21;
	s30 =	spop (v2sf);
	v54 =	vunpack.i.l.bf16.f32 v12;
	v14 =	vadd.f32 $0.0e+00, v58;
	v12 =	vunpack.i.u.bf16.f32 v12  }
0x2c9: {  	[smem:$0x7E4] =	sst s22;
	s23 =	spop (v2sf);
	v21 =	vunpack.i.l.bf16.f32 v61;
	v19 =	vsub.bf16 v15, v60;
	v10 =	vadd.f32 v11, v10  }
0x2ca: {  	s19 =	smul.f32 $1.562500000e-02, s19;
	[smem:$0x7E5] =	sst s23;
	v27 =	vadd.f32 $0.0e+00, v16;
	v37 =	vunpack.i.l.bf16.f32 v35;
	v8 =	vadd.f32 v54, v8  }
0x2cb: {  	(xrf2) =	vadd.scan.msk.f32 $0xffff, v1;
	s24 =	spop (v2sf);
	s23 =	smin.f32 s17, s4;
	v11 =	vunpack.i.u.bf16.f32 v56;
	v31 =	vand.u32 $0x7FFF7FFF, v19;
	v10 =	vadd.f32 v59, v10  }
0x2cc: {  	(xrf2) =	vadd.scan.msk.f32 $0xffff, v3;
	[smem:$0x7E6] =	sst s24;
	s25 =	spop (v2sf);
	v32 =	vadd.f32 v27, v29;
	v11 =	vadd.f32 v14, v11;
	v34 =	vunpack.i.l.bf16.f32 v31  }
0x2cd: {  	(xrf2) =	vadd.scan.msk.f32 $0xffff, v5;
	s23 =	smin.f32 s23, s31;
	s31 =	rddreg [dreg:$0x1d];
	v43 =	vunpack.i.l.bf16.f32 v40;
	v9 =	vadd.f32 v10, v9;
	v10 =	vadd.f32 $0.0e+00, v34  }
0x2ce: {  	s0 =	smin.f32 s0, s16;
	(xrf2) =	vadd.scan.msk.f32 $0xffff, v4;
	[smem:$0x7E7] =	sst s25;
	v38 =	vunpack.i.u.bf16.f32 v31;
	v8 =	vadd.f32 v8, v12;
	v23 =	vadd.f32 v21, v11  }
0x2cf: {  	s26 =	spop (v2sf);
	s23 =	smin.f32 s23, s12;
	(xrf2) =	vadd.scan.msk.f32 $0xffff, v6;
	v14 =	vunpack.i.u.bf16.f32 v61;
	v11 =	vadd.f32 $0.0e+00, v41;
	v39 =	vadd.f32 v10, v38  }
0x2d0: {  	s4 =	smin.f32 s0, s31;
	s31 =	sld [smem:$0x7E5];
	v3 =	vunpack.i.u.bf16.f32 v35;
	(xrf2) =	vadd.scan.msk.f32 $0xffff, v7;
	v1 =	vadd.f32 v37, v32;
	v26 =	vadd.f32 v23, v14  }
0x2d1: {  	v44 =	vand.u32 $0x7FFF7FFF, v42;
	[smem:$0x7E8] =	sst s26;
	s28 =	spop (v2sf);
	(xrf2) =	vadd.scan.msk.f32 $0xffff, v8;
	v2 =	vadd.f32 v11, v2;
	v4 =	vadd.f32 v43, v39  }
0x2d2: {  	v45 =	vunpack.i.u.bf16.f32 v40;
	v6 =	vunpack.i.l.bf16.f32 v44;
	[smem:$0x7E9] =	sst s28;
	s29 =	spop (v2sf);
	v1 =	vadd.f32 v1, v3;
	(xrf2) =	vadd.scan.msk.f32 $0xffff, v9  }
0x2d3: {  	v46, _, _ =	vpop (xrf2);
	s28 =	smin.f32 s7, s10;
	s7 =	sld [smem:$0x7E3];
	(xrf2) =	vadd.scan.msk.f32 $0xffff, v26;
	v2 =	vadd.f32 v6, v2;
	v47 =	vadd.f32 v4, v45  }
0x2d4: {  	(v2sf) =	vpush v46, $0xF;
	s4 =	smul.f32 $1.562500000e-02, s4;
	v49 =	vunpack.i.u.bf16.f32 v44;
	[smem:$0x7EA] =	sst s29;
	v48, _, _ =	vpop (xrf2);
	(xrf2) =	vadd.scan.msk.f32 $0xffff, v1  }
0x2d5: {  	s29 =	smin.f32 s1, s3;
	s2 =	spop (v2sf);
	(v2sf) =	vpush v48, $0xF;
	v50, _, _ =	vpop (xrf2);
	v51 =	vadd.f32 v2, v49;
	(xrf2) =	vadd.scan.msk.f32 $0xffff, v47  }
0x2d6: {  	s3 =	smin.f32 s5, s8;
	s28 =	smul.f32 $1.562500000e-02, s28;
	(v2sf) =	vpush v50, $0xF;
	v52, _, _ =	vpop (xrf2)  }
0x2d7: {  	[smem:$0x7EB] =	sst s2;
	s5 =	spop (v2sf);
	(v2sf) =	vpush v52, $0xF;
	v53, _, _ =	vpop (xrf2);
	(xrf2) =	vadd.scan.msk.f32 $0xffff, v51  }
0x2d8: {  	s1 =	smin.f32 s3, s9;
	s8 =	spop (v2sf);
	v54, _, _ =	vpop (xrf2);
	(v2sf) =	vpush v53, $0xF  }
0x2d9: {  	s2 =	rddreg [dreg:$0x1f];
	s9 =	spop (v2sf);
	v55, _, _ =	vpop (xrf2);
	(v2sf) =	vpush v54, $0xF  }
0x2da: {  	s3 =	sld [smem:$0x7E0];
	s26 =	spop (v2sf);
	(v2sf) =	vpush v55, $0xF;
	v56, _, _ =	vpop (xrf2)  }
0x2db: {  	[smem:$0x7EC] =	sst s5;
	s25 =	spop (v2sf);
	(v2sf) =	vpush v56, $0xF;
	v57, _, _ =	vpop (xrf2)  }
0x2dc: {  	s18 =	smin.f32 s1, s6;
	s24 =	spop (v2sf);
	(v2sf) =	vpush v57, $0xF;
	v58, _, _ =	vpop (xrf2)  }
0x2dd: {  	s5 =	sld [smem:$0x7E1];
	s21 =	spop (v2sf);
	v59, _, _ =	vpop (xrf2);
	(v2sf) =	vpush v58, $0xF  }
0x2de: {  	s6 =	sld [smem:$0x7E2];
	s20 =	spop (v2sf);
	v60, _, _ =	vpop (xrf2);
	(v2sf) =	vpush v59, $0xF  }
0x2df: {  	s1 =	sld [smem:$0x7E6];
	s22 =	spop (v2sf);
	(v2sf) =	vpush v60, $0xF;
	v61, _, _ =	vpop (xrf2)  }
0x2e0: {  	[smem:$0x7ED] =	sst s8;
	s17 =	spop (v2sf);
	(v2sf) =	vpush v61, $0xF  }
0x2e1: {  	s8 =	sld [smem:$0x7E4];
	s13 =	spop (v2sf);
	v62, _, _ =	vpop (xrf2)  }
0x2e2: {  	[smem:$0x7EE] =	sst s9;
	s9 =	spop (v2sf);
	(v2sf) =	vpush v62, $0xF  }
0x2e3: {  	s0 =	smin.f32 s2, s3;
	s12 =	spop (v2sf)  }
0x2e4: {  	s0 =	smin.f32 s0, s5;
	s15 =	spop (v2sf)  }
0x2e5: {  	s3 =	smin.f32 s0, s6;
	s16 =	spop (v2sf)  }
0x2e6: {  	s0 =	smin.f32 s7, s8;
	s10 =	spop (v2sf)  }
0x2e7: {  	s7 =	sld [smem:$0x7E7];
	s11 =	spop (v2sf)  }
0x2e8: {  	s0 =	smin.f32 s0, s30;
	s14 =	spop (v2sf)  }
0x2e9: {  	s30 =	sld [smem:$0x7E8];
	s8 =	spop (v2sf)  }
0x2ea: {  	s2 =	smin.f32 s0, s31;
	s5 =	spop (v2sf)  }
0x2eb: {  	s31 =	sld [smem:$0x7E9];
	s6 =	spop (v2sf)  }
0x2ec: {  	s0 =	smin.f32 s1, s7;
	s7 =	spop (v2sf)  }
0x2ed: {  	s0 =	smin.f32 s0, s30;
	s1 =	spop (v2sf)  }
0x2ee: {  	s0 =	smin.f32 s0, s31;
	s30 =	spop (v2sf)  }
0x2ef: {  	s1 =	smin.f32 s1, s30;
	s30 =	spop (v2sf)  }
0x2f0: {  	s31 =	smul.f32 $1.562500000e-02, s29;
	s1 =	smin.f32 s1, s30  }
0x2f1: {  	s29 =	spop (v2sf);
	s30 =	sld [smem:$0x7EA]  }
0x2f2: {  	s1 =	smin.f32 s1, s29;
	s29 =	sld [smem:$0x7EB]  }
0x2f3: {  	s18 =	smul.f32 $1.562500000e-02, s18  }
0x2f4: {  	s3 =	smul.f32 $1.562500000e-02, s3  }
0x2f5: {  	s30 =	smin.f32 s30, s29;
	s29 =	sld [smem:$0x7EC]  }
0x2f6: {  	s20 =	smin.f32 s21, s20;
	s1 =	smul.f32 $1.562500000e-02, s1  }
0x2f7: {  	s2 =	smul.f32 $1.562500000e-02, s2;
	s20 =	smin.f32 s20, s22  }
0x2f8: {  	v63 =	vmov s1;
	s30 =	smin.f32 s30, s29;
	s29 =	sld [smem:$0x7ED]  }
0x2f9: {  	s0 =	smul.f32 $1.562500000e-02, s0;
	s9 =	smin.f32 s13, s9;
	v0 =	vsel vm0, s31, v63  }
0x2fa: {  	s9 =	smin.f32 s9, s12;
	s1 =	smul.f32 $1.562500000e-02, s23;
	v0 =	vsel vm1, s18, v0  }
0x2fb: {  	v0 =	vsel vm2, s28, v0;
	s30 =	smin.f32 s30, s29;
	s29 =	sld [smem:$0x7EE]  }
0x2fc: {  	s9 =	smin.f32 s9, s15;
	s5 =	smin.f32 s8, s5;
	v0 =	vsel vm3, s19, v0  }
0x2fd: {  	v0 =	vsel vm4, s1, v0;
	s21 =	smul.f32 $1.562500000e-02, s30;
	s30 =	rddreg [dreg:$0x11]  }
0x2fe: {  	v0 =	vsel vm5, s4, v0;
	s23 =	smin.f32 s29, s26;
	s26 =	smin.f32 s16, s10  }
0x2ff: {  	v0 =	vsel vm6, s3, v0;
	s23 =	smin.f32 s23, s25;
	s25 =	smul.f32 $1.562500000e-02, s9  }
0x300: {  	v0 =	vsel vm7, s2, v0;
	s28 =	smin.f32 s26, s11;
	s31 =	smin.f32 s23, s24  }
0x301: {  	v0 =	vsel vm8, s0, v0;
	s23 =	smin.f32 s20, s17;
	s22 =	smul.f32 $1.562500000e-02, s31  }
0x302: {  	v0 =	vsel vm9, s21, v0;
	s0 =	smin.f32 s28, s14;
	s24 =	smul.f32 $1.562500000e-02, s23  }
0x303: {  	p0 =	sne.s32 s30, $0xE000;
	s29 =	smin.f32 s5, s6;
	s0 =	smul.f32 $1.562500000e-02, s0;
	v0 =	vsel vm10, s22, v0  }
.Ltmp1:
0x304: {  	s1 =	smin.f32 s29, s7;
	v0 =	vsel vm11, s24, v0;
	(pc) =	sbr.rel @p0 .LBB2_5-.Ltmp1, $4  }
0x305: {  	s1 =	smul.f32 $1.562500000e-02, s1;
	v0 =	vsel vm12, s25, v0  }
0x306: {  	v0 =	vsel vm13, s0, v0  }
0x307: {  	s31 =	rddreg [dreg:$0x13];
	v0 =	vsel vm14, s1, v0  }
0x308: {  	s0 =	sadd.s32 $0x2000, s30;
	s1 =	sadd.s32 $0x10, s31;
	[tilespmem:s31+$0x0] =	vst v0  }
0x309: {  	s0 =	rddreg [dreg:$0x2]  }
0x30a: {  	s1 =	rddreg [dreg:$0xe]  }
0x30b: {  	s30 =	simm.s32 $0x0;
	s2 =	simm.s32 $0x10100;
	s0 =	sadd.s32 s0, s1  }
0x30c: {  	[hbm4b:s0+s30] =	stream.linear.scatter [tilespmem:s2], [sflag:$0x5], $0x80, $0x38;
	[tilespmem:$0x10180] =	vst v63  }
0x30d: {  	s2 =	simm.s32 $0x5  }
0x30e: {  	_ =	swait.ge [sflag:s2], $0x80  }
0x30f: {  	s31 =	rddreg [dreg:$0xd]  }
0x310: {  	s0 =	sadd.s32 $0x1, s31  }
0x311: {  	p0 =	sne.s32 s0, $0x10  }
.Ltmp2:
0x312: {  	_ = 	snop;
	(pc) =	sbr.rel @p0 .LBB2_2-.Ltmp2, $3  }
0x313: {  	_ =	sdelay $0x1  }
0x314: {  	[sflag:s2] =	ssyncset.done $0x0  }
0x315: {  	[sflag:s2] =	ssyncadd.s32 $0xFFFFFF80  }
0x316: {  	s1 =	rddreg [dreg:$0xc]  }
0x317: {  	s0 =	rddreg [dreg:$0xb];
	s1 =	sadd.s32 $0x1, s1  }
0x318: {  	p0 =	sne.s32 s1, s0  }
.Ltmp3:
0x319: {  	_ = 	snop;
	(pc) =	sbr.rel @p0 .LBB2_1-.Ltmp3, $1  }
0x31a: {  	_ =	sdelay $0x3  }
0x31b: {  	_ =	sfence.sel $0x180000  }
0x31c: {  	[bflag:$0x0] =	sbarrier.arrive $0xFFFF  }
0x31d: {  	_ =	strace $0x90000047  }
0x31e: {  	s0 =	stileid.u32;
	[bflag:$0x2] =	sbarrier.arrive $0xFFFF  }
0x31f: {  	p0 =	sne.s32 s0, $0x0;
	s0 =	rddreg [dreg:$0x3]  }
0x320: {  	s0 =	sadd.s32 @!p0 $0x100000, s0  }
0x321: {  	[sflag:s0] =	ssyncadd.tile.s32 @!p0 $0x1;
	_ =	shalt  }
.Lfunc_end2:
_tile_overlayer_lowered:
.L_overlay_start_2:
0x322: {  	(tag) =	ssettag $0x2  }
0x323: {  	s0 =	rddreg [dreg:$0x0];
	s2 =	stileid.u32  }
0x324: {  	s1 =	rddreg [dreg:$0x1];
	p0 =	sne.s32 s2, $0x0  }
0x325: {  	s3 =	rddreg [dreg:$0x2];
	[bflag:$0x3] =	sbarrier.arrive $0xFFFF;
	s2 =	simm.s32 @!p0 $0x1C05  }
0x326: {  	[timem:s3], [sflag:s2] =	dma.local @!p0 [hbm:s0], s1  }
0x327: {  	s0 =	simm.s32 @!p0 $0x5  }
0x328: {  	_ =	swait.ge @!p0 [sflag:s0], s1  }
0x329: {  	s1 =	ssub.s32 @!p0 $0x0, s1;
	[sflag:s0] =	ssyncset.done @!p0 $0x0  }
0x32a: {  	[sflag:s0] =	ssyncadd.s32 @!p0 s1  }
0x32b: {  	[bflag:$0x3] =	sbarrier.arrive $0xFFFF  }
0x32c: {  	_ =	shalt  }

</sc_bundles>
